<compile_context>
chip_gen: v7x
topology: tpu7x:2x2x1
jax: 0.10.2.dev20260603
libtpu: 0.0.44.dev20260713+nightly
codegen_flags: <defaults>
</compile_context>

<pallas_src>
import functools

import jax
import jax.numpy as jnp
from jax import lax
from jax.experimental import pallas as pl
from jax.experimental.pallas import tpu as pltpu
from jax.experimental.pallas import tpu_sc as plsc

N = 10000
E = 320000
D = 128

NC = 2
NS = 16
NW = NC * NS
CK = 128

HALF = 5120
HS = 5248
HPT = HS // NS
AH = 5120
ART = AH // NS
CHG = 42
GCAP = NS * CHG * CK
DUMMY_SRC = HALF
EPT = 10240
CH = EPT // CK
N_PAD = 10112
RPT = N_PAD // NS

_mesh = plsc.VectorSubcoreMesh(core_axis_name="c", subcore_axis_name="s")


@functools.partial(
    pl.kernel,
    mesh=_mesh,
    out_type=jax.ShapeDtypeStruct((NC, AH, D), jnp.float32),
    scratch_types=[
        pltpu.VMEM((CHG, CK), jnp.int32),
        pltpu.VMEM((CHG, CK), jnp.int32),
        pltpu.VMEM((CK, D), jnp.float32),
        pltpu.VMEM((CK, D), jnp.float32),
        pltpu.VMEM_SHARED((HS, D), jnp.float32),
        pltpu.VMEM_SHARED((AH, D), jnp.float32),
        pltpu.SemaphoreType.DMA,
        pltpu.SemaphoreType.DMA,
    ],
)
def _sc_agg(hs_hbm, srcl_hbm, dstl_hbm, zeros_hbm, out_hbm,
            src_v, dst_v, buf0, buf1, hs_sh, acc_sh, sem0, sem1):
    c = lax.axis_index("c")
    s = lax.axis_index("s")

    r0 = s * ART
    pltpu.sync_copy(zeros_hbm.at[pl.ds(0, ART)], acc_sh.at[pl.ds(r0, ART)])

    for p in range(2):
        pltpu.sync_copy(hs_hbm.at[p, pl.ds(s * HPT, HPT)],
                        hs_sh.at[pl.ds(s * HPT, HPT)])
        pltpu.sync_copy(srcl_hbm.at[p, c, s], src_v)
        pltpu.sync_copy(dstl_hbm.at[p, c, s], dst_v)
        plsc.subcore_barrier()

        pltpu.async_copy(hs_sh.at[src_v.at[0]], buf0, sem0)
        pltpu.async_copy(hs_sh.at[src_v.at[1]], buf1, sem1)

        def step(g, carry):
            j0 = 2 * g
            j1 = j0 + 1
            pltpu.make_async_copy(hs_sh.at[src_v.at[j0]], buf0, sem0).wait()
            pltpu.sync_copy(buf0, acc_sh.at[dst_v.at[j0]], add=True)

            @pl.when(j0 + 2 < CHG)
            def _():
                pltpu.async_copy(hs_sh.at[src_v.at[j0 + 2]], buf0, sem0)

            pltpu.make_async_copy(hs_sh.at[src_v.at[j1]], buf1, sem1).wait()
            pltpu.sync_copy(buf1, acc_sh.at[dst_v.at[j1]], add=True)

            @pl.when(j1 + 2 < CHG)
            def _():
                pltpu.async_copy(hs_sh.at[src_v.at[j1 + 2]], buf1, sem1)

            return carry

        lax.fori_loop(0, CHG // 2, step, 0)
        plsc.subcore_barrier()

    pltpu.sync_copy(acc_sh.at[pl.ds(r0, ART)], out_hbm.at[c, pl.ds(r0, ART)])


@functools.partial(
    pl.kernel,
    mesh=_mesh,
    out_type=jax.ShapeDtypeStruct((NC, N_PAD, D), jnp.float32),
    scratch_types=[
        pltpu.VMEM((CH, CK), jnp.int32),
        pltpu.VMEM((CK, D), jnp.float32),
        pltpu.VMEM_SHARED((N_PAD, D), jnp.float32),
    ],
)
def _sc_deg(dst_hbm, ones_hbm, zeros_hbm, out_hbm, dst_v, ones_v, deg_sh):
    c = lax.axis_index("c")
    s = lax.axis_index("s")
    wid = s * NC + c

    pltpu.sync_copy(dst_hbm.at[wid], dst_v)
    pltpu.sync_copy(ones_hbm, ones_v)
    r0 = s * RPT
    pltpu.sync_copy(zeros_hbm.at[pl.ds(r0, RPT)], deg_sh.at[pl.ds(r0, RPT)])
    plsc.subcore_barrier()

    def step(j, carry):
        pltpu.sync_copy(ones_v, deg_sh.at[dst_v.at[j]], add=True)
        return carry

    lax.fori_loop(0, CH, step, 0)

    plsc.subcore_barrier()
    pltpu.sync_copy(deg_sh.at[pl.ds(r0, RPT)], out_hbm.at[c, pl.ds(r0, RPT)])


def _tc_body(relu, a_ref, deg_ref, h_ref, wl_ref, wr_ref, b_ref, o_ref):
    a = a_ref[...]
    d = deg_ref[0, :, 0:1] + deg_ref[1, :, 0:1]
    mean = a * (1.0 / jnp.maximum(d, 1.0))
    acc = jnp.dot(mean, wl_ref[...], preferred_element_type=jnp.float32)
    acc = acc + jnp.dot(h_ref[...], wr_ref[...], preferred_element_type=jnp.float32)
    acc = acc + b_ref[...]
    if relu:
        acc = jnp.maximum(acc, 0.0)
    o_ref[...] = acc


_TC_B = 2000


def _tc_layer(agg, deg, h, wl, wr, b, relu):
    grid = (N // _TC_B,)
    return pl.pallas_call(
        functools.partial(_tc_body, relu),
        grid=grid,
        in_specs=[
            pl.BlockSpec((_TC_B, D), lambda i: (i, 0)),
            pl.BlockSpec((NC, _TC_B, D), lambda i: (0, i, 0)),
            pl.BlockSpec((_TC_B, D), lambda i: (i, 0)),
            pl.BlockSpec((D, D), lambda i: (0, 0)),
            pl.BlockSpec((D, D), lambda i: (0, 0)),
            pl.BlockSpec((1, D), lambda i: (0, 0)),
        ],
        out_specs=pl.BlockSpec((_TC_B, D), lambda i: (i, 0)),
        out_shape=jax.ShapeDtypeStruct((N, D), jnp.float32),
    )(agg, deg, h, wl, wr, b)


def kernel(x, edge_index, W_l0, b0, W_r0, W_l1, b1, W_r1, W_l2, b2, W_r2):
    ei = edge_index.astype(jnp.int32)
    src = ei[0]
    dst = ei[1]

    grp = (src >= HALF).astype(jnp.int32) + 2 * (dst >= HALF).astype(jnp.int32)
    packed = src + (dst << 14)
    packed_ext = jnp.concatenate([packed, jnp.zeros((1,), jnp.int32)])
    eids = [jnp.nonzero(grp == p + 2 * c, size=GCAP, fill_value=E)[0]
            for p in (0, 1) for c in (0, 1)]
    pk = packed_ext[jnp.concatenate(eids)].reshape(2, 2, GCAP)
    pad = (jnp.stack(eids).reshape(2, 2, GCAP) == E)
    sv = pk & 16383
    dv = pk >> 14
    ph = jnp.array([0, 0, 1, 1], jnp.int32).reshape(2, 2, 1) * HALF
    ch = jnp.array([0, 1, 0, 1], jnp.int32).reshape(2, 2, 1) * HALF
    srcl = jnp.where(pad, DUMMY_SRC, sv - ph).reshape(2, 2, NS, CHG, CK)
    dstl = jnp.where(pad, 0, dv - ch).reshape(2, 2, NS, CHG, CK)

    dstr = dst.reshape(NW, E // NW)
    pad_dst = jnp.full((NW, EPT - E // NW), N, jnp.int32)
    dst_p = jnp.concatenate([dstr, pad_dst], axis=1).reshape(NW, CH, CK)

    zeros = jnp.zeros((N_PAD, D), jnp.float32)
    ones = jnp.ones((CK, D), jnp.float32)

    deg = _sc_deg(dst_p, ones, zeros)

    params = [(W_l0, b0.reshape(1, D), W_r0),
              (W_l1, b1.reshape(1, D), W_r1),
              (W_l2, b2.reshape(1, D), W_r2)]
    h = x
    for i, (wl, b, wr) in enumerate(params):
        hs = jnp.zeros((2, HS, D), jnp.float32)
        hs = hs.at[0, :HALF].set(h[:HALF])
        hs = hs.at[1, :N - HALF].set(h[HALF:])
        agg = _sc_agg(hs, srcl, dstl, zeros).reshape(NC * AH, D)
        h = _tc_layer(agg, deg, h, wl, wr, b, relu=(i < 2))
    return h

# --- scband reference (transcript-rebuilt; emitter-appended) ---
"""Pipeline reference for scband-my-sage-29386166239371 (READ-ONLY COPY).

The authoritative reference and input builder live on the scoring server;
editing this copy changes nothing except your own understanding.
"""

import jax, jax.numpy as jnp
import numpy as np

N = 10000
E = 320000
D_IN = 128
D_HID = 128
D_OUT = 128
LAYERS = 3


def setup_inputs(seed: int = 0) -> dict:
    key = jax.random.key(seed)
    ks = jax.random.split(key, 16)
    x = jax.random.normal(ks[0], (N, D_IN), dtype=jnp.float32)
    edge_index = jax.random.randint(ks[1], (2, E), 0, N, dtype=jnp.int64)
    dims = [(D_IN, D_HID), (D_HID, D_HID), (D_HID, D_OUT)]
    inp = {"x": x, "edge_index": edge_index}
    for i, (din, dout) in enumerate(dims):
        scale = 1.0 / np.sqrt(din)
        inp[f"W_l{i}"] = jax.random.normal(ks[2 + 3 * i], (din, dout), dtype=jnp.float32) * scale
        inp[f"b{i}"] = jnp.zeros((dout,), dtype=jnp.float32)
        inp[f"W_r{i}"] = jax.random.normal(ks[3 + 3 * i], (din, dout), dtype=jnp.float32) * scale
    return inp


def _sage_conv(x, src, dst, W_l, b, W_r):
    # PyG SAGEConv with mean aggregation:
    # out = lin_l(mean_{j in N(i)} x_j) + lin_r(x_i)
    msgs = x[src]  # gather source node features per edge
    agg = jax.ops.segment_sum(msgs, dst, num_segments=N)
    deg = jax.ops.segment_sum(jnp.ones((src.shape[0], 1), dtype=x.dtype), dst, num_segments=N)
    mean = agg / jnp.maximum(deg, 1.0)
    return mean @ W_l + b + x @ W_r


def reference(x, edge_index, W_l0, b0, W_r0, W_l1, b1, W_r1, W_l2, b2, W_r2):
    src = edge_index[0]
    dst = edge_index[1]
    params = [(W_l0, b0, W_r0), (W_l1, b1, W_r1), (W_l2, b2, W_r2)]
    h = x
    for i, (Wl, b, Wr) in enumerate(params):
        # dropout(p=0.6) is identity in eval mode
        h = _sage_conv(h, src, dst, Wl, b, Wr)
        if i < LAYERS - 1:
            h = jax.nn.relu(h)
    return h


if False:  # reference __main__ guard neutralized (emitter)
    out = reference(**setup_inputs())
    print(out.shape, out.dtype)

if __name__ == "__main__":
    import jax
    _d = setup_inputs()
    print(jax.jit(kernel)(*tuple(_d.values())))

</pallas_src>

<mosaic_0001>
#map = affine_map<(d0, d1) -> (0, 0, 0)>
#map1 = affine_map<(d0, d1) -> (0, 0)>
module attributes {stable_mosaic.version = 14 : i64} {
  func.func @_sc_deg(%arg0: i32, %arg1: i32, %arg2: memref<32x80x128xi32, #tpu.memory_space<hbm>>, %arg3: memref<128x128xf32, #tpu.memory_space<hbm>>, %arg4: memref<10112x128xf32, #tpu.memory_space<hbm>>, %arg5: memref<2x10112x128xf32, #tpu.memory_space<hbm>>, %arg6: memref<80x128xi32, #tpu.memory_space<vmem>>, %arg7: memref<128x128xf32, #tpu.memory_space<vmem>>, %arg8: memref<10112x128xf32, #tpu.memory_space<vmem_shared>>) attributes {dimension_semantics = [#tpu.dimension_semantics<core_parallel>, #tpu.dimension_semantics<subcore_parallel>], iteration_bounds = array<i64: 2, 16>, scalar_prefetch = 0 : i64, scratch_operands = 3 : i64, tpu.core_type = #tpu.core_type<sc_vector_subcore>, window_params = [{transform_indices = #map}, {transform_indices = #map1}, {transform_indices = #map1}, {transform_indices = #map}]} {
    %mul3A = arith.constant 2 : i32
    %mul3A_0 = arith.muli %arg1, %mul3A : i32
    %add3A = arith.addi %mul3A_0, %arg0 : i32
    "tpu.region"() ({
      %run_scoped3A = tpu.sem_alloc : memref<!tpu.dma_semaphore, #tpu.memory_space<semaphore_mem>>
      %dma_start3A = arith.constant 0 : i32
      %dma_start3A_9 = arith.constant 0 : i32
      %dma_start3A_10 = tpu.memref_slice %arg2[%add3A, %dma_start3A, %dma_start3A_9] : memref<32x80x128xi32, #tpu.memory_space<hbm>> -> memref<1x80x128xi32, #tpu.memory_space<hbm>>
      %dma_start3A_11 = tpu.memref_squeeze %dma_start3A_10 : memref<1x80x128xi32, #tpu.memory_space<hbm>> -> memref<80x128xi32, #tpu.memory_space<hbm>>
      %dma_start3A_12 = arith.constant 0 : i32
      %dma_start3A_13 = arith.constant 0 : i32
      %dma_start3A_14 = tpu.memref_slice %arg2[%add3A, %dma_start3A_12, %dma_start3A_13] : memref<32x80x128xi32, #tpu.memory_space<hbm>> -> memref<1x80x128xi32, #tpu.memory_space<hbm>>
      %dma_start3A_15 = tpu.memref_squeeze %dma_start3A_14 : memref<1x80x128xi32, #tpu.memory_space<hbm>> -> memref<80x128xi32, #tpu.memory_space<hbm>>
      tpu.enqueue_dma source(%dma_start3A_15 : memref<80x128xi32, #tpu.memory_space<hbm>>) target(%arg6 : memref<80x128xi32, #tpu.memory_space<vmem>>) target_semaphore(%run_scoped3A : memref<!tpu.dma_semaphore, #tpu.memory_space<semaphore_mem>>)
      %dma_wait3A = arith.constant 0 : i32
      %dma_wait3A_16 = arith.constant 0 : i32
      %dma_wait3A_17 = tpu.memref_slice %arg2[%add3A, %dma_wait3A, %dma_wait3A_16] : memref<32x80x128xi32, #tpu.memory_space<hbm>> -> memref<1x80x128xi32, #tpu.memory_space<hbm>>
      %dma_wait3A_18 = tpu.memref_squeeze %dma_wait3A_17 : memref<1x80x128xi32, #tpu.memory_space<hbm>> -> memref<80x128xi32, #tpu.memory_space<hbm>>
      %dma_wait3A_19 = arith.constant 0 : i32
      %dma_wait3A_20 = arith.constant 0 : i32
      %dma_wait3A_21 = tpu.memref_slice %arg2[%add3A, %dma_wait3A_19, %dma_wait3A_20] : memref<32x80x128xi32, #tpu.memory_space<hbm>> -> memref<1x80x128xi32, #tpu.memory_space<hbm>>
      %dma_wait3A_22 = tpu.memref_squeeze %dma_wait3A_21 : memref<1x80x128xi32, #tpu.memory_space<hbm>> -> memref<80x128xi32, #tpu.memory_space<hbm>>
      tpu.wait_dma2 semaphore(%run_scoped3A : memref<!tpu.dma_semaphore, #tpu.memory_space<semaphore_mem>>) src(%dma_wait3A_22 : memref<80x128xi32, #tpu.memory_space<hbm>>) dst(%arg6 : memref<80x128xi32, #tpu.memory_space<vmem>>)
      tpu.yield
    }) : () -> ()
    "tpu.region"() ({
      %run_scoped3A = tpu.sem_alloc : memref<!tpu.dma_semaphore, #tpu.memory_space<semaphore_mem>>
      tpu.enqueue_dma source(%arg3 : memref<128x128xf32, #tpu.memory_space<hbm>>) target(%arg7 : memref<128x128xf32, #tpu.memory_space<vmem>>) target_semaphore(%run_scoped3A : memref<!tpu.dma_semaphore, #tpu.memory_space<semaphore_mem>>)
      tpu.wait_dma2 semaphore(%run_scoped3A : memref<!tpu.dma_semaphore, #tpu.memory_space<semaphore_mem>>) src(%arg3 : memref<128x128xf32, #tpu.memory_space<hbm>>) dst(%arg7 : memref<128x128xf32, #tpu.memory_space<vmem>>)
      tpu.yield
    }) : () -> ()
    %mul3A_1 = arith.constant 632 : i32
    %mul3A_2 = arith.muli %arg1, %mul3A_1 : i32
    "tpu.region"() ({
      %run_scoped3A = tpu.sem_alloc : memref<!tpu.dma_semaphore, #tpu.memory_space<semaphore_mem>>
      %dma_start3A = arith.constant 0 : i32
      %dma_start3A_9 = tpu.memref_slice %arg8[%mul3A_2, %dma_start3A] : memref<10112x128xf32, #tpu.memory_space<vmem_shared>> -> memref<632x128xf32, #tpu.memory_space<vmem_shared>>
      %dma_start3A_10 = arith.constant 0 : i32
      %dma_start3A_11 = tpu.memref_slice %arg4[%mul3A_2, %dma_start3A_10] : memref<10112x128xf32, #tpu.memory_space<hbm>> -> memref<632x128xf32, #tpu.memory_space<hbm>>
      tpu.enqueue_dma source(%dma_start3A_11 : memref<632x128xf32, #tpu.memory_space<hbm>>) target(%dma_start3A_9 : memref<632x128xf32, #tpu.memory_space<vmem_shared>>) target_semaphore(%run_scoped3A : memref<!tpu.dma_semaphore, #tpu.memory_space<semaphore_mem>>)
      %dma_wait3A = arith.constant 0 : i32
      %dma_wait3A_12 = tpu.memref_slice %arg8[%mul3A_2, %dma_wait3A] : memref<10112x128xf32, #tpu.memory_space<vmem_shared>> -> memref<632x128xf32, #tpu.memory_space<vmem_shared>>
      %dma_wait3A_13 = arith.constant 0 : i32
      %dma_wait3A_14 = tpu.memref_slice %arg4[%mul3A_2, %dma_wait3A_13] : memref<10112x128xf32, #tpu.memory_space<hbm>> -> memref<632x128xf32, #tpu.memory_space<hbm>>
      tpu.wait_dma2 semaphore(%run_scoped3A : memref<!tpu.dma_semaphore, #tpu.memory_space<semaphore_mem>>) src(%dma_wait3A_14 : memref<632x128xf32, #tpu.memory_space<hbm>>) dst(%dma_wait3A_12 : memref<632x128xf32, #tpu.memory_space<vmem_shared>>)
      tpu.yield
    }) : () -> ()
    %barrier3A = arith.constant 0 : index
    tpu.barrier barrier_id(%barrier3A)
    %scan3A = arith.constant 0 : i32
    %scan3A_3 = arith.constant 0 : i32
    %scan3A_4 = arith.constant 80 : i32
    %scan3A_5 = arith.addi %scan3A_3, %scan3A_4 : i32
    %scan3A_6 = arith.constant 1 : i32
    scf.for %scan3A_9 = %scan3A_3 to %scan3A_5 step %scan3A_6  : i32 {
      "tpu.region"() ({
        %run_scoped3A = tpu.sem_alloc : memref<!tpu.dma_semaphore, #tpu.memory_space<semaphore_mem>>
        %dma_start3A = arith.constant 0 : i32
        %dma_start3A_10 = tpu.memref_slice %arg6[%scan3A_9, %dma_start3A] : memref<80x128xi32, #tpu.memory_space<vmem>> -> memref<1x128xi32, #tpu.memory_space<vmem>>
        %dma_start3A_11 = tpu.memref_squeeze %dma_start3A_10 : memref<1x128xi32, #tpu.memory_space<vmem>> -> memref<128xi32, #tpu.memory_space<vmem>>
        %dma_start3A_12 = arith.constant 0 : i32
        %dma_start3A_13 = arith.constant 0 : i32
        %dma_start3A_14 = tpu.memref_slice %arg8[%dma_start3A_12, %dma_start3A_13] : memref<10112x128xf32, #tpu.memory_space<vmem_shared>> -> memref<10112x128xf32, #tpu.memory_space<vmem_shared>>
        tpu.enqueue_indirect_dma source(%arg7 : memref<128x128xf32, #tpu.memory_space<vmem>>) target(%dma_start3A_14 : memref<10112x128xf32, #tpu.memory_space<vmem_shared>>) offsets(%dma_start3A_11 : memref<128xi32, #tpu.memory_space<vmem>>) semaphore(%run_scoped3A : memref<!tpu.dma_semaphore, #tpu.memory_space<semaphore_mem>>) {add = true}
        %dma_wait3A = arith.constant 0 : i32
        %dma_wait3A_15 = tpu.memref_slice %arg6[%scan3A_9, %dma_wait3A] : memref<80x128xi32, #tpu.memory_space<vmem>> -> memref<1x128xi32, #tpu.memory_space<vmem>>
        %dma_wait3A_16 = tpu.memref_squeeze %dma_wait3A_15 : memref<1x128xi32, #tpu.memory_space<vmem>> -> memref<128xi32, #tpu.memory_space<vmem>>
        %dma_wait3A_17 = arith.constant 0 : i32
        %dma_wait3A_18 = arith.constant 0 : i32
        %dma_wait3A_19 = tpu.memref_slice %arg8[%dma_wait3A_17, %dma_wait3A_18] : memref<10112x128xf32, #tpu.memory_space<vmem_shared>> -> memref<10112x128xf32, #tpu.memory_space<vmem_shared>>
        tpu.wait_indirect_dma semaphore(%run_scoped3A : memref<!tpu.dma_semaphore, #tpu.memory_space<semaphore_mem>>) src(%arg7 : memref<128x128xf32, #tpu.memory_space<vmem>>) dst(%dma_wait3A_19 : memref<10112x128xf32, #tpu.memory_space<vmem_shared>>)
        tpu.yield
      }) : () -> ()
    }
    %scan3A_7 = arith.constant 80 : i32
    %barrier3A_8 = arith.constant 0 : index
    tpu.barrier barrier_id(%barrier3A_8)
    "tpu.region"() ({
      %run_scoped3A = tpu.sem_alloc : memref<!tpu.dma_semaphore, #tpu.memory_space<semaphore_mem>>
      %dma_start3A = arith.constant 0 : i32
      %dma_start3A_9 = tpu.memref_slice %arg5[%arg0, %mul3A_2, %dma_start3A] : memref<2x10112x128xf32, #tpu.memory_space<hbm>> -> memref<1x632x128xf32, #tpu.memory_space<hbm>>
      %dma_start3A_10 = tpu.memref_squeeze %dma_start3A_9 : memref<1x632x128xf32, #tpu.memory_space<hbm>> -> memref<632x128xf32, #tpu.memory_space<hbm>>
      %dma_start3A_11 = arith.constant 0 : i32
      %dma_start3A_12 = tpu.memref_slice %arg8[%mul3A_2, %dma_start3A_11] : memref<10112x128xf32, #tpu.memory_space<vmem_shared>> -> memref<632x128xf32, #tpu.memory_space<vmem_shared>>
      tpu.enqueue_dma source(%dma_start3A_12 : memref<632x128xf32, #tpu.memory_space<vmem_shared>>) target(%dma_start3A_10 : memref<632x128xf32, #tpu.memory_space<hbm>>) target_semaphore(%run_scoped3A : memref<!tpu.dma_semaphore, #tpu.memory_space<semaphore_mem>>)
      %dma_wait3A = arith.constant 0 : i32
      %dma_wait3A_13 = tpu.memref_slice %arg5[%arg0, %mul3A_2, %dma_wait3A] : memref<2x10112x128xf32, #tpu.memory_space<hbm>> -> memref<1x632x128xf32, #tpu.memory_space<hbm>>
      %dma_wait3A_14 = tpu.memref_squeeze %dma_wait3A_13 : memref<1x632x128xf32, #tpu.memory_space<hbm>> -> memref<632x128xf32, #tpu.memory_space<hbm>>
      %dma_wait3A_15 = arith.constant 0 : i32
      %dma_wait3A_16 = tpu.memref_slice %arg8[%mul3A_2, %dma_wait3A_15] : memref<10112x128xf32, #tpu.memory_space<vmem_shared>> -> memref<632x128xf32, #tpu.memory_space<vmem_shared>>
      tpu.wait_dma2 semaphore(%run_scoped3A : memref<!tpu.dma_semaphore, #tpu.memory_space<semaphore_mem>>) src(%dma_wait3A_16 : memref<632x128xf32, #tpu.memory_space<vmem_shared>>) dst(%dma_wait3A_14 : memref<632x128xf32, #tpu.memory_space<hbm>>)
      tpu.yield
    }) : () -> ()
    return
  }
}

#map = affine_map<(d0, d1) -> (0, 0, 0)>
#map1 = affine_map<(d0, d1) -> (0, 0, 0, 0, 0)>
#map2 = affine_map<(d0, d1) -> (0, 0)>
module attributes {stable_mosaic.version = 14 : i64} {
  func.func @_sc_agg(%arg0: i32, %arg1: i32, %arg2: memref<2x5248x128xf32, #tpu.memory_space<hbm>>, %arg3: memref<2x2x16x42x128xi32, #tpu.memory_space<hbm>>, %arg4: memref<2x2x16x42x128xi32, #tpu.memory_space<hbm>>, %arg5: memref<10112x128xf32, #tpu.memory_space<hbm>>, %arg6: memref<2x5120x128xf32, #tpu.memory_space<hbm>>, %arg7: memref<42x128xi32, #tpu.memory_space<vmem>>, %arg8: memref<42x128xi32, #tpu.memory_space<vmem>>, %arg9: memref<128x128xf32, #tpu.memory_space<vmem>>, %arg10: memref<128x128xf32, #tpu.memory_space<vmem>>, %arg11: memref<5248x128xf32, #tpu.memory_space<vmem_shared>>, %arg12: memref<5120x128xf32, #tpu.memory_space<vmem_shared>>, %arg13: memref<!tpu.dma_semaphore, #tpu.memory_space<semaphore_mem>>, %arg14: memref<!tpu.dma_semaphore, #tpu.memory_space<semaphore_mem>>) attributes {dimension_semantics = [#tpu.dimension_semantics<core_parallel>, #tpu.dimension_semantics<subcore_parallel>], iteration_bounds = array<i64: 2, 16>, scalar_prefetch = 0 : i64, scratch_operands = 8 : i64, tpu.core_type = #tpu.core_type<sc_vector_subcore>, window_params = [{transform_indices = #map}, {transform_indices = #map1}, {transform_indices = #map1}, {transform_indices = #map2}, {transform_indices = #map}]} {
    %mul3A = arith.constant 320 : i32
    %mul3A_0 = arith.muli %arg1, %mul3A : i32
    "tpu.region"() ({
      %run_scoped3A_55 = tpu.sem_alloc : memref<!tpu.dma_semaphore, #tpu.memory_space<semaphore_mem>>
      %dma_start3A_56 = arith.constant 0 : i32
      %dma_start3A_57 = tpu.memref_slice %arg12[%mul3A_0, %dma_start3A_56] : memref<5120x128xf32, #tpu.memory_space<vmem_shared>> -> memref<320x128xf32, #tpu.memory_space<vmem_shared>>
      %dma_start3A_58 = arith.constant 0 : i32
      %dma_start3A_59 = arith.constant 0 : i32
      %dma_start3A_60 = tpu.memref_slice %arg5[%dma_start3A_58, %dma_start3A_59] : memref<10112x128xf32, #tpu.memory_space<hbm>> -> memref<320x128xf32, #tpu.memory_space<hbm>>
      tpu.enqueue_dma source(%dma_start3A_60 : memref<320x128xf32, #tpu.memory_space<hbm>>) target(%dma_start3A_57 : memref<320x128xf32, #tpu.memory_space<vmem_shared>>) target_semaphore(%run_scoped3A_55 : memref<!tpu.dma_semaphore, #tpu.memory_space<semaphore_mem>>)
      %dma_wait3A = arith.constant 0 : i32
      %dma_wait3A_61 = tpu.memref_slice %arg12[%mul3A_0, %dma_wait3A] : memref<5120x128xf32, #tpu.memory_space<vmem_shared>> -> memref<320x128xf32, #tpu.memory_space<vmem_shared>>
      %dma_wait3A_62 = arith.constant 0 : i32
      %dma_wait3A_63 = arith.constant 0 : i32
      %dma_wait3A_64 = tpu.memref_slice %arg5[%dma_wait3A_62, %dma_wait3A_63] : memref<10112x128xf32, #tpu.memory_space<hbm>> -> memref<320x128xf32, #tpu.memory_space<hbm>>
      tpu.wait_dma2 semaphore(%run_scoped3A_55 : memref<!tpu.dma_semaphore, #tpu.memory_space<semaphore_mem>>) src(%dma_wait3A_64 : memref<320x128xf32, #tpu.memory_space<hbm>>) dst(%dma_wait3A_61 : memref<320x128xf32, #tpu.memory_space<vmem_shared>>)
      tpu.yield
    }) : () -> ()
    %mul3A_1 = arith.constant 328 : i32
    %mul3A_2 = arith.muli %arg1, %mul3A_1 : i32
    %mul3A_3 = arith.constant 328 : i32
    %mul3A_4 = arith.muli %arg1, %mul3A_3 : i32
    %run_scoped3A = arith.constant 0 : i32
    "tpu.region"() ({
      %run_scoped3A_55 = tpu.sem_alloc : memref<!tpu.dma_semaphore, #tpu.memory_space<semaphore_mem>>
      %dma_start3A_56 = arith.constant 0 : i32
      %dma_start3A_57 = tpu.memref_slice %arg11[%mul3A_4, %dma_start3A_56] : memref<5248x128xf32, #tpu.memory_space<vmem_shared>> -> memref<328x128xf32, #tpu.memory_space<vmem_shared>>
      %dma_start3A_58 = arith.constant 0 : i32
      %dma_start3A_59 = tpu.memref_slice %arg2[%run_scoped3A, %mul3A_2, %dma_start3A_58] : memref<2x5248x128xf32, #tpu.memory_space<hbm>> -> memref<1x328x128xf32, #tpu.memory_space<hbm>>
      %dma_start3A_60 = tpu.memref_squeeze %dma_start3A_59 : memref<1x328x128xf32, #tpu.memory_space<hbm>> -> memref<328x128xf32, #tpu.memory_space<hbm>>
      tpu.enqueue_dma source(%dma_start3A_60 : memref<328x128xf32, #tpu.memory_space<hbm>>) target(%dma_start3A_57 : memref<328x128xf32, #tpu.memory_space<vmem_shared>>) target_semaphore(%run_scoped3A_55 : memref<!tpu.dma_semaphore, #tpu.memory_space<semaphore_mem>>)
      %dma_wait3A = arith.constant 0 : i32
      %dma_wait3A_61 = tpu.memref_slice %arg11[%mul3A_4, %dma_wait3A] : memref<5248x128xf32, #tpu.memory_space<vmem_shared>> -> memref<328x128xf32, #tpu.memory_space<vmem_shared>>
      %dma_wait3A_62 = arith.constant 0 : i32
      %dma_wait3A_63 = tpu.memref_slice %arg2[%run_scoped3A, %mul3A_2, %dma_wait3A_62] : memref<2x5248x128xf32, #tpu.memory_space<hbm>> -> memref<1x328x128xf32, #tpu.memory_space<hbm>>
      %dma_wait3A_64 = tpu.memref_squeeze %dma_wait3A_63 : memref<1x328x128xf32, #tpu.memory_space<hbm>> -> memref<328x128xf32, #tpu.memory_space<hbm>>
      tpu.wait_dma2 semaphore(%run_scoped3A_55 : memref<!tpu.dma_semaphore, #tpu.memory_space<semaphore_mem>>) src(%dma_wait3A_64 : memref<328x128xf32, #tpu.memory_space<hbm>>) dst(%dma_wait3A_61 : memref<328x128xf32, #tpu.memory_space<vmem_shared>>)
      tpu.yield
    }) : () -> ()
    %run_scoped3A_5 = arith.constant 0 : i32
    "tpu.region"() ({
      %run_scoped3A_55 = tpu.sem_alloc : memref<!tpu.dma_semaphore, #tpu.memory_space<semaphore_mem>>
      %dma_start3A_56 = arith.constant 0 : i32
      %dma_start3A_57 = arith.constant 0 : i32
      %dma_start3A_58 = tpu.memref_slice %arg3[%run_scoped3A_5, %arg0, %arg1, %dma_start3A_56, %dma_start3A_57] : memref<2x2x16x42x128xi32, #tpu.memory_space<hbm>> -> memref<1x1x1x42x128xi32, #tpu.memory_space<hbm>>
      %dma_start3A_59 = tpu.memref_squeeze %dma_start3A_58 : memref<1x1x1x42x128xi32, #tpu.memory_space<hbm>> -> memref<42x128xi32, #tpu.memory_space<hbm>>
      %dma_start3A_60 = arith.constant 0 : i32
      %dma_start3A_61 = arith.constant 0 : i32
      %dma_start3A_62 = tpu.memref_slice %arg3[%run_scoped3A_5, %arg0, %arg1, %dma_start3A_60, %dma_start3A_61] : memref<2x2x16x42x128xi32, #tpu.memory_space<hbm>> -> memref<1x1x1x42x128xi32, #tpu.memory_space<hbm>>
      %dma_start3A_63 = tpu.memref_squeeze %dma_start3A_62 : memref<1x1x1x42x128xi32, #tpu.memory_space<hbm>> -> memref<42x128xi32, #tpu.memory_space<hbm>>
      tpu.enqueue_dma source(%dma_start3A_63 : memref<42x128xi32, #tpu.memory_space<hbm>>) target(%arg7 : memref<42x128xi32, #tpu.memory_space<vmem>>) target_semaphore(%run_scoped3A_55 : memref<!tpu.dma_semaphore, #tpu.memory_space<semaphore_mem>>)
      %dma_wait3A = arith.constant 0 : i32
      %dma_wait3A_64 = arith.constant 0 : i32
      %dma_wait3A_65 = tpu.memref_slice %arg3[%run_scoped3A_5, %arg0, %arg1, %dma_wait3A, %dma_wait3A_64] : memref<2x2x16x42x128xi32, #tpu.memory_space<hbm>> -> memref<1x1x1x42x128xi32, #tpu.memory_space<hbm>>
      %dma_wait3A_66 = tpu.memref_squeeze %dma_wait3A_65 : memref<1x1x1x42x128xi32, #tpu.memory_space<hbm>> -> memref<42x128xi32, #tpu.memory_space<hbm>>
      %dma_wait3A_67 = arith.constant 0 : i32
      %dma_wait3A_68 = arith.constant 0 : i32
      %dma_wait3A_69 = tpu.memref_slice %arg3[%run_scoped3A_5, %arg0, %arg1, %dma_wait3A_67, %dma_wait3A_68] : memref<2x2x16x42x128xi32, #tpu.memory_space<hbm>> -> memref<1x1x1x42x128xi32, #tpu.memory_space<hbm>>
      %dma_wait3A_70 = tpu.memref_squeeze %dma_wait3A_69 : memref<1x1x1x42x128xi32, #tpu.memory_space<hbm>> -> memref<42x128xi32, #tpu.memory_space<hbm>>
      tpu.wait_dma2 semaphore(%run_scoped3A_55 : memref<!tpu.dma_semaphore, #tpu.memory_space<semaphore_mem>>) src(%dma_wait3A_70 : memref<42x128xi32, #tpu.memory_space<hbm>>) dst(%arg7 : memref<42x128xi32, #tpu.memory_space<vmem>>)
      tpu.yield
    }) : () -> ()
    %run_scoped3A_6 = arith.constant 0 : i32
    "tpu.region"() ({
      %run_scoped3A_55 = tpu.sem_alloc : memref<!tpu.dma_semaphore, #tpu.memory_space<semaphore_mem>>
      %dma_start3A_56 = arith.constant 0 : i32
      %dma_start3A_57 = arith.constant 0 : i32
      %dma_start3A_58 = tpu.memref_slice %arg4[%run_scoped3A_6, %arg0, %arg1, %dma_start3A_56, %dma_start3A_57] : memref<2x2x16x42x128xi32, #tpu.memory_space<hbm>> -> memref<1x1x1x42x128xi32, #tpu.memory_space<hbm>>
      %dma_start3A_59 = tpu.memref_squeeze %dma_start3A_58 : memref<1x1x1x42x128xi32, #tpu.memory_space<hbm>> -> memref<42x128xi32, #tpu.memory_space<hbm>>
      %dma_start3A_60 = arith.constant 0 : i32
      %dma_start3A_61 = arith.constant 0 : i32
      %dma_start3A_62 = tpu.memref_slice %arg4[%run_scoped3A_6, %arg0, %arg1, %dma_start3A_60, %dma_start3A_61] : memref<2x2x16x42x128xi32, #tpu.memory_space<hbm>> -> memref<1x1x1x42x128xi32, #tpu.memory_space<hbm>>
      %dma_start3A_63 = tpu.memref_squeeze %dma_start3A_62 : memref<1x1x1x42x128xi32, #tpu.memory_space<hbm>> -> memref<42x128xi32, #tpu.memory_space<hbm>>
      tpu.enqueue_dma source(%dma_start3A_63 : memref<42x128xi32, #tpu.memory_space<hbm>>) target(%arg8 : memref<42x128xi32, #tpu.memory_space<vmem>>) target_semaphore(%run_scoped3A_55 : memref<!tpu.dma_semaphore, #tpu.memory_space<semaphore_mem>>)
      %dma_wait3A = arith.constant 0 : i32
      %dma_wait3A_64 = arith.constant 0 : i32
      %dma_wait3A_65 = tpu.memref_slice %arg4[%run_scoped3A_6, %arg0, %arg1, %dma_wait3A, %dma_wait3A_64] : memref<2x2x16x42x128xi32, #tpu.memory_space<hbm>> -> memref<1x1x1x42x128xi32, #tpu.memory_space<hbm>>
      %dma_wait3A_66 = tpu.memref_squeeze %dma_wait3A_65 : memref<1x1x1x42x128xi32, #tpu.memory_space<hbm>> -> memref<42x128xi32, #tpu.memory_space<hbm>>
      %dma_wait3A_67 = arith.constant 0 : i32
      %dma_wait3A_68 = arith.constant 0 : i32
      %dma_wait3A_69 = tpu.memref_slice %arg4[%run_scoped3A_6, %arg0, %arg1, %dma_wait3A_67, %dma_wait3A_68] : memref<2x2x16x42x128xi32, #tpu.memory_space<hbm>> -> memref<1x1x1x42x128xi32, #tpu.memory_space<hbm>>
      %dma_wait3A_70 = tpu.memref_squeeze %dma_wait3A_69 : memref<1x1x1x42x128xi32, #tpu.memory_space<hbm>> -> memref<42x128xi32, #tpu.memory_space<hbm>>
      tpu.wait_dma2 semaphore(%run_scoped3A_55 : memref<!tpu.dma_semaphore, #tpu.memory_space<semaphore_mem>>) src(%dma_wait3A_70 : memref<42x128xi32, #tpu.memory_space<hbm>>) dst(%arg8 : memref<42x128xi32, #tpu.memory_space<vmem>>)
      tpu.yield
    }) : () -> ()
    %barrier3A = arith.constant 0 : index
    tpu.barrier barrier_id(%barrier3A)
    %dma_start3A = arith.constant 0 : i32
    %dma_start3A_7 = arith.constant 0 : i32
    %dma_start3A_8 = tpu.memref_slice %arg7[%dma_start3A, %dma_start3A_7] : memref<42x128xi32, #tpu.memory_space<vmem>> -> memref<1x128xi32, #tpu.memory_space<vmem>>
    %dma_start3A_9 = tpu.memref_squeeze %dma_start3A_8 : memref<1x128xi32, #tpu.memory_space<vmem>> -> memref<128xi32, #tpu.memory_space<vmem>>
    %dma_start3A_10 = arith.constant 0 : i32
    %dma_start3A_11 = arith.constant 0 : i32
    %dma_start3A_12 = tpu.memref_slice %arg11[%dma_start3A_10, %dma_start3A_11] : memref<5248x128xf32, #tpu.memory_space<vmem_shared>> -> memref<5248x128xf32, #tpu.memory_space<vmem_shared>>
    tpu.enqueue_indirect_dma source(%dma_start3A_12 : memref<5248x128xf32, #tpu.memory_space<vmem_shared>>) target(%arg9 : memref<128x128xf32, #tpu.memory_space<vmem>>) offsets(%dma_start3A_9 : memref<128xi32, #tpu.memory_space<vmem>>) semaphore(%arg13 : memref<!tpu.dma_semaphore, #tpu.memory_space<semaphore_mem>>)
    %dma_start3A_13 = arith.constant 1 : i32
    %dma_start3A_14 = arith.constant 0 : i32
    %dma_start3A_15 = tpu.memref_slice %arg7[%dma_start3A_13, %dma_start3A_14] : memref<42x128xi32, #tpu.memory_space<vmem>> -> memref<1x128xi32, #tpu.memory_space<vmem>>
    %dma_start3A_16 = tpu.memref_squeeze %dma_start3A_15 : memref<1x128xi32, #tpu.memory_space<vmem>> -> memref<128xi32, #tpu.memory_space<vmem>>
    %dma_start3A_17 = arith.constant 0 : i32
    %dma_start3A_18 = arith.constant 0 : i32
    %dma_start3A_19 = tpu.memref_slice %arg11[%dma_start3A_17, %dma_start3A_18] : memref<5248x128xf32, #tpu.memory_space<vmem_shared>> -> memref<5248x128xf32, #tpu.memory_space<vmem_shared>>
    tpu.enqueue_indirect_dma source(%dma_start3A_19 : memref<5248x128xf32, #tpu.memory_space<vmem_shared>>) target(%arg10 : memref<128x128xf32, #tpu.memory_space<vmem>>) offsets(%dma_start3A_16 : memref<128xi32, #tpu.memory_space<vmem>>) semaphore(%arg14 : memref<!tpu.dma_semaphore, #tpu.memory_space<semaphore_mem>>)
    %scan3A = arith.constant 0 : i32
    %scan3A_20 = arith.constant 0 : i32
    %scan3A_21 = arith.constant 21 : i32
    %scan3A_22 = arith.addi %scan3A_20, %scan3A_21 : i32
    %scan3A_23 = arith.constant 1 : i32
    scf.for %scan3A_55 = %scan3A_20 to %scan3A_22 step %scan3A_23  : i32 {
      %mul3A_56 = arith.constant 2 : i32
      %mul3A_57 = arith.muli %mul3A_56, %scan3A_55 : i32
      %add3A = arith.constant 1 : i32
      %add3A_58 = arith.addi %mul3A_57, %add3A : i32
      %dma_wait3A = arith.constant 0 : i32
      %dma_wait3A_59 = tpu.memref_slice %arg7[%mul3A_57, %dma_wait3A] : memref<42x128xi32, #tpu.memory_space<vmem>> -> memref<1x128xi32, #tpu.memory_space<vmem>>
      %dma_wait3A_60 = tpu.memref_squeeze %dma_wait3A_59 : memref<1x128xi32, #tpu.memory_space<vmem>> -> memref<128xi32, #tpu.memory_space<vmem>>
      %dma_wait3A_61 = arith.constant 0 : i32
      %dma_wait3A_62 = arith.constant 0 : i32
      %dma_wait3A_63 = tpu.memref_slice %arg11[%dma_wait3A_61, %dma_wait3A_62] : memref<5248x128xf32, #tpu.memory_space<vmem_shared>> -> memref<5248x128xf32, #tpu.memory_space<vmem_shared>>
      tpu.wait_indirect_dma semaphore(%arg13 : memref<!tpu.dma_semaphore, #tpu.memory_space<semaphore_mem>>) src(%dma_wait3A_63 : memref<5248x128xf32, #tpu.memory_space<vmem_shared>>) dst(%arg9 : memref<128x128xf32, #tpu.memory_space<vmem>>)
      "tpu.region"() ({
        %run_scoped3A_81 = tpu.sem_alloc : memref<!tpu.dma_semaphore, #tpu.memory_space<semaphore_mem>>
        %dma_start3A_82 = arith.constant 0 : i32
        %dma_start3A_83 = tpu.memref_slice %arg8[%mul3A_57, %dma_start3A_82] : memref<42x128xi32, #tpu.memory_space<vmem>> -> memref<1x128xi32, #tpu.memory_space<vmem>>
        %dma_start3A_84 = tpu.memref_squeeze %dma_start3A_83 : memref<1x128xi32, #tpu.memory_space<vmem>> -> memref<128xi32, #tpu.memory_space<vmem>>
        %dma_start3A_85 = arith.constant 0 : i32
        %dma_start3A_86 = arith.constant 0 : i32
        %dma_start3A_87 = tpu.memref_slice %arg12[%dma_start3A_85, %dma_start3A_86] : memref<5120x128xf32, #tpu.memory_space<vmem_shared>> -> memref<5120x128xf32, #tpu.memory_space<vmem_shared>>
        tpu.enqueue_indirect_dma source(%arg9 : memref<128x128xf32, #tpu.memory_space<vmem>>) target(%dma_start3A_87 : memref<5120x128xf32, #tpu.memory_space<vmem_shared>>) offsets(%dma_start3A_84 : memref<128xi32, #tpu.memory_space<vmem>>) semaphore(%run_scoped3A_81 : memref<!tpu.dma_semaphore, #tpu.memory_space<semaphore_mem>>) {add = true}
        %dma_wait3A_88 = arith.constant 0 : i32
        %dma_wait3A_89 = tpu.memref_slice %arg8[%mul3A_57, %dma_wait3A_88] : memref<42x128xi32, #tpu.memory_space<vmem>> -> memref<1x128xi32, #tpu.memory_space<vmem>>
        %dma_wait3A_90 = tpu.memref_squeeze %dma_wait3A_89 : memref<1x128xi32, #tpu.memory_space<vmem>> -> memref<128xi32, #tpu.memory_space<vmem>>
        %dma_wait3A_91 = arith.constant 0 : i32
        %dma_wait3A_92 = arith.constant 0 : i32
        %dma_wait3A_93 = tpu.memref_slice %arg12[%dma_wait3A_91, %dma_wait3A_92] : memref<5120x128xf32, #tpu.memory_space<vmem_shared>> -> memref<5120x128xf32, #tpu.memory_space<vmem_shared>>
        tpu.wait_indirect_dma semaphore(%run_scoped3A_81 : memref<!tpu.dma_semaphore, #tpu.memory_space<semaphore_mem>>) src(%arg9 : memref<128x128xf32, #tpu.memory_space<vmem>>) dst(%dma_wait3A_93 : memref<5120x128xf32, #tpu.memory_space<vmem_shared>>)
        tpu.yield
      }) : () -> ()
      %add3A_64 = arith.constant 2 : i32
      %add3A_65 = arith.addi %mul3A_57, %add3A_64 : i32
      %lt3A = arith.constant 42 : i32
      %lt3A_66 = arith.cmpi slt, %add3A_65, %lt3A : i32
      %convert_element_type3A = arith.extui %lt3A_66 : i1 to i32
      %cond3A = arith.constant 0 : i32
      %cond3A_67 = arith.cmpi ne, %convert_element_type3A, %cond3A : i32
      scf.if %cond3A_67 {
        %add3A_81 = arith.constant 2 : i32
        %add3A_82 = arith.addi %mul3A_57, %add3A_81 : i32
        %dma_start3A_83 = arith.constant 0 : i32
        %dma_start3A_84 = tpu.memref_slice %arg7[%add3A_82, %dma_start3A_83] : memref<42x128xi32, #tpu.memory_space<vmem>> -> memref<1x128xi32, #tpu.memory_space<vmem>>
        %dma_start3A_85 = tpu.memref_squeeze %dma_start3A_84 : memref<1x128xi32, #tpu.memory_space<vmem>> -> memref<128xi32, #tpu.memory_space<vmem>>
        %dma_start3A_86 = arith.constant 0 : i32
        %dma_start3A_87 = arith.constant 0 : i32
        %dma_start3A_88 = tpu.memref_slice %arg11[%dma_start3A_86, %dma_start3A_87] : memref<5248x128xf32, #tpu.memory_space<vmem_shared>> -> memref<5248x128xf32, #tpu.memory_space<vmem_shared>>
        tpu.enqueue_indirect_dma source(%dma_start3A_88 : memref<5248x128xf32, #tpu.memory_space<vmem_shared>>) target(%arg9 : memref<128x128xf32, #tpu.memory_space<vmem>>) offsets(%dma_start3A_85 : memref<128xi32, #tpu.memory_space<vmem>>) semaphore(%arg13 : memref<!tpu.dma_semaphore, #tpu.memory_space<semaphore_mem>>)
      } else {
      }
      %dma_wait3A_68 = arith.constant 0 : i32
      %dma_wait3A_69 = tpu.memref_slice %arg7[%add3A_58, %dma_wait3A_68] : memref<42x128xi32, #tpu.memory_space<vmem>> -> memref<1x128xi32, #tpu.memory_space<vmem>>
      %dma_wait3A_70 = tpu.memref_squeeze %dma_wait3A_69 : memref<1x128xi32, #tpu.memory_space<vmem>> -> memref<128xi32, #tpu.memory_space<vmem>>
      %dma_wait3A_71 = arith.constant 0 : i32
      %dma_wait3A_72 = arith.constant 0 : i32
      %dma_wait3A_73 = tpu.memref_slice %arg11[%dma_wait3A_71, %dma_wait3A_72] : memref<5248x128xf32, #tpu.memory_space<vmem_shared>> -> memref<5248x128xf32, #tpu.memory_space<vmem_shared>>
      tpu.wait_indirect_dma semaphore(%arg14 : memref<!tpu.dma_semaphore, #tpu.memory_space<semaphore_mem>>) src(%dma_wait3A_73 : memref<5248x128xf32, #tpu.memory_space<vmem_shared>>) dst(%arg10 : memref<128x128xf32, #tpu.memory_space<vmem>>)
      "tpu.region"() ({
        %run_scoped3A_81 = tpu.sem_alloc : memref<!tpu.dma_semaphore, #tpu.memory_space<semaphore_mem>>
        %dma_start3A_82 = arith.constant 0 : i32
        %dma_start3A_83 = tpu.memref_slice %arg8[%add3A_58, %dma_start3A_82] : memref<42x128xi32, #tpu.memory_space<vmem>> -> memref<1x128xi32, #tpu.memory_space<vmem>>
        %dma_start3A_84 = tpu.memref_squeeze %dma_start3A_83 : memref<1x128xi32, #tpu.memory_space<vmem>> -> memref<128xi32, #tpu.memory_space<vmem>>
        %dma_start3A_85 = arith.constant 0 : i32
        %dma_start3A_86 = arith.constant 0 : i32
        %dma_start3A_87 = tpu.memref_slice %arg12[%dma_start3A_85, %dma_start3A_86] : memref<5120x128xf32, #tpu.memory_space<vmem_shared>> -> memref<5120x128xf32, #tpu.memory_space<vmem_shared>>
        tpu.enqueue_indirect_dma source(%arg10 : memref<128x128xf32, #tpu.memory_space<vmem>>) target(%dma_start3A_87 : memref<5120x128xf32, #tpu.memory_space<vmem_shared>>) offsets(%dma_start3A_84 : memref<128xi32, #tpu.memory_space<vmem>>) semaphore(%run_scoped3A_81 : memref<!tpu.dma_semaphore, #tpu.memory_space<semaphore_mem>>) {add = true}
        %dma_wait3A_88 = arith.constant 0 : i32
        %dma_wait3A_89 = tpu.memref_slice %arg8[%add3A_58, %dma_wait3A_88] : memref<42x128xi32, #tpu.memory_space<vmem>> -> memref<1x128xi32, #tpu.memory_space<vmem>>
        %dma_wait3A_90 = tpu.memref_squeeze %dma_wait3A_89 : memref<1x128xi32, #tpu.memory_space<vmem>> -> memref<128xi32, #tpu.memory_space<vmem>>
        %dma_wait3A_91 = arith.constant 0 : i32
        %dma_wait3A_92 = arith.constant 0 : i32
        %dma_wait3A_93 = tpu.memref_slice %arg12[%dma_wait3A_91, %dma_wait3A_92] : memref<5120x128xf32, #tpu.memory_space<vmem_shared>> -> memref<5120x128xf32, #tpu.memory_space<vmem_shared>>
        tpu.wait_indirect_dma semaphore(%run_scoped3A_81 : memref<!tpu.dma_semaphore, #tpu.memory_space<semaphore_mem>>) src(%arg10 : memref<128x128xf32, #tpu.memory_space<vmem>>) dst(%dma_wait3A_93 : memref<5120x128xf32, #tpu.memory_space<vmem_shared>>)
        tpu.yield
      }) : () -> ()
      %add3A_74 = arith.constant 2 : i32
      %add3A_75 = arith.addi %add3A_58, %add3A_74 : i32
      %lt3A_76 = arith.constant 42 : i32
      %lt3A_77 = arith.cmpi slt, %add3A_75, %lt3A_76 : i32
      %convert_element_type3A_78 = arith.extui %lt3A_77 : i1 to i32
      %cond3A_79 = arith.constant 0 : i32
      %cond3A_80 = arith.cmpi ne, %convert_element_type3A_78, %cond3A_79 : i32
      scf.if %cond3A_80 {
        %add3A_81 = arith.constant 2 : i32
        %add3A_82 = arith.addi %add3A_58, %add3A_81 : i32
        %dma_start3A_83 = arith.constant 0 : i32
        %dma_start3A_84 = tpu.memref_slice %arg7[%add3A_82, %dma_start3A_83] : memref<42x128xi32, #tpu.memory_space<vmem>> -> memref<1x128xi32, #tpu.memory_space<vmem>>
        %dma_start3A_85 = tpu.memref_squeeze %dma_start3A_84 : memref<1x128xi32, #tpu.memory_space<vmem>> -> memref<128xi32, #tpu.memory_space<vmem>>
        %dma_start3A_86 = arith.constant 0 : i32
        %dma_start3A_87 = arith.constant 0 : i32
        %dma_start3A_88 = tpu.memref_slice %arg11[%dma_start3A_86, %dma_start3A_87] : memref<5248x128xf32, #tpu.memory_space<vmem_shared>> -> memref<5248x128xf32, #tpu.memory_space<vmem_shared>>
        tpu.enqueue_indirect_dma source(%dma_start3A_88 : memref<5248x128xf32, #tpu.memory_space<vmem_shared>>) target(%arg10 : memref<128x128xf32, #tpu.memory_space<vmem>>) offsets(%dma_start3A_85 : memref<128xi32, #tpu.memory_space<vmem>>) semaphore(%arg14 : memref<!tpu.dma_semaphore, #tpu.memory_space<semaphore_mem>>)
      } else {
      }
    }
    %scan3A_24 = arith.constant 21 : i32
    %barrier3A_25 = arith.constant 0 : index
    tpu.barrier barrier_id(%barrier3A_25)
    %mul3A_26 = arith.constant 328 : i32
    %mul3A_27 = arith.muli %arg1, %mul3A_26 : i32
    %mul3A_28 = arith.constant 328 : i32
    %mul3A_29 = arith.muli %arg1, %mul3A_28 : i32
    %run_scoped3A_30 = arith.constant 1 : i32
    "tpu.region"() ({
      %run_scoped3A_55 = tpu.sem_alloc : memref<!tpu.dma_semaphore, #tpu.memory_space<semaphore_mem>>
      %dma_start3A_56 = arith.constant 0 : i32
      %dma_start3A_57 = tpu.memref_slice %arg11[%mul3A_29, %dma_start3A_56] : memref<5248x128xf32, #tpu.memory_space<vmem_shared>> -> memref<328x128xf32, #tpu.memory_space<vmem_shared>>
      %dma_start3A_58 = arith.constant 0 : i32
      %dma_start3A_59 = tpu.memref_slice %arg2[%run_scoped3A_30, %mul3A_27, %dma_start3A_58] : memref<2x5248x128xf32, #tpu.memory_space<hbm>> -> memref<1x328x128xf32, #tpu.memory_space<hbm>>
      %dma_start3A_60 = tpu.memref_squeeze %dma_start3A_59 : memref<1x328x128xf32, #tpu.memory_space<hbm>> -> memref<328x128xf32, #tpu.memory_space<hbm>>
      tpu.enqueue_dma source(%dma_start3A_60 : memref<328x128xf32, #tpu.memory_space<hbm>>) target(%dma_start3A_57 : memref<328x128xf32, #tpu.memory_space<vmem_shared>>) target_semaphore(%run_scoped3A_55 : memref<!tpu.dma_semaphore, #tpu.memory_space<semaphore_mem>>)
      %dma_wait3A = arith.constant 0 : i32
      %dma_wait3A_61 = tpu.memref_slice %arg11[%mul3A_29, %dma_wait3A] : memref<5248x128xf32, #tpu.memory_space<vmem_shared>> -> memref<328x128xf32, #tpu.memory_space<vmem_shared>>
      %dma_wait3A_62 = arith.constant 0 : i32
      %dma_wait3A_63 = tpu.memref_slice %arg2[%run_scoped3A_30, %mul3A_27, %dma_wait3A_62] : memref<2x5248x128xf32, #tpu.memory_space<hbm>> -> memref<1x328x128xf32, #tpu.memory_space<hbm>>
      %dma_wait3A_64 = tpu.memref_squeeze %dma_wait3A_63 : memref<1x328x128xf32, #tpu.memory_space<hbm>> -> memref<328x128xf32, #tpu.memory_space<hbm>>
      tpu.wait_dma2 semaphore(%run_scoped3A_55 : memref<!tpu.dma_semaphore, #tpu.memory_space<semaphore_mem>>) src(%dma_wait3A_64 : memref<328x128xf32, #tpu.memory_space<hbm>>) dst(%dma_wait3A_61 : memref<328x128xf32, #tpu.memory_space<vmem_shared>>)
      tpu.yield
    }) : () -> ()
    %run_scoped3A_31 = arith.constant 1 : i32
    "tpu.region"() ({
      %run_scoped3A_55 = tpu.sem_alloc : memref<!tpu.dma_semaphore, #tpu.memory_space<semaphore_mem>>
      %dma_start3A_56 = arith.constant 0 : i32
      %dma_start3A_57 = arith.constant 0 : i32
      %dma_start3A_58 = tpu.memref_slice %arg3[%run_scoped3A_31, %arg0, %arg1, %dma_start3A_56, %dma_start3A_57] : memref<2x2x16x42x128xi32, #tpu.memory_space<hbm>> -> memref<1x1x1x42x128xi32, #tpu.memory_space<hbm>>
      %dma_start3A_59 = tpu.memref_squeeze %dma_start3A_58 : memref<1x1x1x42x128xi32, #tpu.memory_space<hbm>> -> memref<42x128xi32, #tpu.memory_space<hbm>>
      %dma_start3A_60 = arith.constant 0 : i32
      %dma_start3A_61 = arith.constant 0 : i32
      %dma_start3A_62 = tpu.memref_slice %arg3[%run_scoped3A_31, %arg0, %arg1, %dma_start3A_60, %dma_start3A_61] : memref<2x2x16x42x128xi32, #tpu.memory_space<hbm>> -> memref<1x1x1x42x128xi32, #tpu.memory_space<hbm>>
      %dma_start3A_63 = tpu.memref_squeeze %dma_start3A_62 : memref<1x1x1x42x128xi32, #tpu.memory_space<hbm>> -> memref<42x128xi32, #tpu.memory_space<hbm>>
      tpu.enqueue_dma source(%dma_start3A_63 : memref<42x128xi32, #tpu.memory_space<hbm>>) target(%arg7 : memref<42x128xi32, #tpu.memory_space<vmem>>) target_semaphore(%run_scoped3A_55 : memref<!tpu.dma_semaphore, #tpu.memory_space<semaphore_mem>>)
      %dma_wait3A = arith.constant 0 : i32
      %dma_wait3A_64 = arith.constant 0 : i32
      %dma_wait3A_65 = tpu.memref_slice %arg3[%run_scoped3A_31, %arg0, %arg1, %dma_wait3A, %dma_wait3A_64] : memref<2x2x16x42x128xi32, #tpu.memory_space<hbm>> -> memref<1x1x1x42x128xi32, #tpu.memory_space<hbm>>
      %dma_wait3A_66 = tpu.memref_squeeze %dma_wait3A_65 : memref<1x1x1x42x128xi32, #tpu.memory_space<hbm>> -> memref<42x128xi32, #tpu.memory_space<hbm>>
      %dma_wait3A_67 = arith.constant 0 : i32
      %dma_wait3A_68 = arith.constant 0 : i32
      %dma_wait3A_69 = tpu.memref_slice %arg3[%run_scoped3A_31, %arg0, %arg1, %dma_wait3A_67, %dma_wait3A_68] : memref<2x2x16x42x128xi32, #tpu.memory_space<hbm>> -> memref<1x1x1x42x128xi32, #tpu.memory_space<hbm>>
      %dma_wait3A_70 = tpu.memref_squeeze %dma_wait3A_69 : memref<1x1x1x42x128xi32, #tpu.memory_space<hbm>> -> memref<42x128xi32, #tpu.memory_space<hbm>>
      tpu.wait_dma2 semaphore(%run_scoped3A_55 : memref<!tpu.dma_semaphore, #tpu.memory_space<semaphore_mem>>) src(%dma_wait3A_70 : memref<42x128xi32, #tpu.memory_space<hbm>>) dst(%arg7 : memref<42x128xi32, #tpu.memory_space<vmem>>)
      tpu.yield
    }) : () -> ()
    %run_scoped3A_32 = arith.constant 1 : i32
    "tpu.region"() ({
      %run_scoped3A_55 = tpu.sem_alloc : memref<!tpu.dma_semaphore, #tpu.memory_space<semaphore_mem>>
      %dma_start3A_56 = arith.constant 0 : i32
      %dma_start3A_57 = arith.constant 0 : i32
      %dma_start3A_58 = tpu.memref_slice %arg4[%run_scoped3A_32, %arg0, %arg1, %dma_start3A_56, %dma_start3A_57] : memref<2x2x16x42x128xi32, #tpu.memory_space<hbm>> -> memref<1x1x1x42x128xi32, #tpu.memory_space<hbm>>
      %dma_start3A_59 = tpu.memref_squeeze %dma_start3A_58 : memref<1x1x1x42x128xi32, #tpu.memory_space<hbm>> -> memref<42x128xi32, #tpu.memory_space<hbm>>
      %dma_start3A_60 = arith.constant 0 : i32
      %dma_start3A_61 = arith.constant 0 : i32
      %dma_start3A_62 = tpu.memref_slice %arg4[%run_scoped3A_32, %arg0, %arg1, %dma_start3A_60, %dma_start3A_61] : memref<2x2x16x42x128xi32, #tpu.memory_space<hbm>> -> memref<1x1x1x42x128xi32, #tpu.memory_space<hbm>>
      %dma_start3A_63 = tpu.memref_squeeze %dma_start3A_62 : memref<1x1x1x42x128xi32, #tpu.memory_space<hbm>> -> memref<42x128xi32, #tpu.memory_space<hbm>>
      tpu.enqueue_dma source(%dma_start3A_63 : memref<42x128xi32, #tpu.memory_space<hbm>>) target(%arg8 : memref<42x128xi32, #tpu.memory_space<vmem>>) target_semaphore(%run_scoped3A_55 : memref<!tpu.dma_semaphore, #tpu.memory_space<semaphore_mem>>)
      %dma_wait3A = arith.constant 0 : i32
      %dma_wait3A_64 = arith.constant 0 : i32
      %dma_wait3A_65 = tpu.memref_slice %arg4[%run_scoped3A_32, %arg0, %arg1, %dma_wait3A, %dma_wait3A_64] : memref<2x2x16x42x128xi32, #tpu.memory_space<hbm>> -> memref<1x1x1x42x128xi32, #tpu.memory_space<hbm>>
      %dma_wait3A_66 = tpu.memref_squeeze %dma_wait3A_65 : memref<1x1x1x42x128xi32, #tpu.memory_space<hbm>> -> memref<42x128xi32, #tpu.memory_space<hbm>>
      %dma_wait3A_67 = arith.constant 0 : i32
      %dma_wait3A_68 = arith.constant 0 : i32
      %dma_wait3A_69 = tpu.memref_slice %arg4[%run_scoped3A_32, %arg0, %arg1, %dma_wait3A_67, %dma_wait3A_68] : memref<2x2x16x42x128xi32, #tpu.memory_space<hbm>> -> memref<1x1x1x42x128xi32, #tpu.memory_space<hbm>>
      %dma_wait3A_70 = tpu.memref_squeeze %dma_wait3A_69 : memref<1x1x1x42x128xi32, #tpu.memory_space<hbm>> -> memref<42x128xi32, #tpu.memory_space<hbm>>
      tpu.wait_dma2 semaphore(%run_scoped3A_55 : memref<!tpu.dma_semaphore, #tpu.memory_space<semaphore_mem>>) src(%dma_wait3A_70 : memref<42x128xi32, #tpu.memory_space<hbm>>) dst(%arg8 : memref<42x128xi32, #tpu.memory_space<vmem>>)
      tpu.yield
    }) : () -> ()
    %barrier3A_33 = arith.constant 0 : index
    tpu.barrier barrier_id(%barrier3A_33)
    %dma_start3A_34 = arith.constant 0 : i32
    %dma_start3A_35 = arith.constant 0 : i32
    %dma_start3A_36 = tpu.memref_slice %arg7[%dma_start3A_34, %dma_start3A_35] : memref<42x128xi32, #tpu.memory_space<vmem>> -> memref<1x128xi32, #tpu.memory_space<vmem>>
    %dma_start3A_37 = tpu.memref_squeeze %dma_start3A_36 : memref<1x128xi32, #tpu.memory_space<vmem>> -> memref<128xi32, #tpu.memory_space<vmem>>
    %dma_start3A_38 = arith.constant 0 : i32
    %dma_start3A_39 = arith.constant 0 : i32
    %dma_start3A_40 = tpu.memref_slice %arg11[%dma_start3A_38, %dma_start3A_39] : memref<5248x128xf32, #tpu.memory_space<vmem_shared>> -> memref<5248x128xf32, #tpu.memory_space<vmem_shared>>
    tpu.enqueue_indirect_dma source(%dma_start3A_40 : memref<5248x128xf32, #tpu.memory_space<vmem_shared>>) target(%arg9 : memref<128x128xf32, #tpu.memory_space<vmem>>) offsets(%dma_start3A_37 : memref<128xi32, #tpu.memory_space<vmem>>) semaphore(%arg13 : memref<!tpu.dma_semaphore, #tpu.memory_space<semaphore_mem>>)
    %dma_start3A_41 = arith.constant 1 : i32
    %dma_start3A_42 = arith.constant 0 : i32
    %dma_start3A_43 = tpu.memref_slice %arg7[%dma_start3A_41, %dma_start3A_42] : memref<42x128xi32, #tpu.memory_space<vmem>> -> memref<1x128xi32, #tpu.memory_space<vmem>>
    %dma_start3A_44 = tpu.memref_squeeze %dma_start3A_43 : memref<1x128xi32, #tpu.memory_space<vmem>> -> memref<128xi32, #tpu.memory_space<vmem>>
    %dma_start3A_45 = arith.constant 0 : i32
    %dma_start3A_46 = arith.constant 0 : i32
    %dma_start3A_47 = tpu.memref_slice %arg11[%dma_start3A_45, %dma_start3A_46] : memref<5248x128xf32, #tpu.memory_space<vmem_shared>> -> memref<5248x128xf32, #tpu.memory_space<vmem_shared>>
    tpu.enqueue_indirect_dma source(%dma_start3A_47 : memref<5248x128xf32, #tpu.memory_space<vmem_shared>>) target(%arg10 : memref<128x128xf32, #tpu.memory_space<vmem>>) offsets(%dma_start3A_44 : memref<128xi32, #tpu.memory_space<vmem>>) semaphore(%arg14 : memref<!tpu.dma_semaphore, #tpu.memory_space<semaphore_mem>>)
    %scan3A_48 = arith.constant 0 : i32
    %scan3A_49 = arith.constant 0 : i32
    %scan3A_50 = arith.constant 21 : i32
    %scan3A_51 = arith.addi %scan3A_49, %scan3A_50 : i32
    %scan3A_52 = arith.constant 1 : i32
    scf.for %scan3A_55 = %scan3A_49 to %scan3A_51 step %scan3A_52  : i32 {
      %mul3A_56 = arith.constant 2 : i32
      %mul3A_57 = arith.muli %mul3A_56, %scan3A_55 : i32
      %add3A = arith.constant 1 : i32
      %add3A_58 = arith.addi %mul3A_57, %add3A : i32
      %dma_wait3A = arith.constant 0 : i32
      %dma_wait3A_59 = tpu.memref_slice %arg7[%mul3A_57, %dma_wait3A] : memref<42x128xi32, #tpu.memory_space<vmem>> -> memref<1x128xi32, #tpu.memory_space<vmem>>
      %dma_wait3A_60 = tpu.memref_squeeze %dma_wait3A_59 : memref<1x128xi32, #tpu.memory_space<vmem>> -> memref<128xi32, #tpu.memory_space<vmem>>
      %dma_wait3A_61 = arith.constant 0 : i32
      %dma_wait3A_62 = arith.constant 0 : i32
      %dma_wait3A_63 = tpu.memref_slice %arg11[%dma_wait3A_61, %dma_wait3A_62] : memref<5248x128xf32, #tpu.memory_space<vmem_shared>> -> memref<5248x128xf32, #tpu.memory_space<vmem_shared>>
      tpu.wait_indirect_dma semaphore(%arg13 : memref<!tpu.dma_semaphore, #tpu.memory_space<semaphore_mem>>) src(%dma_wait3A_63 : memref<5248x128xf32, #tpu.memory_space<vmem_shared>>) dst(%arg9 : memref<128x128xf32, #tpu.memory_space<vmem>>)
      "tpu.region"() ({
        %run_scoped3A_81 = tpu.sem_alloc : memref<!tpu.dma_semaphore, #tpu.memory_space<semaphore_mem>>
        %dma_start3A_82 = arith.constant 0 : i32
        %dma_start3A_83 = tpu.memref_slice %arg8[%mul3A_57, %dma_start3A_82] : memref<42x128xi32, #tpu.memory_space<vmem>> -> memref<1x128xi32, #tpu.memory_space<vmem>>
        %dma_start3A_84 = tpu.memref_squeeze %dma_start3A_83 : memref<1x128xi32, #tpu.memory_space<vmem>> -> memref<128xi32, #tpu.memory_space<vmem>>
        %dma_start3A_85 = arith.constant 0 : i32
        %dma_start3A_86 = arith.constant 0 : i32
        %dma_start3A_87 = tpu.memref_slice %arg12[%dma_start3A_85, %dma_start3A_86] : memref<5120x128xf32, #tpu.memory_space<vmem_shared>> -> memref<5120x128xf32, #tpu.memory_space<vmem_shared>>
        tpu.enqueue_indirect_dma source(%arg9 : memref<128x128xf32, #tpu.memory_space<vmem>>) target(%dma_start3A_87 : memref<5120x128xf32, #tpu.memory_space<vmem_shared>>) offsets(%dma_start3A_84 : memref<128xi32, #tpu.memory_space<vmem>>) semaphore(%run_scoped3A_81 : memref<!tpu.dma_semaphore, #tpu.memory_space<semaphore_mem>>) {add = true}
        %dma_wait3A_88 = arith.constant 0 : i32
        %dma_wait3A_89 = tpu.memref_slice %arg8[%mul3A_57, %dma_wait3A_88] : memref<42x128xi32, #tpu.memory_space<vmem>> -> memref<1x128xi32, #tpu.memory_space<vmem>>
        %dma_wait3A_90 = tpu.memref_squeeze %dma_wait3A_89 : memref<1x128xi32, #tpu.memory_space<vmem>> -> memref<128xi32, #tpu.memory_space<vmem>>
        %dma_wait3A_91 = arith.constant 0 : i32
        %dma_wait3A_92 = arith.constant 0 : i32
        %dma_wait3A_93 = tpu.memref_slice %arg12[%dma_wait3A_91, %dma_wait3A_92] : memref<5120x128xf32, #tpu.memory_space<vmem_shared>> -> memref<5120x128xf32, #tpu.memory_space<vmem_shared>>
        tpu.wait_indirect_dma semaphore(%run_scoped3A_81 : memref<!tpu.dma_semaphore, #tpu.memory_space<semaphore_mem>>) src(%arg9 : memref<128x128xf32, #tpu.memory_space<vmem>>) dst(%dma_wait3A_93 : memref<5120x128xf32, #tpu.memory_space<vmem_shared>>)
        tpu.yield
      }) : () -> ()
      %add3A_64 = arith.constant 2 : i32
      %add3A_65 = arith.addi %mul3A_57, %add3A_64 : i32
      %lt3A = arith.constant 42 : i32
      %lt3A_66 = arith.cmpi slt, %add3A_65, %lt3A : i32
      %convert_element_type3A = arith.extui %lt3A_66 : i1 to i32
      %cond3A = arith.constant 0 : i32
      %cond3A_67 = arith.cmpi ne, %convert_element_type3A, %cond3A : i32
      scf.if %cond3A_67 {
        %add3A_81 = arith.constant 2 : i32
        %add3A_82 = arith.addi %mul3A_57, %add3A_81 : i32
        %dma_start3A_83 = arith.constant 0 : i32
        %dma_start3A_84 = tpu.memref_slice %arg7[%add3A_82, %dma_start3A_83] : memref<42x128xi32, #tpu.memory_space<vmem>> -> memref<1x128xi32, #tpu.memory_space<vmem>>
        %dma_start3A_85 = tpu.memref_squeeze %dma_start3A_84 : memref<1x128xi32, #tpu.memory_space<vmem>> -> memref<128xi32, #tpu.memory_space<vmem>>
        %dma_start3A_86 = arith.constant 0 : i32
        %dma_start3A_87 = arith.constant 0 : i32
        %dma_start3A_88 = tpu.memref_slice %arg11[%dma_start3A_86, %dma_start3A_87] : memref<5248x128xf32, #tpu.memory_space<vmem_shared>> -> memref<5248x128xf32, #tpu.memory_space<vmem_shared>>
        tpu.enqueue_indirect_dma source(%dma_start3A_88 : memref<5248x128xf32, #tpu.memory_space<vmem_shared>>) target(%arg9 : memref<128x128xf32, #tpu.memory_space<vmem>>) offsets(%dma_start3A_85 : memref<128xi32, #tpu.memory_space<vmem>>) semaphore(%arg13 : memref<!tpu.dma_semaphore, #tpu.memory_space<semaphore_mem>>)
      } else {
      }
      %dma_wait3A_68 = arith.constant 0 : i32
      %dma_wait3A_69 = tpu.memref_slice %arg7[%add3A_58, %dma_wait3A_68] : memref<42x128xi32, #tpu.memory_space<vmem>> -> memref<1x128xi32, #tpu.memory_space<vmem>>
      %dma_wait3A_70 = tpu.memref_squeeze %dma_wait3A_69 : memref<1x128xi32, #tpu.memory_space<vmem>> -> memref<128xi32, #tpu.memory_space<vmem>>
      %dma_wait3A_71 = arith.constant 0 : i32
      %dma_wait3A_72 = arith.constant 0 : i32
      %dma_wait3A_73 = tpu.memref_slice %arg11[%dma_wait3A_71, %dma_wait3A_72] : memref<5248x128xf32, #tpu.memory_space<vmem_shared>> -> memref<5248x128xf32, #tpu.memory_space<vmem_shared>>
      tpu.wait_indirect_dma semaphore(%arg14 : memref<!tpu.dma_semaphore, #tpu.memory_space<semaphore_mem>>) src(%dma_wait3A_73 : memref<5248x128xf32, #tpu.memory_space<vmem_shared>>) dst(%arg10 : memref<128x128xf32, #tpu.memory_space<vmem>>)
      "tpu.region"() ({
        %run_scoped3A_81 = tpu.sem_alloc : memref<!tpu.dma_semaphore, #tpu.memory_space<semaphore_mem>>
        %dma_start3A_82 = arith.constant 0 : i32
        %dma_start3A_83 = tpu.memref_slice %arg8[%add3A_58, %dma_start3A_82] : memref<42x128xi32, #tpu.memory_space<vmem>> -> memref<1x128xi32, #tpu.memory_space<vmem>>
        %dma_start3A_84 = tpu.memref_squeeze %dma_start3A_83 : memref<1x128xi32, #tpu.memory_space<vmem>> -> memref<128xi32, #tpu.memory_space<vmem>>
        %dma_start3A_85 = arith.constant 0 : i32
        %dma_start3A_86 = arith.constant 0 : i32
        %dma_start3A_87 = tpu.memref_slice %arg12[%dma_start3A_85, %dma_start3A_86] : memref<5120x128xf32, #tpu.memory_space<vmem_shared>> -> memref<5120x128xf32, #tpu.memory_space<vmem_shared>>
        tpu.enqueue_indirect_dma source(%arg10 : memref<128x128xf32, #tpu.memory_space<vmem>>) target(%dma_start3A_87 : memref<5120x128xf32, #tpu.memory_space<vmem_shared>>) offsets(%dma_start3A_84 : memref<128xi32, #tpu.memory_space<vmem>>) semaphore(%run_scoped3A_81 : memref<!tpu.dma_semaphore, #tpu.memory_space<semaphore_mem>>) {add = true}
        %dma_wait3A_88 = arith.constant 0 : i32
        %dma_wait3A_89 = tpu.memref_slice %arg8[%add3A_58, %dma_wait3A_88] : memref<42x128xi32, #tpu.memory_space<vmem>> -> memref<1x128xi32, #tpu.memory_space<vmem>>
        %dma_wait3A_90 = tpu.memref_squeeze %dma_wait3A_89 : memref<1x128xi32, #tpu.memory_space<vmem>> -> memref<128xi32, #tpu.memory_space<vmem>>
        %dma_wait3A_91 = arith.constant 0 : i32
        %dma_wait3A_92 = arith.constant 0 : i32
        %dma_wait3A_93 = tpu.memref_slice %arg12[%dma_wait3A_91, %dma_wait3A_92] : memref<5120x128xf32, #tpu.memory_space<vmem_shared>> -> memref<5120x128xf32, #tpu.memory_space<vmem_shared>>
        tpu.wait_indirect_dma semaphore(%run_scoped3A_81 : memref<!tpu.dma_semaphore, #tpu.memory_space<semaphore_mem>>) src(%arg10 : memref<128x128xf32, #tpu.memory_space<vmem>>) dst(%dma_wait3A_93 : memref<5120x128xf32, #tpu.memory_space<vmem_shared>>)
        tpu.yield
      }) : () -> ()
      %add3A_74 = arith.constant 2 : i32
      %add3A_75 = arith.addi %add3A_58, %add3A_74 : i32
      %lt3A_76 = arith.constant 42 : i32
      %lt3A_77 = arith.cmpi slt, %add3A_75, %lt3A_76 : i32
      %convert_element_type3A_78 = arith.extui %lt3A_77 : i1 to i32
      %cond3A_79 = arith.constant 0 : i32
      %cond3A_80 = arith.cmpi ne, %convert_element_type3A_78, %cond3A_79 : i32
      scf.if %cond3A_80 {
        %add3A_81 = arith.constant 2 : i32
        %add3A_82 = arith.addi %add3A_58, %add3A_81 : i32
        %dma_start3A_83 = arith.constant 0 : i32
        %dma_start3A_84 = tpu.memref_slice %arg7[%add3A_82, %dma_start3A_83] : memref<42x128xi32, #tpu.memory_space<vmem>> -> memref<1x128xi32, #tpu.memory_space<vmem>>
        %dma_start3A_85 = tpu.memref_squeeze %dma_start3A_84 : memref<1x128xi32, #tpu.memory_space<vmem>> -> memref<128xi32, #tpu.memory_space<vmem>>
        %dma_start3A_86 = arith.constant 0 : i32
        %dma_start3A_87 = arith.constant 0 : i32
        %dma_start3A_88 = tpu.memref_slice %arg11[%dma_start3A_86, %dma_start3A_87] : memref<5248x128xf32, #tpu.memory_space<vmem_shared>> -> memref<5248x128xf32, #tpu.memory_space<vmem_shared>>
        tpu.enqueue_indirect_dma source(%dma_start3A_88 : memref<5248x128xf32, #tpu.memory_space<vmem_shared>>) target(%arg10 : memref<128x128xf32, #tpu.memory_space<vmem>>) offsets(%dma_start3A_85 : memref<128xi32, #tpu.memory_space<vmem>>) semaphore(%arg14 : memref<!tpu.dma_semaphore, #tpu.memory_space<semaphore_mem>>)
      } else {
      }
    }
    %scan3A_53 = arith.constant 21 : i32
    %barrier3A_54 = arith.constant 0 : index
    tpu.barrier barrier_id(%barrier3A_54)
    "tpu.region"() ({
      %run_scoped3A_55 = tpu.sem_alloc : memref<!tpu.dma_semaphore, #tpu.memory_space<semaphore_mem>>
      %dma_start3A_56 = arith.constant 0 : i32
      %dma_start3A_57 = tpu.memref_slice %arg6[%arg0, %mul3A_0, %dma_start3A_56] : memref<2x5120x128xf32, #tpu.memory_space<hbm>> -> memref<1x320x128xf32, #tpu.memory_space<hbm>>
      %dma_start3A_58 = tpu.memref_squeeze %dma_start3A_57 : memref<1x320x128xf32, #tpu.memory_space<hbm>> -> memref<320x128xf32, #tpu.memory_space<hbm>>
      %dma_start3A_59 = arith.constant 0 : i32
      %dma_start3A_60 = tpu.memref_slice %arg12[%mul3A_0, %dma_start3A_59] : memref<5120x128xf32, #tpu.memory_space<vmem_shared>> -> memref<320x128xf32, #tpu.memory_space<vmem_shared>>
      tpu.enqueue_dma source(%dma_start3A_60 : memref<320x128xf32, #tpu.memory_space<vmem_shared>>) target(%dma_start3A_58 : memref<320x128xf32, #tpu.memory_space<hbm>>) target_semaphore(%run_scoped3A_55 : memref<!tpu.dma_semaphore, #tpu.memory_space<semaphore_mem>>)
      %dma_wait3A = arith.constant 0 : i32
      %dma_wait3A_61 = tpu.memref_slice %arg6[%arg0, %mul3A_0, %dma_wait3A] : memref<2x5120x128xf32, #tpu.memory_space<hbm>> -> memref<1x320x128xf32, #tpu.memory_space<hbm>>
      %dma_wait3A_62 = tpu.memref_squeeze %dma_wait3A_61 : memref<1x320x128xf32, #tpu.memory_space<hbm>> -> memref<320x128xf32, #tpu.memory_space<hbm>>
      %dma_wait3A_63 = arith.constant 0 : i32
      %dma_wait3A_64 = tpu.memref_slice %arg12[%mul3A_0, %dma_wait3A_63] : memref<5120x128xf32, #tpu.memory_space<vmem_shared>> -> memref<320x128xf32, #tpu.memory_space<vmem_shared>>
      tpu.wait_dma2 semaphore(%run_scoped3A_55 : memref<!tpu.dma_semaphore, #tpu.memory_space<semaphore_mem>>) src(%dma_wait3A_64 : memref<320x128xf32, #tpu.memory_space<vmem_shared>>) dst(%dma_wait3A_62 : memref<320x128xf32, #tpu.memory_space<hbm>>)
      tpu.yield
    }) : () -> ()
    return
  }
}

#map = affine_map<(d0, d1) -> (0, 0, 0)>
#map1 = affine_map<(d0, d1) -> (0, 0, 0, 0, 0)>
#map2 = affine_map<(d0, d1) -> (0, 0)>
module attributes {stable_mosaic.version = 14 : i64} {
  func.func @_sc_agg(%arg0: i32, %arg1: i32, %arg2: memref<2x5248x128xf32, #tpu.memory_space<hbm>>, %arg3: memref<2x2x16x42x128xi32, #tpu.memory_space<hbm>>, %arg4: memref<2x2x16x42x128xi32, #tpu.memory_space<hbm>>, %arg5: memref<10112x128xf32, #tpu.memory_space<hbm>>, %arg6: memref<2x5120x128xf32, #tpu.memory_space<hbm>>, %arg7: memref<42x128xi32, #tpu.memory_space<vmem>>, %arg8: memref<42x128xi32, #tpu.memory_space<vmem>>, %arg9: memref<128x128xf32, #tpu.memory_space<vmem>>, %arg10: memref<128x128xf32, #tpu.memory_space<vmem>>, %arg11: memref<5248x128xf32, #tpu.memory_space<vmem_shared>>, %arg12: memref<5120x128xf32, #tpu.memory_space<vmem_shared>>, %arg13: memref<!tpu.dma_semaphore, #tpu.memory_space<semaphore_mem>>, %arg14: memref<!tpu.dma_semaphore, #tpu.memory_space<semaphore_mem>>) attributes {dimension_semantics = [#tpu.dimension_semantics<core_parallel>, #tpu.dimension_semantics<subcore_parallel>], iteration_bounds = array<i64: 2, 16>, scalar_prefetch = 0 : i64, scratch_operands = 8 : i64, tpu.core_type = #tpu.core_type<sc_vector_subcore>, window_params = [{transform_indices = #map}, {transform_indices = #map1}, {transform_indices = #map1}, {transform_indices = #map2}, {transform_indices = #map}]} {
    %mul3A = arith.constant 320 : i32
    %mul3A_0 = arith.muli %arg1, %mul3A : i32
    "tpu.region"() ({
      %run_scoped3A_55 = tpu.sem_alloc : memref<!tpu.dma_semaphore, #tpu.memory_space<semaphore_mem>>
      %dma_start3A_56 = arith.constant 0 : i32
      %dma_start3A_57 = tpu.memref_slice %arg12[%mul3A_0, %dma_start3A_56] : memref<5120x128xf32, #tpu.memory_space<vmem_shared>> -> memref<320x128xf32, #tpu.memory_space<vmem_shared>>
      %dma_start3A_58 = arith.constant 0 : i32
      %dma_start3A_59 = arith.constant 0 : i32
      %dma_start3A_60 = tpu.memref_slice %arg5[%dma_start3A_58, %dma_start3A_59] : memref<10112x128xf32, #tpu.memory_space<hbm>> -> memref<320x128xf32, #tpu.memory_space<hbm>>
      tpu.enqueue_dma source(%dma_start3A_60 : memref<320x128xf32, #tpu.memory_space<hbm>>) target(%dma_start3A_57 : memref<320x128xf32, #tpu.memory_space<vmem_shared>>) target_semaphore(%run_scoped3A_55 : memref<!tpu.dma_semaphore, #tpu.memory_space<semaphore_mem>>)
      %dma_wait3A = arith.constant 0 : i32
      %dma_wait3A_61 = tpu.memref_slice %arg12[%mul3A_0, %dma_wait3A] : memref<5120x128xf32, #tpu.memory_space<vmem_shared>> -> memref<320x128xf32, #tpu.memory_space<vmem_shared>>
      %dma_wait3A_62 = arith.constant 0 : i32
      %dma_wait3A_63 = arith.constant 0 : i32
      %dma_wait3A_64 = tpu.memref_slice %arg5[%dma_wait3A_62, %dma_wait3A_63] : memref<10112x128xf32, #tpu.memory_space<hbm>> -> memref<320x128xf32, #tpu.memory_space<hbm>>
      tpu.wait_dma2 semaphore(%run_scoped3A_55 : memref<!tpu.dma_semaphore, #tpu.memory_space<semaphore_mem>>) src(%dma_wait3A_64 : memref<320x128xf32, #tpu.memory_space<hbm>>) dst(%dma_wait3A_61 : memref<320x128xf32, #tpu.memory_space<vmem_shared>>)
      tpu.yield
    }) : () -> ()
    %mul3A_1 = arith.constant 328 : i32
    %mul3A_2 = arith.muli %arg1, %mul3A_1 : i32
    %mul3A_3 = arith.constant 328 : i32
    %mul3A_4 = arith.muli %arg1, %mul3A_3 : i32
    %run_scoped3A = arith.constant 0 : i32
    "tpu.region"() ({
      %run_scoped3A_55 = tpu.sem_alloc : memref<!tpu.dma_semaphore, #tpu.memory_space<semaphore_mem>>
      %dma_start3A_56 = arith.constant 0 : i32
      %dma_start3A_57 = tpu.memref_slice %arg11[%mul3A_4, %dma_start3A_56] : memref<5248x128xf32, #tpu.memory_space<vmem_shared>> -> memref<328x128xf32, #tpu.memory_space<vmem_shared>>
      %dma_start3A_58 = arith.constant 0 : i32
      %dma_start3A_59 = tpu.memref_slice %arg2[%run_scoped3A, %mul3A_2, %dma_start3A_58] : memref<2x5248x128xf32, #tpu.memory_space<hbm>> -> memref<1x328x128xf32, #tpu.memory_space<hbm>>
      %dma_start3A_60 = tpu.memref_squeeze %dma_start3A_59 : memref<1x328x128xf32, #tpu.memory_space<hbm>> -> memref<328x128xf32, #tpu.memory_space<hbm>>
      tpu.enqueue_dma source(%dma_start3A_60 : memref<328x128xf32, #tpu.memory_space<hbm>>) target(%dma_start3A_57 : memref<328x128xf32, #tpu.memory_space<vmem_shared>>) target_semaphore(%run_scoped3A_55 : memref<!tpu.dma_semaphore, #tpu.memory_space<semaphore_mem>>)
      %dma_wait3A = arith.constant 0 : i32
      %dma_wait3A_61 = tpu.memref_slice %arg11[%mul3A_4, %dma_wait3A] : memref<5248x128xf32, #tpu.memory_space<vmem_shared>> -> memref<328x128xf32, #tpu.memory_space<vmem_shared>>
      %dma_wait3A_62 = arith.constant 0 : i32
      %dma_wait3A_63 = tpu.memref_slice %arg2[%run_scoped3A, %mul3A_2, %dma_wait3A_62] : memref<2x5248x128xf32, #tpu.memory_space<hbm>> -> memref<1x328x128xf32, #tpu.memory_space<hbm>>
      %dma_wait3A_64 = tpu.memref_squeeze %dma_wait3A_63 : memref<1x328x128xf32, #tpu.memory_space<hbm>> -> memref<328x128xf32, #tpu.memory_space<hbm>>
      tpu.wait_dma2 semaphore(%run_scoped3A_55 : memref<!tpu.dma_semaphore, #tpu.memory_space<semaphore_mem>>) src(%dma_wait3A_64 : memref<328x128xf32, #tpu.memory_space<hbm>>) dst(%dma_wait3A_61 : memref<328x128xf32, #tpu.memory_space<vmem_shared>>)
      tpu.yield
    }) : () -> ()
    %run_scoped3A_5 = arith.constant 0 : i32
    "tpu.region"() ({
      %run_scoped3A_55 = tpu.sem_alloc : memref<!tpu.dma_semaphore, #tpu.memory_space<semaphore_mem>>
      %dma_start3A_56 = arith.constant 0 : i32
      %dma_start3A_57 = arith.constant 0 : i32
      %dma_start3A_58 = tpu.memref_slice %arg3[%run_scoped3A_5, %arg0, %arg1, %dma_start3A_56, %dma_start3A_57] : memref<2x2x16x42x128xi32, #tpu.memory_space<hbm>> -> memref<1x1x1x42x128xi32, #tpu.memory_space<hbm>>
      %dma_start3A_59 = tpu.memref_squeeze %dma_start3A_58 : memref<1x1x1x42x128xi32, #tpu.memory_space<hbm>> -> memref<42x128xi32, #tpu.memory_space<hbm>>
      %dma_start3A_60 = arith.constant 0 : i32
      %dma_start3A_61 = arith.constant 0 : i32
      %dma_start3A_62 = tpu.memref_slice %arg3[%run_scoped3A_5, %arg0, %arg1, %dma_start3A_60, %dma_start3A_61] : memref<2x2x16x42x128xi32, #tpu.memory_space<hbm>> -> memref<1x1x1x42x128xi32, #tpu.memory_space<hbm>>
      %dma_start3A_63 = tpu.memref_squeeze %dma_start3A_62 : memref<1x1x1x42x128xi32, #tpu.memory_space<hbm>> -> memref<42x128xi32, #tpu.memory_space<hbm>>
      tpu.enqueue_dma source(%dma_start3A_63 : memref<42x128xi32, #tpu.memory_space<hbm>>) target(%arg7 : memref<42x128xi32, #tpu.memory_space<vmem>>) target_semaphore(%run_scoped3A_55 : memref<!tpu.dma_semaphore, #tpu.memory_space<semaphore_mem>>)
      %dma_wait3A = arith.constant 0 : i32
      %dma_wait3A_64 = arith.constant 0 : i32
      %dma_wait3A_65 = tpu.memref_slice %arg3[%run_scoped3A_5, %arg0, %arg1, %dma_wait3A, %dma_wait3A_64] : memref<2x2x16x42x128xi32, #tpu.memory_space<hbm>> -> memref<1x1x1x42x128xi32, #tpu.memory_space<hbm>>
      %dma_wait3A_66 = tpu.memref_squeeze %dma_wait3A_65 : memref<1x1x1x42x128xi32, #tpu.memory_space<hbm>> -> memref<42x128xi32, #tpu.memory_space<hbm>>
      %dma_wait3A_67 = arith.constant 0 : i32
      %dma_wait3A_68 = arith.constant 0 : i32
      %dma_wait3A_69 = tpu.memref_slice %arg3[%run_scoped3A_5, %arg0, %arg1, %dma_wait3A_67, %dma_wait3A_68] : memref<2x2x16x42x128xi32, #tpu.memory_space<hbm>> -> memref<1x1x1x42x128xi32, #tpu.memory_space<hbm>>
      %dma_wait3A_70 = tpu.memref_squeeze %dma_wait3A_69 : memref<1x1x1x42x128xi32, #tpu.memory_space<hbm>> -> memref<42x128xi32, #tpu.memory_space<hbm>>
      tpu.wait_dma2 semaphore(%run_scoped3A_55 : memref<!tpu.dma_semaphore, #tpu.memory_space<semaphore_mem>>) src(%dma_wait3A_70 : memref<42x128xi32, #tpu.memory_space<hbm>>) dst(%arg7 : memref<42x128xi32, #tpu.memory_space<vmem>>)
      tpu.yield
    }) : () -> ()
    %run_scoped3A_6 = arith.constant 0 : i32
    "tpu.region"() ({
      %run_scoped3A_55 = tpu.sem_alloc : memref<!tpu.dma_semaphore, #tpu.memory_space<semaphore_mem>>
      %dma_start3A_56 = arith.constant 0 : i32
      %dma_start3A_57 = arith.constant 0 : i32
      %dma_start3A_58 = tpu.memref_slice %arg4[%run_scoped3A_6, %arg0, %arg1, %dma_start3A_56, %dma_start3A_57] : memref<2x2x16x42x128xi32, #tpu.memory_space<hbm>> -> memref<1x1x1x42x128xi32, #tpu.memory_space<hbm>>
      %dma_start3A_59 = tpu.memref_squeeze %dma_start3A_58 : memref<1x1x1x42x128xi32, #tpu.memory_space<hbm>> -> memref<42x128xi32, #tpu.memory_space<hbm>>
      %dma_start3A_60 = arith.constant 0 : i32
      %dma_start3A_61 = arith.constant 0 : i32
      %dma_start3A_62 = tpu.memref_slice %arg4[%run_scoped3A_6, %arg0, %arg1, %dma_start3A_60, %dma_start3A_61] : memref<2x2x16x42x128xi32, #tpu.memory_space<hbm>> -> memref<1x1x1x42x128xi32, #tpu.memory_space<hbm>>
      %dma_start3A_63 = tpu.memref_squeeze %dma_start3A_62 : memref<1x1x1x42x128xi32, #tpu.memory_space<hbm>> -> memref<42x128xi32, #tpu.memory_space<hbm>>
      tpu.enqueue_dma source(%dma_start3A_63 : memref<42x128xi32, #tpu.memory_space<hbm>>) target(%arg8 : memref<42x128xi32, #tpu.memory_space<vmem>>) target_semaphore(%run_scoped3A_55 : memref<!tpu.dma_semaphore, #tpu.memory_space<semaphore_mem>>)
      %dma_wait3A = arith.constant 0 : i32
      %dma_wait3A_64 = arith.constant 0 : i32
      %dma_wait3A_65 = tpu.memref_slice %arg4[%run_scoped3A_6, %arg0, %arg1, %dma_wait3A, %dma_wait3A_64] : memref<2x2x16x42x128xi32, #tpu.memory_space<hbm>> -> memref<1x1x1x42x128xi32, #tpu.memory_space<hbm>>
      %dma_wait3A_66 = tpu.memref_squeeze %dma_wait3A_65 : memref<1x1x1x42x128xi32, #tpu.memory_space<hbm>> -> memref<42x128xi32, #tpu.memory_space<hbm>>
      %dma_wait3A_67 = arith.constant 0 : i32
      %dma_wait3A_68 = arith.constant 0 : i32
      %dma_wait3A_69 = tpu.memref_slice %arg4[%run_scoped3A_6, %arg0, %arg1, %dma_wait3A_67, %dma_wait3A_68] : memref<2x2x16x42x128xi32, #tpu.memory_space<hbm>> -> memref<1x1x1x42x128xi32, #tpu.memory_space<hbm>>
      %dma_wait3A_70 = tpu.memref_squeeze %dma_wait3A_69 : memref<1x1x1x42x128xi32, #tpu.memory_space<hbm>> -> memref<42x128xi32, #tpu.memory_space<hbm>>
      tpu.wait_dma2 semaphore(%run_scoped3A_55 : memref<!tpu.dma_semaphore, #tpu.memory_space<semaphore_mem>>) src(%dma_wait3A_70 : memref<42x128xi32, #tpu.memory_space<hbm>>) dst(%arg8 : memref<42x128xi32, #tpu.memory_space<vmem>>)
      tpu.yield
    }) : () -> ()
    %barrier3A = arith.constant 0 : index
    tpu.barrier barrier_id(%barrier3A)
    %dma_start3A = arith.constant 0 : i32
    %dma_start3A_7 = arith.constant 0 : i32
    %dma_start3A_8 = tpu.memref_slice %arg7[%dma_start3A, %dma_start3A_7] : memref<42x128xi32, #tpu.memory_space<vmem>> -> memref<1x128xi32, #tpu.memory_space<vmem>>
    %dma_start3A_9 = tpu.memref_squeeze %dma_start3A_8 : memref<1x128xi32, #tpu.memory_space<vmem>> -> memref<128xi32, #tpu.memory_space<vmem>>
    %dma_start3A_10 = arith.constant 0 : i32
    %dma_start3A_11 = arith.constant 0 : i32
    %dma_start3A_12 = tpu.memref_slice %arg11[%dma_start3A_10, %dma_start3A_11] : memref<5248x128xf32, #tpu.memory_space<vmem_shared>> -> memref<5248x128xf32, #tpu.memory_space<vmem_shared>>
    tpu.enqueue_indirect_dma source(%dma_start3A_12 : memref<5248x128xf32, #tpu.memory_space<vmem_shared>>) target(%arg9 : memref<128x128xf32, #tpu.memory_space<vmem>>) offsets(%dma_start3A_9 : memref<128xi32, #tpu.memory_space<vmem>>) semaphore(%arg13 : memref<!tpu.dma_semaphore, #tpu.memory_space<semaphore_mem>>)
    %dma_start3A_13 = arith.constant 1 : i32
    %dma_start3A_14 = arith.constant 0 : i32
    %dma_start3A_15 = tpu.memref_slice %arg7[%dma_start3A_13, %dma_start3A_14] : memref<42x128xi32, #tpu.memory_space<vmem>> -> memref<1x128xi32, #tpu.memory_space<vmem>>
    %dma_start3A_16 = tpu.memref_squeeze %dma_start3A_15 : memref<1x128xi32, #tpu.memory_space<vmem>> -> memref<128xi32, #tpu.memory_space<vmem>>
    %dma_start3A_17 = arith.constant 0 : i32
    %dma_start3A_18 = arith.constant 0 : i32
    %dma_start3A_19 = tpu.memref_slice %arg11[%dma_start3A_17, %dma_start3A_18] : memref<5248x128xf32, #tpu.memory_space<vmem_shared>> -> memref<5248x128xf32, #tpu.memory_space<vmem_shared>>
    tpu.enqueue_indirect_dma source(%dma_start3A_19 : memref<5248x128xf32, #tpu.memory_space<vmem_shared>>) target(%arg10 : memref<128x128xf32, #tpu.memory_space<vmem>>) offsets(%dma_start3A_16 : memref<128xi32, #tpu.memory_space<vmem>>) semaphore(%arg14 : memref<!tpu.dma_semaphore, #tpu.memory_space<semaphore_mem>>)
    %scan3A = arith.constant 0 : i32
    %scan3A_20 = arith.constant 0 : i32
    %scan3A_21 = arith.constant 21 : i32
    %scan3A_22 = arith.addi %scan3A_20, %scan3A_21 : i32
    %scan3A_23 = arith.constant 1 : i32
    scf.for %scan3A_55 = %scan3A_20 to %scan3A_22 step %scan3A_23  : i32 {
      %mul3A_56 = arith.constant 2 : i32
      %mul3A_57 = arith.muli %mul3A_56, %scan3A_55 : i32
      %add3A = arith.constant 1 : i32
      %add3A_58 = arith.addi %mul3A_57, %add3A : i32
      %dma_wait3A = arith.constant 0 : i32
      %dma_wait3A_59 = tpu.memref_slice %arg7[%mul3A_57, %dma_wait3A] : memref<42x128xi32, #tpu.memory_space<vmem>> -> memref<1x128xi32, #tpu.memory_space<vmem>>
      %dma_wait3A_60 = tpu.memref_squeeze %dma_wait3A_59 : memref<1x128xi32, #tpu.memory_space<vmem>> -> memref<128xi32, #tpu.memory_space<vmem>>
      %dma_wait3A_61 = arith.constant 0 : i32
      %dma_wait3A_62 = arith.constant 0 : i32
      %dma_wait3A_63 = tpu.memref_slice %arg11[%dma_wait3A_61, %dma_wait3A_62] : memref<5248x128xf32, #tpu.memory_space<vmem_shared>> -> memref<5248x128xf32, #tpu.memory_space<vmem_shared>>
      tpu.wait_indirect_dma semaphore(%arg13 : memref<!tpu.dma_semaphore, #tpu.memory_space<semaphore_mem>>) src(%dma_wait3A_63 : memref<5248x128xf32, #tpu.memory_space<vmem_shared>>) dst(%arg9 : memref<128x128xf32, #tpu.memory_space<vmem>>)
      "tpu.region"() ({
        %run_scoped3A_81 = tpu.sem_alloc : memref<!tpu.dma_semaphore, #tpu.memory_space<semaphore_mem>>
        %dma_start3A_82 = arith.constant 0 : i32
        %dma_start3A_83 = tpu.memref_slice %arg8[%mul3A_57, %dma_start3A_82] : memref<42x128xi32, #tpu.memory_space<vmem>> -> memref<1x128xi32, #tpu.memory_space<vmem>>
        %dma_start3A_84 = tpu.memref_squeeze %dma_start3A_83 : memref<1x128xi32, #tpu.memory_space<vmem>> -> memref<128xi32, #tpu.memory_space<vmem>>
        %dma_start3A_85 = arith.constant 0 : i32
        %dma_start3A_86 = arith.constant 0 : i32
        %dma_start3A_87 = tpu.memref_slice %arg12[%dma_start3A_85, %dma_start3A_86] : memref<5120x128xf32, #tpu.memory_space<vmem_shared>> -> memref<5120x128xf32, #tpu.memory_space<vmem_shared>>
        tpu.enqueue_indirect_dma source(%arg9 : memref<128x128xf32, #tpu.memory_space<vmem>>) target(%dma_start3A_87 : memref<5120x128xf32, #tpu.memory_space<vmem_shared>>) offsets(%dma_start3A_84 : memref<128xi32, #tpu.memory_space<vmem>>) semaphore(%run_scoped3A_81 : memref<!tpu.dma_semaphore, #tpu.memory_space<semaphore_mem>>) {add = true}
        %dma_wait3A_88 = arith.constant 0 : i32
        %dma_wait3A_89 = tpu.memref_slice %arg8[%mul3A_57, %dma_wait3A_88] : memref<42x128xi32, #tpu.memory_space<vmem>> -> memref<1x128xi32, #tpu.memory_space<vmem>>
        %dma_wait3A_90 = tpu.memref_squeeze %dma_wait3A_89 : memref<1x128xi32, #tpu.memory_space<vmem>> -> memref<128xi32, #tpu.memory_space<vmem>>
        %dma_wait3A_91 = arith.constant 0 : i32
        %dma_wait3A_92 = arith.constant 0 : i32
        %dma_wait3A_93 = tpu.memref_slice %arg12[%dma_wait3A_91, %dma_wait3A_92] : memref<5120x128xf32, #tpu.memory_space<vmem_shared>> -> memref<5120x128xf32, #tpu.memory_space<vmem_shared>>
        tpu.wait_indirect_dma semaphore(%run_scoped3A_81 : memref<!tpu.dma_semaphore, #tpu.memory_space<semaphore_mem>>) src(%arg9 : memref<128x128xf32, #tpu.memory_space<vmem>>) dst(%dma_wait3A_93 : memref<5120x128xf32, #tpu.memory_space<vmem_shared>>)
        tpu.yield
      }) : () -> ()
      %add3A_64 = arith.constant 2 : i32
      %add3A_65 = arith.addi %mul3A_57, %add3A_64 : i32
      %lt3A = arith.constant 42 : i32
      %lt3A_66 = arith.cmpi slt, %add3A_65, %lt3A : i32
      %convert_element_type3A = arith.extui %lt3A_66 : i1 to i32
      %cond3A = arith.constant 0 : i32
      %cond3A_67 = arith.cmpi ne, %convert_element_type3A, %cond3A : i32
      scf.if %cond3A_67 {
        %add3A_81 = arith.constant 2 : i32
        %add3A_82 = arith.addi %mul3A_57, %add3A_81 : i32
        %dma_start3A_83 = arith.constant 0 : i32
        %dma_start3A_84 = tpu.memref_slice %arg7[%add3A_82, %dma_start3A_83] : memref<42x128xi32, #tpu.memory_space<vmem>> -> memref<1x128xi32, #tpu.memory_space<vmem>>
        %dma_start3A_85 = tpu.memref_squeeze %dma_start3A_84 : memref<1x128xi32, #tpu.memory_space<vmem>> -> memref<128xi32, #tpu.memory_space<vmem>>
        %dma_start3A_86 = arith.constant 0 : i32
        %dma_start3A_87 = arith.constant 0 : i32
        %dma_start3A_88 = tpu.memref_slice %arg11[%dma_start3A_86, %dma_start3A_87] : memref<5248x128xf32, #tpu.memory_space<vmem_shared>> -> memref<5248x128xf32, #tpu.memory_space<vmem_shared>>
        tpu.enqueue_indirect_dma source(%dma_start3A_88 : memref<5248x128xf32, #tpu.memory_space<vmem_shared>>) target(%arg9 : memref<128x128xf32, #tpu.memory_space<vmem>>) offsets(%dma_start3A_85 : memref<128xi32, #tpu.memory_space<vmem>>) semaphore(%arg13 : memref<!tpu.dma_semaphore, #tpu.memory_space<semaphore_mem>>)
      } else {
      }
      %dma_wait3A_68 = arith.constant 0 : i32
      %dma_wait3A_69 = tpu.memref_slice %arg7[%add3A_58, %dma_wait3A_68] : memref<42x128xi32, #tpu.memory_space<vmem>> -> memref<1x128xi32, #tpu.memory_space<vmem>>
      %dma_wait3A_70 = tpu.memref_squeeze %dma_wait3A_69 : memref<1x128xi32, #tpu.memory_space<vmem>> -> memref<128xi32, #tpu.memory_space<vmem>>
      %dma_wait3A_71 = arith.constant 0 : i32
      %dma_wait3A_72 = arith.constant 0 : i32
      %dma_wait3A_73 = tpu.memref_slice %arg11[%dma_wait3A_71, %dma_wait3A_72] : memref<5248x128xf32, #tpu.memory_space<vmem_shared>> -> memref<5248x128xf32, #tpu.memory_space<vmem_shared>>
      tpu.wait_indirect_dma semaphore(%arg14 : memref<!tpu.dma_semaphore, #tpu.memory_space<semaphore_mem>>) src(%dma_wait3A_73 : memref<5248x128xf32, #tpu.memory_space<vmem_shared>>) dst(%arg10 : memref<128x128xf32, #tpu.memory_space<vmem>>)
      "tpu.region"() ({
        %run_scoped3A_81 = tpu.sem_alloc : memref<!tpu.dma_semaphore, #tpu.memory_space<semaphore_mem>>
        %dma_start3A_82 = arith.constant 0 : i32
        %dma_start3A_83 = tpu.memref_slice %arg8[%add3A_58, %dma_start3A_82] : memref<42x128xi32, #tpu.memory_space<vmem>> -> memref<1x128xi32, #tpu.memory_space<vmem>>
        %dma_start3A_84 = tpu.memref_squeeze %dma_start3A_83 : memref<1x128xi32, #tpu.memory_space<vmem>> -> memref<128xi32, #tpu.memory_space<vmem>>
        %dma_start3A_85 = arith.constant 0 : i32
        %dma_start3A_86 = arith.constant 0 : i32
        %dma_start3A_87 = tpu.memref_slice %arg12[%dma_start3A_85, %dma_start3A_86] : memref<5120x128xf32, #tpu.memory_space<vmem_shared>> -> memref<5120x128xf32, #tpu.memory_space<vmem_shared>>
        tpu.enqueue_indirect_dma source(%arg10 : memref<128x128xf32, #tpu.memory_space<vmem>>) target(%dma_start3A_87 : memref<5120x128xf32, #tpu.memory_space<vmem_shared>>) offsets(%dma_start3A_84 : memref<128xi32, #tpu.memory_space<vmem>>) semaphore(%run_scoped3A_81 : memref<!tpu.dma_semaphore, #tpu.memory_space<semaphore_mem>>) {add = true}
        %dma_wait3A_88 = arith.constant 0 : i32
        %dma_wait3A_89 = tpu.memref_slice %arg8[%add3A_58, %dma_wait3A_88] : memref<42x128xi32, #tpu.memory_space<vmem>> -> memref<1x128xi32, #tpu.memory_space<vmem>>
        %dma_wait3A_90 = tpu.memref_squeeze %dma_wait3A_89 : memref<1x128xi32, #tpu.memory_space<vmem>> -> memref<128xi32, #tpu.memory_space<vmem>>
        %dma_wait3A_91 = arith.constant 0 : i32
        %dma_wait3A_92 = arith.constant 0 : i32
        %dma_wait3A_93 = tpu.memref_slice %arg12[%dma_wait3A_91, %dma_wait3A_92] : memref<5120x128xf32, #tpu.memory_space<vmem_shared>> -> memref<5120x128xf32, #tpu.memory_space<vmem_shared>>
        tpu.wait_indirect_dma semaphore(%run_scoped3A_81 : memref<!tpu.dma_semaphore, #tpu.memory_space<semaphore_mem>>) src(%arg10 : memref<128x128xf32, #tpu.memory_space<vmem>>) dst(%dma_wait3A_93 : memref<5120x128xf32, #tpu.memory_space<vmem_shared>>)
        tpu.yield
      }) : () -> ()
      %add3A_74 = arith.constant 2 : i32
      %add3A_75 = arith.addi %add3A_58, %add3A_74 : i32
      %lt3A_76 = arith.constant 42 : i32
      %lt3A_77 = arith.cmpi slt, %add3A_75, %lt3A_76 : i32
      %convert_element_type3A_78 = arith.extui %lt3A_77 : i1 to i32
      %cond3A_79 = arith.constant 0 : i32
      %cond3A_80 = arith.cmpi ne, %convert_element_type3A_78, %cond3A_79 : i32
      scf.if %cond3A_80 {
        %add3A_81 = arith.constant 2 : i32
        %add3A_82 = arith.addi %add3A_58, %add3A_81 : i32
        %dma_start3A_83 = arith.constant 0 : i32
        %dma_start3A_84 = tpu.memref_slice %arg7[%add3A_82, %dma_start3A_83] : memref<42x128xi32, #tpu.memory_space<vmem>> -> memref<1x128xi32, #tpu.memory_space<vmem>>
        %dma_start3A_85 = tpu.memref_squeeze %dma_start3A_84 : memref<1x128xi32, #tpu.memory_space<vmem>> -> memref<128xi32, #tpu.memory_space<vmem>>
        %dma_start3A_86 = arith.constant 0 : i32
        %dma_start3A_87 = arith.constant 0 : i32
        %dma_start3A_88 = tpu.memref_slice %arg11[%dma_start3A_86, %dma_start3A_87] : memref<5248x128xf32, #tpu.memory_space<vmem_shared>> -> memref<5248x128xf32, #tpu.memory_space<vmem_shared>>
        tpu.enqueue_indirect_dma source(%dma_start3A_88 : memref<5248x128xf32, #tpu.memory_space<vmem_shared>>) target(%arg10 : memref<128x128xf32, #tpu.memory_space<vmem>>) offsets(%dma_start3A_85 : memref<128xi32, #tpu.memory_space<vmem>>) semaphore(%arg14 : memref<!tpu.dma_semaphore, #tpu.memory_space<semaphore_mem>>)
      } else {
      }
    }
    %scan3A_24 = arith.constant 21 : i32
    %barrier3A_25 = arith.constant 0 : index
    tpu.barrier barrier_id(%barrier3A_25)
    %mul3A_26 = arith.constant 328 : i32
    %mul3A_27 = arith.muli %arg1, %mul3A_26 : i32
    %mul3A_28 = arith.constant 328 : i32
    %mul3A_29 = arith.muli %arg1, %mul3A_28 : i32
    %run_scoped3A_30 = arith.constant 1 : i32
    "tpu.region"() ({
      %run_scoped3A_55 = tpu.sem_alloc : memref<!tpu.dma_semaphore, #tpu.memory_space<semaphore_mem>>
      %dma_start3A_56 = arith.constant 0 : i32
      %dma_start3A_57 = tpu.memref_slice %arg11[%mul3A_29, %dma_start3A_56] : memref<5248x128xf32, #tpu.memory_space<vmem_shared>> -> memref<328x128xf32, #tpu.memory_space<vmem_shared>>
      %dma_start3A_58 = arith.constant 0 : i32
      %dma_start3A_59 = tpu.memref_slice %arg2[%run_scoped3A_30, %mul3A_27, %dma_start3A_58] : memref<2x5248x128xf32, #tpu.memory_space<hbm>> -> memref<1x328x128xf32, #tpu.memory_space<hbm>>
      %dma_start3A_60 = tpu.memref_squeeze %dma_start3A_59 : memref<1x328x128xf32, #tpu.memory_space<hbm>> -> memref<328x128xf32, #tpu.memory_space<hbm>>
      tpu.enqueue_dma source(%dma_start3A_60 : memref<328x128xf32, #tpu.memory_space<hbm>>) target(%dma_start3A_57 : memref<328x128xf32, #tpu.memory_space<vmem_shared>>) target_semaphore(%run_scoped3A_55 : memref<!tpu.dma_semaphore, #tpu.memory_space<semaphore_mem>>)
      %dma_wait3A = arith.constant 0 : i32
      %dma_wait3A_61 = tpu.memref_slice %arg11[%mul3A_29, %dma_wait3A] : memref<5248x128xf32, #tpu.memory_space<vmem_shared>> -> memref<328x128xf32, #tpu.memory_space<vmem_shared>>
      %dma_wait3A_62 = arith.constant 0 : i32
      %dma_wait3A_63 = tpu.memref_slice %arg2[%run_scoped3A_30, %mul3A_27, %dma_wait3A_62] : memref<2x5248x128xf32, #tpu.memory_space<hbm>> -> memref<1x328x128xf32, #tpu.memory_space<hbm>>
      %dma_wait3A_64 = tpu.memref_squeeze %dma_wait3A_63 : memref<1x328x128xf32, #tpu.memory_space<hbm>> -> memref<328x128xf32, #tpu.memory_space<hbm>>
      tpu.wait_dma2 semaphore(%run_scoped3A_55 : memref<!tpu.dma_semaphore, #tpu.memory_space<semaphore_mem>>) src(%dma_wait3A_64 : memref<328x128xf32, #tpu.memory_space<hbm>>) dst(%dma_wait3A_61 : memref<328x128xf32, #tpu.memory_space<vmem_shared>>)
      tpu.yield
    }) : () -> ()
    %run_scoped3A_31 = arith.constant 1 : i32
    "tpu.region"() ({
      %run_scoped3A_55 = tpu.sem_alloc : memref<!tpu.dma_semaphore, #tpu.memory_space<semaphore_mem>>
      %dma_start3A_56 = arith.constant 0 : i32
      %dma_start3A_57 = arith.constant 0 : i32
      %dma_start3A_58 = tpu.memref_slice %arg3[%run_scoped3A_31, %arg0, %arg1, %dma_start3A_56, %dma_start3A_57] : memref<2x2x16x42x128xi32, #tpu.memory_space<hbm>> -> memref<1x1x1x42x128xi32, #tpu.memory_space<hbm>>
      %dma_start3A_59 = tpu.memref_squeeze %dma_start3A_58 : memref<1x1x1x42x128xi32, #tpu.memory_space<hbm>> -> memref<42x128xi32, #tpu.memory_space<hbm>>
      %dma_start3A_60 = arith.constant 0 : i32
      %dma_start3A_61 = arith.constant 0 : i32
      %dma_start3A_62 = tpu.memref_slice %arg3[%run_scoped3A_31, %arg0, %arg1, %dma_start3A_60, %dma_start3A_61] : memref<2x2x16x42x128xi32, #tpu.memory_space<hbm>> -> memref<1x1x1x42x128xi32, #tpu.memory_space<hbm>>
      %dma_start3A_63 = tpu.memref_squeeze %dma_start3A_62 : memref<1x1x1x42x128xi32, #tpu.memory_space<hbm>> -> memref<42x128xi32, #tpu.memory_space<hbm>>
      tpu.enqueue_dma source(%dma_start3A_63 : memref<42x128xi32, #tpu.memory_space<hbm>>) target(%arg7 : memref<42x128xi32, #tpu.memory_space<vmem>>) target_semaphore(%run_scoped3A_55 : memref<!tpu.dma_semaphore, #tpu.memory_space<semaphore_mem>>)
      %dma_wait3A = arith.constant 0 : i32
      %dma_wait3A_64 = arith.constant 0 : i32
      %dma_wait3A_65 = tpu.memref_slice %arg3[%run_scoped3A_31, %arg0, %arg1, %dma_wait3A, %dma_wait3A_64] : memref<2x2x16x42x128xi32, #tpu.memory_space<hbm>> -> memref<1x1x1x42x128xi32, #tpu.memory_space<hbm>>
      %dma_wait3A_66 = tpu.memref_squeeze %dma_wait3A_65 : memref<1x1x1x42x128xi32, #tpu.memory_space<hbm>> -> memref<42x128xi32, #tpu.memory_space<hbm>>
      %dma_wait3A_67 = arith.constant 0 : i32
      %dma_wait3A_68 = arith.constant 0 : i32
      %dma_wait3A_69 = tpu.memref_slice %arg3[%run_scoped3A_31, %arg0, %arg1, %dma_wait3A_67, %dma_wait3A_68] : memref<2x2x16x42x128xi32, #tpu.memory_space<hbm>> -> memref<1x1x1x42x128xi32, #tpu.memory_space<hbm>>
      %dma_wait3A_70 = tpu.memref_squeeze %dma_wait3A_69 : memref<1x1x1x42x128xi32, #tpu.memory_space<hbm>> -> memref<42x128xi32, #tpu.memory_space<hbm>>
      tpu.wait_dma2 semaphore(%run_scoped3A_55 : memref<!tpu.dma_semaphore, #tpu.memory_space<semaphore_mem>>) src(%dma_wait3A_70 : memref<42x128xi32, #tpu.memory_space<hbm>>) dst(%arg7 : memref<42x128xi32, #tpu.memory_space<vmem>>)
      tpu.yield
    }) : () -> ()
    %run_scoped3A_32 = arith.constant 1 : i32
    "tpu.region"() ({
      %run_scoped3A_55 = tpu.sem_alloc : memref<!tpu.dma_semaphore, #tpu.memory_space<semaphore_mem>>
      %dma_start3A_56 = arith.constant 0 : i32
      %dma_start3A_57 = arith.constant 0 : i32
      %dma_start3A_58 = tpu.memref_slice %arg4[%run_scoped3A_32, %arg0, %arg1, %dma_start3A_56, %dma_start3A_57] : memref<2x2x16x42x128xi32, #tpu.memory_space<hbm>> -> memref<1x1x1x42x128xi32, #tpu.memory_space<hbm>>
      %dma_start3A_59 = tpu.memref_squeeze %dma_start3A_58 : memref<1x1x1x42x128xi32, #tpu.memory_space<hbm>> -> memref<42x128xi32, #tpu.memory_space<hbm>>
      %dma_start3A_60 = arith.constant 0 : i32
      %dma_start3A_61 = arith.constant 0 : i32
      %dma_start3A_62 = tpu.memref_slice %arg4[%run_scoped3A_32, %arg0, %arg1, %dma_start3A_60, %dma_start3A_61] : memref<2x2x16x42x128xi32, #tpu.memory_space<hbm>> -> memref<1x1x1x42x128xi32, #tpu.memory_space<hbm>>
      %dma_start3A_63 = tpu.memref_squeeze %dma_start3A_62 : memref<1x1x1x42x128xi32, #tpu.memory_space<hbm>> -> memref<42x128xi32, #tpu.memory_space<hbm>>
      tpu.enqueue_dma source(%dma_start3A_63 : memref<42x128xi32, #tpu.memory_space<hbm>>) target(%arg8 : memref<42x128xi32, #tpu.memory_space<vmem>>) target_semaphore(%run_scoped3A_55 : memref<!tpu.dma_semaphore, #tpu.memory_space<semaphore_mem>>)
      %dma_wait3A = arith.constant 0 : i32
      %dma_wait3A_64 = arith.constant 0 : i32
      %dma_wait3A_65 = tpu.memref_slice %arg4[%run_scoped3A_32, %arg0, %arg1, %dma_wait3A, %dma_wait3A_64] : memref<2x2x16x42x128xi32, #tpu.memory_space<hbm>> -> memref<1x1x1x42x128xi32, #tpu.memory_space<hbm>>
      %dma_wait3A_66 = tpu.memref_squeeze %dma_wait3A_65 : memref<1x1x1x42x128xi32, #tpu.memory_space<hbm>> -> memref<42x128xi32, #tpu.memory_space<hbm>>
      %dma_wait3A_67 = arith.constant 0 : i32
      %dma_wait3A_68 = arith.constant 0 : i32
      %dma_wait3A_69 = tpu.memref_slice %arg4[%run_scoped3A_32, %arg0, %arg1, %dma_wait3A_67, %dma_wait3A_68] : memref<2x2x16x42x128xi32, #tpu.memory_space<hbm>> -> memref<1x1x1x42x128xi32, #tpu.memory_space<hbm>>
      %dma_wait3A_70 = tpu.memref_squeeze %dma_wait3A_69 : memref<1x1x1x42x128xi32, #tpu.memory_space<hbm>> -> memref<42x128xi32, #tpu.memory_space<hbm>>
      tpu.wait_dma2 semaphore(%run_scoped3A_55 : memref<!tpu.dma_semaphore, #tpu.memory_space<semaphore_mem>>) src(%dma_wait3A_70 : memref<42x128xi32, #tpu.memory_space<hbm>>) dst(%arg8 : memref<42x128xi32, #tpu.memory_space<vmem>>)
      tpu.yield
    }) : () -> ()
    %barrier3A_33 = arith.constant 0 : index
    tpu.barrier barrier_id(%barrier3A_33)
    %dma_start3A_34 = arith.constant 0 : i32
    %dma_start3A_35 = arith.constant 0 : i32
    %dma_start3A_36 = tpu.memref_slice %arg7[%dma_start3A_34, %dma_start3A_35] : memref<42x128xi32, #tpu.memory_space<vmem>> -> memref<1x128xi32, #tpu.memory_space<vmem>>
    %dma_start3A_37 = tpu.memref_squeeze %dma_start3A_36 : memref<1x128xi32, #tpu.memory_space<vmem>> -> memref<128xi32, #tpu.memory_space<vmem>>
    %dma_start3A_38 = arith.constant 0 : i32
    %dma_start3A_39 = arith.constant 0 : i32
    %dma_start3A_40 = tpu.memref_slice %arg11[%dma_start3A_38, %dma_start3A_39] : memref<5248x128xf32, #tpu.memory_space<vmem_shared>> -> memref<5248x128xf32, #tpu.memory_space<vmem_shared>>
    tpu.enqueue_indirect_dma source(%dma_start3A_40 : memref<5248x128xf32, #tpu.memory_space<vmem_shared>>) target(%arg9 : memref<128x128xf32, #tpu.memory_space<vmem>>) offsets(%dma_start3A_37 : memref<128xi32, #tpu.memory_space<vmem>>) semaphore(%arg13 : memref<!tpu.dma_semaphore, #tpu.memory_space<semaphore_mem>>)
    %dma_start3A_41 = arith.constant 1 : i32
    %dma_start3A_42 = arith.constant 0 : i32
    %dma_start3A_43 = tpu.memref_slice %arg7[%dma_start3A_41, %dma_start3A_42] : memref<42x128xi32, #tpu.memory_space<vmem>> -> memref<1x128xi32, #tpu.memory_space<vmem>>
    %dma_start3A_44 = tpu.memref_squeeze %dma_start3A_43 : memref<1x128xi32, #tpu.memory_space<vmem>> -> memref<128xi32, #tpu.memory_space<vmem>>
    %dma_start3A_45 = arith.constant 0 : i32
    %dma_start3A_46 = arith.constant 0 : i32
    %dma_start3A_47 = tpu.memref_slice %arg11[%dma_start3A_45, %dma_start3A_46] : memref<5248x128xf32, #tpu.memory_space<vmem_shared>> -> memref<5248x128xf32, #tpu.memory_space<vmem_shared>>
    tpu.enqueue_indirect_dma source(%dma_start3A_47 : memref<5248x128xf32, #tpu.memory_space<vmem_shared>>) target(%arg10 : memref<128x128xf32, #tpu.memory_space<vmem>>) offsets(%dma_start3A_44 : memref<128xi32, #tpu.memory_space<vmem>>) semaphore(%arg14 : memref<!tpu.dma_semaphore, #tpu.memory_space<semaphore_mem>>)
    %scan3A_48 = arith.constant 0 : i32
    %scan3A_49 = arith.constant 0 : i32
    %scan3A_50 = arith.constant 21 : i32
    %scan3A_51 = arith.addi %scan3A_49, %scan3A_50 : i32
    %scan3A_52 = arith.constant 1 : i32
    scf.for %scan3A_55 = %scan3A_49 to %scan3A_51 step %scan3A_52  : i32 {
      %mul3A_56 = arith.constant 2 : i32
      %mul3A_57 = arith.muli %mul3A_56, %scan3A_55 : i32
      %add3A = arith.constant 1 : i32
      %add3A_58 = arith.addi %mul3A_57, %add3A : i32
      %dma_wait3A = arith.constant 0 : i32
      %dma_wait3A_59 = tpu.memref_slice %arg7[%mul3A_57, %dma_wait3A] : memref<42x128xi32, #tpu.memory_space<vmem>> -> memref<1x128xi32, #tpu.memory_space<vmem>>
      %dma_wait3A_60 = tpu.memref_squeeze %dma_wait3A_59 : memref<1x128xi32, #tpu.memory_space<vmem>> -> memref<128xi32, #tpu.memory_space<vmem>>
      %dma_wait3A_61 = arith.constant 0 : i32
      %dma_wait3A_62 = arith.constant 0 : i32
      %dma_wait3A_63 = tpu.memref_slice %arg11[%dma_wait3A_61, %dma_wait3A_62] : memref<5248x128xf32, #tpu.memory_space<vmem_shared>> -> memref<5248x128xf32, #tpu.memory_space<vmem_shared>>
      tpu.wait_indirect_dma semaphore(%arg13 : memref<!tpu.dma_semaphore, #tpu.memory_space<semaphore_mem>>) src(%dma_wait3A_63 : memref<5248x128xf32, #tpu.memory_space<vmem_shared>>) dst(%arg9 : memref<128x128xf32, #tpu.memory_space<vmem>>)
      "tpu.region"() ({
        %run_scoped3A_81 = tpu.sem_alloc : memref<!tpu.dma_semaphore, #tpu.memory_space<semaphore_mem>>
        %dma_start3A_82 = arith.constant 0 : i32
        %dma_start3A_83 = tpu.memref_slice %arg8[%mul3A_57, %dma_start3A_82] : memref<42x128xi32, #tpu.memory_space<vmem>> -> memref<1x128xi32, #tpu.memory_space<vmem>>
        %dma_start3A_84 = tpu.memref_squeeze %dma_start3A_83 : memref<1x128xi32, #tpu.memory_space<vmem>> -> memref<128xi32, #tpu.memory_space<vmem>>
        %dma_start3A_85 = arith.constant 0 : i32
        %dma_start3A_86 = arith.constant 0 : i32
        %dma_start3A_87 = tpu.memref_slice %arg12[%dma_start3A_85, %dma_start3A_86] : memref<5120x128xf32, #tpu.memory_space<vmem_shared>> -> memref<5120x128xf32, #tpu.memory_space<vmem_shared>>
        tpu.enqueue_indirect_dma source(%arg9 : memref<128x128xf32, #tpu.memory_space<vmem>>) target(%dma_start3A_87 : memref<5120x128xf32, #tpu.memory_space<vmem_shared>>) offsets(%dma_start3A_84 : memref<128xi32, #tpu.memory_space<vmem>>) semaphore(%run_scoped3A_81 : memref<!tpu.dma_semaphore, #tpu.memory_space<semaphore_mem>>) {add = true}
        %dma_wait3A_88 = arith.constant 0 : i32
        %dma_wait3A_89 = tpu.memref_slice %arg8[%mul3A_57, %dma_wait3A_88] : memref<42x128xi32, #tpu.memory_space<vmem>> -> memref<1x128xi32, #tpu.memory_space<vmem>>
        %dma_wait3A_90 = tpu.memref_squeeze %dma_wait3A_89 : memref<1x128xi32, #tpu.memory_space<vmem>> -> memref<128xi32, #tpu.memory_space<vmem>>
        %dma_wait3A_91 = arith.constant 0 : i32
        %dma_wait3A_92 = arith.constant 0 : i32
        %dma_wait3A_93 = tpu.memref_slice %arg12[%dma_wait3A_91, %dma_wait3A_92] : memref<5120x128xf32, #tpu.memory_space<vmem_shared>> -> memref<5120x128xf32, #tpu.memory_space<vmem_shared>>
        tpu.wait_indirect_dma semaphore(%run_scoped3A_81 : memref<!tpu.dma_semaphore, #tpu.memory_space<semaphore_mem>>) src(%arg9 : memref<128x128xf32, #tpu.memory_space<vmem>>) dst(%dma_wait3A_93 : memref<5120x128xf32, #tpu.memory_space<vmem_shared>>)
        tpu.yield
      }) : () -> ()
      %add3A_64 = arith.constant 2 : i32
      %add3A_65 = arith.addi %mul3A_57, %add3A_64 : i32
      %lt3A = arith.constant 42 : i32
      %lt3A_66 = arith.cmpi slt, %add3A_65, %lt3A : i32
      %convert_element_type3A = arith.extui %lt3A_66 : i1 to i32
      %cond3A = arith.constant 0 : i32
      %cond3A_67 = arith.cmpi ne, %convert_element_type3A, %cond3A : i32
      scf.if %cond3A_67 {
        %add3A_81 = arith.constant 2 : i32
        %add3A_82 = arith.addi %mul3A_57, %add3A_81 : i32
        %dma_start3A_83 = arith.constant 0 : i32
        %dma_start3A_84 = tpu.memref_slice %arg7[%add3A_82, %dma_start3A_83] : memref<42x128xi32, #tpu.memory_space<vmem>> -> memref<1x128xi32, #tpu.memory_space<vmem>>
        %dma_start3A_85 = tpu.memref_squeeze %dma_start3A_84 : memref<1x128xi32, #tpu.memory_space<vmem>> -> memref<128xi32, #tpu.memory_space<vmem>>
        %dma_start3A_86 = arith.constant 0 : i32
        %dma_start3A_87 = arith.constant 0 : i32
        %dma_start3A_88 = tpu.memref_slice %arg11[%dma_start3A_86, %dma_start3A_87] : memref<5248x128xf32, #tpu.memory_space<vmem_shared>> -> memref<5248x128xf32, #tpu.memory_space<vmem_shared>>
        tpu.enqueue_indirect_dma source(%dma_start3A_88 : memref<5248x128xf32, #tpu.memory_space<vmem_shared>>) target(%arg9 : memref<128x128xf32, #tpu.memory_space<vmem>>) offsets(%dma_start3A_85 : memref<128xi32, #tpu.memory_space<vmem>>) semaphore(%arg13 : memref<!tpu.dma_semaphore, #tpu.memory_space<semaphore_mem>>)
      } else {
      }
      %dma_wait3A_68 = arith.constant 0 : i32
      %dma_wait3A_69 = tpu.memref_slice %arg7[%add3A_58, %dma_wait3A_68] : memref<42x128xi32, #tpu.memory_space<vmem>> -> memref<1x128xi32, #tpu.memory_space<vmem>>
      %dma_wait3A_70 = tpu.memref_squeeze %dma_wait3A_69 : memref<1x128xi32, #tpu.memory_space<vmem>> -> memref<128xi32, #tpu.memory_space<vmem>>
      %dma_wait3A_71 = arith.constant 0 : i32
      %dma_wait3A_72 = arith.constant 0 : i32
      %dma_wait3A_73 = tpu.memref_slice %arg11[%dma_wait3A_71, %dma_wait3A_72] : memref<5248x128xf32, #tpu.memory_space<vmem_shared>> -> memref<5248x128xf32, #tpu.memory_space<vmem_shared>>
      tpu.wait_indirect_dma semaphore(%arg14 : memref<!tpu.dma_semaphore, #tpu.memory_space<semaphore_mem>>) src(%dma_wait3A_73 : memref<5248x128xf32, #tpu.memory_space<vmem_shared>>) dst(%arg10 : memref<128x128xf32, #tpu.memory_space<vmem>>)
      "tpu.region"() ({
        %run_scoped3A_81 = tpu.sem_alloc : memref<!tpu.dma_semaphore, #tpu.memory_space<semaphore_mem>>
        %dma_start3A_82 = arith.constant 0 : i32
        %dma_start3A_83 = tpu.memref_slice %arg8[%add3A_58, %dma_start3A_82] : memref<42x128xi32, #tpu.memory_space<vmem>> -> memref<1x128xi32, #tpu.memory_space<vmem>>
        %dma_start3A_84 = tpu.memref_squeeze %dma_start3A_83 : memref<1x128xi32, #tpu.memory_space<vmem>> -> memref<128xi32, #tpu.memory_space<vmem>>
        %dma_start3A_85 = arith.constant 0 : i32
        %dma_start3A_86 = arith.constant 0 : i32
        %dma_start3A_87 = tpu.memref_slice %arg12[%dma_start3A_85, %dma_start3A_86] : memref<5120x128xf32, #tpu.memory_space<vmem_shared>> -> memref<5120x128xf32, #tpu.memory_space<vmem_shared>>
        tpu.enqueue_indirect_dma source(%arg10 : memref<128x128xf32, #tpu.memory_space<vmem>>) target(%dma_start3A_87 : memref<5120x128xf32, #tpu.memory_space<vmem_shared>>) offsets(%dma_start3A_84 : memref<128xi32, #tpu.memory_space<vmem>>) semaphore(%run_scoped3A_81 : memref<!tpu.dma_semaphore, #tpu.memory_space<semaphore_mem>>) {add = true}
        %dma_wait3A_88 = arith.constant 0 : i32
        %dma_wait3A_89 = tpu.memref_slice %arg8[%add3A_58, %dma_wait3A_88] : memref<42x128xi32, #tpu.memory_space<vmem>> -> memref<1x128xi32, #tpu.memory_space<vmem>>
        %dma_wait3A_90 = tpu.memref_squeeze %dma_wait3A_89 : memref<1x128xi32, #tpu.memory_space<vmem>> -> memref<128xi32, #tpu.memory_space<vmem>>
        %dma_wait3A_91 = arith.constant 0 : i32
        %dma_wait3A_92 = arith.constant 0 : i32
        %dma_wait3A_93 = tpu.memref_slice %arg12[%dma_wait3A_91, %dma_wait3A_92] : memref<5120x128xf32, #tpu.memory_space<vmem_shared>> -> memref<5120x128xf32, #tpu.memory_space<vmem_shared>>
        tpu.wait_indirect_dma semaphore(%run_scoped3A_81 : memref<!tpu.dma_semaphore, #tpu.memory_space<semaphore_mem>>) src(%arg10 : memref<128x128xf32, #tpu.memory_space<vmem>>) dst(%dma_wait3A_93 : memref<5120x128xf32, #tpu.memory_space<vmem_shared>>)
        tpu.yield
      }) : () -> ()
      %add3A_74 = arith.constant 2 : i32
      %add3A_75 = arith.addi %add3A_58, %add3A_74 : i32
      %lt3A_76 = arith.constant 42 : i32
      %lt3A_77 = arith.cmpi slt, %add3A_75, %lt3A_76 : i32
      %convert_element_type3A_78 = arith.extui %lt3A_77 : i1 to i32
      %cond3A_79 = arith.constant 0 : i32
      %cond3A_80 = arith.cmpi ne, %convert_element_type3A_78, %cond3A_79 : i32
      scf.if %cond3A_80 {
        %add3A_81 = arith.constant 2 : i32
        %add3A_82 = arith.addi %add3A_58, %add3A_81 : i32
        %dma_start3A_83 = arith.constant 0 : i32
        %dma_start3A_84 = tpu.memref_slice %arg7[%add3A_82, %dma_start3A_83] : memref<42x128xi32, #tpu.memory_space<vmem>> -> memref<1x128xi32, #tpu.memory_space<vmem>>
        %dma_start3A_85 = tpu.memref_squeeze %dma_start3A_84 : memref<1x128xi32, #tpu.memory_space<vmem>> -> memref<128xi32, #tpu.memory_space<vmem>>
        %dma_start3A_86 = arith.constant 0 : i32
        %dma_start3A_87 = arith.constant 0 : i32
        %dma_start3A_88 = tpu.memref_slice %arg11[%dma_start3A_86, %dma_start3A_87] : memref<5248x128xf32, #tpu.memory_space<vmem_shared>> -> memref<5248x128xf32, #tpu.memory_space<vmem_shared>>
        tpu.enqueue_indirect_dma source(%dma_start3A_88 : memref<5248x128xf32, #tpu.memory_space<vmem_shared>>) target(%arg10 : memref<128x128xf32, #tpu.memory_space<vmem>>) offsets(%dma_start3A_85 : memref<128xi32, #tpu.memory_space<vmem>>) semaphore(%arg14 : memref<!tpu.dma_semaphore, #tpu.memory_space<semaphore_mem>>)
      } else {
      }
    }
    %scan3A_53 = arith.constant 21 : i32
    %barrier3A_54 = arith.constant 0 : index
    tpu.barrier barrier_id(%barrier3A_54)
    "tpu.region"() ({
      %run_scoped3A_55 = tpu.sem_alloc : memref<!tpu.dma_semaphore, #tpu.memory_space<semaphore_mem>>
      %dma_start3A_56 = arith.constant 0 : i32
      %dma_start3A_57 = tpu.memref_slice %arg6[%arg0, %mul3A_0, %dma_start3A_56] : memref<2x5120x128xf32, #tpu.memory_space<hbm>> -> memref<1x320x128xf32, #tpu.memory_space<hbm>>
      %dma_start3A_58 = tpu.memref_squeeze %dma_start3A_57 : memref<1x320x128xf32, #tpu.memory_space<hbm>> -> memref<320x128xf32, #tpu.memory_space<hbm>>
      %dma_start3A_59 = arith.constant 0 : i32
      %dma_start3A_60 = tpu.memref_slice %arg12[%mul3A_0, %dma_start3A_59] : memref<5120x128xf32, #tpu.memory_space<vmem_shared>> -> memref<320x128xf32, #tpu.memory_space<vmem_shared>>
      tpu.enqueue_dma source(%dma_start3A_60 : memref<320x128xf32, #tpu.memory_space<vmem_shared>>) target(%dma_start3A_58 : memref<320x128xf32, #tpu.memory_space<hbm>>) target_semaphore(%run_scoped3A_55 : memref<!tpu.dma_semaphore, #tpu.memory_space<semaphore_mem>>)
      %dma_wait3A = arith.constant 0 : i32
      %dma_wait3A_61 = tpu.memref_slice %arg6[%arg0, %mul3A_0, %dma_wait3A] : memref<2x5120x128xf32, #tpu.memory_space<hbm>> -> memref<1x320x128xf32, #tpu.memory_space<hbm>>
      %dma_wait3A_62 = tpu.memref_squeeze %dma_wait3A_61 : memref<1x320x128xf32, #tpu.memory_space<hbm>> -> memref<320x128xf32, #tpu.memory_space<hbm>>
      %dma_wait3A_63 = arith.constant 0 : i32
      %dma_wait3A_64 = tpu.memref_slice %arg12[%mul3A_0, %dma_wait3A_63] : memref<5120x128xf32, #tpu.memory_space<vmem_shared>> -> memref<320x128xf32, #tpu.memory_space<vmem_shared>>
      tpu.wait_dma2 semaphore(%run_scoped3A_55 : memref<!tpu.dma_semaphore, #tpu.memory_space<semaphore_mem>>) src(%dma_wait3A_64 : memref<320x128xf32, #tpu.memory_space<vmem_shared>>) dst(%dma_wait3A_62 : memref<320x128xf32, #tpu.memory_space<hbm>>)
      tpu.yield
    }) : () -> ()
    return
  }
}

#map = affine_map<(d0, d1) -> (0, 0, 0)>
#map1 = affine_map<(d0, d1) -> (0, 0, 0, 0, 0)>
#map2 = affine_map<(d0, d1) -> (0, 0)>
module attributes {stable_mosaic.version = 14 : i64} {
  func.func @_sc_agg(%arg0: i32, %arg1: i32, %arg2: memref<2x5248x128xf32, #tpu.memory_space<hbm>>, %arg3: memref<2x2x16x42x128xi32, #tpu.memory_space<hbm>>, %arg4: memref<2x2x16x42x128xi32, #tpu.memory_space<hbm>>, %arg5: memref<10112x128xf32, #tpu.memory_space<hbm>>, %arg6: memref<2x5120x128xf32, #tpu.memory_space<hbm>>, %arg7: memref<42x128xi32, #tpu.memory_space<vmem>>, %arg8: memref<42x128xi32, #tpu.memory_space<vmem>>, %arg9: memref<128x128xf32, #tpu.memory_space<vmem>>, %arg10: memref<128x128xf32, #tpu.memory_space<vmem>>, %arg11: memref<5248x128xf32, #tpu.memory_space<vmem_shared>>, %arg12: memref<5120x128xf32, #tpu.memory_space<vmem_shared>>, %arg13: memref<!tpu.dma_semaphore, #tpu.memory_space<semaphore_mem>>, %arg14: memref<!tpu.dma_semaphore, #tpu.memory_space<semaphore_mem>>) attributes {dimension_semantics = [#tpu.dimension_semantics<core_parallel>, #tpu.dimension_semantics<subcore_parallel>], iteration_bounds = array<i64: 2, 16>, scalar_prefetch = 0 : i64, scratch_operands = 8 : i64, tpu.core_type = #tpu.core_type<sc_vector_subcore>, window_params = [{transform_indices = #map}, {transform_indices = #map1}, {transform_indices = #map1}, {transform_indices = #map2}, {transform_indices = #map}]} {
    %mul3A = arith.constant 320 : i32
    %mul3A_0 = arith.muli %arg1, %mul3A : i32
    "tpu.region"() ({
      %run_scoped3A_55 = tpu.sem_alloc : memref<!tpu.dma_semaphore, #tpu.memory_space<semaphore_mem>>
      %dma_start3A_56 = arith.constant 0 : i32
      %dma_start3A_57 = tpu.memref_slice %arg12[%mul3A_0, %dma_start3A_56] : memref<5120x128xf32, #tpu.memory_space<vmem_shared>> -> memref<320x128xf32, #tpu.memory_space<vmem_shared>>
      %dma_start3A_58 = arith.constant 0 : i32
      %dma_start3A_59 = arith.constant 0 : i32
      %dma_start3A_60 = tpu.memref_slice %arg5[%dma_start3A_58, %dma_start3A_59] : memref<10112x128xf32, #tpu.memory_space<hbm>> -> memref<320x128xf32, #tpu.memory_space<hbm>>
      tpu.enqueue_dma source(%dma_start3A_60 : memref<320x128xf32, #tpu.memory_space<hbm>>) target(%dma_start3A_57 : memref<320x128xf32, #tpu.memory_space<vmem_shared>>) target_semaphore(%run_scoped3A_55 : memref<!tpu.dma_semaphore, #tpu.memory_space<semaphore_mem>>)
      %dma_wait3A = arith.constant 0 : i32
      %dma_wait3A_61 = tpu.memref_slice %arg12[%mul3A_0, %dma_wait3A] : memref<5120x128xf32, #tpu.memory_space<vmem_shared>> -> memref<320x128xf32, #tpu.memory_space<vmem_shared>>
      %dma_wait3A_62 = arith.constant 0 : i32
      %dma_wait3A_63 = arith.constant 0 : i32
      %dma_wait3A_64 = tpu.memref_slice %arg5[%dma_wait3A_62, %dma_wait3A_63] : memref<10112x128xf32, #tpu.memory_space<hbm>> -> memref<320x128xf32, #tpu.memory_space<hbm>>
      tpu.wait_dma2 semaphore(%run_scoped3A_55 : memref<!tpu.dma_semaphore, #tpu.memory_space<semaphore_mem>>) src(%dma_wait3A_64 : memref<320x128xf32, #tpu.memory_space<hbm>>) dst(%dma_wait3A_61 : memref<320x128xf32, #tpu.memory_space<vmem_shared>>)
      tpu.yield
    }) : () -> ()
    %mul3A_1 = arith.constant 328 : i32
    %mul3A_2 = arith.muli %arg1, %mul3A_1 : i32
    %mul3A_3 = arith.constant 328 : i32
    %mul3A_4 = arith.muli %arg1, %mul3A_3 : i32
    %run_scoped3A = arith.constant 0 : i32
    "tpu.region"() ({
      %run_scoped3A_55 = tpu.sem_alloc : memref<!tpu.dma_semaphore, #tpu.memory_space<semaphore_mem>>
      %dma_start3A_56 = arith.constant 0 : i32
      %dma_start3A_57 = tpu.memref_slice %arg11[%mul3A_4, %dma_start3A_56] : memref<5248x128xf32, #tpu.memory_space<vmem_shared>> -> memref<328x128xf32, #tpu.memory_space<vmem_shared>>
      %dma_start3A_58 = arith.constant 0 : i32
      %dma_start3A_59 = tpu.memref_slice %arg2[%run_scoped3A, %mul3A_2, %dma_start3A_58] : memref<2x5248x128xf32, #tpu.memory_space<hbm>> -> memref<1x328x128xf32, #tpu.memory_space<hbm>>
      %dma_start3A_60 = tpu.memref_squeeze %dma_start3A_59 : memref<1x328x128xf32, #tpu.memory_space<hbm>> -> memref<328x128xf32, #tpu.memory_space<hbm>>
      tpu.enqueue_dma source(%dma_start3A_60 : memref<328x128xf32, #tpu.memory_space<hbm>>) target(%dma_start3A_57 : memref<328x128xf32, #tpu.memory_space<vmem_shared>>) target_semaphore(%run_scoped3A_55 : memref<!tpu.dma_semaphore, #tpu.memory_space<semaphore_mem>>)
      %dma_wait3A = arith.constant 0 : i32
      %dma_wait3A_61 = tpu.memref_slice %arg11[%mul3A_4, %dma_wait3A] : memref<5248x128xf32, #tpu.memory_space<vmem_shared>> -> memref<328x128xf32, #tpu.memory_space<vmem_shared>>
      %dma_wait3A_62 = arith.constant 0 : i32
      %dma_wait3A_63 = tpu.memref_slice %arg2[%run_scoped3A, %mul3A_2, %dma_wait3A_62] : memref<2x5248x128xf32, #tpu.memory_space<hbm>> -> memref<1x328x128xf32, #tpu.memory_space<hbm>>
      %dma_wait3A_64 = tpu.memref_squeeze %dma_wait3A_63 : memref<1x328x128xf32, #tpu.memory_space<hbm>> -> memref<328x128xf32, #tpu.memory_space<hbm>>
      tpu.wait_dma2 semaphore(%run_scoped3A_55 : memref<!tpu.dma_semaphore, #tpu.memory_space<semaphore_mem>>) src(%dma_wait3A_64 : memref<328x128xf32, #tpu.memory_space<hbm>>) dst(%dma_wait3A_61 : memref<328x128xf32, #tpu.memory_space<vmem_shared>>)
      tpu.yield
    }) : () -> ()
    %run_scoped3A_5 = arith.constant 0 : i32
    "tpu.region"() ({
      %run_scoped3A_55 = tpu.sem_alloc : memref<!tpu.dma_semaphore, #tpu.memory_space<semaphore_mem>>
      %dma_start3A_56 = arith.constant 0 : i32
      %dma_start3A_57 = arith.constant 0 : i32
      %dma_start3A_58 = tpu.memref_slice %arg3[%run_scoped3A_5, %arg0, %arg1, %dma_start3A_56, %dma_start3A_57] : memref<2x2x16x42x128xi32, #tpu.memory_space<hbm>> -> memref<1x1x1x42x128xi32, #tpu.memory_space<hbm>>
      %dma_start3A_59 = tpu.memref_squeeze %dma_start3A_58 : memref<1x1x1x42x128xi32, #tpu.memory_space<hbm>> -> memref<42x128xi32, #tpu.memory_space<hbm>>
      %dma_start3A_60 = arith.constant 0 : i32
      %dma_start3A_61 = arith.constant 0 : i32
      %dma_start3A_62 = tpu.memref_slice %arg3[%run_scoped3A_5, %arg0, %arg1, %dma_start3A_60, %dma_start3A_61] : memref<2x2x16x42x128xi32, #tpu.memory_space<hbm>> -> memref<1x1x1x42x128xi32, #tpu.memory_space<hbm>>
      %dma_start3A_63 = tpu.memref_squeeze %dma_start3A_62 : memref<1x1x1x42x128xi32, #tpu.memory_space<hbm>> -> memref<42x128xi32, #tpu.memory_space<hbm>>
      tpu.enqueue_dma source(%dma_start3A_63 : memref<42x128xi32, #tpu.memory_space<hbm>>) target(%arg7 : memref<42x128xi32, #tpu.memory_space<vmem>>) target_semaphore(%run_scoped3A_55 : memref<!tpu.dma_semaphore, #tpu.memory_space<semaphore_mem>>)
      %dma_wait3A = arith.constant 0 : i32
      %dma_wait3A_64 = arith.constant 0 : i32
      %dma_wait3A_65 = tpu.memref_slice %arg3[%run_scoped3A_5, %arg0, %arg1, %dma_wait3A, %dma_wait3A_64] : memref<2x2x16x42x128xi32, #tpu.memory_space<hbm>> -> memref<1x1x1x42x128xi32, #tpu.memory_space<hbm>>
      %dma_wait3A_66 = tpu.memref_squeeze %dma_wait3A_65 : memref<1x1x1x42x128xi32, #tpu.memory_space<hbm>> -> memref<42x128xi32, #tpu.memory_space<hbm>>
      %dma_wait3A_67 = arith.constant 0 : i32
      %dma_wait3A_68 = arith.constant 0 : i32
      %dma_wait3A_69 = tpu.memref_slice %arg3[%run_scoped3A_5, %arg0, %arg1, %dma_wait3A_67, %dma_wait3A_68] : memref<2x2x16x42x128xi32, #tpu.memory_space<hbm>> -> memref<1x1x1x42x128xi32, #tpu.memory_space<hbm>>
      %dma_wait3A_70 = tpu.memref_squeeze %dma_wait3A_69 : memref<1x1x1x42x128xi32, #tpu.memory_space<hbm>> -> memref<42x128xi32, #tpu.memory_space<hbm>>
      tpu.wait_dma2 semaphore(%run_scoped3A_55 : memref<!tpu.dma_semaphore, #tpu.memory_space<semaphore_mem>>) src(%dma_wait3A_70 : memref<42x128xi32, #tpu.memory_space<hbm>>) dst(%arg7 : memref<42x128xi32, #tpu.memory_space<vmem>>)
      tpu.yield
    }) : () -> ()
    %run_scoped3A_6 = arith.constant 0 : i32
    "tpu.region"() ({
      %run_scoped3A_55 = tpu.sem_alloc : memref<!tpu.dma_semaphore, #tpu.memory_space<semaphore_mem>>
      %dma_start3A_56 = arith.constant 0 : i32
      %dma_start3A_57 = arith.constant 0 : i32
      %dma_start3A_58 = tpu.memref_slice %arg4[%run_scoped3A_6, %arg0, %arg1, %dma_start3A_56, %dma_start3A_57] : memref<2x2x16x42x128xi32, #tpu.memory_space<hbm>> -> memref<1x1x1x42x128xi32, #tpu.memory_space<hbm>>
      %dma_start3A_59 = tpu.memref_squeeze %dma_start3A_58 : memref<1x1x1x42x128xi32, #tpu.memory_space<hbm>> -> memref<42x128xi32, #tpu.memory_space<hbm>>
      %dma_start3A_60 = arith.constant 0 : i32
      %dma_start3A_61 = arith.constant 0 : i32
      %dma_start3A_62 = tpu.memref_slice %arg4[%run_scoped3A_6, %arg0, %arg1, %dma_start3A_60, %dma_start3A_61] : memref<2x2x16x42x128xi32, #tpu.memory_space<hbm>> -> memref<1x1x1x42x128xi32, #tpu.memory_space<hbm>>
      %dma_start3A_63 = tpu.memref_squeeze %dma_start3A_62 : memref<1x1x1x42x128xi32, #tpu.memory_space<hbm>> -> memref<42x128xi32, #tpu.memory_space<hbm>>
      tpu.enqueue_dma source(%dma_start3A_63 : memref<42x128xi32, #tpu.memory_space<hbm>>) target(%arg8 : memref<42x128xi32, #tpu.memory_space<vmem>>) target_semaphore(%run_scoped3A_55 : memref<!tpu.dma_semaphore, #tpu.memory_space<semaphore_mem>>)
      %dma_wait3A = arith.constant 0 : i32
      %dma_wait3A_64 = arith.constant 0 : i32
      %dma_wait3A_65 = tpu.memref_slice %arg4[%run_scoped3A_6, %arg0, %arg1, %dma_wait3A, %dma_wait3A_64] : memref<2x2x16x42x128xi32, #tpu.memory_space<hbm>> -> memref<1x1x1x42x128xi32, #tpu.memory_space<hbm>>
      %dma_wait3A_66 = tpu.memref_squeeze %dma_wait3A_65 : memref<1x1x1x42x128xi32, #tpu.memory_space<hbm>> -> memref<42x128xi32, #tpu.memory_space<hbm>>
      %dma_wait3A_67 = arith.constant 0 : i32
      %dma_wait3A_68 = arith.constant 0 : i32
      %dma_wait3A_69 = tpu.memref_slice %arg4[%run_scoped3A_6, %arg0, %arg1, %dma_wait3A_67, %dma_wait3A_68] : memref<2x2x16x42x128xi32, #tpu.memory_space<hbm>> -> memref<1x1x1x42x128xi32, #tpu.memory_space<hbm>>
      %dma_wait3A_70 = tpu.memref_squeeze %dma_wait3A_69 : memref<1x1x1x42x128xi32, #tpu.memory_space<hbm>> -> memref<42x128xi32, #tpu.memory_space<hbm>>
      tpu.wait_dma2 semaphore(%run_scoped3A_55 : memref<!tpu.dma_semaphore, #tpu.memory_space<semaphore_mem>>) src(%dma_wait3A_70 : memref<42x128xi32, #tpu.memory_space<hbm>>) dst(%arg8 : memref<42x128xi32, #tpu.memory_space<vmem>>)
      tpu.yield
    }) : () -> ()
    %barrier3A = arith.constant 0 : index
    tpu.barrier barrier_id(%barrier3A)
    %dma_start3A = arith.constant 0 : i32
    %dma_start3A_7 = arith.constant 0 : i32
    %dma_start3A_8 = tpu.memref_slice %arg7[%dma_start3A, %dma_start3A_7] : memref<42x128xi32, #tpu.memory_space<vmem>> -> memref<1x128xi32, #tpu.memory_space<vmem>>
    %dma_start3A_9 = tpu.memref_squeeze %dma_start3A_8 : memref<1x128xi32, #tpu.memory_space<vmem>> -> memref<128xi32, #tpu.memory_space<vmem>>
    %dma_start3A_10 = arith.constant 0 : i32
    %dma_start3A_11 = arith.constant 0 : i32
    %dma_start3A_12 = tpu.memref_slice %arg11[%dma_start3A_10, %dma_start3A_11] : memref<5248x128xf32, #tpu.memory_space<vmem_shared>> -> memref<5248x128xf32, #tpu.memory_space<vmem_shared>>
    tpu.enqueue_indirect_dma source(%dma_start3A_12 : memref<5248x128xf32, #tpu.memory_space<vmem_shared>>) target(%arg9 : memref<128x128xf32, #tpu.memory_space<vmem>>) offsets(%dma_start3A_9 : memref<128xi32, #tpu.memory_space<vmem>>) semaphore(%arg13 : memref<!tpu.dma_semaphore, #tpu.memory_space<semaphore_mem>>)
    %dma_start3A_13 = arith.constant 1 : i32
    %dma_start3A_14 = arith.constant 0 : i32
    %dma_start3A_15 = tpu.memref_slice %arg7[%dma_start3A_13, %dma_start3A_14] : memref<42x128xi32, #tpu.memory_space<vmem>> -> memref<1x128xi32, #tpu.memory_space<vmem>>
    %dma_start3A_16 = tpu.memref_squeeze %dma_start3A_15 : memref<1x128xi32, #tpu.memory_space<vmem>> -> memref<128xi32, #tpu.memory_space<vmem>>
    %dma_start3A_17 = arith.constant 0 : i32
    %dma_start3A_18 = arith.constant 0 : i32
    %dma_start3A_19 = tpu.memref_slice %arg11[%dma_start3A_17, %dma_start3A_18] : memref<5248x128xf32, #tpu.memory_space<vmem_shared>> -> memref<5248x128xf32, #tpu.memory_space<vmem_shared>>
    tpu.enqueue_indirect_dma source(%dma_start3A_19 : memref<5248x128xf32, #tpu.memory_space<vmem_shared>>) target(%arg10 : memref<128x128xf32, #tpu.memory_space<vmem>>) offsets(%dma_start3A_16 : memref<128xi32, #tpu.memory_space<vmem>>) semaphore(%arg14 : memref<!tpu.dma_semaphore, #tpu.memory_space<semaphore_mem>>)
    %scan3A = arith.constant 0 : i32
    %scan3A_20 = arith.constant 0 : i32
    %scan3A_21 = arith.constant 21 : i32
    %scan3A_22 = arith.addi %scan3A_20, %scan3A_21 : i32
    %scan3A_23 = arith.constant 1 : i32
    scf.for %scan3A_55 = %scan3A_20 to %scan3A_22 step %scan3A_23  : i32 {
      %mul3A_56 = arith.constant 2 : i32
      %mul3A_57 = arith.muli %mul3A_56, %scan3A_55 : i32
      %add3A = arith.constant 1 : i32
      %add3A_58 = arith.addi %mul3A_57, %add3A : i32
      %dma_wait3A = arith.constant 0 : i32
      %dma_wait3A_59 = tpu.memref_slice %arg7[%mul3A_57, %dma_wait3A] : memref<42x128xi32, #tpu.memory_space<vmem>> -> memref<1x128xi32, #tpu.memory_space<vmem>>
      %dma_wait3A_60 = tpu.memref_squeeze %dma_wait3A_59 : memref<1x128xi32, #tpu.memory_space<vmem>> -> memref<128xi32, #tpu.memory_space<vmem>>
      %dma_wait3A_61 = arith.constant 0 : i32
      %dma_wait3A_62 = arith.constant 0 : i32
      %dma_wait3A_63 = tpu.memref_slice %arg11[%dma_wait3A_61, %dma_wait3A_62] : memref<5248x128xf32, #tpu.memory_space<vmem_shared>> -> memref<5248x128xf32, #tpu.memory_space<vmem_shared>>
      tpu.wait_indirect_dma semaphore(%arg13 : memref<!tpu.dma_semaphore, #tpu.memory_space<semaphore_mem>>) src(%dma_wait3A_63 : memref<5248x128xf32, #tpu.memory_space<vmem_shared>>) dst(%arg9 : memref<128x128xf32, #tpu.memory_space<vmem>>)
      "tpu.region"() ({
        %run_scoped3A_81 = tpu.sem_alloc : memref<!tpu.dma_semaphore, #tpu.memory_space<semaphore_mem>>
        %dma_start3A_82 = arith.constant 0 : i32
        %dma_start3A_83 = tpu.memref_slice %arg8[%mul3A_57, %dma_start3A_82] : memref<42x128xi32, #tpu.memory_space<vmem>> -> memref<1x128xi32, #tpu.memory_space<vmem>>
        %dma_start3A_84 = tpu.memref_squeeze %dma_start3A_83 : memref<1x128xi32, #tpu.memory_space<vmem>> -> memref<128xi32, #tpu.memory_space<vmem>>
        %dma_start3A_85 = arith.constant 0 : i32
        %dma_start3A_86 = arith.constant 0 : i32
        %dma_start3A_87 = tpu.memref_slice %arg12[%dma_start3A_85, %dma_start3A_86] : memref<5120x128xf32, #tpu.memory_space<vmem_shared>> -> memref<5120x128xf32, #tpu.memory_space<vmem_shared>>
        tpu.enqueue_indirect_dma source(%arg9 : memref<128x128xf32, #tpu.memory_space<vmem>>) target(%dma_start3A_87 : memref<5120x128xf32, #tpu.memory_space<vmem_shared>>) offsets(%dma_start3A_84 : memref<128xi32, #tpu.memory_space<vmem>>) semaphore(%run_scoped3A_81 : memref<!tpu.dma_semaphore, #tpu.memory_space<semaphore_mem>>) {add = true}
        %dma_wait3A_88 = arith.constant 0 : i32
        %dma_wait3A_89 = tpu.memref_slice %arg8[%mul3A_57, %dma_wait3A_88] : memref<42x128xi32, #tpu.memory_space<vmem>> -> memref<1x128xi32, #tpu.memory_space<vmem>>
        %dma_wait3A_90 = tpu.memref_squeeze %dma_wait3A_89 : memref<1x128xi32, #tpu.memory_space<vmem>> -> memref<128xi32, #tpu.memory_space<vmem>>
        %dma_wait3A_91 = arith.constant 0 : i32
        %dma_wait3A_92 = arith.constant 0 : i32
        %dma_wait3A_93 = tpu.memref_slice %arg12[%dma_wait3A_91, %dma_wait3A_92] : memref<5120x128xf32, #tpu.memory_space<vmem_shared>> -> memref<5120x128xf32, #tpu.memory_space<vmem_shared>>
        tpu.wait_indirect_dma semaphore(%run_scoped3A_81 : memref<!tpu.dma_semaphore, #tpu.memory_space<semaphore_mem>>) src(%arg9 : memref<128x128xf32, #tpu.memory_space<vmem>>) dst(%dma_wait3A_93 : memref<5120x128xf32, #tpu.memory_space<vmem_shared>>)
        tpu.yield
      }) : () -> ()
      %add3A_64 = arith.constant 2 : i32
      %add3A_65 = arith.addi %mul3A_57, %add3A_64 : i32
      %lt3A = arith.constant 42 : i32
      %lt3A_66 = arith.cmpi slt, %add3A_65, %lt3A : i32
      %convert_element_type3A = arith.extui %lt3A_66 : i1 to i32
      %cond3A = arith.constant 0 : i32
      %cond3A_67 = arith.cmpi ne, %convert_element_type3A, %cond3A : i32
      scf.if %cond3A_67 {
        %add3A_81 = arith.constant 2 : i32
        %add3A_82 = arith.addi %mul3A_57, %add3A_81 : i32
        %dma_start3A_83 = arith.constant 0 : i32
        %dma_start3A_84 = tpu.memref_slice %arg7[%add3A_82, %dma_start3A_83] : memref<42x128xi32, #tpu.memory_space<vmem>> -> memref<1x128xi32, #tpu.memory_space<vmem>>
        %dma_start3A_85 = tpu.memref_squeeze %dma_start3A_84 : memref<1x128xi32, #tpu.memory_space<vmem>> -> memref<128xi32, #tpu.memory_space<vmem>>
        %dma_start3A_86 = arith.constant 0 : i32
        %dma_start3A_87 = arith.constant 0 : i32
        %dma_start3A_88 = tpu.memref_slice %arg11[%dma_start3A_86, %dma_start3A_87] : memref<5248x128xf32, #tpu.memory_space<vmem_shared>> -> memref<5248x128xf32, #tpu.memory_space<vmem_shared>>
        tpu.enqueue_indirect_dma source(%dma_start3A_88 : memref<5248x128xf32, #tpu.memory_space<vmem_shared>>) target(%arg9 : memref<128x128xf32, #tpu.memory_space<vmem>>) offsets(%dma_start3A_85 : memref<128xi32, #tpu.memory_space<vmem>>) semaphore(%arg13 : memref<!tpu.dma_semaphore, #tpu.memory_space<semaphore_mem>>)
      } else {
      }
      %dma_wait3A_68 = arith.constant 0 : i32
      %dma_wait3A_69 = tpu.memref_slice %arg7[%add3A_58, %dma_wait3A_68] : memref<42x128xi32, #tpu.memory_space<vmem>> -> memref<1x128xi32, #tpu.memory_space<vmem>>
      %dma_wait3A_70 = tpu.memref_squeeze %dma_wait3A_69 : memref<1x128xi32, #tpu.memory_space<vmem>> -> memref<128xi32, #tpu.memory_space<vmem>>
      %dma_wait3A_71 = arith.constant 0 : i32
      %dma_wait3A_72 = arith.constant 0 : i32
      %dma_wait3A_73 = tpu.memref_slice %arg11[%dma_wait3A_71, %dma_wait3A_72] : memref<5248x128xf32, #tpu.memory_space<vmem_shared>> -> memref<5248x128xf32, #tpu.memory_space<vmem_shared>>
      tpu.wait_indirect_dma semaphore(%arg14 : memref<!tpu.dma_semaphore, #tpu.memory_space<semaphore_mem>>) src(%dma_wait3A_73 : memref<5248x128xf32, #tpu.memory_space<vmem_shared>>) dst(%arg10 : memref<128x128xf32, #tpu.memory_space<vmem>>)
      "tpu.region"() ({
        %run_scoped3A_81 = tpu.sem_alloc : memref<!tpu.dma_semaphore, #tpu.memory_space<semaphore_mem>>
        %dma_start3A_82 = arith.constant 0 : i32
        %dma_start3A_83 = tpu.memref_slice %arg8[%add3A_58, %dma_start3A_82] : memref<42x128xi32, #tpu.memory_space<vmem>> -> memref<1x128xi32, #tpu.memory_space<vmem>>
        %dma_start3A_84 = tpu.memref_squeeze %dma_start3A_83 : memref<1x128xi32, #tpu.memory_space<vmem>> -> memref<128xi32, #tpu.memory_space<vmem>>
        %dma_start3A_85 = arith.constant 0 : i32
        %dma_start3A_86 = arith.constant 0 : i32
        %dma_start3A_87 = tpu.memref_slice %arg12[%dma_start3A_85, %dma_start3A_86] : memref<5120x128xf32, #tpu.memory_space<vmem_shared>> -> memref<5120x128xf32, #tpu.memory_space<vmem_shared>>
        tpu.enqueue_indirect_dma source(%arg10 : memref<128x128xf32, #tpu.memory_space<vmem>>) target(%dma_start3A_87 : memref<5120x128xf32, #tpu.memory_space<vmem_shared>>) offsets(%dma_start3A_84 : memref<128xi32, #tpu.memory_space<vmem>>) semaphore(%run_scoped3A_81 : memref<!tpu.dma_semaphore, #tpu.memory_space<semaphore_mem>>) {add = true}
        %dma_wait3A_88 = arith.constant 0 : i32
        %dma_wait3A_89 = tpu.memref_slice %arg8[%add3A_58, %dma_wait3A_88] : memref<42x128xi32, #tpu.memory_space<vmem>> -> memref<1x128xi32, #tpu.memory_space<vmem>>
        %dma_wait3A_90 = tpu.memref_squeeze %dma_wait3A_89 : memref<1x128xi32, #tpu.memory_space<vmem>> -> memref<128xi32, #tpu.memory_space<vmem>>
        %dma_wait3A_91 = arith.constant 0 : i32
        %dma_wait3A_92 = arith.constant 0 : i32
        %dma_wait3A_93 = tpu.memref_slice %arg12[%dma_wait3A_91, %dma_wait3A_92] : memref<5120x128xf32, #tpu.memory_space<vmem_shared>> -> memref<5120x128xf32, #tpu.memory_space<vmem_shared>>
        tpu.wait_indirect_dma semaphore(%run_scoped3A_81 : memref<!tpu.dma_semaphore, #tpu.memory_space<semaphore_mem>>) src(%arg10 : memref<128x128xf32, #tpu.memory_space<vmem>>) dst(%dma_wait3A_93 : memref<5120x128xf32, #tpu.memory_space<vmem_shared>>)
        tpu.yield
      }) : () -> ()
      %add3A_74 = arith.constant 2 : i32
      %add3A_75 = arith.addi %add3A_58, %add3A_74 : i32
      %lt3A_76 = arith.constant 42 : i32
      %lt3A_77 = arith.cmpi slt, %add3A_75, %lt3A_76 : i32
      %convert_element_type3A_78 = arith.extui %lt3A_77 : i1 to i32
      %cond3A_79 = arith.constant 0 : i32
      %cond3A_80 = arith.cmpi ne, %convert_element_type3A_78, %cond3A_79 : i32
      scf.if %cond3A_80 {
        %add3A_81 = arith.constant 2 : i32
        %add3A_82 = arith.addi %add3A_58, %add3A_81 : i32
        %dma_start3A_83 = arith.constant 0 : i32
        %dma_start3A_84 = tpu.memref_slice %arg7[%add3A_82, %dma_start3A_83] : memref<42x128xi32, #tpu.memory_space<vmem>> -> memref<1x128xi32, #tpu.memory_space<vmem>>
        %dma_start3A_85 = tpu.memref_squeeze %dma_start3A_84 : memref<1x128xi32, #tpu.memory_space<vmem>> -> memref<128xi32, #tpu.memory_space<vmem>>
        %dma_start3A_86 = arith.constant 0 : i32
        %dma_start3A_87 = arith.constant 0 : i32
        %dma_start3A_88 = tpu.memref_slice %arg11[%dma_start3A_86, %dma_start3A_87] : memref<5248x128xf32, #tpu.memory_space<vmem_shared>> -> memref<5248x128xf32, #tpu.memory_space<vmem_shared>>
        tpu.enqueue_indirect_dma source(%dma_start3A_88 : memref<5248x128xf32, #tpu.memory_space<vmem_shared>>) target(%arg10 : memref<128x128xf32, #tpu.memory_space<vmem>>) offsets(%dma_start3A_85 : memref<128xi32, #tpu.memory_space<vmem>>) semaphore(%arg14 : memref<!tpu.dma_semaphore, #tpu.memory_space<semaphore_mem>>)
      } else {
      }
    }
    %scan3A_24 = arith.constant 21 : i32
    %barrier3A_25 = arith.constant 0 : index
    tpu.barrier barrier_id(%barrier3A_25)
    %mul3A_26 = arith.constant 328 : i32
    %mul3A_27 = arith.muli %arg1, %mul3A_26 : i32
    %mul3A_28 = arith.constant 328 : i32
    %mul3A_29 = arith.muli %arg1, %mul3A_28 : i32
    %run_scoped3A_30 = arith.constant 1 : i32
    "tpu.region"() ({
      %run_scoped3A_55 = tpu.sem_alloc : memref<!tpu.dma_semaphore, #tpu.memory_space<semaphore_mem>>
      %dma_start3A_56 = arith.constant 0 : i32
      %dma_start3A_57 = tpu.memref_slice %arg11[%mul3A_29, %dma_start3A_56] : memref<5248x128xf32, #tpu.memory_space<vmem_shared>> -> memref<328x128xf32, #tpu.memory_space<vmem_shared>>
      %dma_start3A_58 = arith.constant 0 : i32
      %dma_start3A_59 = tpu.memref_slice %arg2[%run_scoped3A_30, %mul3A_27, %dma_start3A_58] : memref<2x5248x128xf32, #tpu.memory_space<hbm>> -> memref<1x328x128xf32, #tpu.memory_space<hbm>>
      %dma_start3A_60 = tpu.memref_squeeze %dma_start3A_59 : memref<1x328x128xf32, #tpu.memory_space<hbm>> -> memref<328x128xf32, #tpu.memory_space<hbm>>
      tpu.enqueue_dma source(%dma_start3A_60 : memref<328x128xf32, #tpu.memory_space<hbm>>) target(%dma_start3A_57 : memref<328x128xf32, #tpu.memory_space<vmem_shared>>) target_semaphore(%run_scoped3A_55 : memref<!tpu.dma_semaphore, #tpu.memory_space<semaphore_mem>>)
      %dma_wait3A = arith.constant 0 : i32
      %dma_wait3A_61 = tpu.memref_slice %arg11[%mul3A_29, %dma_wait3A] : memref<5248x128xf32, #tpu.memory_space<vmem_shared>> -> memref<328x128xf32, #tpu.memory_space<vmem_shared>>
      %dma_wait3A_62 = arith.constant 0 : i32
      %dma_wait3A_63 = tpu.memref_slice %arg2[%run_scoped3A_30, %mul3A_27, %dma_wait3A_62] : memref<2x5248x128xf32, #tpu.memory_space<hbm>> -> memref<1x328x128xf32, #tpu.memory_space<hbm>>
      %dma_wait3A_64 = tpu.memref_squeeze %dma_wait3A_63 : memref<1x328x128xf32, #tpu.memory_space<hbm>> -> memref<328x128xf32, #tpu.memory_space<hbm>>
      tpu.wait_dma2 semaphore(%run_scoped3A_55 : memref<!tpu.dma_semaphore, #tpu.memory_space<semaphore_mem>>) src(%dma_wait3A_64 : memref<328x128xf32, #tpu.memory_space<hbm>>) dst(%dma_wait3A_61 : memref<328x128xf32, #tpu.memory_space<vmem_shared>>)
      tpu.yield
    }) : () -> ()
    %run_scoped3A_31 = arith.constant 1 : i32
    "tpu.region"() ({
      %run_scoped3A_55 = tpu.sem_alloc : memref<!tpu.dma_semaphore, #tpu.memory_space<semaphore_mem>>
      %dma_start3A_56 = arith.constant 0 : i32
      %dma_start3A_57 = arith.constant 0 : i32
      %dma_start3A_58 = tpu.memref_slice %arg3[%run_scoped3A_31, %arg0, %arg1, %dma_start3A_56, %dma_start3A_57] : memref<2x2x16x42x128xi32, #tpu.memory_space<hbm>> -> memref<1x1x1x42x128xi32, #tpu.memory_space<hbm>>
      %dma_start3A_59 = tpu.memref_squeeze %dma_start3A_58 : memref<1x1x1x42x128xi32, #tpu.memory_space<hbm>> -> memref<42x128xi32, #tpu.memory_space<hbm>>
      %dma_start3A_60 = arith.constant 0 : i32
      %dma_start3A_61 = arith.constant 0 : i32
      %dma_start3A_62 = tpu.memref_slice %arg3[%run_scoped3A_31, %arg0, %arg1, %dma_start3A_60, %dma_start3A_61] : memref<2x2x16x42x128xi32, #tpu.memory_space<hbm>> -> memref<1x1x1x42x128xi32, #tpu.memory_space<hbm>>
      %dma_start3A_63 = tpu.memref_squeeze %dma_start3A_62 : memref<1x1x1x42x128xi32, #tpu.memory_space<hbm>> -> memref<42x128xi32, #tpu.memory_space<hbm>>
      tpu.enqueue_dma source(%dma_start3A_63 : memref<42x128xi32, #tpu.memory_space<hbm>>) target(%arg7 : memref<42x128xi32, #tpu.memory_space<vmem>>) target_semaphore(%run_scoped3A_55 : memref<!tpu.dma_semaphore, #tpu.memory_space<semaphore_mem>>)
      %dma_wait3A = arith.constant 0 : i32
      %dma_wait3A_64 = arith.constant 0 : i32
      %dma_wait3A_65 = tpu.memref_slice %arg3[%run_scoped3A_31, %arg0, %arg1, %dma_wait3A, %dma_wait3A_64] : memref<2x2x16x42x128xi32, #tpu.memory_space<hbm>> -> memref<1x1x1x42x128xi32, #tpu.memory_space<hbm>>
      %dma_wait3A_66 = tpu.memref_squeeze %dma_wait3A_65 : memref<1x1x1x42x128xi32, #tpu.memory_space<hbm>> -> memref<42x128xi32, #tpu.memory_space<hbm>>
      %dma_wait3A_67 = arith.constant 0 : i32
      %dma_wait3A_68 = arith.constant 0 : i32
      %dma_wait3A_69 = tpu.memref_slice %arg3[%run_scoped3A_31, %arg0, %arg1, %dma_wait3A_67, %dma_wait3A_68] : memref<2x2x16x42x128xi32, #tpu.memory_space<hbm>> -> memref<1x1x1x42x128xi32, #tpu.memory_space<hbm>>
      %dma_wait3A_70 = tpu.memref_squeeze %dma_wait3A_69 : memref<1x1x1x42x128xi32, #tpu.memory_space<hbm>> -> memref<42x128xi32, #tpu.memory_space<hbm>>
      tpu.wait_dma2 semaphore(%run_scoped3A_55 : memref<!tpu.dma_semaphore, #tpu.memory_space<semaphore_mem>>) src(%dma_wait3A_70 : memref<42x128xi32, #tpu.memory_space<hbm>>) dst(%arg7 : memref<42x128xi32, #tpu.memory_space<vmem>>)
      tpu.yield
    }) : () -> ()
    %run_scoped3A_32 = arith.constant 1 : i32
    "tpu.region"() ({
      %run_scoped3A_55 = tpu.sem_alloc : memref<!tpu.dma_semaphore, #tpu.memory_space<semaphore_mem>>
      %dma_start3A_56 = arith.constant 0 : i32
      %dma_start3A_57 = arith.constant 0 : i32
      %dma_start3A_58 = tpu.memref_slice %arg4[%run_scoped3A_32, %arg0, %arg1, %dma_start3A_56, %dma_start3A_57] : memref<2x2x16x42x128xi32, #tpu.memory_space<hbm>> -> memref<1x1x1x42x128xi32, #tpu.memory_space<hbm>>
      %dma_start3A_59 = tpu.memref_squeeze %dma_start3A_58 : memref<1x1x1x42x128xi32, #tpu.memory_space<hbm>> -> memref<42x128xi32, #tpu.memory_space<hbm>>
      %dma_start3A_60 = arith.constant 0 : i32
      %dma_start3A_61 = arith.constant 0 : i32
      %dma_start3A_62 = tpu.memref_slice %arg4[%run_scoped3A_32, %arg0, %arg1, %dma_start3A_60, %dma_start3A_61] : memref<2x2x16x42x128xi32, #tpu.memory_space<hbm>> -> memref<1x1x1x42x128xi32, #tpu.memory_space<hbm>>
      %dma_start3A_63 = tpu.memref_squeeze %dma_start3A_62 : memref<1x1x1x42x128xi32, #tpu.memory_space<hbm>> -> memref<42x128xi32, #tpu.memory_space<hbm>>
      tpu.enqueue_dma source(%dma_start3A_63 : memref<42x128xi32, #tpu.memory_space<hbm>>) target(%arg8 : memref<42x128xi32, #tpu.memory_space<vmem>>) target_semaphore(%run_scoped3A_55 : memref<!tpu.dma_semaphore, #tpu.memory_space<semaphore_mem>>)
      %dma_wait3A = arith.constant 0 : i32
      %dma_wait3A_64 = arith.constant 0 : i32
      %dma_wait3A_65 = tpu.memref_slice %arg4[%run_scoped3A_32, %arg0, %arg1, %dma_wait3A, %dma_wait3A_64] : memref<2x2x16x42x128xi32, #tpu.memory_space<hbm>> -> memref<1x1x1x42x128xi32, #tpu.memory_space<hbm>>
      %dma_wait3A_66 = tpu.memref_squeeze %dma_wait3A_65 : memref<1x1x1x42x128xi32, #tpu.memory_space<hbm>> -> memref<42x128xi32, #tpu.memory_space<hbm>>
      %dma_wait3A_67 = arith.constant 0 : i32
      %dma_wait3A_68 = arith.constant 0 : i32
      %dma_wait3A_69 = tpu.memref_slice %arg4[%run_scoped3A_32, %arg0, %arg1, %dma_wait3A_67, %dma_wait3A_68] : memref<2x2x16x42x128xi32, #tpu.memory_space<hbm>> -> memref<1x1x1x42x128xi32, #tpu.memory_space<hbm>>
      %dma_wait3A_70 = tpu.memref_squeeze %dma_wait3A_69 : memref<1x1x1x42x128xi32, #tpu.memory_space<hbm>> -> memref<42x128xi32, #tpu.memory_space<hbm>>
      tpu.wait_dma2 semaphore(%run_scoped3A_55 : memref<!tpu.dma_semaphore, #tpu.memory_space<semaphore_mem>>) src(%dma_wait3A_70 : memref<42x128xi32, #tpu.memory_space<hbm>>) dst(%arg8 : memref<42x128xi32, #tpu.memory_space<vmem>>)
      tpu.yield
    }) : () -> ()
    %barrier3A_33 = arith.constant 0 : index
    tpu.barrier barrier_id(%barrier3A_33)
    %dma_start3A_34 = arith.constant 0 : i32
    %dma_start3A_35 = arith.constant 0 : i32
    %dma_start3A_36 = tpu.memref_slice %arg7[%dma_start3A_34, %dma_start3A_35] : memref<42x128xi32, #tpu.memory_space<vmem>> -> memref<1x128xi32, #tpu.memory_space<vmem>>
    %dma_start3A_37 = tpu.memref_squeeze %dma_start3A_36 : memref<1x128xi32, #tpu.memory_space<vmem>> -> memref<128xi32, #tpu.memory_space<vmem>>
    %dma_start3A_38 = arith.constant 0 : i32
    %dma_start3A_39 = arith.constant 0 : i32
    %dma_start3A_40 = tpu.memref_slice %arg11[%dma_start3A_38, %dma_start3A_39] : memref<5248x128xf32, #tpu.memory_space<vmem_shared>> -> memref<5248x128xf32, #tpu.memory_space<vmem_shared>>
    tpu.enqueue_indirect_dma source(%dma_start3A_40 : memref<5248x128xf32, #tpu.memory_space<vmem_shared>>) target(%arg9 : memref<128x128xf32, #tpu.memory_space<vmem>>) offsets(%dma_start3A_37 : memref<128xi32, #tpu.memory_space<vmem>>) semaphore(%arg13 : memref<!tpu.dma_semaphore, #tpu.memory_space<semaphore_mem>>)
    %dma_start3A_41 = arith.constant 1 : i32
    %dma_start3A_42 = arith.constant 0 : i32
    %dma_start3A_43 = tpu.memref_slice %arg7[%dma_start3A_41, %dma_start3A_42] : memref<42x128xi32, #tpu.memory_space<vmem>> -> memref<1x128xi32, #tpu.memory_space<vmem>>
    %dma_start3A_44 = tpu.memref_squeeze %dma_start3A_43 : memref<1x128xi32, #tpu.memory_space<vmem>> -> memref<128xi32, #tpu.memory_space<vmem>>
    %dma_start3A_45 = arith.constant 0 : i32
    %dma_start3A_46 = arith.constant 0 : i32
    %dma_start3A_47 = tpu.memref_slice %arg11[%dma_start3A_45, %dma_start3A_46] : memref<5248x128xf32, #tpu.memory_space<vmem_shared>> -> memref<5248x128xf32, #tpu.memory_space<vmem_shared>>
    tpu.enqueue_indirect_dma source(%dma_start3A_47 : memref<5248x128xf32, #tpu.memory_space<vmem_shared>>) target(%arg10 : memref<128x128xf32, #tpu.memory_space<vmem>>) offsets(%dma_start3A_44 : memref<128xi32, #tpu.memory_space<vmem>>) semaphore(%arg14 : memref<!tpu.dma_semaphore, #tpu.memory_space<semaphore_mem>>)
    %scan3A_48 = arith.constant 0 : i32
    %scan3A_49 = arith.constant 0 : i32
    %scan3A_50 = arith.constant 21 : i32
    %scan3A_51 = arith.addi %scan3A_49, %scan3A_50 : i32
    %scan3A_52 = arith.constant 1 : i32
    scf.for %scan3A_55 = %scan3A_49 to %scan3A_51 step %scan3A_52  : i32 {
      %mul3A_56 = arith.constant 2 : i32
      %mul3A_57 = arith.muli %mul3A_56, %scan3A_55 : i32
      %add3A = arith.constant 1 : i32
      %add3A_58 = arith.addi %mul3A_57, %add3A : i32
      %dma_wait3A = arith.constant 0 : i32
      %dma_wait3A_59 = tpu.memref_slice %arg7[%mul3A_57, %dma_wait3A] : memref<42x128xi32, #tpu.memory_space<vmem>> -> memref<1x128xi32, #tpu.memory_space<vmem>>
      %dma_wait3A_60 = tpu.memref_squeeze %dma_wait3A_59 : memref<1x128xi32, #tpu.memory_space<vmem>> -> memref<128xi32, #tpu.memory_space<vmem>>
      %dma_wait3A_61 = arith.constant 0 : i32
      %dma_wait3A_62 = arith.constant 0 : i32
      %dma_wait3A_63 = tpu.memref_slice %arg11[%dma_wait3A_61, %dma_wait3A_62] : memref<5248x128xf32, #tpu.memory_space<vmem_shared>> -> memref<5248x128xf32, #tpu.memory_space<vmem_shared>>
      tpu.wait_indirect_dma semaphore(%arg13 : memref<!tpu.dma_semaphore, #tpu.memory_space<semaphore_mem>>) src(%dma_wait3A_63 : memref<5248x128xf32, #tpu.memory_space<vmem_shared>>) dst(%arg9 : memref<128x128xf32, #tpu.memory_space<vmem>>)
      "tpu.region"() ({
        %run_scoped3A_81 = tpu.sem_alloc : memref<!tpu.dma_semaphore, #tpu.memory_space<semaphore_mem>>
        %dma_start3A_82 = arith.constant 0 : i32
        %dma_start3A_83 = tpu.memref_slice %arg8[%mul3A_57, %dma_start3A_82] : memref<42x128xi32, #tpu.memory_space<vmem>> -> memref<1x128xi32, #tpu.memory_space<vmem>>
        %dma_start3A_84 = tpu.memref_squeeze %dma_start3A_83 : memref<1x128xi32, #tpu.memory_space<vmem>> -> memref<128xi32, #tpu.memory_space<vmem>>
        %dma_start3A_85 = arith.constant 0 : i32
        %dma_start3A_86 = arith.constant 0 : i32
        %dma_start3A_87 = tpu.memref_slice %arg12[%dma_start3A_85, %dma_start3A_86] : memref<5120x128xf32, #tpu.memory_space<vmem_shared>> -> memref<5120x128xf32, #tpu.memory_space<vmem_shared>>
        tpu.enqueue_indirect_dma source(%arg9 : memref<128x128xf32, #tpu.memory_space<vmem>>) target(%dma_start3A_87 : memref<5120x128xf32, #tpu.memory_space<vmem_shared>>) offsets(%dma_start3A_84 : memref<128xi32, #tpu.memory_space<vmem>>) semaphore(%run_scoped3A_81 : memref<!tpu.dma_semaphore, #tpu.memory_space<semaphore_mem>>) {add = true}
        %dma_wait3A_88 = arith.constant 0 : i32
        %dma_wait3A_89 = tpu.memref_slice %arg8[%mul3A_57, %dma_wait3A_88] : memref<42x128xi32, #tpu.memory_space<vmem>> -> memref<1x128xi32, #tpu.memory_space<vmem>>
        %dma_wait3A_90 = tpu.memref_squeeze %dma_wait3A_89 : memref<1x128xi32, #tpu.memory_space<vmem>> -> memref<128xi32, #tpu.memory_space<vmem>>
        %dma_wait3A_91 = arith.constant 0 : i32
        %dma_wait3A_92 = arith.constant 0 : i32
        %dma_wait3A_93 = tpu.memref_slice %arg12[%dma_wait3A_91, %dma_wait3A_92] : memref<5120x128xf32, #tpu.memory_space<vmem_shared>> -> memref<5120x128xf32, #tpu.memory_space<vmem_shared>>
        tpu.wait_indirect_dma semaphore(%run_scoped3A_81 : memref<!tpu.dma_semaphore, #tpu.memory_space<semaphore_mem>>) src(%arg9 : memref<128x128xf32, #tpu.memory_space<vmem>>) dst(%dma_wait3A_93 : memref<5120x128xf32, #tpu.memory_space<vmem_shared>>)
        tpu.yield
      }) : () -> ()
      %add3A_64 = arith.constant 2 : i32
      %add3A_65 = arith.addi %mul3A_57, %add3A_64 : i32
      %lt3A = arith.constant 42 : i32
      %lt3A_66 = arith.cmpi slt, %add3A_65, %lt3A : i32
      %convert_element_type3A = arith.extui %lt3A_66 : i1 to i32
      %cond3A = arith.constant 0 : i32
      %cond3A_67 = arith.cmpi ne, %convert_element_type3A, %cond3A : i32
      scf.if %cond3A_67 {
        %add3A_81 = arith.constant 2 : i32
        %add3A_82 = arith.addi %mul3A_57, %add3A_81 : i32
        %dma_start3A_83 = arith.constant 0 : i32
        %dma_start3A_84 = tpu.memref_slice %arg7[%add3A_82, %dma_start3A_83] : memref<42x128xi32, #tpu.memory_space<vmem>> -> memref<1x128xi32, #tpu.memory_space<vmem>>
        %dma_start3A_85 = tpu.memref_squeeze %dma_start3A_84 : memref<1x128xi32, #tpu.memory_space<vmem>> -> memref<128xi32, #tpu.memory_space<vmem>>
        %dma_start3A_86 = arith.constant 0 : i32
        %dma_start3A_87 = arith.constant 0 : i32
        %dma_start3A_88 = tpu.memref_slice %arg11[%dma_start3A_86, %dma_start3A_87] : memref<5248x128xf32, #tpu.memory_space<vmem_shared>> -> memref<5248x128xf32, #tpu.memory_space<vmem_shared>>
        tpu.enqueue_indirect_dma source(%dma_start3A_88 : memref<5248x128xf32, #tpu.memory_space<vmem_shared>>) target(%arg9 : memref<128x128xf32, #tpu.memory_space<vmem>>) offsets(%dma_start3A_85 : memref<128xi32, #tpu.memory_space<vmem>>) semaphore(%arg13 : memref<!tpu.dma_semaphore, #tpu.memory_space<semaphore_mem>>)
      } else {
      }
      %dma_wait3A_68 = arith.constant 0 : i32
      %dma_wait3A_69 = tpu.memref_slice %arg7[%add3A_58, %dma_wait3A_68] : memref<42x128xi32, #tpu.memory_space<vmem>> -> memref<1x128xi32, #tpu.memory_space<vmem>>
      %dma_wait3A_70 = tpu.memref_squeeze %dma_wait3A_69 : memref<1x128xi32, #tpu.memory_space<vmem>> -> memref<128xi32, #tpu.memory_space<vmem>>
      %dma_wait3A_71 = arith.constant 0 : i32
      %dma_wait3A_72 = arith.constant 0 : i32
      %dma_wait3A_73 = tpu.memref_slice %arg11[%dma_wait3A_71, %dma_wait3A_72] : memref<5248x128xf32, #tpu.memory_space<vmem_shared>> -> memref<5248x128xf32, #tpu.memory_space<vmem_shared>>
      tpu.wait_indirect_dma semaphore(%arg14 : memref<!tpu.dma_semaphore, #tpu.memory_space<semaphore_mem>>) src(%dma_wait3A_73 : memref<5248x128xf32, #tpu.memory_space<vmem_shared>>) dst(%arg10 : memref<128x128xf32, #tpu.memory_space<vmem>>)
      "tpu.region"() ({
        %run_scoped3A_81 = tpu.sem_alloc : memref<!tpu.dma_semaphore, #tpu.memory_space<semaphore_mem>>
        %dma_start3A_82 = arith.constant 0 : i32
        %dma_start3A_83 = tpu.memref_slice %arg8[%add3A_58, %dma_start3A_82] : memref<42x128xi32, #tpu.memory_space<vmem>> -> memref<1x128xi32, #tpu.memory_space<vmem>>
        %dma_start3A_84 = tpu.memref_squeeze %dma_start3A_83 : memref<1x128xi32, #tpu.memory_space<vmem>> -> memref<128xi32, #tpu.memory_space<vmem>>
        %dma_start3A_85 = arith.constant 0 : i32
        %dma_start3A_86 = arith.constant 0 : i32
        %dma_start3A_87 = tpu.memref_slice %arg12[%dma_start3A_85, %dma_start3A_86] : memref<5120x128xf32, #tpu.memory_space<vmem_shared>> -> memref<5120x128xf32, #tpu.memory_space<vmem_shared>>
        tpu.enqueue_indirect_dma source(%arg10 : memref<128x128xf32, #tpu.memory_space<vmem>>) target(%dma_start3A_87 : memref<5120x128xf32, #tpu.memory_space<vmem_shared>>) offsets(%dma_start3A_84 : memref<128xi32, #tpu.memory_space<vmem>>) semaphore(%run_scoped3A_81 : memref<!tpu.dma_semaphore, #tpu.memory_space<semaphore_mem>>) {add = true}
        %dma_wait3A_88 = arith.constant 0 : i32
        %dma_wait3A_89 = tpu.memref_slice %arg8[%add3A_58, %dma_wait3A_88] : memref<42x128xi32, #tpu.memory_space<vmem>> -> memref<1x128xi32, #tpu.memory_space<vmem>>
        %dma_wait3A_90 = tpu.memref_squeeze %dma_wait3A_89 : memref<1x128xi32, #tpu.memory_space<vmem>> -> memref<128xi32, #tpu.memory_space<vmem>>
        %dma_wait3A_91 = arith.constant 0 : i32
        %dma_wait3A_92 = arith.constant 0 : i32
        %dma_wait3A_93 = tpu.memref_slice %arg12[%dma_wait3A_91, %dma_wait3A_92] : memref<5120x128xf32, #tpu.memory_space<vmem_shared>> -> memref<5120x128xf32, #tpu.memory_space<vmem_shared>>
        tpu.wait_indirect_dma semaphore(%run_scoped3A_81 : memref<!tpu.dma_semaphore, #tpu.memory_space<semaphore_mem>>) src(%arg10 : memref<128x128xf32, #tpu.memory_space<vmem>>) dst(%dma_wait3A_93 : memref<5120x128xf32, #tpu.memory_space<vmem_shared>>)
        tpu.yield
      }) : () -> ()
      %add3A_74 = arith.constant 2 : i32
      %add3A_75 = arith.addi %add3A_58, %add3A_74 : i32
      %lt3A_76 = arith.constant 42 : i32
      %lt3A_77 = arith.cmpi slt, %add3A_75, %lt3A_76 : i32
      %convert_element_type3A_78 = arith.extui %lt3A_77 : i1 to i32
      %cond3A_79 = arith.constant 0 : i32
      %cond3A_80 = arith.cmpi ne, %convert_element_type3A_78, %cond3A_79 : i32
      scf.if %cond3A_80 {
        %add3A_81 = arith.constant 2 : i32
        %add3A_82 = arith.addi %add3A_58, %add3A_81 : i32
        %dma_start3A_83 = arith.constant 0 : i32
        %dma_start3A_84 = tpu.memref_slice %arg7[%add3A_82, %dma_start3A_83] : memref<42x128xi32, #tpu.memory_space<vmem>> -> memref<1x128xi32, #tpu.memory_space<vmem>>
        %dma_start3A_85 = tpu.memref_squeeze %dma_start3A_84 : memref<1x128xi32, #tpu.memory_space<vmem>> -> memref<128xi32, #tpu.memory_space<vmem>>
        %dma_start3A_86 = arith.constant 0 : i32
        %dma_start3A_87 = arith.constant 0 : i32
        %dma_start3A_88 = tpu.memref_slice %arg11[%dma_start3A_86, %dma_start3A_87] : memref<5248x128xf32, #tpu.memory_space<vmem_shared>> -> memref<5248x128xf32, #tpu.memory_space<vmem_shared>>
        tpu.enqueue_indirect_dma source(%dma_start3A_88 : memref<5248x128xf32, #tpu.memory_space<vmem_shared>>) target(%arg10 : memref<128x128xf32, #tpu.memory_space<vmem>>) offsets(%dma_start3A_85 : memref<128xi32, #tpu.memory_space<vmem>>) semaphore(%arg14 : memref<!tpu.dma_semaphore, #tpu.memory_space<semaphore_mem>>)
      } else {
      }
    }
    %scan3A_53 = arith.constant 21 : i32
    %barrier3A_54 = arith.constant 0 : index
    tpu.barrier barrier_id(%barrier3A_54)
    "tpu.region"() ({
      %run_scoped3A_55 = tpu.sem_alloc : memref<!tpu.dma_semaphore, #tpu.memory_space<semaphore_mem>>
      %dma_start3A_56 = arith.constant 0 : i32
      %dma_start3A_57 = tpu.memref_slice %arg6[%arg0, %mul3A_0, %dma_start3A_56] : memref<2x5120x128xf32, #tpu.memory_space<hbm>> -> memref<1x320x128xf32, #tpu.memory_space<hbm>>
      %dma_start3A_58 = tpu.memref_squeeze %dma_start3A_57 : memref<1x320x128xf32, #tpu.memory_space<hbm>> -> memref<320x128xf32, #tpu.memory_space<hbm>>
      %dma_start3A_59 = arith.constant 0 : i32
      %dma_start3A_60 = tpu.memref_slice %arg12[%mul3A_0, %dma_start3A_59] : memref<5120x128xf32, #tpu.memory_space<vmem_shared>> -> memref<320x128xf32, #tpu.memory_space<vmem_shared>>
      tpu.enqueue_dma source(%dma_start3A_60 : memref<320x128xf32, #tpu.memory_space<vmem_shared>>) target(%dma_start3A_58 : memref<320x128xf32, #tpu.memory_space<hbm>>) target_semaphore(%run_scoped3A_55 : memref<!tpu.dma_semaphore, #tpu.memory_space<semaphore_mem>>)
      %dma_wait3A = arith.constant 0 : i32
      %dma_wait3A_61 = tpu.memref_slice %arg6[%arg0, %mul3A_0, %dma_wait3A] : memref<2x5120x128xf32, #tpu.memory_space<hbm>> -> memref<1x320x128xf32, #tpu.memory_space<hbm>>
      %dma_wait3A_62 = tpu.memref_squeeze %dma_wait3A_61 : memref<1x320x128xf32, #tpu.memory_space<hbm>> -> memref<320x128xf32, #tpu.memory_space<hbm>>
      %dma_wait3A_63 = arith.constant 0 : i32
      %dma_wait3A_64 = tpu.memref_slice %arg12[%mul3A_0, %dma_wait3A_63] : memref<5120x128xf32, #tpu.memory_space<vmem_shared>> -> memref<320x128xf32, #tpu.memory_space<vmem_shared>>
      tpu.wait_dma2 semaphore(%run_scoped3A_55 : memref<!tpu.dma_semaphore, #tpu.memory_space<semaphore_mem>>) src(%dma_wait3A_64 : memref<320x128xf32, #tpu.memory_space<vmem_shared>>) dst(%dma_wait3A_62 : memref<320x128xf32, #tpu.memory_space<hbm>>)
      tpu.yield
    }) : () -> ()
    return
  }
}

module attributes {stable_mosaic.version = 14 : i64} {
  func.func @_tc_body(%arg0: i32, %arg1: memref<2000x128xf32, #tpu.memory_space<vmem>>, %arg2: memref<2x2000x128xf32, #tpu.memory_space<vmem>>, %arg3: memref<2000x128xf32, #tpu.memory_space<vmem>>, %arg4: memref<128x128xf32, #tpu.memory_space<vmem>>, %arg5: memref<128x128xf32, #tpu.memory_space<vmem>>, %arg6: memref<1x128xf32, #tpu.memory_space<vmem>>, %arg7: memref<2000x128xf32, #tpu.memory_space<vmem>>) attributes {dimension_semantics = [#tpu.dimension_semantics<arbitrary>], iteration_bounds = array<i64: 5>, scalar_prefetch = 0 : i64, scratch_operands = 0 : i64, tpu.core_type = #tpu.core_type<tc>, window_params = [{transform_indices = @transform_0, window_bounds = array<i64: 2000, 128>}, {transform_indices = @transform_1, window_bounds = array<i64: 2, 2000, 128>}, {transform_indices = @transform_2, window_bounds = array<i64: 2000, 128>}, {pipeline_mode = #tpu.pipeline_mode<synchronous>, transform_indices = @transform_3, window_bounds = array<i64: 128, 128>}, {pipeline_mode = #tpu.pipeline_mode<synchronous>, transform_indices = @transform_4, window_bounds = array<i64: 128, 128>}, {pipeline_mode = #tpu.pipeline_mode<synchronous>, transform_indices = @transform_5, window_bounds = array<i64: 1, 128>}, {transform_indices = @transform_6, window_bounds = array<i64: 2000, 128>}]} {
    %get3A = arith.constant 0 : index
    %get3A_0 = arith.constant 0 : index
    %get3A_1 = vector.load %arg1[%get3A, %get3A_0] : memref<2000x128xf32, #tpu.memory_space<vmem>>, vector<2000x128xf32>
    %get3A_2 = arith.constant 0 : index
    %get3A_3 = arith.constant 0 : index
    %get3A_4 = arith.constant 0 : index
    %get3A_5 = vector.load %arg2[%get3A_2, %get3A_3, %get3A_4] : memref<2x2000x128xf32, #tpu.memory_space<vmem>>, vector<1x2000x1xf32>
    %get3A_6 = vector.shape_cast %get3A_5 : vector<1x2000x1xf32> to vector<2000x1xf32>
    %get3A_7 = arith.constant 1 : index
    %get3A_8 = arith.constant 0 : index
    %get3A_9 = arith.constant 0 : index
    %get3A_10 = vector.load %arg2[%get3A_7, %get3A_8, %get3A_9] : memref<2x2000x128xf32, #tpu.memory_space<vmem>>, vector<1x2000x1xf32>
    %get3A_11 = vector.shape_cast %get3A_10 : vector<1x2000x1xf32> to vector<2000x1xf32>
    %add3A = arith.addf %get3A_6, %get3A_11 : vector<2000x1xf32>
    %max3A = arith.constant 1.000000e+00 : f32
    %max3A_12 = vector.broadcast %max3A : f32 to vector<2000x1xf32>
    %max3A_13 = arith.maximumf %add3A, %max3A_12 : vector<2000x1xf32>
    %div3A = arith.constant 1.000000e+00 : f32
    %div3A_14 = vector.broadcast %div3A : f32 to vector<2000x1xf32>
    %div3A_15 = arith.divf %div3A_14, %max3A_13 : vector<2000x1xf32>
    %mul3A = vector.broadcast %div3A_15 : vector<2000x1xf32> to vector<2000x128xf32>
    %mul3A_16 = arith.mulf %get3A_1, %mul3A : vector<2000x128xf32>
    %get3A_17 = arith.constant 0 : index
    %get3A_18 = arith.constant 0 : index
    %get3A_19 = vector.load %arg4[%get3A_17, %get3A_18] : memref<128x128xf32, #tpu.memory_space<vmem>>, vector<128x128xf32>
    %dot_general3A = arith.constant dense<0.000000e+00> : vector<2000x128xf32>
    %dot_general3A_20 = tpu.matmul %mul3A_16, %get3A_19, %dot_general3A {dimension_numbers = #tpu.dot_dimension_numbers<[1], [0], [0], [1], [0, 0, 1, 1], [], []>, transpose_lhs_hint = false} : vector<2000x128xf32>, vector<128x128xf32>, vector<2000x128xf32> -> vector<2000x128xf32>
    %get3A_21 = arith.constant 0 : index
    %get3A_22 = arith.constant 0 : index
    %get3A_23 = vector.load %arg3[%get3A_21, %get3A_22] : memref<2000x128xf32, #tpu.memory_space<vmem>>, vector<2000x128xf32>
    %get3A_24 = arith.constant 0 : index
    %get3A_25 = arith.constant 0 : index
    %get3A_26 = vector.load %arg5[%get3A_24, %get3A_25] : memref<128x128xf32, #tpu.memory_space<vmem>>, vector<128x128xf32>
    %dot_general3A_27 = arith.constant dense<0.000000e+00> : vector<2000x128xf32>
    %dot_general3A_28 = tpu.matmul %get3A_23, %get3A_26, %dot_general3A_27 {dimension_numbers = #tpu.dot_dimension_numbers<[1], [0], [0], [1], [0, 0, 1, 1], [], []>, transpose_lhs_hint = false} : vector<2000x128xf32>, vector<128x128xf32>, vector<2000x128xf32> -> vector<2000x128xf32>
    %add3A_29 = arith.addf %dot_general3A_20, %dot_general3A_28 : vector<2000x128xf32>
    %get3A_30 = arith.constant 0 : index
    %get3A_31 = arith.constant 0 : index
    %get3A_32 = vector.load %arg6[%get3A_30, %get3A_31] : memref<1x128xf32, #tpu.memory_space<vmem>>, vector<1x128xf32>
    %add3A_33 = vector.broadcast %get3A_32 : vector<1x128xf32> to vector<2000x128xf32>
    %add3A_34 = arith.addf %add3A_29, %add3A_33 : vector<2000x128xf32>
    %max3A_35 = arith.constant 0.000000e+00 : f32
    %max3A_36 = vector.broadcast %max3A_35 : f32 to vector<2000x128xf32>
    %max3A_37 = arith.maximumf %add3A_34, %max3A_36 : vector<2000x128xf32>
    %swap3A = arith.constant 0 : index
    %swap3A_38 = arith.constant 0 : index
    %swap3A_39 = vector.load %arg7[%swap3A, %swap3A_38] : memref<2000x128xf32, #tpu.memory_space<vmem>>, vector<2000x128xf32>
    tpu.vector_store %arg7[%swap3A, %swap3A_38], %max3A_37 {strides = array<i32>} : memref<2000x128xf32, #tpu.memory_space<vmem>>, vector<2000x128xf32>,
    return
  }
  func.func @transform_0(%arg0: i32) -> (i32, i32) {
    %c0_i32 = arith.constant 0 : i32
    %c0_i32_0 = arith.constant 0 : i32
    return %arg0, %c0_i32 : i32, i32
  }
  func.func @transform_1(%arg0: i32) -> (i32, i32, i32) {
    %c0_i32 = arith.constant 0 : i32
    %c0_i32_0 = arith.constant 0 : i32
    %c0_i32_1 = arith.constant 0 : i32
    return %c0_i32, %arg0, %c0_i32_0 : i32, i32, i32
  }
  func.func @transform_2(%arg0: i32) -> (i32, i32) {
    %c0_i32 = arith.constant 0 : i32
    %c0_i32_0 = arith.constant 0 : i32
    return %arg0, %c0_i32 : i32, i32
  }
  func.func @transform_3(%arg0: i32) -> (i32, i32) {
    %c0_i32 = arith.constant 0 : i32
    %c0_i32_0 = arith.constant 0 : i32
    %c0_i32_1 = arith.constant 0 : i32
    return %c0_i32, %c0_i32_0 : i32, i32
  }
  func.func @transform_4(%arg0: i32) -> (i32, i32) {
    %c0_i32 = arith.constant 0 : i32
    %c0_i32_0 = arith.constant 0 : i32
    %c0_i32_1 = arith.constant 0 : i32
    return %c0_i32, %c0_i32_0 : i32, i32
  }
  func.func @transform_5(%arg0: i32) -> (i32, i32) {
    %c0_i32 = arith.constant 0 : i32
    %c0_i32_0 = arith.constant 0 : i32
    %c0_i32_1 = arith.constant 0 : i32
    return %c0_i32, %c0_i32_0 : i32, i32
  }
  func.func @transform_6(%arg0: i32) -> (i32, i32) {
    %c0_i32 = arith.constant 0 : i32
    %c0_i32_0 = arith.constant 0 : i32
    return %arg0, %c0_i32 : i32, i32
  }
}

module attributes {stable_mosaic.version = 14 : i64} {
  func.func @_tc_body(%arg0: i32, %arg1: memref<2000x128xf32, #tpu.memory_space<vmem>>, %arg2: memref<2x2000x128xf32, #tpu.memory_space<vmem>>, %arg3: memref<2000x128xf32, #tpu.memory_space<vmem>>, %arg4: memref<128x128xf32, #tpu.memory_space<vmem>>, %arg5: memref<128x128xf32, #tpu.memory_space<vmem>>, %arg6: memref<1x128xf32, #tpu.memory_space<vmem>>, %arg7: memref<2000x128xf32, #tpu.memory_space<vmem>>) attributes {dimension_semantics = [#tpu.dimension_semantics<arbitrary>], iteration_bounds = array<i64: 5>, scalar_prefetch = 0 : i64, scratch_operands = 0 : i64, tpu.core_type = #tpu.core_type<tc>, window_params = [{transform_indices = @transform_0, window_bounds = array<i64: 2000, 128>}, {transform_indices = @transform_1, window_bounds = array<i64: 2, 2000, 128>}, {transform_indices = @transform_2, window_bounds = array<i64: 2000, 128>}, {pipeline_mode = #tpu.pipeline_mode<synchronous>, transform_indices = @transform_3, window_bounds = array<i64: 128, 128>}, {pipeline_mode = #tpu.pipeline_mode<synchronous>, transform_indices = @transform_4, window_bounds = array<i64: 128, 128>}, {pipeline_mode = #tpu.pipeline_mode<synchronous>, transform_indices = @transform_5, window_bounds = array<i64: 1, 128>}, {transform_indices = @transform_6, window_bounds = array<i64: 2000, 128>}]} {
    %get3A = arith.constant 0 : index
    %get3A_0 = arith.constant 0 : index
    %get3A_1 = vector.load %arg1[%get3A, %get3A_0] : memref<2000x128xf32, #tpu.memory_space<vmem>>, vector<2000x128xf32>
    %get3A_2 = arith.constant 0 : index
    %get3A_3 = arith.constant 0 : index
    %get3A_4 = arith.constant 0 : index
    %get3A_5 = vector.load %arg2[%get3A_2, %get3A_3, %get3A_4] : memref<2x2000x128xf32, #tpu.memory_space<vmem>>, vector<1x2000x1xf32>
    %get3A_6 = vector.shape_cast %get3A_5 : vector<1x2000x1xf32> to vector<2000x1xf32>
    %get3A_7 = arith.constant 1 : index
    %get3A_8 = arith.constant 0 : index
    %get3A_9 = arith.constant 0 : index
    %get3A_10 = vector.load %arg2[%get3A_7, %get3A_8, %get3A_9] : memref<2x2000x128xf32, #tpu.memory_space<vmem>>, vector<1x2000x1xf32>
    %get3A_11 = vector.shape_cast %get3A_10 : vector<1x2000x1xf32> to vector<2000x1xf32>
    %add3A = arith.addf %get3A_6, %get3A_11 : vector<2000x1xf32>
    %max3A = arith.constant 1.000000e+00 : f32
    %max3A_12 = vector.broadcast %max3A : f32 to vector<2000x1xf32>
    %max3A_13 = arith.maximumf %add3A, %max3A_12 : vector<2000x1xf32>
    %div3A = arith.constant 1.000000e+00 : f32
    %div3A_14 = vector.broadcast %div3A : f32 to vector<2000x1xf32>
    %div3A_15 = arith.divf %div3A_14, %max3A_13 : vector<2000x1xf32>
    %mul3A = vector.broadcast %div3A_15 : vector<2000x1xf32> to vector<2000x128xf32>
    %mul3A_16 = arith.mulf %get3A_1, %mul3A : vector<2000x128xf32>
    %get3A_17 = arith.constant 0 : index
    %get3A_18 = arith.constant 0 : index
    %get3A_19 = vector.load %arg4[%get3A_17, %get3A_18] : memref<128x128xf32, #tpu.memory_space<vmem>>, vector<128x128xf32>
    %dot_general3A = arith.constant dense<0.000000e+00> : vector<2000x128xf32>
    %dot_general3A_20 = tpu.matmul %mul3A_16, %get3A_19, %dot_general3A {dimension_numbers = #tpu.dot_dimension_numbers<[1], [0], [0], [1], [0, 0, 1, 1], [], []>, transpose_lhs_hint = false} : vector<2000x128xf32>, vector<128x128xf32>, vector<2000x128xf32> -> vector<2000x128xf32>
    %get3A_21 = arith.constant 0 : index
    %get3A_22 = arith.constant 0 : index
    %get3A_23 = vector.load %arg3[%get3A_21, %get3A_22] : memref<2000x128xf32, #tpu.memory_space<vmem>>, vector<2000x128xf32>
    %get3A_24 = arith.constant 0 : index
    %get3A_25 = arith.constant 0 : index
    %get3A_26 = vector.load %arg5[%get3A_24, %get3A_25] : memref<128x128xf32, #tpu.memory_space<vmem>>, vector<128x128xf32>
    %dot_general3A_27 = arith.constant dense<0.000000e+00> : vector<2000x128xf32>
    %dot_general3A_28 = tpu.matmul %get3A_23, %get3A_26, %dot_general3A_27 {dimension_numbers = #tpu.dot_dimension_numbers<[1], [0], [0], [1], [0, 0, 1, 1], [], []>, transpose_lhs_hint = false} : vector<2000x128xf32>, vector<128x128xf32>, vector<2000x128xf32> -> vector<2000x128xf32>
    %add3A_29 = arith.addf %dot_general3A_20, %dot_general3A_28 : vector<2000x128xf32>
    %get3A_30 = arith.constant 0 : index
    %get3A_31 = arith.constant 0 : index
    %get3A_32 = vector.load %arg6[%get3A_30, %get3A_31] : memref<1x128xf32, #tpu.memory_space<vmem>>, vector<1x128xf32>
    %add3A_33 = vector.broadcast %get3A_32 : vector<1x128xf32> to vector<2000x128xf32>
    %add3A_34 = arith.addf %add3A_29, %add3A_33 : vector<2000x128xf32>
    %swap3A = arith.constant 0 : index
    %swap3A_35 = arith.constant 0 : index
    %swap3A_36 = vector.load %arg7[%swap3A, %swap3A_35] : memref<2000x128xf32, #tpu.memory_space<vmem>>, vector<2000x128xf32>
    tpu.vector_store %arg7[%swap3A, %swap3A_35], %add3A_34 {strides = array<i32>} : memref<2000x128xf32, #tpu.memory_space<vmem>>, vector<2000x128xf32>,
    return
  }
  func.func @transform_0(%arg0: i32) -> (i32, i32) {
    %c0_i32 = arith.constant 0 : i32
    %c0_i32_0 = arith.constant 0 : i32
    return %arg0, %c0_i32 : i32, i32
  }
  func.func @transform_1(%arg0: i32) -> (i32, i32, i32) {
    %c0_i32 = arith.constant 0 : i32
    %c0_i32_0 = arith.constant 0 : i32
    %c0_i32_1 = arith.constant 0 : i32
    return %c0_i32, %arg0, %c0_i32_0 : i32, i32, i32
  }
  func.func @transform_2(%arg0: i32) -> (i32, i32) {
    %c0_i32 = arith.constant 0 : i32
    %c0_i32_0 = arith.constant 0 : i32
    return %arg0, %c0_i32 : i32, i32
  }
  func.func @transform_3(%arg0: i32) -> (i32, i32) {
    %c0_i32 = arith.constant 0 : i32
    %c0_i32_0 = arith.constant 0 : i32
    %c0_i32_1 = arith.constant 0 : i32
    return %c0_i32, %c0_i32_0 : i32, i32
  }
  func.func @transform_4(%arg0: i32) -> (i32, i32) {
    %c0_i32 = arith.constant 0 : i32
    %c0_i32_0 = arith.constant 0 : i32
    %c0_i32_1 = arith.constant 0 : i32
    return %c0_i32, %c0_i32_0 : i32, i32
  }
  func.func @transform_5(%arg0: i32) -> (i32, i32) {
    %c0_i32 = arith.constant 0 : i32
    %c0_i32_0 = arith.constant 0 : i32
    %c0_i32_1 = arith.constant 0 : i32
    return %c0_i32, %c0_i32_0 : i32, i32
  }
  func.func @transform_6(%arg0: i32) -> (i32, i32) {
    %c0_i32 = arith.constant 0 : i32
    %c0_i32_0 = arith.constant 0 : i32
    return %arg0, %c0_i32 : i32, i32
  }
}

</mosaic_0001>

<sc_bundles>
// kernel: gather_offload_async_start
scs
__scs_entry_jumppad:
0x0: {  	(pc) =	sbr.rel $0x88, $3  }
0x1: {  	(tag) =	ssettag $0x0;
	lr =	simm.s32 $0x1  }
0x2: {  	[smem:$0x3F96] =	sst lr;
	_ =	strace $0xD0000000  }
0x3: {  	_ = 	snop  }
0x4: {  	_ = 	snop  }
0x5: {  	_ = 	snop  }
0x6: {  	_ = 	snop  }
0x7: {  	_ = 	snop  }
__scs_overlays_trampoline_lowered:
0x8: {  	[smem:$0x3FA5] =	sst s0  }
0x9: {  	[smem:$0x3FA6] =	sst s1  }
0xa: {  	[smem:$0x3FA7] =	sst s2  }
0xb: {  	[smem:$0x3FA8] =	sst s3  }
0xc: {  	[smem:$0x3FA9] =	sst s4  }
0xd: {  	[smem:$0x3FAA] =	sst s5  }
0xe: {  	[smem:$0x3FAB] =	sst s6  }
0xf: {  	[smem:$0x3FAC] =	sst s7  }
0x10: {  	[smem:$0x3FAD] =	sst s8  }
0x11: {  	[smem:$0x3FAE] =	sst s9;
	s0 =	simm.s32 @!p0 $0x0  }
0x12: {  	s1 =	sld [smem:$0x3F94];
	s0 =	simm.s32 @p0 $0x1  }
0x13: {  	[smem:$0x3FAF] =	sst s0;
	s0 =	simm.s32 @!p1 $0x0  }
0x14: {  	s2 =	sld [smem:$0x3F93];
	s0 =	simm.s32 @p1 $0x1  }
0x15: {  	[smem:$0x3FB0] =	sst s0;
	s0 =	simm.s32 @!p2 $0x0  }
0x16: {  	s3 =	sld [smem:$0x3FDB];
	s0 =	simm.s32 @p2 $0x1  }
0x17: {  	s4 =	simm.s32 $0x1BF5;
	[smem:$0x3FB2] =	sst s0  }
0x18: {  	s0 =	sld [smem:$0x3F95];
	_ =	swait.ge [sflag:s4], $0x0  }
0x19: {  	s7 =	sld [smem:$0x3F96]  }
0x1a: {  	s8 =	sadd.s32 $0xFFFFE003, lr  }
0x1b: {  	s9 =	sadd.s32 $0xFFFFFEF7, lr;
	s5 =	simm.s32 $0xFFFFFFFF;
	p2 =	slt.u32 s8, $0xFFFFF086  }
0x1c: {  	p1 =	slt.u32 s9, $0xF7A;
	s5 =	simm.s32 @!p2 $0x0  }
0x1d: {  	s5 =	simm.s32 @p1 $0x1;
	p0 =	seq.s32 s7, s2  }
0x1e: {  	s7 =	smul.u32 @!p0 $0xF7A, s2;
	p2 =	seq.s32 @!p0 s5, $0x0  }
0x1f: {  	s9 =	smul.u32 $0xF7A, s1;
	s8 =	simm.s32 @!p0 $0x1BF5;
	p2 =	por !p2, p0  }
0x20: {  	[sflag:s8] =	ssyncset.s32 @!p0 $0xFFFFF086;
	s6 =	sadd.s32 @!p0 s3, s7;
	s7 =	simm.s32 @!p0 $0x108  }
0x21: {  	s3 =	sadd.s32 s3, s9;
	s6 =	sadd.s32 @!p0 $0x88, s6;
	s7 =	simm.s32 @p2 $0x1082  }
0x22: {  	[simem:s7], [sflag:s8] =	dma.local @!p0 [hbm:s6], $0xF7A  }
0x23: {  	s9 =	sor.u32 $0xD0000000, s2;
	s6 =	simm.s32 $0x108;
	_ =	swait.ge @!p0 [sflag:s8], $0x0  }
0x24: {  	s3 =	sadd.s32 $0x88, s3;
	s6 =	simm.s32 @!p1 $0x1082;
	[sflag:s4] =	ssyncset.s32 $0xFFFFF086  }
0x25: {  	[simem:s6], [sflag:s4] =	dma.local [hbm:s3], $0xF7A  }
0x26: {  	[smem:$0x3F96] =	sst s1;
	(tag) =	ssettag s2;
	_ =	strace s9  }
0x27: {  	s1 =	sld [smem:$0x3FA6]  }
0x28: {  	s2 =	sld [smem:$0x3FA7]  }
0x29: {  	s4 =	sld [smem:$0x3FA9]  }
0x2a: {  	p0 =	seq.s32 s5, $0x0;
	s5 =	sld [smem:$0x3FAA]  }
0x2b: {  	s6 =	sld [smem:$0x3FAB]  }
0x2c: {  	s7 =	sld [smem:$0x3FAC]  }
0x2d: {  	s3 =	simm.s32 $0x108;
	s8 =	sld [smem:$0x3FAD]  }
0x2e: {  	s3 =	simm.s32 @!p0 $0x1082;
	s9 =	sld [smem:$0x3FAE]  }
0x2f: {  	lr =	sadd.s32 s0, s3;
	s0 =	sld [smem:$0x3FA5]  }
0x30: {  	s3 =	sld [smem:$0x3FA8]  }
0x31: {  	[smem:$0x3FB1] =	sst s10  }
0x32: {  	s10 =	sld [smem:$0x3FAF];
	_ =	sdelay $0x3  }
0x33: {  	p0 =	seq.s32 s10, $0x1;
	s10 =	sld [smem:$0x3FB1];
	_ =	sdelay $0x3  }
0x34: {  	[smem:$0x3FB1] =	sst s10  }
0x35: {  	s10 =	sld [smem:$0x3FB0];
	_ =	sdelay $0x3  }
0x36: {  	p1 =	seq.s32 s10, $0x1;
	s10 =	sld [smem:$0x3FB1];
	_ =	sdelay $0x3  }
0x37: {  	[smem:$0x3FB1] =	sst s10  }
0x38: {  	s10 =	sld [smem:$0x3FB2]  }
0x39: {  	_ = 	snop;
	(pc) =	sbr.ind lr, $3  }
0x3a: {  	_ = 	snop  }
0x3b: {  	_ = 	snop  }
0x3c: {  	p2 =	seq.s32 s10, $0x1;
	s10 =	sld [smem:$0x3FB1]  }
0x3d: {  	_ =	shalt  }
0x3e: {  	_ =	shalt  }
0x3f: {  	_ =	shalt  }
0x40: {  	_ =	shalt  }
0x41: {  	_ =	shalt  }
0x42: {  	_ =	shalt  }
0x43: {  	_ =	shalt  }
0x44: {  	_ =	shalt  }
0x45: {  	_ =	shalt  }
0x46: {  	_ =	shalt  }
0x47: {  	_ =	shalt  }
0x48: {  	_ =	shalt  }
0x49: {  	_ =	shalt  }
0x4a: {  	_ =	shalt  }
0x4b: {  	_ =	shalt  }
0x4c: {  	_ =	shalt  }
0x4d: {  	_ =	shalt  }
0x4e: {  	_ =	shalt  }
0x4f: {  	_ =	shalt  }
0x50: {  	_ =	shalt  }
0x51: {  	_ =	shalt  }
0x52: {  	_ =	shalt  }
0x53: {  	_ =	shalt  }
0x54: {  	_ =	shalt  }
0x55: {  	_ =	shalt  }
0x56: {  	_ =	shalt  }
0x57: {  	_ =	shalt  }
0x58: {  	_ =	shalt  }
0x59: {  	_ =	shalt  }
0x5a: {  	_ =	shalt  }
0x5b: {  	_ =	shalt  }
0x5c: {  	_ =	shalt  }
0x5d: {  	_ =	shalt  }
0x5e: {  	_ =	shalt  }
0x5f: {  	_ =	shalt  }
0x60: {  	_ =	shalt  }
0x61: {  	_ =	shalt  }
0x62: {  	_ =	shalt  }
0x63: {  	_ =	shalt  }
0x64: {  	_ =	shalt  }
0x65: {  	_ =	shalt  }
0x66: {  	_ =	shalt  }
0x67: {  	_ =	shalt  }
0x68: {  	_ =	shalt  }
0x69: {  	_ =	shalt  }
0x6a: {  	_ =	shalt  }
0x6b: {  	_ =	shalt  }
0x6c: {  	_ =	shalt  }
0x6d: {  	_ =	shalt  }
0x6e: {  	_ =	shalt  }
0x6f: {  	_ =	shalt  }
0x70: {  	_ =	shalt  }
0x71: {  	_ =	shalt  }
0x72: {  	_ =	shalt  }
0x73: {  	_ =	shalt  }
0x74: {  	_ =	shalt  }
0x75: {  	_ =	shalt  }
0x76: {  	_ =	shalt  }
0x77: {  	_ =	shalt  }
0x78: {  	_ =	shalt  }
0x79: {  	_ =	shalt  }
0x7a: {  	_ =	shalt  }
0x7b: {  	_ =	shalt  }
0x7c: {  	_ =	shalt  }
0x7d: {  	_ =	shalt  }
0x7e: {  	_ =	shalt  }
0x7f: {  	_ =	shalt  }
0x80: {  	_ =	shalt  }
0x81: {  	_ =	shalt  }
0x82: {  	_ =	shalt  }
0x83: {  	_ =	shalt  }
0x84: {  	_ =	shalt  }
0x85: {  	_ =	shalt  }
0x86: {  	_ =	shalt  }
0x87: {  	_ =	shalt  }
.Lfunc_end0:
.L_simem_size_0:
called_computation.4_lowered:
.L_overlay_start_0:
0x88: {  	s2 =	sld [smem:$0x3FD9]  }
0x89: {  	s3 =	sld [smem:$0x3FFE];
	_ =	sdelay $0x1  }
0x8a: {  	s1 =	srdreg.scid  }
0x8b: {  	s0 =	sand.u32 $0x1, s1  }
0x8c: {  	s17 =	sshll.u32 s0, $0xA;
	s2 =	sadd.s32 s3, s2  }
0x8d: {  	s2 =	sadd.s32 s2, s17  }
0x8e: {  	[smem:$0x3FBD] =	sst s2  }
0x8f: {  	_ = 	snop  }
0x90: {  	s2 =	sld [smem:$0x3FD0];
	(tm) =	ssettm $0x1  }
0x91: {  	s18 =	sld [smem:$0x3FFB];
	_ =	sdelay $0x3  }
0x92: {  	_ =	strace s18  }
0x93: {  	s3 =	sld [smem:$0x3FFC];
	_ =	sdelay $0x3  }
0x94: {  	_ =	strace s3  }
0x95: {  	s3 =	sld [smem:$0x3FFD];
	_ =	sdelay $0x3  }
0x96: {  	_ =	strace s3  }
0x97: {  	_ =	strace $0x8FFFFFFF  }
0x98: {  	s19 =	sld [smem:$0x3FDB];
	_ =	sdelay $0x1  }
0x99: {  	s4 =	simm.s32 $_scs_section_size  }
0x9a: {  	s5 =	simm.s32 $_size__tile_overlayer_lowered;
	s6 =	simm.s32 $_tile_overlayer_lowered  }
0x9b: {  	s22 =	simm.s32 $0x1BFF;
	s21 =	sshll.u32 s6, $0x1;
	s3 =	sadd.s32 s4, s19  }
0x9c: {  	s7 =	simm.s32 $0x0;
	s20 =	sshll.u32 s5, $0x1;
	s5 =	sadd.s32 s21, s3  }
0x9d: {  	[timem:s7], [sflag:s22] =	dma.local [hbm:s5], s20  }
0x9e: {  	_ =	swait.ge [sflag:s22], s20  }
0x9f: {  	s4 =	ssub.s32 $0x0, s20;
	[sflag:s22] =	ssyncset.done $0x0  }
0xa0: {  	[sflag:s22] =	ssyncadd.s32 s4;
	_ =	sdelay $0x1  }
0xa1: {  	s23 =	simm.s32 $0x1B8B  }
0xa2: {  	_ =	swait.ge [sflag:s23], $0x1  }
0xa3: {  	[sflag:s23] =	ssyncset.done $0x0  }
0xa4: {  	s25 =	simm.s32 $0x1B8E;
	s24 =	sld [smem:$0x3FFE];
	[sflag:s23] =	ssyncadd.s32 $0xFFFFFFFF  }
0xa5: {  	s26 =	simm.s32 $execute0_lowered;
	[smem:$0x3FD2] =	sst s25  }
0xa6: {  	s5 =	sshll.u32 s26, $0x1;
	_ =	strace $0x8000005B;
	[dreg:$0x1] =	wrdreg $0xFFFFFFFF  }
0xa7: {  	s28 =	simm.s32 $_size_execute0_lowered;
	s3 =	sadd.s32 s3, s5;
	[dreg:$0x0] =	wrdreg $0x0  }
0xa8: {  	s5 =	sshll.u32 s28, $0x1;
	[dreg:$0x2] =	wrdreg s3  }
0xa9: {  	[dreg:$0x3] =	wrdreg s5  }
0xaa: {  	[dreg:$0x4] =	wrdreg $0xC0  }
0xab: {  	_ =	task [dreg:s7], $0x5FFFF  }
0xac: {  	[dreg:$0x1] =	wrdreg $0xFFFFFFFF  }
0xad: {  	[dreg:$0x0] =	wrdreg $0x60  }
0xae: {  	[dreg:$0x2] =	wrdreg s24  }
0xaf: {  	[dreg:$0x3] =	wrdreg s2  }
0xb0: {  	[dreg:$0x4] =	wrdreg $0xA  }
0xb1: {  	_ =	task.clear_ibuf [dreg:s7], $0x5FFFF;
	_ =	strace $0x9000005B  }
0xb2: {  	s29 =	simm.s32 $0xA;
	_ =	strace $0x8000005D  }
0xb3: {  	_ =	swait.ge [sflag:s29], $0x1  }
0xb4: {  	[sflag:s29] =	ssyncadd.s32 $0xFFFFFFFF  }
0xb5: {  	_ =	strace $0x9000005D  }
0xb6: {  	_ =	sfence  }
0xb7: {  	s30 =	sld [smem:$0x0];
	_ =	sdelay $0x2  }
0xb8: {  	s31 =	sshll.u32 s1, $0xD;
	s1 =	sshrl.u32 s1, $0x2  }
0xb9: {  	s3 =	sand.u32 $0x4000, s31;
	s1 =	sadd.s32 s1, s30  }
0xba: {  	s0 =	sor.u32 s3, s0;
	s1 =	sshll.u32 s1, $0x11  }
0xbb: {  	s0 =	sor.u32 s1, s0  }
0xbc: {  	s0 =	sadd.s32 $0x8F2B, s0  }
0xbd: {  	[sflag:s0] =	ssyncadd.remote.s32 $0x1  }
0xbe: {  	_ =	sfence.sel $0xFFFF  }
0xbf: {  	[dreg:$0x0] =	wrdreg $0xFFFFFFFF;
	(pc) =	sbr.abs _section_cstart, $3  }
0xc0: {  	[dreg:$0x1] =	wrdreg $0xFFFFFFFF  }
0xc1: {  	_ =	task.clear_ibuf [dreg:s7], $0x2FFFF;
	_ =	strace $0x9FFFFFFF  }
0xc2: {  	(tm) =	ssettm $0x7FFFFFFF  }
0xc3: {  	_ =	shalt  }
tec
execute0_lowered:
.L_overlay_start_1:
0x0: {  	(tag) =	ssettag $0x1  }
0x1: {  	s1 =	srdreg.scid;
	s5 =	rddreg [dreg:$0x0]  }
0x2: {  	s0 =	stileid.u32;
	s2 =	rddreg [dreg:$0x1];
	s6 =	simm.s32 $0x1  }
0x3: {  	s9 =	simm.s32 $0x1;
	s10 =	simm.s32 $0x3;
	s1 =	sshll.u32 s1, $0xD  }
0x4: {  	s13 =	simm.s32 $0x0;
	s3 =	sshll.u32 s0, $0xE;
	s4 =	sand.u32 $0x2000, s1  }
0x5: {  	s12 =	simm.s32 $0x0;
	s1 =	rddreg [dreg:$0x2];
	s3 =	sor.u32 s3, s4  }
0x6: {  	_ =	strace $0x8000005C;
	s4 =	sadd.s32 $0x28400, s5;
	s8 =	ssub.s32 $0x54000, s3  }
.Ltmp0:
0x7: {  	s5 =	sadd.s32 $0x32200, s5;
	s7 =	sand.u32 $0x3E000, s8;
	(pc) =	sbr.rel .LBB2_1-.Ltmp0, $4  }
0x8: {  	[sflag:s6] =	ssyncpa.u1 $0x0;
	s11 =	smov.u32 s3;
	p0 =	sne.s32 s7, $0x0  }
0x9: {  	s8 =	sshrl.u32 s8, $0x12;
	s7 =	simm.s32 $0x2;
	s9 =	simm.s32 @!p0 $0x0  }
0xa: {  	[sflag:s7] =	ssyncpa.u1 $0x0;
	p0 =	por $0x0, $0x0;
	s8 =	sadd.s32 s9, s8  }
0xb: {  	vm0 =	vmmov $0xffff;
	[sflag:s10] =	ssyncpa.u1 $0x0;
	s10 =	simm.s32 $0x0;
	s9 =	sadd.s32 $0x1, s8  }
.LBB2_4:
0xc: {  	v2 =	vnsel vm1, $0x0, v2  }
0xd: {  	vm1 =	vgt.s32 v0, $0x0;
	v2 =	vmin.u32 v2, $0x4E200  }
0xe: {  	v0 =	vnsel vm1, $0x0, v0  }
0xf: {  	v0 =	vmin.u32 v0, $0x4E200  }
0x10: {  	[tilespmem:s15], [sflag:$0x1] =	stream.indirect_vreg.gather [hbm4b:s4+s10], $0x1, v1, vm0, $0x4038;
	[tilespmem:$0x8000] =	vst v63  }
0x11: {  	(ifvalue) =	ssetifvalue $0x7FFFFFFF  }
0x12: {  	[tilespmem:s16], [sflag:$0x1] =	stream.indirect_vreg.gather [hbm4b:s4+s10], $0x1, v2, vm0, $0x4038;
	[tilespmem:$0x8000] =	vst v63  }
0x13: {  	s29 =	sadd.s32 $0x10, s16;
	(ifvalue) =	ssetifvalue $0x7FFFFFFF  }
0x14: {  	[tilespmem:s29], [sflag:$0x1] =	stream.indirect_vreg.gather [hbm4b:s4+s10], $0x1, v0, vm0, $0x4038;
	[tilespmem:$0x8000] =	vst v63  }
0x15: {  	_ =	swait.ge [sflag:s6], $0x2000  }
0x16: {  	s30 =	sshrl.u32 s13, $0x3;
	[sflag:s6] =	ssyncset.done $0x0  }
0x17: {  	s31 =	sand.u32 $0x7, s13;
	s15 =	sadd.s32 s5, s30;
	[sflag:s6] =	ssyncadd.s32 $0xFFFFE000  }
0x18: {  	[hbm4b:s15+s31] =	stream.linear.scatter [tilespmem:s14], [sflag:$0x3], $0x2000, $0x38;
	[tilespmem:$0x8000] =	vst v63  }
.LBB2_5:
0x19: {  	s15 =	sadd.s32 $0x40000, s11  }
0x1a: {  	p2 =	sgt.s32 s15, $0x53FFF  }
0x1b: {  	s15 =	smov.u32 @p2 s3;
	p2 =	sne.s32 s12, s9  }
.Ltmp1:
0x1c: {  	p1 =	slt.u32 s12, $0x2;
	(pc) =	sbr.rel @!p2 .LBB2_6-.Ltmp1, $4  }
0x1d: {  	s14 =	simm.s32 @!p1 $0x3  }
0x1e: {  	s16 =	sadd.s32 $0x1, s12;
	_ =	swait.ge @!p1 [sflag:s14], $0x2000  }
0x1f: {  	s13 =	smov.u32 s11;
	p0 =	por !p0, !p0;
	[sflag:s14] =	ssyncset.done @!p1 $0x0  }
0x20: {  	s12 =	smov.u32 s16;
	s11 =	smov.u32 s15;
	[sflag:s14] =	ssyncadd.s32 @!p1 $0xFFFFE000  }
.LBB2_1:
0x21: {  	p1 =	sge.u32 s12, s8  }
0x22: {  	s14 =	sxor.u32 @!p1 $0xFFFFFFFF, s12  }
0x23: {  	s31 =	sadd.s32 $0xFFFFFFFF, s12;
	s15 =	sshrl.u32 @!p1 s11, $0x3;
	s14 =	sshll.u32 @!p1 s14, $0xD  }
0x24: {  	s16 =	sand.u32 @!p1 $0x7, s11;
	s15 =	sadd.s32 @!p1 s2, s15;
	s14 =	sand.u32 @!p1 $0x2000, s14  }
0x25: {  	[tilespmem:s14], [sflag:$0x2] =	stream.linear.gather @!p1 [hbm4b:s15+s16], $0x2000, $0x38;
	[tilespmem:$0x8000] =	vst v63  }
0x26: {  	p1 =	sge.u32 s31, s8  }
.Ltmp2:
0x27: {  	_ = 	snop;
	(pc) =	sbr.rel @p1 .LBB2_5-.Ltmp2, $1  }
0x28: {  	_ =	sdelay $0x3  }
0x29: {  	s14 =	simm.s32 $0x1  }
0x2a: {  	_ =	swait.ge [sflag:s7], $0x2000;
	s14 =	simm.s32 @!p0 $0x0  }
0x2b: {  	[sflag:s7] =	ssyncset.done $0x0;
	s14 =	sshll.u32 s14, $0xD  }
0x2c: {  	[sflag:s7] =	ssyncadd.s32 $0xFFFFE000;
	(ifvalue) =	ssetifvalue $0x7FFFFFFF;
	v0 =	vld.msk [tilespmem:s14+$0x0 ss:$0x1], $0xffff;
	_ =	sdelay $0x4  }
0x2d: {  	s15 =	sadd.s32 $0x10, s14;
	vm1 =	vgt.s32 v0, $0x0  }
0x2e: {  	v2 =	vld.msk [tilespmem:s15+$0x0 ss:$0x1], $0xffff;
	v1 =	vnsel vm1, $0x0, v0  }
0x2f: {  	v1 =	vmin.u32 v1, $0x4E200;
	_ =	sdelay $0x1  }
0x30: {  	s16 =	sshll.u32 s12, $0xD;
	s18 =	simm.s32 $0x20  }
0x31: {  	s16 =	sand.u32 $0x2000, s16;
	s17 =	sadd.s32 $0x10, s15;
	s15 =	sor.u32 $0x4000, s14  }
0x32: {  	s14 =	sor.u32 $0x4000, s16;
	s16 =	sadd.s32 $0x10, s15;
	v0 =	vld.msk [tilespmem:s17+$0x0 ss:$0x1], $0xffff;
	vm1 =	vgt.s32 v2, $0x0;
	(ifvalue) =	ssetifvalue $0x7FFFFFFF  }
.LBB2_3:
0x33: {  	[tilespmem:s15], [sflag:$0x1] =	stream.indirect_vreg.gather [hbm4b:s4+s10], $0x1, v1, vm0, $0x4038;
	[tilespmem:$0x8000] =	vst v63  }
0x34: {  	s18 =	sadd.s32 $0x10, s18  }
0x35: {  	v2 =	vnsel vm1, $0x0, v2;
	p1 =	slt.u32 s18, $0x1FF0  }
.Ltmp3:
0x36: {  	s15 =	smov.u32 s16;
	v1 =	vmin.u32 v2, $0x4E200;
	(pc) =	sbr.rel @p1 .LBB2_3-.Ltmp3, $3  }
0x37: {  	_ =	sdelay $0x1  }
0x38: {  	s17 =	sadd.s32 $0x10, s17  }
0x39: {  	vm1 =	vgt.s32 v0, $0x0;
	s16 =	sadd.s32 $0x10, s16;
	v2 =	vmov v0;
	(ifvalue) =	ssetifvalue $0x7FFFFFFF;
	v0 =	vld.msk [tilespmem:s17+$0x0 ss:$0x1], $0xffff  }
.Ltmp4:
0x3a: {  	_ = 	snop;
	(pc) =	sbr.rel .LBB2_4-.Ltmp4, $1  }
0x3b: {  	_ =	sdelay $0x3  }
.LBB2_6:
0x3c: {  	_ =	sfence.sel $0x180000  }
0x3d: {  	s2 =	simm.s32 $0x2;
	[bflag:$0x0] =	sbarrier.arrive $0xFFFF  }
0x3e: {  	s30 =	simm.s32 $0x3;
	[sflag:s2] =	ssyncpa.u1 $0x1  }
0x3f: {  	s31 =	simm.s32 $0x1;
	[sflag:s30] =	ssyncpa.u1 $0x1  }
0x40: {  	[sflag:s31] =	ssyncpa.u1 $0x1  }
0x41: {  	p0 =	sne.s32 s0, $0x0;
	_ =	strace $0x9000005C  }
0x42: {  	s0 =	sadd.s32 @!p0 $0x100000, s1;
	[bflag:$0x2] =	sbarrier.arrive $0xFFFF  }
0x43: {  	[sflag:s0] =	ssyncadd.tile.s32 @!p0 $0x1;
	_ =	shalt  }
.Lfunc_end2:
_tile_overlayer_lowered:
.L_overlay_start_2:
0x44: {  	(tag) =	ssettag $0x2  }
0x45: {  	s0 =	rddreg [dreg:$0x0];
	s2 =	stileid.u32  }
0x46: {  	s1 =	rddreg [dreg:$0x1];
	p0 =	sne.s32 s2, $0x0  }
0x47: {  	s3 =	rddreg [dreg:$0x2];
	[bflag:$0x3] =	sbarrier.arrive $0xFFFF;
	s2 =	simm.s32 @!p0 $0x1C01  }
0x48: {  	[timem:s3], [sflag:s2] =	dma.local @!p0 [hbm:s0], s1  }
0x49: {  	s0 =	simm.s32 @!p0 $0x1  }
0x4a: {  	_ =	swait.ge @!p0 [sflag:s0], s1  }
0x4b: {  	s1 =	ssub.s32 @!p0 $0x0, s1;
	[sflag:s0] =	ssyncset.done @!p0 $0x0  }
0x4c: {  	[sflag:s0] =	ssyncadd.s32 @!p0 s1  }
0x4d: {  	[bflag:$0x3] =	sbarrier.arrive $0xFFFF  }
0x4e: {  	_ =	shalt  }

// kernel: kernel.12.cloned.1.call-start
scs
__scs_entry_jumppad:
0x0: {  	(pc) =	sbr.rel $0x88, $3  }
0x1: {  	(tag) =	ssettag $0x0;
	lr =	simm.s32 $0x1  }
0x2: {  	[smem:$0x3F96] =	sst lr;
	_ =	strace $0xD0000000  }
0x3: {  	_ = 	snop  }
0x4: {  	_ = 	snop  }
0x5: {  	_ = 	snop  }
0x6: {  	_ = 	snop  }
0x7: {  	_ = 	snop  }
__scs_overlays_trampoline_lowered:
0x8: {  	[smem:$0x3FA5] =	sst s0  }
0x9: {  	[smem:$0x3FA6] =	sst s1  }
0xa: {  	[smem:$0x3FA7] =	sst s2  }
0xb: {  	[smem:$0x3FA8] =	sst s3  }
0xc: {  	[smem:$0x3FA9] =	sst s4  }
0xd: {  	[smem:$0x3FAA] =	sst s5  }
0xe: {  	[smem:$0x3FAB] =	sst s6  }
0xf: {  	[smem:$0x3FAC] =	sst s7  }
0x10: {  	[smem:$0x3FAD] =	sst s8  }
0x11: {  	[smem:$0x3FAE] =	sst s9;
	s0 =	simm.s32 @!p0 $0x0  }
0x12: {  	s1 =	sld [smem:$0x3F94];
	s0 =	simm.s32 @p0 $0x1  }
0x13: {  	[smem:$0x3FAF] =	sst s0;
	s0 =	simm.s32 @!p1 $0x0  }
0x14: {  	s2 =	sld [smem:$0x3F93];
	s0 =	simm.s32 @p1 $0x1  }
0x15: {  	[smem:$0x3FB0] =	sst s0;
	s0 =	simm.s32 @!p2 $0x0  }
0x16: {  	s3 =	sld [smem:$0x3FDB];
	s0 =	simm.s32 @p2 $0x1  }
0x17: {  	s4 =	simm.s32 $0x1BF5;
	[smem:$0x3FB2] =	sst s0  }
0x18: {  	s0 =	sld [smem:$0x3F95];
	_ =	swait.ge [sflag:s4], $0x0  }
0x19: {  	s7 =	sld [smem:$0x3F96]  }
0x1a: {  	s8 =	sadd.s32 $0xFFFFE003, lr  }
0x1b: {  	s9 =	sadd.s32 $0xFFFFFEF7, lr;
	s5 =	simm.s32 $0xFFFFFFFF;
	p2 =	slt.u32 s8, $0xFFFFF086  }
0x1c: {  	p1 =	slt.u32 s9, $0xF7A;
	s5 =	simm.s32 @!p2 $0x0  }
0x1d: {  	s5 =	simm.s32 @p1 $0x1;
	p0 =	seq.s32 s7, s2  }
0x1e: {  	s7 =	smul.u32 @!p0 $0xF7A, s2;
	p2 =	seq.s32 @!p0 s5, $0x0  }
0x1f: {  	s9 =	smul.u32 $0xF7A, s1;
	s8 =	simm.s32 @!p0 $0x1BF5;
	p2 =	por !p2, p0  }
0x20: {  	[sflag:s8] =	ssyncset.s32 @!p0 $0xFFFFF086;
	s6 =	sadd.s32 @!p0 s3, s7;
	s7 =	simm.s32 @!p0 $0x108  }
0x21: {  	s3 =	sadd.s32 s3, s9;
	s6 =	sadd.s32 @!p0 $0x88, s6;
	s7 =	simm.s32 @p2 $0x1082  }
0x22: {  	[simem:s7], [sflag:s8] =	dma.local @!p0 [hbm:s6], $0xF7A  }
0x23: {  	s9 =	sor.u32 $0xD0000000, s2;
	s6 =	simm.s32 $0x108;
	_ =	swait.ge @!p0 [sflag:s8], $0x0  }
0x24: {  	s3 =	sadd.s32 $0x88, s3;
	s6 =	simm.s32 @!p1 $0x1082;
	[sflag:s4] =	ssyncset.s32 $0xFFFFF086  }
0x25: {  	[simem:s6], [sflag:s4] =	dma.local [hbm:s3], $0xF7A  }
0x26: {  	[smem:$0x3F96] =	sst s1;
	(tag) =	ssettag s2;
	_ =	strace s9  }
0x27: {  	s1 =	sld [smem:$0x3FA6]  }
0x28: {  	s2 =	sld [smem:$0x3FA7]  }
0x29: {  	s4 =	sld [smem:$0x3FA9]  }
0x2a: {  	p0 =	seq.s32 s5, $0x0;
	s5 =	sld [smem:$0x3FAA]  }
0x2b: {  	s6 =	sld [smem:$0x3FAB]  }
0x2c: {  	s7 =	sld [smem:$0x3FAC]  }
0x2d: {  	s3 =	simm.s32 $0x108;
	s8 =	sld [smem:$0x3FAD]  }
0x2e: {  	s3 =	simm.s32 @!p0 $0x1082;
	s9 =	sld [smem:$0x3FAE]  }
0x2f: {  	lr =	sadd.s32 s0, s3;
	s0 =	sld [smem:$0x3FA5]  }
0x30: {  	s3 =	sld [smem:$0x3FA8]  }
0x31: {  	[smem:$0x3FB1] =	sst s10  }
0x32: {  	s10 =	sld [smem:$0x3FAF];
	_ =	sdelay $0x3  }
0x33: {  	p0 =	seq.s32 s10, $0x1;
	s10 =	sld [smem:$0x3FB1];
	_ =	sdelay $0x3  }
0x34: {  	[smem:$0x3FB1] =	sst s10  }
0x35: {  	s10 =	sld [smem:$0x3FB0];
	_ =	sdelay $0x3  }
0x36: {  	p1 =	seq.s32 s10, $0x1;
	s10 =	sld [smem:$0x3FB1];
	_ =	sdelay $0x3  }
0x37: {  	[smem:$0x3FB1] =	sst s10  }
0x38: {  	s10 =	sld [smem:$0x3FB2]  }
0x39: {  	_ = 	snop;
	(pc) =	sbr.ind lr, $3  }
0x3a: {  	_ = 	snop  }
0x3b: {  	_ = 	snop  }
0x3c: {  	p2 =	seq.s32 s10, $0x1;
	s10 =	sld [smem:$0x3FB1]  }
0x3d: {  	_ =	shalt  }
0x3e: {  	_ =	shalt  }
0x3f: {  	_ =	shalt  }
0x40: {  	_ =	shalt  }
0x41: {  	_ =	shalt  }
0x42: {  	_ =	shalt  }
0x43: {  	_ =	shalt  }
0x44: {  	_ =	shalt  }
0x45: {  	_ =	shalt  }
0x46: {  	_ =	shalt  }
0x47: {  	_ =	shalt  }
0x48: {  	_ =	shalt  }
0x49: {  	_ =	shalt  }
0x4a: {  	_ =	shalt  }
0x4b: {  	_ =	shalt  }
0x4c: {  	_ =	shalt  }
0x4d: {  	_ =	shalt  }
0x4e: {  	_ =	shalt  }
0x4f: {  	_ =	shalt  }
0x50: {  	_ =	shalt  }
0x51: {  	_ =	shalt  }
0x52: {  	_ =	shalt  }
0x53: {  	_ =	shalt  }
0x54: {  	_ =	shalt  }
0x55: {  	_ =	shalt  }
0x56: {  	_ =	shalt  }
0x57: {  	_ =	shalt  }
0x58: {  	_ =	shalt  }
0x59: {  	_ =	shalt  }
0x5a: {  	_ =	shalt  }
0x5b: {  	_ =	shalt  }
0x5c: {  	_ =	shalt  }
0x5d: {  	_ =	shalt  }
0x5e: {  	_ =	shalt  }
0x5f: {  	_ =	shalt  }
0x60: {  	_ =	shalt  }
0x61: {  	_ =	shalt  }
0x62: {  	_ =	shalt  }
0x63: {  	_ =	shalt  }
0x64: {  	_ =	shalt  }
0x65: {  	_ =	shalt  }
0x66: {  	_ =	shalt  }
0x67: {  	_ =	shalt  }
0x68: {  	_ =	shalt  }
0x69: {  	_ =	shalt  }
0x6a: {  	_ =	shalt  }
0x6b: {  	_ =	shalt  }
0x6c: {  	_ =	shalt  }
0x6d: {  	_ =	shalt  }
0x6e: {  	_ =	shalt  }
0x6f: {  	_ =	shalt  }
0x70: {  	_ =	shalt  }
0x71: {  	_ =	shalt  }
0x72: {  	_ =	shalt  }
0x73: {  	_ =	shalt  }
0x74: {  	_ =	shalt  }
0x75: {  	_ =	shalt  }
0x76: {  	_ =	shalt  }
0x77: {  	_ =	shalt  }
0x78: {  	_ =	shalt  }
0x79: {  	_ =	shalt  }
0x7a: {  	_ =	shalt  }
0x7b: {  	_ =	shalt  }
0x7c: {  	_ =	shalt  }
0x7d: {  	_ =	shalt  }
0x7e: {  	_ =	shalt  }
0x7f: {  	_ =	shalt  }
0x80: {  	_ =	shalt  }
0x81: {  	_ =	shalt  }
0x82: {  	_ =	shalt  }
0x83: {  	_ =	shalt  }
0x84: {  	_ =	shalt  }
0x85: {  	_ =	shalt  }
0x86: {  	_ =	shalt  }
0x87: {  	_ =	shalt  }
.Lfunc_end0:
.L_simem_size_0:
called_computation.6_lowered:
.L_overlay_start_0:
0x88: {  	s2 =	sld [smem:$0x3FD9]  }
0x89: {  	s3 =	sld [smem:$0x3FFE];
	_ =	sdelay $0x1  }
0x8a: {  	s1 =	srdreg.scid  }
0x8b: {  	s0 =	sand.u32 $0x1, s1  }
0x8c: {  	s17 =	sshll.u32 s0, $0xA;
	s2 =	sadd.s32 s3, s2  }
0x8d: {  	s2 =	sadd.s32 s2, s17  }
0x8e: {  	[smem:$0x3FBD] =	sst s2  }
0x8f: {  	_ = 	snop  }
0x90: {  	s18 =	sld [smem:$0x3FD0];
	(tm) =	ssettm $0x1  }
0x91: {  	s19 =	sld [smem:$0x3FFB];
	_ =	sdelay $0x3  }
0x92: {  	_ =	strace s19  }
0x93: {  	s2 =	sld [smem:$0x3FFC];
	_ =	sdelay $0x3  }
0x94: {  	_ =	strace s2  }
0x95: {  	s2 =	sld [smem:$0x3FFD];
	_ =	sdelay $0x3  }
0x96: {  	_ =	strace s2  }
0x97: {  	_ =	strace $0x8FFFFFFF  }
0x98: {  	s20 =	sld [smem:$0x3FDB];
	_ =	sdelay $0x1  }
0x99: {  	s4 =	simm.s32 $_scs_section_size  }
0x9a: {  	s5 =	simm.s32 $_size__tile_overlayer_lowered;
	s6 =	simm.s32 $_tile_overlayer_lowered  }
0x9b: {  	s7 =	simm.s32 $0x1BFF;
	s21 =	sshll.u32 s6, $0x1;
	s4 =	sadd.s32 s4, s20  }
0x9c: {  	s22 =	simm.s32 $0x0;
	s5 =	sshll.u32 s5, $0x1;
	s6 =	sadd.s32 s21, s4  }
0x9d: {  	[timem:s22], [sflag:s7] =	dma.local [hbm:s6], s5  }
0x9e: {  	_ =	swait.ge [sflag:s7], s5  }
0x9f: {  	s5 =	ssub.s32 $0x0, s5;
	[sflag:s7] =	ssyncset.done $0x0  }
0xa0: {  	[sflag:s7] =	ssyncadd.s32 s5;
	_ =	sdelay $0x1  }
0xa1: {  	s23 =	simm.s32 $0x1B8B  }
0xa2: {  	_ =	swait.ge [sflag:s23], $0x1  }
0xa3: {  	[sflag:s23] =	ssyncset.done $0x0  }
0xa4: {  	[sflag:s23] =	ssyncadd.s32 $0xFFFFFFFF  }
0xa5: {  	s5 =	sld [smem:$0x0]  }
0xa6: {  	s6 =	sand.u32 $0xFFFFFFFE, s1  }
0xa7: {  	p0 =	sne.s32 s1, s6  }
0xa8: {  	s6 =	sshll.u32 @p0 s6, $0xE  }
0xa9: {  	s6 =	sadd.s32 @p0 $0x11B8D, s6;
	s7 =	sshll.u32 @p0 s5, $0x11  }
0xaa: {  	s6 =	sor.u32 @p0 s7, s6  }
0xab: {  	[sflag:s6] =	ssyncadd.remote.s32 @p0 $0x1;
	_ =	sdelay $0x1  }
0xac: {  	s6 =	simm.s32 @p0 $0x1B8D  }
0xad: {  	_ =	swait.eq @p0 [sflag:s6], $0x1  }
0xae: {  	[sflag:s6] =	ssyncadd.s32 @p0 $0xFFFFFFFF  }
0xaf: {  	s7 =	sshll.u32 @!p0 s1, $0xE  }
0xb0: {  	s7 =	sor.u32 @!p0 $0x4000, s7;
	s6 =	simm.s32 @!p0 $0x1B8D  }
0xb1: {  	s5 =	sshll.u32 @!p0 s5, $0x11;
	s7 =	sadd.s32 @!p0 $0x11B8D, s7;
	_ =	swait.eq @!p0 [sflag:s6], $0x1  }
0xb2: {  	s5 =	sor.u32 @!p0 s5, s7;
	[sflag:s6] =	ssyncadd.s32 @!p0 $0xFFFFFFFF  }
0xb3: {  	s25 =	simm.s32 $0x1B8E;
	s24 =	sld [smem:$0x3FFE];
	[sflag:s5] =	ssyncadd.remote.s32 @!p0 $0x1  }
0xb4: {  	s26 =	simm.s32 $execute0_lowered;
	[smem:$0x3FD2] =	sst s25  }
0xb5: {  	s6 =	sshll.u32 s26, $0x1;
	_ =	strace $0x80000061;
	[dreg:$0x1] =	wrdreg $0xFFFFFFFF  }
0xb6: {  	s28 =	simm.s32 $_size_execute0_lowered;
	s4 =	sadd.s32 s4, s6;
	[dreg:$0x0] =	wrdreg $0x0  }
0xb7: {  	s6 =	sshll.u32 s28, $0x1;
	[dreg:$0x2] =	wrdreg s4  }
0xb8: {  	[dreg:$0x3] =	wrdreg s6  }
0xb9: {  	[dreg:$0x4] =	wrdreg $0xC0  }
0xba: {  	_ =	task [dreg:s22], $0x5FFFF  }
0xbb: {  	[dreg:$0x1] =	wrdreg $0xFFFFFFFF  }
0xbc: {  	[dreg:$0x0] =	wrdreg $0x60  }
0xbd: {  	[dreg:$0x2] =	wrdreg s24  }
0xbe: {  	[dreg:$0x3] =	wrdreg s18  }
0xbf: {  	[dreg:$0x4] =	wrdreg $0xB0000  }
0xc0: {  	[dreg:$0x5] =	wrdreg $0x154000  }
0xc1: {  	[dreg:$0x6] =	wrdreg $0xA  }
0xc2: {  	_ =	task.clear_ibuf [dreg:s22], $0x7FFFF;
	_ =	strace $0x90000061  }
0xc3: {  	s29 =	simm.s32 $0xA;
	_ =	strace $0x80000063  }
0xc4: {  	_ =	swait.ge [sflag:s29], $0x1  }
0xc5: {  	[sflag:s29] =	ssyncadd.s32 $0xFFFFFFFF  }
0xc6: {  	_ =	strace $0x90000063  }
0xc7: {  	_ =	sfence  }
0xc8: {  	s30 =	sld [smem:$0x0];
	_ =	sdelay $0x2  }
0xc9: {  	s31 =	sshll.u32 s1, $0xD;
	s1 =	sshrl.u32 s1, $0x2  }
0xca: {  	s4 =	sand.u32 $0x4000, s31;
	s1 =	sadd.s32 s1, s30  }
0xcb: {  	s0 =	sor.u32 s4, s0;
	s1 =	sshll.u32 s1, $0x11  }
0xcc: {  	s0 =	sor.u32 s1, s0  }
0xcd: {  	s0 =	sadd.s32 $0x8F2B, s0  }
0xce: {  	[sflag:s0] =	ssyncadd.remote.s32 $0x1  }
0xcf: {  	_ =	sfence.sel $0xFFFF  }
0xd0: {  	[dreg:$0x0] =	wrdreg $0xFFFFFFFF;
	(pc) =	sbr.abs _section_cstart, $3  }
0xd1: {  	[dreg:$0x1] =	wrdreg $0xFFFFFFFF  }
0xd2: {  	_ =	task.clear_ibuf [dreg:s22], $0x2FFFF;
	_ =	strace $0x9FFFFFFF  }
0xd3: {  	(tm) =	ssettm $0x7FFFFFFF  }
tec
execute0_lowered:
.L_overlay_start_1:
0x0: {  	(tag) =	ssettag $0x1  }
0x1: {  	s11 =	rddreg [dreg:$0x0]  }
0x2: {  	s12 =	rddreg [dreg:$0x1]  }
0x3: {  	s2 =	rddreg [dreg:$0x2]  }
0x4: {  	s0 =	stileid.u32;
	s1 =	srdreg.scid  }
0x5: {  	s3 =	rddreg [dreg:$0x3];
	s4 =	simm.s32 $0x0;
	s19 =	simm.s32 $0x80  }
0x6: {  	s20 =	simm.s32 $0x3000;
	s21 =	simm.s32 $0x7000;
	s5 =	smul.u32 $0xA400, s0  }
0x7: {  	s22 =	simm.s32 $0x1;
	s23 =	simm.s32 $0x2;
	s8 =	smul.u32 $0xA000, s0  }
0x8: {  	s24 =	simm.s32 $0x2C00;
	s25 =	simm.s32 $0x2C80;
	s9 =	smul.u32 $0x28000, s0  }
0x9: {  	s6 =	sand.u32 $0x1, s1;
	s1 =	rddreg [dreg:$0x4];
	s28 =	smul.u32 $0x29000, s0  }
0xa: {  	s26 =	simm.s32 $0x0;
	[smem:$0x7FF] =	sst s4;
	s15 =	smul.u32 $0x1800, s0  }
0xb: {  	s29 =	sshll.u32 s0, $0x6;
	s7 =	smul.u32 $0xA0000, s6;
	_ =	strace $0x80000062  }
0xc: {  	s13 =	ssub.s32 $0x2, s6;
	s6 =	smul.u32 $0x18000, s6;
	s5 =	sshrl.u32 s5, $0x3  }
0xd: {  	s14 =	sshrl.u32 s13, $0x1;
	s9 =	sshrl.u32 s9, $0x2;
	s10 =	sadd.s32 s5, s11  }
0xe: {  	s5 =	sadd.s32 $0x4B400, s11;
	s7 =	sadd.s32 s8, s7;
	s14 =	ssub.s32 s13, s14  }
0xf: {  	s17 =	sadd.s32 s9, s3;
	s8 =	sshrl.u32 s28, $0x2;
	s30 =	sadd.s32 s15, s6  }
0x10: {  	s6 =	sor.u32 $0x1C03, s29;
	s7 =	sshrl.u32 s7, $0x3;
	s18 =	sadd.s32 s8, s2  }
0x11: {  	s9 =	sshrl.u32 s30, $0x3;
	s14 =	smax.u32 s14, $0x1;
	s15 =	sshrl.u32 s17, $0x3  }
0x12: {  	s16 =	sadd.s32 s7, s11;
	s7 =	sadd.s32 $0xC1C00, s10;
	s8 =	sadd.s32 s11, s9  }
0x13: {  	s31 =	sadd.s32 $0x6000, s9;
	s9 =	sadd.s32 s12, s9;
	s10 =	sadd.s32 $0xD6400, s10  }
0x14: {  	s17 =	sshrl.u32 s18, $0x3;
	s18 =	simm.s32 $0x1800;
	s11 =	sadd.s32 s11, s31  }
0x15: {  	s12 =	sadd.s32 s12, s31;
	s13 =	sadd.s32 $0xC000, s16;
	s16 =	simm.s32 $0x3  }
.LBB2_1:
0x16: {  	[spmem:s15], [sflag:s6] =	dma.local [hbm:s5], $0x1400  }
0x17: {  	_ =	swait.ge [sflag:s16], $0x1400  }
0x18: {  	[sflag:s16] =	ssyncset.done $0x0  }
0x19: {  	[sflag:s16] =	ssyncadd.s32 $0xFFFFEC00  }
0x1a: {  	[spmem:s17], [sflag:s6] =	dma.local [hbm:s7], $0x1480  }
0x1b: {  	_ =	swait.ge [sflag:s16], $0x1480  }
0x1c: {  	[sflag:s16] =	ssyncset.done $0x0  }
0x1d: {  	[sflag:s16] =	ssyncadd.s32 $0xFFFFEB80  }
0x1e: {  	[tilespmem:s4], [sflag:$0x3] =	stream.linear.gather [hbm4b:s8+s4], $0x1500, $0x38;
	[tilespmem:$0x1F400] =	vst v63  }
0x1f: {  	_ =	swait.ge [sflag:s16], $0x1500  }
0x20: {  	[sflag:s16] =	ssyncset.done $0x0  }
0x21: {  	[sflag:s16] =	ssyncadd.s32 $0xFFFFEB00  }
0x22: {  	[tilespmem:s18], [sflag:$0x3] =	stream.linear.gather [hbm4b:s9+s4], $0x1500, $0x38;
	[tilespmem:$0x1F400] =	vst v63  }
0x23: {  	_ =	swait.ge [sflag:s16], $0x1500  }
0x24: {  	[sflag:s16] =	ssyncset.done $0x0  }
0x25: {  	[sflag:s16] =	ssyncadd.s32 $0xFFFFEB00  }
0x26: {  	[bflag:$0x0] =	sbarrier.arrive $0xFFFF  }
0x27: {  	[tilespmem:s20], [sflag:$0x1] =	stream.indirect.gather [spmem:s2], $0x80, s4, s19, $0xb8;
	[tilespmem:$0x1F400] =	vst v63  }
0x28: {  	_ = 	snop  }
0x29: {  	[tilespmem:s21], [sflag:$0x2] =	stream.indirect.gather [spmem:s2], $0x80, s19, s19, $0xb8;
	[tilespmem:$0x1F400] =	vst v63  }
0x2a: {  	_ =	swait.ge [sflag:s22], $0x4000  }
0x2b: {  	[sflag:s22] =	ssyncset.done $0x0  }
0x2c: {  	s28 =	simm.s32 $0x1800;
	[sflag:s22] =	ssyncadd.s32 $0xFFFFC000  }
0x2d: {  	[spmem:s3] =	stream.indirect.scatter.add.f32 [tilespmem:s20], [sflag:$0x3], $0x80, s28, s19, $0xb8;
	[tilespmem:$0x1F400] =	vst v63  }
0x2e: {  	_ =	swait.ge [sflag:s16], $0x4000  }
0x2f: {  	[sflag:s16] =	ssyncset.done $0x0  }
0x30: {  	s28 =	simm.s32 $0x100;
	[sflag:s16] =	ssyncadd.s32 $0xFFFFC000  }
0x31: {  	[tilespmem:s20], [sflag:$0x1] =	stream.indirect.gather [spmem:s2], $0x80, s28, s19, $0xb8;
	[tilespmem:$0x1F400] =	vst v63  }
0x32: {  	_ =	swait.ge [sflag:s23], $0x4000  }
0x33: {  	[sflag:s23] =	ssyncset.done $0x0  }
0x34: {  	s28 =	simm.s32 $0x1880;
	[sflag:s23] =	ssyncadd.s32 $0xFFFFC000  }
0x35: {  	[spmem:s3] =	stream.indirect.scatter.add.f32 [tilespmem:s21], [sflag:$0x3], $0x80, s28, s19, $0xb8;
	[tilespmem:$0x1F400] =	vst v63  }
0x36: {  	_ =	swait.ge [sflag:s16], $0x4000  }
0x37: {  	[sflag:s16] =	ssyncset.done $0x0  }
0x38: {  	s29 =	simm.s32 $0x180;
	s28 =	simm.s32 $0x400;
	[sflag:s16] =	ssyncadd.s32 $0xFFFFC000  }
.LBB2_2:
0x39: {  	[tilespmem:s21], [sflag:$0x2] =	stream.indirect.gather [spmem:s2], $0x80, s29, s19, $0xb8;
	[tilespmem:$0x1F400] =	vst v63  }
0x3a: {  	s29 =	smov.u32 s28  }
0x3b: {  	p0 =	sne.s32 s28, $0x4C00;
	s28 =	sadd.s32 $0x400, s28;
	_ =	swait.ge [sflag:s22], $0x4000  }
0x3c: {  	s29 =	sshra.s32 s29, $0x2;
	[sflag:s22] =	ssyncset.done $0x0  }
0x3d: {  	s30 =	sadd.s32 $0x1800, s29;
	[sflag:s22] =	ssyncadd.s32 $0xFFFFC000  }
0x3e: {  	[spmem:s3] =	stream.indirect.scatter.add.f32 [tilespmem:s20], [sflag:$0x3], $0x80, s30, s19, $0xb8;
	[tilespmem:$0x1F400] =	vst v63  }
0x3f: {  	_ =	swait.ge [sflag:s16], $0x4000  }
0x40: {  	[sflag:s16] =	ssyncset.done $0x0  }
0x41: {  	s30 =	sadd.s32 $0x100, s29;
	[sflag:s16] =	ssyncadd.s32 $0xFFFFC000  }
0x42: {  	[tilespmem:s20], [sflag:$0x1] =	stream.indirect.gather [spmem:s2], $0x80, s30, s19, $0xb8;
	[tilespmem:$0x1F400] =	vst v63  }
0x43: {  	_ =	swait.ge [sflag:s23], $0x4000  }
0x44: {  	[sflag:s23] =	ssyncset.done $0x0  }
.Ltmp0:
0x45: {  	s30 =	sadd.s32 $0x1880, s29;
	[sflag:s23] =	ssyncadd.s32 $0xFFFFC000;
	(pc) =	sbr.rel @p0 .LBB2_2-.Ltmp0, $4  }
0x46: {  	[spmem:s3] =	stream.indirect.scatter.add.f32 [tilespmem:s21], [sflag:$0x3], $0x80, s30, s19, $0xb8;
	[tilespmem:$0x1F400] =	vst v63  }
0x47: {  	_ =	swait.ge [sflag:s16], $0x4000  }
0x48: {  	[sflag:s16] =	ssyncset.done $0x0  }
0x49: {  	s29 =	sadd.s32 $0x180, s29;
	[sflag:s16] =	ssyncadd.s32 $0xFFFFC000  }
0x4a: {  	[tilespmem:s21], [sflag:$0x2] =	stream.indirect.gather [spmem:s2], $0x80, s29, s19, $0xb8;
	[tilespmem:$0x1F400] =	vst v63  }
0x4b: {  	_ =	swait.ge [sflag:s22], $0x4000  }
0x4c: {  	[sflag:s22] =	ssyncset.done $0x0  }
0x4d: {  	[sflag:s22] =	ssyncadd.s32 $0xFFFFC000  }
0x4e: {  	[spmem:s3] =	stream.indirect.scatter.add.f32 [tilespmem:s20], [sflag:$0x3], $0x80, s24, s19, $0xb8;
	[tilespmem:$0x1F400] =	vst v63  }
0x4f: {  	_ =	swait.ge [sflag:s16], $0x4000  }
0x50: {  	[sflag:s16] =	ssyncset.done $0x0  }
0x51: {  	[sflag:s16] =	ssyncadd.s32 $0xFFFFC000  }
0x52: {  	_ =	swait.ge [sflag:s23], $0x4000  }
0x53: {  	[sflag:s23] =	ssyncset.done $0x0  }
0x54: {  	[sflag:s23] =	ssyncadd.s32 $0xFFFFC000  }
0x55: {  	[spmem:s3] =	stream.indirect.scatter.add.f32 [tilespmem:s21], [sflag:$0x3], $0x80, s25, s19, $0xb8;
	[tilespmem:$0x1F400] =	vst v63  }
0x56: {  	_ =	swait.ge [sflag:s16], $0x4000  }
0x57: {  	[sflag:s16] =	ssyncset.done $0x0  }
0x58: {  	[sflag:s16] =	ssyncadd.s32 $0xFFFFC000  }
0x59: {  	[bflag:$0x0] =	sbarrier.arrive $0xFFFF  }
0x5a: {  	[spmem:s17], [sflag:s6] =	dma.local [hbm:s10], $0x1480  }
0x5b: {  	_ =	swait.ge [sflag:s16], $0x1480  }
0x5c: {  	[sflag:s16] =	ssyncset.done $0x0  }
0x5d: {  	s28 =	simm.s32 $0x0;
	[sflag:s16] =	ssyncadd.s32 $0xFFFFEB80  }
0x5e: {  	[tilespmem:s28], [sflag:$0x3] =	stream.linear.gather [hbm4b:s11+s28], $0x1500, $0x38;
	[tilespmem:$0x1F400] =	vst v63  }
0x5f: {  	_ =	swait.ge [sflag:s16], $0x1500  }
0x60: {  	[sflag:s16] =	ssyncset.done $0x0  }
0x61: {  	[sflag:s16] =	ssyncadd.s32 $0xFFFFEB00  }
0x62: {  	[tilespmem:s18], [sflag:$0x3] =	stream.linear.gather [hbm4b:s12+s28], $0x1500, $0x38;
	[tilespmem:$0x1F400] =	vst v63  }
0x63: {  	_ =	swait.ge [sflag:s16], $0x1500  }
0x64: {  	[sflag:s16] =	ssyncset.done $0x0  }
0x65: {  	[sflag:s16] =	ssyncadd.s32 $0xFFFFEB00  }
0x66: {  	[bflag:$0x0] =	sbarrier.arrive $0xFFFF  }
0x67: {  	[tilespmem:s20], [sflag:$0x1] =	stream.indirect.gather [spmem:s2], $0x80, s28, s19, $0xb8;
	[tilespmem:$0x1F400] =	vst v63  }
0x68: {  	_ = 	snop  }
0x69: {  	[tilespmem:s21], [sflag:$0x2] =	stream.indirect.gather [spmem:s2], $0x80, s19, s19, $0xb8;
	[tilespmem:$0x1F400] =	vst v63  }
0x6a: {  	_ =	swait.ge [sflag:s22], $0x4000  }
0x6b: {  	[sflag:s22] =	ssyncset.done $0x0  }
0x6c: {  	s28 =	simm.s32 $0x1800;
	[sflag:s22] =	ssyncadd.s32 $0xFFFFC000  }
0x6d: {  	[spmem:s3] =	stream.indirect.scatter.add.f32 [tilespmem:s20], [sflag:$0x3], $0x80, s28, s19, $0xb8;
	[tilespmem:$0x1F400] =	vst v63  }
0x6e: {  	_ =	swait.ge [sflag:s16], $0x4000  }
0x6f: {  	[sflag:s16] =	ssyncset.done $0x0  }
0x70: {  	s28 =	simm.s32 $0x100;
	[sflag:s16] =	ssyncadd.s32 $0xFFFFC000  }
0x71: {  	[tilespmem:s20], [sflag:$0x1] =	stream.indirect.gather [spmem:s2], $0x80, s28, s19, $0xb8;
	[tilespmem:$0x1F400] =	vst v63  }
0x72: {  	_ =	swait.ge [sflag:s23], $0x4000  }
0x73: {  	[sflag:s23] =	ssyncset.done $0x0  }
0x74: {  	s28 =	simm.s32 $0x1880;
	[sflag:s23] =	ssyncadd.s32 $0xFFFFC000  }
0x75: {  	[spmem:s3] =	stream.indirect.scatter.add.f32 [tilespmem:s21], [sflag:$0x3], $0x80, s28, s19, $0xb8;
	[tilespmem:$0x1F400] =	vst v63  }
0x76: {  	_ =	swait.ge [sflag:s16], $0x4000  }
0x77: {  	[sflag:s16] =	ssyncset.done $0x0  }
0x78: {  	s29 =	simm.s32 $0x180;
	s28 =	simm.s32 $0x400;
	[sflag:s16] =	ssyncadd.s32 $0xFFFFC000  }
.LBB2_4:
0x79: {  	[tilespmem:s21], [sflag:$0x2] =	stream.indirect.gather [spmem:s2], $0x80, s29, s19, $0xb8;
	[tilespmem:$0x1F400] =	vst v63  }
0x7a: {  	s29 =	smov.u32 s28  }
0x7b: {  	p0 =	sne.s32 s28, $0x4C00;
	s28 =	sadd.s32 $0x400, s28;
	_ =	swait.ge [sflag:s22], $0x4000  }
0x7c: {  	s29 =	sshra.s32 s29, $0x2;
	[sflag:s22] =	ssyncset.done $0x0  }
0x7d: {  	s30 =	sadd.s32 $0x1800, s29;
	[sflag:s22] =	ssyncadd.s32 $0xFFFFC000  }
0x7e: {  	[spmem:s3] =	stream.indirect.scatter.add.f32 [tilespmem:s20], [sflag:$0x3], $0x80, s30, s19, $0xb8;
	[tilespmem:$0x1F400] =	vst v63  }
0x7f: {  	_ =	swait.ge [sflag:s16], $0x4000  }
0x80: {  	[sflag:s16] =	ssyncset.done $0x0  }
0x81: {  	s30 =	sadd.s32 $0x100, s29;
	[sflag:s16] =	ssyncadd.s32 $0xFFFFC000  }
0x82: {  	[tilespmem:s20], [sflag:$0x1] =	stream.indirect.gather [spmem:s2], $0x80, s30, s19, $0xb8;
	[tilespmem:$0x1F400] =	vst v63  }
0x83: {  	_ =	swait.ge [sflag:s23], $0x4000  }
0x84: {  	[sflag:s23] =	ssyncset.done $0x0  }
.Ltmp1:
0x85: {  	s30 =	sadd.s32 $0x1880, s29;
	[sflag:s23] =	ssyncadd.s32 $0xFFFFC000;
	(pc) =	sbr.rel @p0 .LBB2_4-.Ltmp1, $4  }
0x86: {  	[spmem:s3] =	stream.indirect.scatter.add.f32 [tilespmem:s21], [sflag:$0x3], $0x80, s30, s19, $0xb8;
	[tilespmem:$0x1F400] =	vst v63  }
0x87: {  	_ =	swait.ge [sflag:s16], $0x4000  }
0x88: {  	[sflag:s16] =	ssyncset.done $0x0  }
0x89: {  	s29 =	sadd.s32 $0x180, s29;
	[sflag:s16] =	ssyncadd.s32 $0xFFFFC000  }
0x8a: {  	[tilespmem:s21], [sflag:$0x2] =	stream.indirect.gather [spmem:s2], $0x80, s29, s19, $0xb8;
	[tilespmem:$0x1F400] =	vst v63  }
0x8b: {  	_ =	swait.ge [sflag:s22], $0x4000  }
0x8c: {  	[sflag:s22] =	ssyncset.done $0x0  }
0x8d: {  	[sflag:s22] =	ssyncadd.s32 $0xFFFFC000  }
0x8e: {  	[spmem:s3] =	stream.indirect.scatter.add.f32 [tilespmem:s20], [sflag:$0x3], $0x80, s24, s19, $0xb8;
	[tilespmem:$0x1F400] =	vst v63  }
0x8f: {  	_ =	swait.ge [sflag:s16], $0x4000  }
0x90: {  	[sflag:s16] =	ssyncset.done $0x0  }
0x91: {  	[sflag:s16] =	ssyncadd.s32 $0xFFFFC000  }
0x92: {  	_ =	swait.ge [sflag:s23], $0x4000  }
0x93: {  	[sflag:s23] =	ssyncset.done $0x0  }
0x94: {  	[sflag:s23] =	ssyncadd.s32 $0xFFFFC000  }
0x95: {  	[spmem:s3] =	stream.indirect.scatter.add.f32 [tilespmem:s21], [sflag:$0x3], $0x80, s25, s19, $0xb8;
	[tilespmem:$0x1F400] =	vst v63  }
0x96: {  	_ =	swait.ge [sflag:s16], $0x4000  }
0x97: {  	s26 =	sadd.s32 $0x1, s26;
	[sflag:s16] =	ssyncset.done $0x0  }
0x98: {  	p0 =	sne.s32 s26, s14;
	[sflag:s16] =	ssyncadd.s32 $0xFFFFC000  }
.Ltmp2:
0x99: {  	[bflag:$0x0] =	sbarrier.arrive $0xFFFF;
	(pc) =	sbr.rel @p0 .LBB2_1-.Ltmp2, $4  }
0x9a: {  	[hbm:s13], [sflag:s6] =	dma.local [spmem:s15], $0x1400  }
0x9b: {  	_ =	swait.ge [sflag:s16], $0x1400  }
0x9c: {  	[sflag:s16] =	ssyncset.done $0x0  }
0x9d: {  	[sflag:s16] =	ssyncadd.s32 $0xFFFFEC00  }
0x9e: {  	_ =	sfence.sel $0x180000  }
0x9f: {  	[bflag:$0x0] =	sbarrier.arrive $0xFFFF  }
0xa0: {  	p0 =	sne.s32 s0, $0x0;
	_ =	strace $0x90000062  }
0xa1: {  	s0 =	sadd.s32 @!p0 $0x100000, s1;
	[bflag:$0x2] =	sbarrier.arrive $0xFFFF  }
0xa2: {  	[sflag:s0] =	ssyncadd.tile.s32 @!p0 $0x1;
	_ =	shalt  }
.Lfunc_end2:
_tile_overlayer_lowered:
.L_overlay_start_2:
0xa3: {  	(tag) =	ssettag $0x2  }
0xa4: {  	s0 =	rddreg [dreg:$0x0];
	s2 =	stileid.u32  }
0xa5: {  	s1 =	rddreg [dreg:$0x1];
	p0 =	sne.s32 s2, $0x0  }
0xa6: {  	s3 =	rddreg [dreg:$0x2];
	[bflag:$0x3] =	sbarrier.arrive $0xFFFF;
	s2 =	simm.s32 @!p0 $0x1C03  }
0xa7: {  	[timem:s3], [sflag:s2] =	dma.local @!p0 [hbm:s0], s1  }
0xa8: {  	s0 =	simm.s32 @!p0 $0x3  }
0xa9: {  	_ =	swait.ge @!p0 [sflag:s0], s1  }
0xaa: {  	s1 =	ssub.s32 @!p0 $0x0, s1;
	[sflag:s0] =	ssyncset.done @!p0 $0x0  }
0xab: {  	[sflag:s0] =	ssyncadd.s32 @!p0 s1  }
0xac: {  	[bflag:$0x3] =	sbarrier.arrive $0xFFFF  }
0xad: {  	_ =	shalt  }

// kernel: kernel.15.cloned.1.call-start
scs
__scs_entry_jumppad:
0x0: {  	(pc) =	sbr.rel $0x88, $3  }
0x1: {  	(tag) =	ssettag $0x0;
	lr =	simm.s32 $0x1  }
0x2: {  	[smem:$0x3F96] =	sst lr;
	_ =	strace $0xD0000000  }
0x3: {  	_ = 	snop  }
0x4: {  	_ = 	snop  }
0x5: {  	_ = 	snop  }
0x6: {  	_ = 	snop  }
0x7: {  	_ = 	snop  }
__scs_overlays_trampoline_lowered:
0x8: {  	[smem:$0x3FA5] =	sst s0  }
0x9: {  	[smem:$0x3FA6] =	sst s1  }
0xa: {  	[smem:$0x3FA7] =	sst s2  }
0xb: {  	[smem:$0x3FA8] =	sst s3  }
0xc: {  	[smem:$0x3FA9] =	sst s4  }
0xd: {  	[smem:$0x3FAA] =	sst s5  }
0xe: {  	[smem:$0x3FAB] =	sst s6  }
0xf: {  	[smem:$0x3FAC] =	sst s7  }
0x10: {  	[smem:$0x3FAD] =	sst s8  }
0x11: {  	[smem:$0x3FAE] =	sst s9;
	s0 =	simm.s32 @!p0 $0x0  }
0x12: {  	s1 =	sld [smem:$0x3F94];
	s0 =	simm.s32 @p0 $0x1  }
0x13: {  	[smem:$0x3FAF] =	sst s0;
	s0 =	simm.s32 @!p1 $0x0  }
0x14: {  	s2 =	sld [smem:$0x3F93];
	s0 =	simm.s32 @p1 $0x1  }
0x15: {  	[smem:$0x3FB0] =	sst s0;
	s0 =	simm.s32 @!p2 $0x0  }
0x16: {  	s3 =	sld [smem:$0x3FDB];
	s0 =	simm.s32 @p2 $0x1  }
0x17: {  	s4 =	simm.s32 $0x1BF5;
	[smem:$0x3FB2] =	sst s0  }
0x18: {  	s0 =	sld [smem:$0x3F95];
	_ =	swait.ge [sflag:s4], $0x0  }
0x19: {  	s7 =	sld [smem:$0x3F96]  }
0x1a: {  	s8 =	sadd.s32 $0xFFFFE003, lr  }
0x1b: {  	s9 =	sadd.s32 $0xFFFFFEF7, lr;
	s5 =	simm.s32 $0xFFFFFFFF;
	p2 =	slt.u32 s8, $0xFFFFF086  }
0x1c: {  	p1 =	slt.u32 s9, $0xF7A;
	s5 =	simm.s32 @!p2 $0x0  }
0x1d: {  	s5 =	simm.s32 @p1 $0x1;
	p0 =	seq.s32 s7, s2  }
0x1e: {  	s7 =	smul.u32 @!p0 $0xF7A, s2;
	p2 =	seq.s32 @!p0 s5, $0x0  }
0x1f: {  	s9 =	smul.u32 $0xF7A, s1;
	s8 =	simm.s32 @!p0 $0x1BF5;
	p2 =	por !p2, p0  }
0x20: {  	[sflag:s8] =	ssyncset.s32 @!p0 $0xFFFFF086;
	s6 =	sadd.s32 @!p0 s3, s7;
	s7 =	simm.s32 @!p0 $0x108  }
0x21: {  	s3 =	sadd.s32 s3, s9;
	s6 =	sadd.s32 @!p0 $0x88, s6;
	s7 =	simm.s32 @p2 $0x1082  }
0x22: {  	[simem:s7], [sflag:s8] =	dma.local @!p0 [hbm:s6], $0xF7A  }
0x23: {  	s9 =	sor.u32 $0xD0000000, s2;
	s6 =	simm.s32 $0x108;
	_ =	swait.ge @!p0 [sflag:s8], $0x0  }
0x24: {  	s3 =	sadd.s32 $0x88, s3;
	s6 =	simm.s32 @!p1 $0x1082;
	[sflag:s4] =	ssyncset.s32 $0xFFFFF086  }
0x25: {  	[simem:s6], [sflag:s4] =	dma.local [hbm:s3], $0xF7A  }
0x26: {  	[smem:$0x3F96] =	sst s1;
	(tag) =	ssettag s2;
	_ =	strace s9  }
0x27: {  	s1 =	sld [smem:$0x3FA6]  }
0x28: {  	s2 =	sld [smem:$0x3FA7]  }
0x29: {  	s4 =	sld [smem:$0x3FA9]  }
0x2a: {  	p0 =	seq.s32 s5, $0x0;
	s5 =	sld [smem:$0x3FAA]  }
0x2b: {  	s6 =	sld [smem:$0x3FAB]  }
0x2c: {  	s7 =	sld [smem:$0x3FAC]  }
0x2d: {  	s3 =	simm.s32 $0x108;
	s8 =	sld [smem:$0x3FAD]  }
0x2e: {  	s3 =	simm.s32 @!p0 $0x1082;
	s9 =	sld [smem:$0x3FAE]  }
0x2f: {  	lr =	sadd.s32 s0, s3;
	s0 =	sld [smem:$0x3FA5]  }
0x30: {  	s3 =	sld [smem:$0x3FA8]  }
0x31: {  	[smem:$0x3FB1] =	sst s10  }
0x32: {  	s10 =	sld [smem:$0x3FAF];
	_ =	sdelay $0x3  }
0x33: {  	p0 =	seq.s32 s10, $0x1;
	s10 =	sld [smem:$0x3FB1];
	_ =	sdelay $0x3  }
0x34: {  	[smem:$0x3FB1] =	sst s10  }
0x35: {  	s10 =	sld [smem:$0x3FB0];
	_ =	sdelay $0x3  }
0x36: {  	p1 =	seq.s32 s10, $0x1;
	s10 =	sld [smem:$0x3FB1];
	_ =	sdelay $0x3  }
0x37: {  	[smem:$0x3FB1] =	sst s10  }
0x38: {  	s10 =	sld [smem:$0x3FB2]  }
0x39: {  	_ = 	snop;
	(pc) =	sbr.ind lr, $3  }
0x3a: {  	_ = 	snop  }
0x3b: {  	_ = 	snop  }
0x3c: {  	p2 =	seq.s32 s10, $0x1;
	s10 =	sld [smem:$0x3FB1]  }
0x3d: {  	_ =	shalt  }
0x3e: {  	_ =	shalt  }
0x3f: {  	_ =	shalt  }
0x40: {  	_ =	shalt  }
0x41: {  	_ =	shalt  }
0x42: {  	_ =	shalt  }
0x43: {  	_ =	shalt  }
0x44: {  	_ =	shalt  }
0x45: {  	_ =	shalt  }
0x46: {  	_ =	shalt  }
0x47: {  	_ =	shalt  }
0x48: {  	_ =	shalt  }
0x49: {  	_ =	shalt  }
0x4a: {  	_ =	shalt  }
0x4b: {  	_ =	shalt  }
0x4c: {  	_ =	shalt  }
0x4d: {  	_ =	shalt  }
0x4e: {  	_ =	shalt  }
0x4f: {  	_ =	shalt  }
0x50: {  	_ =	shalt  }
0x51: {  	_ =	shalt  }
0x52: {  	_ =	shalt  }
0x53: {  	_ =	shalt  }
0x54: {  	_ =	shalt  }
0x55: {  	_ =	shalt  }
0x56: {  	_ =	shalt  }
0x57: {  	_ =	shalt  }
0x58: {  	_ =	shalt  }
0x59: {  	_ =	shalt  }
0x5a: {  	_ =	shalt  }
0x5b: {  	_ =	shalt  }
0x5c: {  	_ =	shalt  }
0x5d: {  	_ =	shalt  }
0x5e: {  	_ =	shalt  }
0x5f: {  	_ =	shalt  }
0x60: {  	_ =	shalt  }
0x61: {  	_ =	shalt  }
0x62: {  	_ =	shalt  }
0x63: {  	_ =	shalt  }
0x64: {  	_ =	shalt  }
0x65: {  	_ =	shalt  }
0x66: {  	_ =	shalt  }
0x67: {  	_ =	shalt  }
0x68: {  	_ =	shalt  }
0x69: {  	_ =	shalt  }
0x6a: {  	_ =	shalt  }
0x6b: {  	_ =	shalt  }
0x6c: {  	_ =	shalt  }
0x6d: {  	_ =	shalt  }
0x6e: {  	_ =	shalt  }
0x6f: {  	_ =	shalt  }
0x70: {  	_ =	shalt  }
0x71: {  	_ =	shalt  }
0x72: {  	_ =	shalt  }
0x73: {  	_ =	shalt  }
0x74: {  	_ =	shalt  }
0x75: {  	_ =	shalt  }
0x76: {  	_ =	shalt  }
0x77: {  	_ =	shalt  }
0x78: {  	_ =	shalt  }
0x79: {  	_ =	shalt  }
0x7a: {  	_ =	shalt  }
0x7b: {  	_ =	shalt  }
0x7c: {  	_ =	shalt  }
0x7d: {  	_ =	shalt  }
0x7e: {  	_ =	shalt  }
0x7f: {  	_ =	shalt  }
0x80: {  	_ =	shalt  }
0x81: {  	_ =	shalt  }
0x82: {  	_ =	shalt  }
0x83: {  	_ =	shalt  }
0x84: {  	_ =	shalt  }
0x85: {  	_ =	shalt  }
0x86: {  	_ =	shalt  }
0x87: {  	_ =	shalt  }
.Lfunc_end0:
.L_simem_size_0:
called_computation.7_lowered:
.L_overlay_start_0:
0x88: {  	s2 =	sld [smem:$0x3FD9]  }
0x89: {  	s3 =	sld [smem:$0x3FFE];
	_ =	sdelay $0x1  }
0x8a: {  	s1 =	srdreg.scid  }
0x8b: {  	s0 =	sand.u32 $0x1, s1  }
0x8c: {  	s17 =	sshll.u32 s0, $0xA;
	s2 =	sadd.s32 s3, s2  }
0x8d: {  	s2 =	sadd.s32 s2, s17  }
0x8e: {  	[smem:$0x3FBD] =	sst s2  }
0x8f: {  	_ = 	snop  }
0x90: {  	s2 =	sld [smem:$0x3FD0];
	(tm) =	ssettm $0x1  }
0x91: {  	s18 =	sld [smem:$0x3FFB];
	_ =	sdelay $0x3  }
0x92: {  	_ =	strace s18  }
0x93: {  	s3 =	sld [smem:$0x3FFC];
	_ =	sdelay $0x3  }
0x94: {  	_ =	strace s3  }
0x95: {  	s3 =	sld [smem:$0x3FFD];
	_ =	sdelay $0x3  }
0x96: {  	_ =	strace s3  }
0x97: {  	_ =	strace $0x8FFFFFFF  }
0x98: {  	s19 =	sld [smem:$0x3FDB];
	_ =	sdelay $0x1  }
0x99: {  	s4 =	simm.s32 $_scs_section_size  }
0x9a: {  	s5 =	simm.s32 $_size__tile_overlayer_lowered;
	s6 =	simm.s32 $_tile_overlayer_lowered  }
0x9b: {  	s22 =	simm.s32 $0x1BFF;
	s21 =	sshll.u32 s6, $0x1;
	s3 =	sadd.s32 s4, s19  }
0x9c: {  	s7 =	simm.s32 $0x0;
	s20 =	sshll.u32 s5, $0x1;
	s5 =	sadd.s32 s21, s3  }
0x9d: {  	[timem:s7], [sflag:s22] =	dma.local [hbm:s5], s20  }
0x9e: {  	_ =	swait.ge [sflag:s22], s20  }
0x9f: {  	s4 =	ssub.s32 $0x0, s20;
	[sflag:s22] =	ssyncset.done $0x0  }
0xa0: {  	[sflag:s22] =	ssyncadd.s32 s4;
	_ =	sdelay $0x1  }
0xa1: {  	s23 =	simm.s32 $0x1B8B  }
0xa2: {  	_ =	swait.ge [sflag:s23], $0x1  }
0xa3: {  	[sflag:s23] =	ssyncset.done $0x0  }
0xa4: {  	s25 =	simm.s32 $0x1B8E;
	s24 =	sld [smem:$0x3FFE];
	[sflag:s23] =	ssyncadd.s32 $0xFFFFFFFF  }
0xa5: {  	s26 =	simm.s32 $execute0_lowered;
	[smem:$0x3FD2] =	sst s25  }
0xa6: {  	s5 =	sshll.u32 s26, $0x1;
	_ =	strace $0x80000064;
	[dreg:$0x1] =	wrdreg $0xFFFFFFFF  }
0xa7: {  	s28 =	simm.s32 $_size_execute0_lowered;
	s3 =	sadd.s32 s3, s5;
	[dreg:$0x0] =	wrdreg $0x0  }
0xa8: {  	s5 =	sshll.u32 s28, $0x1;
	[dreg:$0x2] =	wrdreg s3  }
0xa9: {  	[dreg:$0x3] =	wrdreg s5  }
0xaa: {  	[dreg:$0x4] =	wrdreg $0xC0  }
0xab: {  	_ =	task [dreg:s7], $0x5FFFF  }
0xac: {  	[dreg:$0x1] =	wrdreg $0xFFFFFFFF  }
0xad: {  	[dreg:$0x0] =	wrdreg $0x60  }
0xae: {  	[dreg:$0x2] =	wrdreg s24  }
0xaf: {  	[dreg:$0x3] =	wrdreg s2  }
0xb0: {  	[dreg:$0x4] =	wrdreg $0xB0000  }
0xb1: {  	[dreg:$0x5] =	wrdreg $0x154000  }
0xb2: {  	[dreg:$0x6] =	wrdreg $0x9  }
0xb3: {  	_ =	task.clear_ibuf [dreg:s7], $0x7FFFF;
	_ =	strace $0x90000064  }
0xb4: {  	s29 =	simm.s32 $0x9;
	_ =	strace $0x80000066  }
0xb5: {  	_ =	swait.ge [sflag:s29], $0x1  }
0xb6: {  	[sflag:s29] =	ssyncadd.s32 $0xFFFFFFFF  }
0xb7: {  	_ =	strace $0x90000066  }
0xb8: {  	_ =	sfence  }
0xb9: {  	s30 =	sld [smem:$0x0];
	_ =	sdelay $0x2  }
0xba: {  	s31 =	sshll.u32 s1, $0xD;
	s1 =	sshrl.u32 s1, $0x2  }
0xbb: {  	s3 =	sand.u32 $0x4000, s31;
	s1 =	sadd.s32 s1, s30  }
0xbc: {  	s0 =	sor.u32 s3, s0;
	s1 =	sshll.u32 s1, $0x11  }
0xbd: {  	s0 =	sor.u32 s1, s0  }
0xbe: {  	s0 =	sadd.s32 $0x8F2B, s0  }
0xbf: {  	[sflag:s0] =	ssyncadd.remote.s32 $0x1  }
0xc0: {  	_ =	sfence.sel $0xFFFF  }
0xc1: {  	[dreg:$0x0] =	wrdreg $0xFFFFFFFF;
	(pc) =	sbr.abs _section_cstart, $3  }
0xc2: {  	[dreg:$0x1] =	wrdreg $0xFFFFFFFF  }
0xc3: {  	_ =	task.clear_ibuf [dreg:s7], $0x2FFFF;
	_ =	strace $0x9FFFFFFF  }
0xc4: {  	(tm) =	ssettm $0x7FFFFFFF  }
0xc5: {  	_ =	shalt  }
tec
execute0_lowered:
.L_overlay_start_1:
0x0: {  	(tag) =	ssettag $0x1  }
0x1: {  	s11 =	rddreg [dreg:$0x0]  }
0x2: {  	s12 =	rddreg [dreg:$0x1]  }
0x3: {  	s2 =	rddreg [dreg:$0x2]  }
0x4: {  	s0 =	stileid.u32;
	s1 =	srdreg.scid  }
0x5: {  	s3 =	rddreg [dreg:$0x3];
	s4 =	simm.s32 $0x0;
	s19 =	simm.s32 $0x80  }
0x6: {  	s20 =	simm.s32 $0x3000;
	s21 =	simm.s32 $0x7000;
	s5 =	smul.u32 $0xA400, s0  }
0x7: {  	s22 =	simm.s32 $0x1;
	s23 =	simm.s32 $0x2;
	s8 =	smul.u32 $0xA000, s0  }
0x8: {  	s24 =	simm.s32 $0x2C00;
	s25 =	simm.s32 $0x2C80;
	s9 =	smul.u32 $0x28000, s0  }
0x9: {  	s6 =	sand.u32 $0x1, s1;
	s1 =	rddreg [dreg:$0x4];
	s28 =	smul.u32 $0x29000, s0  }
0xa: {  	s26 =	simm.s32 $0x0;
	[smem:$0x7FF] =	sst s4;
	s15 =	smul.u32 $0x1800, s0  }
0xb: {  	s29 =	sshll.u32 s0, $0x6;
	s7 =	smul.u32 $0xA0000, s6;
	_ =	strace $0x80000065  }
0xc: {  	s13 =	ssub.s32 $0x2, s6;
	s6 =	smul.u32 $0x18000, s6;
	s5 =	sshrl.u32 s5, $0x3  }
0xd: {  	s14 =	sshrl.u32 s13, $0x1;
	s9 =	sshrl.u32 s9, $0x2;
	s10 =	sadd.s32 s5, s11  }
0xe: {  	s5 =	sadd.s32 $0x4B400, s11;
	s7 =	sadd.s32 s8, s7;
	s14 =	ssub.s32 s13, s14  }
0xf: {  	s17 =	sadd.s32 s9, s3;
	s8 =	sshrl.u32 s28, $0x2;
	s30 =	sadd.s32 s15, s6  }
0x10: {  	s6 =	sor.u32 $0x1C03, s29;
	s7 =	sshrl.u32 s7, $0x3;
	s18 =	sadd.s32 s8, s2  }
0x11: {  	s9 =	sshrl.u32 s30, $0x3;
	s14 =	smax.u32 s14, $0x1;
	s15 =	sshrl.u32 s17, $0x3  }
0x12: {  	s16 =	sadd.s32 s7, s11;
	s7 =	sadd.s32 $0xC000, s10;
	s8 =	sadd.s32 s11, s9  }
0x13: {  	s31 =	sadd.s32 $0x6000, s9;
	s9 =	sadd.s32 s12, s9;
	s10 =	sadd.s32 $0x20800, s10  }
0x14: {  	s17 =	sshrl.u32 s18, $0x3;
	s18 =	simm.s32 $0x1800;
	s11 =	sadd.s32 s11, s31  }
0x15: {  	s12 =	sadd.s32 s12, s31;
	s13 =	sadd.s32 $0xC1C00, s16;
	s16 =	simm.s32 $0x3  }
.LBB2_1:
0x16: {  	[spmem:s15], [sflag:s6] =	dma.local [hbm:s5], $0x1400  }
0x17: {  	_ =	swait.ge [sflag:s16], $0x1400  }
0x18: {  	[sflag:s16] =	ssyncset.done $0x0  }
0x19: {  	[sflag:s16] =	ssyncadd.s32 $0xFFFFEC00  }
0x1a: {  	[spmem:s17], [sflag:s6] =	dma.local [hbm:s7], $0x1480  }
0x1b: {  	_ =	swait.ge [sflag:s16], $0x1480  }
0x1c: {  	[sflag:s16] =	ssyncset.done $0x0  }
0x1d: {  	[sflag:s16] =	ssyncadd.s32 $0xFFFFEB80  }
0x1e: {  	[tilespmem:s4], [sflag:$0x3] =	stream.linear.gather [hbm4b:s8+s4], $0x1500, $0x38;
	[tilespmem:$0x1F400] =	vst v63  }
0x1f: {  	_ =	swait.ge [sflag:s16], $0x1500  }
0x20: {  	[sflag:s16] =	ssyncset.done $0x0  }
0x21: {  	[sflag:s16] =	ssyncadd.s32 $0xFFFFEB00  }
0x22: {  	[tilespmem:s18], [sflag:$0x3] =	stream.linear.gather [hbm4b:s9+s4], $0x1500, $0x38;
	[tilespmem:$0x1F400] =	vst v63  }
0x23: {  	_ =	swait.ge [sflag:s16], $0x1500  }
0x24: {  	[sflag:s16] =	ssyncset.done $0x0  }
0x25: {  	[sflag:s16] =	ssyncadd.s32 $0xFFFFEB00  }
0x26: {  	[bflag:$0x0] =	sbarrier.arrive $0xFFFF  }
0x27: {  	[tilespmem:s20], [sflag:$0x1] =	stream.indirect.gather [spmem:s2], $0x80, s4, s19, $0xb8;
	[tilespmem:$0x1F400] =	vst v63  }
0x28: {  	_ = 	snop  }
0x29: {  	[tilespmem:s21], [sflag:$0x2] =	stream.indirect.gather [spmem:s2], $0x80, s19, s19, $0xb8;
	[tilespmem:$0x1F400] =	vst v63  }
0x2a: {  	_ =	swait.ge [sflag:s22], $0x4000  }
0x2b: {  	[sflag:s22] =	ssyncset.done $0x0  }
0x2c: {  	s28 =	simm.s32 $0x1800;
	[sflag:s22] =	ssyncadd.s32 $0xFFFFC000  }
0x2d: {  	[spmem:s3] =	stream.indirect.scatter.add.f32 [tilespmem:s20], [sflag:$0x3], $0x80, s28, s19, $0xb8;
	[tilespmem:$0x1F400] =	vst v63  }
0x2e: {  	_ =	swait.ge [sflag:s16], $0x4000  }
0x2f: {  	[sflag:s16] =	ssyncset.done $0x0  }
0x30: {  	s28 =	simm.s32 $0x100;
	[sflag:s16] =	ssyncadd.s32 $0xFFFFC000  }
0x31: {  	[tilespmem:s20], [sflag:$0x1] =	stream.indirect.gather [spmem:s2], $0x80, s28, s19, $0xb8;
	[tilespmem:$0x1F400] =	vst v63  }
0x32: {  	_ =	swait.ge [sflag:s23], $0x4000  }
0x33: {  	[sflag:s23] =	ssyncset.done $0x0  }
0x34: {  	s28 =	simm.s32 $0x1880;
	[sflag:s23] =	ssyncadd.s32 $0xFFFFC000  }
0x35: {  	[spmem:s3] =	stream.indirect.scatter.add.f32 [tilespmem:s21], [sflag:$0x3], $0x80, s28, s19, $0xb8;
	[tilespmem:$0x1F400] =	vst v63  }
0x36: {  	_ =	swait.ge [sflag:s16], $0x4000  }
0x37: {  	[sflag:s16] =	ssyncset.done $0x0  }
0x38: {  	s29 =	simm.s32 $0x180;
	s28 =	simm.s32 $0x400;
	[sflag:s16] =	ssyncadd.s32 $0xFFFFC000  }
.LBB2_2:
0x39: {  	[tilespmem:s21], [sflag:$0x2] =	stream.indirect.gather [spmem:s2], $0x80, s29, s19, $0xb8;
	[tilespmem:$0x1F400] =	vst v63  }
0x3a: {  	s29 =	smov.u32 s28  }
0x3b: {  	p0 =	sne.s32 s28, $0x4C00;
	s28 =	sadd.s32 $0x400, s28;
	_ =	swait.ge [sflag:s22], $0x4000  }
0x3c: {  	s29 =	sshra.s32 s29, $0x2;
	[sflag:s22] =	ssyncset.done $0x0  }
0x3d: {  	s30 =	sadd.s32 $0x1800, s29;
	[sflag:s22] =	ssyncadd.s32 $0xFFFFC000  }
0x3e: {  	[spmem:s3] =	stream.indirect.scatter.add.f32 [tilespmem:s20], [sflag:$0x3], $0x80, s30, s19, $0xb8;
	[tilespmem:$0x1F400] =	vst v63  }
0x3f: {  	_ =	swait.ge [sflag:s16], $0x4000  }
0x40: {  	[sflag:s16] =	ssyncset.done $0x0  }
0x41: {  	s30 =	sadd.s32 $0x100, s29;
	[sflag:s16] =	ssyncadd.s32 $0xFFFFC000  }
0x42: {  	[tilespmem:s20], [sflag:$0x1] =	stream.indirect.gather [spmem:s2], $0x80, s30, s19, $0xb8;
	[tilespmem:$0x1F400] =	vst v63  }
0x43: {  	_ =	swait.ge [sflag:s23], $0x4000  }
0x44: {  	[sflag:s23] =	ssyncset.done $0x0  }
.Ltmp0:
0x45: {  	s30 =	sadd.s32 $0x1880, s29;
	[sflag:s23] =	ssyncadd.s32 $0xFFFFC000;
	(pc) =	sbr.rel @p0 .LBB2_2-.Ltmp0, $4  }
0x46: {  	[spmem:s3] =	stream.indirect.scatter.add.f32 [tilespmem:s21], [sflag:$0x3], $0x80, s30, s19, $0xb8;
	[tilespmem:$0x1F400] =	vst v63  }
0x47: {  	_ =	swait.ge [sflag:s16], $0x4000  }
0x48: {  	[sflag:s16] =	ssyncset.done $0x0  }
0x49: {  	s29 =	sadd.s32 $0x180, s29;
	[sflag:s16] =	ssyncadd.s32 $0xFFFFC000  }
0x4a: {  	[tilespmem:s21], [sflag:$0x2] =	stream.indirect.gather [spmem:s2], $0x80, s29, s19, $0xb8;
	[tilespmem:$0x1F400] =	vst v63  }
0x4b: {  	_ =	swait.ge [sflag:s22], $0x4000  }
0x4c: {  	[sflag:s22] =	ssyncset.done $0x0  }
0x4d: {  	[sflag:s22] =	ssyncadd.s32 $0xFFFFC000  }
0x4e: {  	[spmem:s3] =	stream.indirect.scatter.add.f32 [tilespmem:s20], [sflag:$0x3], $0x80, s24, s19, $0xb8;
	[tilespmem:$0x1F400] =	vst v63  }
0x4f: {  	_ =	swait.ge [sflag:s16], $0x4000  }
0x50: {  	[sflag:s16] =	ssyncset.done $0x0  }
0x51: {  	[sflag:s16] =	ssyncadd.s32 $0xFFFFC000  }
0x52: {  	_ =	swait.ge [sflag:s23], $0x4000  }
0x53: {  	[sflag:s23] =	ssyncset.done $0x0  }
0x54: {  	[sflag:s23] =	ssyncadd.s32 $0xFFFFC000  }
0x55: {  	[spmem:s3] =	stream.indirect.scatter.add.f32 [tilespmem:s21], [sflag:$0x3], $0x80, s25, s19, $0xb8;
	[tilespmem:$0x1F400] =	vst v63  }
0x56: {  	_ =	swait.ge [sflag:s16], $0x4000  }
0x57: {  	[sflag:s16] =	ssyncset.done $0x0  }
0x58: {  	[sflag:s16] =	ssyncadd.s32 $0xFFFFC000  }
0x59: {  	[bflag:$0x0] =	sbarrier.arrive $0xFFFF  }
0x5a: {  	[spmem:s17], [sflag:s6] =	dma.local [hbm:s10], $0x1480  }
0x5b: {  	_ =	swait.ge [sflag:s16], $0x1480  }
0x5c: {  	[sflag:s16] =	ssyncset.done $0x0  }
0x5d: {  	s28 =	simm.s32 $0x0;
	[sflag:s16] =	ssyncadd.s32 $0xFFFFEB80  }
0x5e: {  	[tilespmem:s28], [sflag:$0x3] =	stream.linear.gather [hbm4b:s11+s28], $0x1500, $0x38;
	[tilespmem:$0x1F400] =	vst v63  }
0x5f: {  	_ =	swait.ge [sflag:s16], $0x1500  }
0x60: {  	[sflag:s16] =	ssyncset.done $0x0  }
0x61: {  	[sflag:s16] =	ssyncadd.s32 $0xFFFFEB00  }
0x62: {  	[tilespmem:s18], [sflag:$0x3] =	stream.linear.gather [hbm4b:s12+s28], $0x1500, $0x38;
	[tilespmem:$0x1F400] =	vst v63  }
0x63: {  	_ =	swait.ge [sflag:s16], $0x1500  }
0x64: {  	[sflag:s16] =	ssyncset.done $0x0  }
0x65: {  	[sflag:s16] =	ssyncadd.s32 $0xFFFFEB00  }
0x66: {  	[bflag:$0x0] =	sbarrier.arrive $0xFFFF  }
0x67: {  	[tilespmem:s20], [sflag:$0x1] =	stream.indirect.gather [spmem:s2], $0x80, s28, s19, $0xb8;
	[tilespmem:$0x1F400] =	vst v63  }
0x68: {  	_ = 	snop  }
0x69: {  	[tilespmem:s21], [sflag:$0x2] =	stream.indirect.gather [spmem:s2], $0x80, s19, s19, $0xb8;
	[tilespmem:$0x1F400] =	vst v63  }
0x6a: {  	_ =	swait.ge [sflag:s22], $0x4000  }
0x6b: {  	[sflag:s22] =	ssyncset.done $0x0  }
0x6c: {  	s28 =	simm.s32 $0x1800;
	[sflag:s22] =	ssyncadd.s32 $0xFFFFC000  }
0x6d: {  	[spmem:s3] =	stream.indirect.scatter.add.f32 [tilespmem:s20], [sflag:$0x3], $0x80, s28, s19, $0xb8;
	[tilespmem:$0x1F400] =	vst v63  }
0x6e: {  	_ =	swait.ge [sflag:s16], $0x4000  }
0x6f: {  	[sflag:s16] =	ssyncset.done $0x0  }
0x70: {  	s28 =	simm.s32 $0x100;
	[sflag:s16] =	ssyncadd.s32 $0xFFFFC000  }
0x71: {  	[tilespmem:s20], [sflag:$0x1] =	stream.indirect.gather [spmem:s2], $0x80, s28, s19, $0xb8;
	[tilespmem:$0x1F400] =	vst v63  }
0x72: {  	_ =	swait.ge [sflag:s23], $0x4000  }
0x73: {  	[sflag:s23] =	ssyncset.done $0x0  }
0x74: {  	s28 =	simm.s32 $0x1880;
	[sflag:s23] =	ssyncadd.s32 $0xFFFFC000  }
0x75: {  	[spmem:s3] =	stream.indirect.scatter.add.f32 [tilespmem:s21], [sflag:$0x3], $0x80, s28, s19, $0xb8;
	[tilespmem:$0x1F400] =	vst v63  }
0x76: {  	_ =	swait.ge [sflag:s16], $0x4000  }
0x77: {  	[sflag:s16] =	ssyncset.done $0x0  }
0x78: {  	s29 =	simm.s32 $0x180;
	s28 =	simm.s32 $0x400;
	[sflag:s16] =	ssyncadd.s32 $0xFFFFC000  }
.LBB2_4:
0x79: {  	[tilespmem:s21], [sflag:$0x2] =	stream.indirect.gather [spmem:s2], $0x80, s29, s19, $0xb8;
	[tilespmem:$0x1F400] =	vst v63  }
0x7a: {  	s29 =	smov.u32 s28  }
0x7b: {  	p0 =	sne.s32 s28, $0x4C00;
	s28 =	sadd.s32 $0x400, s28;
	_ =	swait.ge [sflag:s22], $0x4000  }
0x7c: {  	s29 =	sshra.s32 s29, $0x2;
	[sflag:s22] =	ssyncset.done $0x0  }
0x7d: {  	s30 =	sadd.s32 $0x1800, s29;
	[sflag:s22] =	ssyncadd.s32 $0xFFFFC000  }
0x7e: {  	[spmem:s3] =	stream.indirect.scatter.add.f32 [tilespmem:s20], [sflag:$0x3], $0x80, s30, s19, $0xb8;
	[tilespmem:$0x1F400] =	vst v63  }
0x7f: {  	_ =	swait.ge [sflag:s16], $0x4000  }
0x80: {  	[sflag:s16] =	ssyncset.done $0x0  }
0x81: {  	s30 =	sadd.s32 $0x100, s29;
	[sflag:s16] =	ssyncadd.s32 $0xFFFFC000  }
0x82: {  	[tilespmem:s20], [sflag:$0x1] =	stream.indirect.gather [spmem:s2], $0x80, s30, s19, $0xb8;
	[tilespmem:$0x1F400] =	vst v63  }
0x83: {  	_ =	swait.ge [sflag:s23], $0x4000  }
0x84: {  	[sflag:s23] =	ssyncset.done $0x0  }
.Ltmp1:
0x85: {  	s30 =	sadd.s32 $0x1880, s29;
	[sflag:s23] =	ssyncadd.s32 $0xFFFFC000;
	(pc) =	sbr.rel @p0 .LBB2_4-.Ltmp1, $4  }
0x86: {  	[spmem:s3] =	stream.indirect.scatter.add.f32 [tilespmem:s21], [sflag:$0x3], $0x80, s30, s19, $0xb8;
	[tilespmem:$0x1F400] =	vst v63  }
0x87: {  	_ =	swait.ge [sflag:s16], $0x4000  }
0x88: {  	[sflag:s16] =	ssyncset.done $0x0  }
0x89: {  	s29 =	sadd.s32 $0x180, s29;
	[sflag:s16] =	ssyncadd.s32 $0xFFFFC000  }
0x8a: {  	[tilespmem:s21], [sflag:$0x2] =	stream.indirect.gather [spmem:s2], $0x80, s29, s19, $0xb8;
	[tilespmem:$0x1F400] =	vst v63  }
0x8b: {  	_ =	swait.ge [sflag:s22], $0x4000  }
0x8c: {  	[sflag:s22] =	ssyncset.done $0x0  }
0x8d: {  	[sflag:s22] =	ssyncadd.s32 $0xFFFFC000  }
0x8e: {  	[spmem:s3] =	stream.indirect.scatter.add.f32 [tilespmem:s20], [sflag:$0x3], $0x80, s24, s19, $0xb8;
	[tilespmem:$0x1F400] =	vst v63  }
0x8f: {  	_ =	swait.ge [sflag:s16], $0x4000  }
0x90: {  	[sflag:s16] =	ssyncset.done $0x0  }
0x91: {  	[sflag:s16] =	ssyncadd.s32 $0xFFFFC000  }
0x92: {  	_ =	swait.ge [sflag:s23], $0x4000  }
0x93: {  	[sflag:s23] =	ssyncset.done $0x0  }
0x94: {  	[sflag:s23] =	ssyncadd.s32 $0xFFFFC000  }
0x95: {  	[spmem:s3] =	stream.indirect.scatter.add.f32 [tilespmem:s21], [sflag:$0x3], $0x80, s25, s19, $0xb8;
	[tilespmem:$0x1F400] =	vst v63  }
0x96: {  	_ =	swait.ge [sflag:s16], $0x4000  }
0x97: {  	s26 =	sadd.s32 $0x1, s26;
	[sflag:s16] =	ssyncset.done $0x0  }
0x98: {  	p0 =	sne.s32 s26, s14;
	[sflag:s16] =	ssyncadd.s32 $0xFFFFC000  }
.Ltmp2:
0x99: {  	[bflag:$0x0] =	sbarrier.arrive $0xFFFF;
	(pc) =	sbr.rel @p0 .LBB2_1-.Ltmp2, $4  }
0x9a: {  	[hbm:s13], [sflag:s6] =	dma.local [spmem:s15], $0x1400  }
0x9b: {  	_ =	swait.ge [sflag:s16], $0x1400  }
0x9c: {  	[sflag:s16] =	ssyncset.done $0x0  }
0x9d: {  	[sflag:s16] =	ssyncadd.s32 $0xFFFFEC00  }
0x9e: {  	_ =	sfence.sel $0x180000  }
0x9f: {  	[bflag:$0x0] =	sbarrier.arrive $0xFFFF  }
0xa0: {  	p0 =	sne.s32 s0, $0x0;
	_ =	strace $0x90000065  }
0xa1: {  	s0 =	sadd.s32 @!p0 $0x100000, s1;
	[bflag:$0x2] =	sbarrier.arrive $0xFFFF  }
0xa2: {  	[sflag:s0] =	ssyncadd.tile.s32 @!p0 $0x1;
	_ =	shalt  }
.Lfunc_end2:
_tile_overlayer_lowered:
.L_overlay_start_2:
0xa3: {  	(tag) =	ssettag $0x2  }
0xa4: {  	s0 =	rddreg [dreg:$0x0];
	s2 =	stileid.u32  }
0xa5: {  	s1 =	rddreg [dreg:$0x1];
	p0 =	sne.s32 s2, $0x0  }
0xa6: {  	s3 =	rddreg [dreg:$0x2];
	[bflag:$0x3] =	sbarrier.arrive $0xFFFF;
	s2 =	simm.s32 @!p0 $0x1C03  }
0xa7: {  	[timem:s3], [sflag:s2] =	dma.local @!p0 [hbm:s0], s1  }
0xa8: {  	s0 =	simm.s32 @!p0 $0x3  }
0xa9: {  	_ =	swait.ge @!p0 [sflag:s0], s1  }
0xaa: {  	s1 =	ssub.s32 @!p0 $0x0, s1;
	[sflag:s0] =	ssyncset.done @!p0 $0x0  }
0xab: {  	[sflag:s0] =	ssyncadd.s32 @!p0 s1  }
0xac: {  	[bflag:$0x3] =	sbarrier.arrive $0xFFFF  }
0xad: {  	_ =	shalt  }

// kernel: kernel.18.cloned.1.call-start
scs
__scs_entry_jumppad:
0x0: {  	(pc) =	sbr.rel $0x88, $3  }
0x1: {  	(tag) =	ssettag $0x0;
	lr =	simm.s32 $0x1  }
0x2: {  	[smem:$0x3F96] =	sst lr;
	_ =	strace $0xD0000000  }
0x3: {  	_ = 	snop  }
0x4: {  	_ = 	snop  }
0x5: {  	_ = 	snop  }
0x6: {  	_ = 	snop  }
0x7: {  	_ = 	snop  }
__scs_overlays_trampoline_lowered:
0x8: {  	[smem:$0x3FA5] =	sst s0  }
0x9: {  	[smem:$0x3FA6] =	sst s1  }
0xa: {  	[smem:$0x3FA7] =	sst s2  }
0xb: {  	[smem:$0x3FA8] =	sst s3  }
0xc: {  	[smem:$0x3FA9] =	sst s4  }
0xd: {  	[smem:$0x3FAA] =	sst s5  }
0xe: {  	[smem:$0x3FAB] =	sst s6  }
0xf: {  	[smem:$0x3FAC] =	sst s7  }
0x10: {  	[smem:$0x3FAD] =	sst s8  }
0x11: {  	[smem:$0x3FAE] =	sst s9;
	s0 =	simm.s32 @!p0 $0x0  }
0x12: {  	s1 =	sld [smem:$0x3F94];
	s0 =	simm.s32 @p0 $0x1  }
0x13: {  	[smem:$0x3FAF] =	sst s0;
	s0 =	simm.s32 @!p1 $0x0  }
0x14: {  	s2 =	sld [smem:$0x3F93];
	s0 =	simm.s32 @p1 $0x1  }
0x15: {  	[smem:$0x3FB0] =	sst s0;
	s0 =	simm.s32 @!p2 $0x0  }
0x16: {  	s3 =	sld [smem:$0x3FDB];
	s0 =	simm.s32 @p2 $0x1  }
0x17: {  	s4 =	simm.s32 $0x1BF5;
	[smem:$0x3FB2] =	sst s0  }
0x18: {  	s0 =	sld [smem:$0x3F95];
	_ =	swait.ge [sflag:s4], $0x0  }
0x19: {  	s7 =	sld [smem:$0x3F96]  }
0x1a: {  	s8 =	sadd.s32 $0xFFFFE003, lr  }
0x1b: {  	s9 =	sadd.s32 $0xFFFFFEF7, lr;
	s5 =	simm.s32 $0xFFFFFFFF;
	p2 =	slt.u32 s8, $0xFFFFF086  }
0x1c: {  	p1 =	slt.u32 s9, $0xF7A;
	s5 =	simm.s32 @!p2 $0x0  }
0x1d: {  	s5 =	simm.s32 @p1 $0x1;
	p0 =	seq.s32 s7, s2  }
0x1e: {  	s7 =	smul.u32 @!p0 $0xF7A, s2;
	p2 =	seq.s32 @!p0 s5, $0x0  }
0x1f: {  	s9 =	smul.u32 $0xF7A, s1;
	s8 =	simm.s32 @!p0 $0x1BF5;
	p2 =	por !p2, p0  }
0x20: {  	[sflag:s8] =	ssyncset.s32 @!p0 $0xFFFFF086;
	s6 =	sadd.s32 @!p0 s3, s7;
	s7 =	simm.s32 @!p0 $0x108  }
0x21: {  	s3 =	sadd.s32 s3, s9;
	s6 =	sadd.s32 @!p0 $0x88, s6;
	s7 =	simm.s32 @p2 $0x1082  }
0x22: {  	[simem:s7], [sflag:s8] =	dma.local @!p0 [hbm:s6], $0xF7A  }
0x23: {  	s9 =	sor.u32 $0xD0000000, s2;
	s6 =	simm.s32 $0x108;
	_ =	swait.ge @!p0 [sflag:s8], $0x0  }
0x24: {  	s3 =	sadd.s32 $0x88, s3;
	s6 =	simm.s32 @!p1 $0x1082;
	[sflag:s4] =	ssyncset.s32 $0xFFFFF086  }
0x25: {  	[simem:s6], [sflag:s4] =	dma.local [hbm:s3], $0xF7A  }
0x26: {  	[smem:$0x3F96] =	sst s1;
	(tag) =	ssettag s2;
	_ =	strace s9  }
0x27: {  	s1 =	sld [smem:$0x3FA6]  }
0x28: {  	s2 =	sld [smem:$0x3FA7]  }
0x29: {  	s4 =	sld [smem:$0x3FA9]  }
0x2a: {  	p0 =	seq.s32 s5, $0x0;
	s5 =	sld [smem:$0x3FAA]  }
0x2b: {  	s6 =	sld [smem:$0x3FAB]  }
0x2c: {  	s7 =	sld [smem:$0x3FAC]  }
0x2d: {  	s3 =	simm.s32 $0x108;
	s8 =	sld [smem:$0x3FAD]  }
0x2e: {  	s3 =	simm.s32 @!p0 $0x1082;
	s9 =	sld [smem:$0x3FAE]  }
0x2f: {  	lr =	sadd.s32 s0, s3;
	s0 =	sld [smem:$0x3FA5]  }
0x30: {  	s3 =	sld [smem:$0x3FA8]  }
0x31: {  	[smem:$0x3FB1] =	sst s10  }
0x32: {  	s10 =	sld [smem:$0x3FAF];
	_ =	sdelay $0x3  }
0x33: {  	p0 =	seq.s32 s10, $0x1;
	s10 =	sld [smem:$0x3FB1];
	_ =	sdelay $0x3  }
0x34: {  	[smem:$0x3FB1] =	sst s10  }
0x35: {  	s10 =	sld [smem:$0x3FB0];
	_ =	sdelay $0x3  }
0x36: {  	p1 =	seq.s32 s10, $0x1;
	s10 =	sld [smem:$0x3FB1];
	_ =	sdelay $0x3  }
0x37: {  	[smem:$0x3FB1] =	sst s10  }
0x38: {  	s10 =	sld [smem:$0x3FB2]  }
0x39: {  	_ = 	snop;
	(pc) =	sbr.ind lr, $3  }
0x3a: {  	_ = 	snop  }
0x3b: {  	_ = 	snop  }
0x3c: {  	p2 =	seq.s32 s10, $0x1;
	s10 =	sld [smem:$0x3FB1]  }
0x3d: {  	_ =	shalt  }
0x3e: {  	_ =	shalt  }
0x3f: {  	_ =	shalt  }
0x40: {  	_ =	shalt  }
0x41: {  	_ =	shalt  }
0x42: {  	_ =	shalt  }
0x43: {  	_ =	shalt  }
0x44: {  	_ =	shalt  }
0x45: {  	_ =	shalt  }
0x46: {  	_ =	shalt  }
0x47: {  	_ =	shalt  }
0x48: {  	_ =	shalt  }
0x49: {  	_ =	shalt  }
0x4a: {  	_ =	shalt  }
0x4b: {  	_ =	shalt  }
0x4c: {  	_ =	shalt  }
0x4d: {  	_ =	shalt  }
0x4e: {  	_ =	shalt  }
0x4f: {  	_ =	shalt  }
0x50: {  	_ =	shalt  }
0x51: {  	_ =	shalt  }
0x52: {  	_ =	shalt  }
0x53: {  	_ =	shalt  }
0x54: {  	_ =	shalt  }
0x55: {  	_ =	shalt  }
0x56: {  	_ =	shalt  }
0x57: {  	_ =	shalt  }
0x58: {  	_ =	shalt  }
0x59: {  	_ =	shalt  }
0x5a: {  	_ =	shalt  }
0x5b: {  	_ =	shalt  }
0x5c: {  	_ =	shalt  }
0x5d: {  	_ =	shalt  }
0x5e: {  	_ =	shalt  }
0x5f: {  	_ =	shalt  }
0x60: {  	_ =	shalt  }
0x61: {  	_ =	shalt  }
0x62: {  	_ =	shalt  }
0x63: {  	_ =	shalt  }
0x64: {  	_ =	shalt  }
0x65: {  	_ =	shalt  }
0x66: {  	_ =	shalt  }
0x67: {  	_ =	shalt  }
0x68: {  	_ =	shalt  }
0x69: {  	_ =	shalt  }
0x6a: {  	_ =	shalt  }
0x6b: {  	_ =	shalt  }
0x6c: {  	_ =	shalt  }
0x6d: {  	_ =	shalt  }
0x6e: {  	_ =	shalt  }
0x6f: {  	_ =	shalt  }
0x70: {  	_ =	shalt  }
0x71: {  	_ =	shalt  }
0x72: {  	_ =	shalt  }
0x73: {  	_ =	shalt  }
0x74: {  	_ =	shalt  }
0x75: {  	_ =	shalt  }
0x76: {  	_ =	shalt  }
0x77: {  	_ =	shalt  }
0x78: {  	_ =	shalt  }
0x79: {  	_ =	shalt  }
0x7a: {  	_ =	shalt  }
0x7b: {  	_ =	shalt  }
0x7c: {  	_ =	shalt  }
0x7d: {  	_ =	shalt  }
0x7e: {  	_ =	shalt  }
0x7f: {  	_ =	shalt  }
0x80: {  	_ =	shalt  }
0x81: {  	_ =	shalt  }
0x82: {  	_ =	shalt  }
0x83: {  	_ =	shalt  }
0x84: {  	_ =	shalt  }
0x85: {  	_ =	shalt  }
0x86: {  	_ =	shalt  }
0x87: {  	_ =	shalt  }
.Lfunc_end0:
.L_simem_size_0:
called_computation.8_lowered:
.L_overlay_start_0:
0x88: {  	s2 =	sld [smem:$0x3FD9]  }
0x89: {  	s3 =	sld [smem:$0x3FFE];
	_ =	sdelay $0x1  }
0x8a: {  	s1 =	srdreg.scid  }
0x8b: {  	s0 =	sand.u32 $0x1, s1  }
0x8c: {  	s17 =	sshll.u32 s0, $0xA;
	s2 =	sadd.s32 s3, s2  }
0x8d: {  	s2 =	sadd.s32 s2, s17  }
0x8e: {  	[smem:$0x3FBD] =	sst s2  }
0x8f: {  	_ = 	snop  }
0x90: {  	s2 =	sld [smem:$0x3FD0];
	(tm) =	ssettm $0x1  }
0x91: {  	s18 =	sld [smem:$0x3FFB];
	_ =	sdelay $0x3  }
0x92: {  	_ =	strace s18  }
0x93: {  	s3 =	sld [smem:$0x3FFC];
	_ =	sdelay $0x3  }
0x94: {  	_ =	strace s3  }
0x95: {  	s3 =	sld [smem:$0x3FFD];
	_ =	sdelay $0x3  }
0x96: {  	_ =	strace s3  }
0x97: {  	_ =	strace $0x8FFFFFFF  }
0x98: {  	s19 =	sld [smem:$0x3FDB];
	_ =	sdelay $0x1  }
0x99: {  	s4 =	simm.s32 $_scs_section_size  }
0x9a: {  	s5 =	simm.s32 $_size__tile_overlayer_lowered;
	s6 =	simm.s32 $_tile_overlayer_lowered  }
0x9b: {  	s22 =	simm.s32 $0x1BFF;
	s21 =	sshll.u32 s6, $0x1;
	s3 =	sadd.s32 s4, s19  }
0x9c: {  	s7 =	simm.s32 $0x0;
	s20 =	sshll.u32 s5, $0x1;
	s5 =	sadd.s32 s21, s3  }
0x9d: {  	[timem:s7], [sflag:s22] =	dma.local [hbm:s5], s20  }
0x9e: {  	_ =	swait.ge [sflag:s22], s20  }
0x9f: {  	s4 =	ssub.s32 $0x0, s20;
	[sflag:s22] =	ssyncset.done $0x0  }
0xa0: {  	[sflag:s22] =	ssyncadd.s32 s4;
	_ =	sdelay $0x1  }
0xa1: {  	s23 =	simm.s32 $0x1B8B  }
0xa2: {  	_ =	swait.ge [sflag:s23], $0x1  }
0xa3: {  	[sflag:s23] =	ssyncset.done $0x0  }
0xa4: {  	s25 =	simm.s32 $0x1B8E;
	s24 =	sld [smem:$0x3FFE];
	[sflag:s23] =	ssyncadd.s32 $0xFFFFFFFF  }
0xa5: {  	s26 =	simm.s32 $execute0_lowered;
	[smem:$0x3FD2] =	sst s25  }
0xa6: {  	s5 =	sshll.u32 s26, $0x1;
	_ =	strace $0x80000067;
	[dreg:$0x1] =	wrdreg $0xFFFFFFFF  }
0xa7: {  	s28 =	simm.s32 $_size_execute0_lowered;
	s3 =	sadd.s32 s3, s5;
	[dreg:$0x0] =	wrdreg $0x0  }
0xa8: {  	s5 =	sshll.u32 s28, $0x1;
	[dreg:$0x2] =	wrdreg s3  }
0xa9: {  	[dreg:$0x3] =	wrdreg s5  }
0xaa: {  	[dreg:$0x4] =	wrdreg $0xC0  }
0xab: {  	_ =	task [dreg:s7], $0x5FFFF  }
0xac: {  	[dreg:$0x1] =	wrdreg $0xFFFFFFFF  }
0xad: {  	[dreg:$0x0] =	wrdreg $0x60  }
0xae: {  	[dreg:$0x2] =	wrdreg s24  }
0xaf: {  	[dreg:$0x3] =	wrdreg s2  }
0xb0: {  	[dreg:$0x4] =	wrdreg $0xB0000  }
0xb1: {  	[dreg:$0x5] =	wrdreg $0x154000  }
0xb2: {  	[dreg:$0x6] =	wrdreg $0x9  }
0xb3: {  	_ =	task.clear_ibuf [dreg:s7], $0x7FFFF;
	_ =	strace $0x90000067  }
0xb4: {  	s29 =	simm.s32 $0x9;
	_ =	strace $0x80000069  }
0xb5: {  	_ =	swait.ge [sflag:s29], $0x1  }
0xb6: {  	[sflag:s29] =	ssyncadd.s32 $0xFFFFFFFF  }
0xb7: {  	_ =	strace $0x90000069  }
0xb8: {  	_ =	sfence  }
0xb9: {  	s30 =	sld [smem:$0x0];
	_ =	sdelay $0x2  }
0xba: {  	s31 =	sshll.u32 s1, $0xD;
	s1 =	sshrl.u32 s1, $0x2  }
0xbb: {  	s3 =	sand.u32 $0x4000, s31;
	s1 =	sadd.s32 s1, s30  }
0xbc: {  	s0 =	sor.u32 s3, s0;
	s1 =	sshll.u32 s1, $0x11  }
0xbd: {  	s0 =	sor.u32 s1, s0  }
0xbe: {  	s0 =	sadd.s32 $0x8F2B, s0  }
0xbf: {  	[sflag:s0] =	ssyncadd.remote.s32 $0x1  }
0xc0: {  	_ =	sfence.sel $0xFFFF  }
0xc1: {  	[dreg:$0x0] =	wrdreg $0xFFFFFFFF;
	(pc) =	sbr.abs _section_cstart, $3  }
0xc2: {  	[dreg:$0x1] =	wrdreg $0xFFFFFFFF  }
0xc3: {  	_ =	task.clear_ibuf [dreg:s7], $0x2FFFF;
	_ =	strace $0x9FFFFFFF  }
0xc4: {  	(tm) =	ssettm $0x7FFFFFFF  }
0xc5: {  	_ =	shalt  }
tec
execute0_lowered:
.L_overlay_start_1:
0x0: {  	(tag) =	ssettag $0x1  }
0x1: {  	s11 =	rddreg [dreg:$0x0]  }
0x2: {  	s12 =	rddreg [dreg:$0x1]  }
0x3: {  	s2 =	rddreg [dreg:$0x2]  }
0x4: {  	s0 =	stileid.u32;
	s1 =	srdreg.scid  }
0x5: {  	s3 =	rddreg [dreg:$0x3];
	s4 =	simm.s32 $0x0;
	s19 =	simm.s32 $0x80  }
0x6: {  	s20 =	simm.s32 $0x3000;
	s21 =	simm.s32 $0x7000;
	s5 =	smul.u32 $0xA400, s0  }
0x7: {  	s22 =	simm.s32 $0x1;
	s23 =	simm.s32 $0x2;
	s8 =	smul.u32 $0xA000, s0  }
0x8: {  	s24 =	simm.s32 $0x2C00;
	s25 =	simm.s32 $0x2C80;
	s9 =	smul.u32 $0x28000, s0  }
0x9: {  	s6 =	sand.u32 $0x1, s1;
	s1 =	rddreg [dreg:$0x4];
	s28 =	smul.u32 $0x29000, s0  }
0xa: {  	s26 =	simm.s32 $0x0;
	[smem:$0x7FF] =	sst s4;
	s15 =	smul.u32 $0x1800, s0  }
0xb: {  	s29 =	sshll.u32 s0, $0x6;
	s7 =	smul.u32 $0xA0000, s6;
	_ =	strace $0x80000068  }
0xc: {  	s13 =	ssub.s32 $0x2, s6;
	s6 =	smul.u32 $0x18000, s6;
	s5 =	sshrl.u32 s5, $0x3  }
0xd: {  	s14 =	sshrl.u32 s13, $0x1;
	s9 =	sshrl.u32 s9, $0x2;
	s10 =	sadd.s32 s5, s11  }
0xe: {  	s5 =	sadd.s32 $0x4B400, s11;
	s7 =	sadd.s32 s8, s7;
	s14 =	ssub.s32 s13, s14  }
0xf: {  	s17 =	sadd.s32 s9, s3;
	s8 =	sshrl.u32 s28, $0x2;
	s30 =	sadd.s32 s15, s6  }
0x10: {  	s6 =	sor.u32 $0x1C03, s29;
	s7 =	sshrl.u32 s7, $0x3;
	s18 =	sadd.s32 s8, s2  }
0x11: {  	s9 =	sshrl.u32 s30, $0x3;
	s14 =	smax.u32 s14, $0x1;
	s15 =	sshrl.u32 s17, $0x3  }
0x12: {  	s16 =	sadd.s32 s7, s11;
	s7 =	sadd.s32 $0xC000, s10;
	s8 =	sadd.s32 s11, s9  }
0x13: {  	s31 =	sadd.s32 $0x6000, s9;
	s9 =	sadd.s32 s12, s9;
	s10 =	sadd.s32 $0x20800, s10  }
0x14: {  	s17 =	sshrl.u32 s18, $0x3;
	s18 =	simm.s32 $0x1800;
	s11 =	sadd.s32 s11, s31  }
0x15: {  	s12 =	sadd.s32 s12, s31;
	s13 =	sadd.s32 $0xC1C00, s16;
	s16 =	simm.s32 $0x3  }
.LBB2_1:
0x16: {  	[spmem:s15], [sflag:s6] =	dma.local [hbm:s5], $0x1400  }
0x17: {  	_ =	swait.ge [sflag:s16], $0x1400  }
0x18: {  	[sflag:s16] =	ssyncset.done $0x0  }
0x19: {  	[sflag:s16] =	ssyncadd.s32 $0xFFFFEC00  }
0x1a: {  	[spmem:s17], [sflag:s6] =	dma.local [hbm:s7], $0x1480  }
0x1b: {  	_ =	swait.ge [sflag:s16], $0x1480  }
0x1c: {  	[sflag:s16] =	ssyncset.done $0x0  }
0x1d: {  	[sflag:s16] =	ssyncadd.s32 $0xFFFFEB80  }
0x1e: {  	[tilespmem:s4], [sflag:$0x3] =	stream.linear.gather [hbm4b:s8+s4], $0x1500, $0x38;
	[tilespmem:$0x1F400] =	vst v63  }
0x1f: {  	_ =	swait.ge [sflag:s16], $0x1500  }
0x20: {  	[sflag:s16] =	ssyncset.done $0x0  }
0x21: {  	[sflag:s16] =	ssyncadd.s32 $0xFFFFEB00  }
0x22: {  	[tilespmem:s18], [sflag:$0x3] =	stream.linear.gather [hbm4b:s9+s4], $0x1500, $0x38;
	[tilespmem:$0x1F400] =	vst v63  }
0x23: {  	_ =	swait.ge [sflag:s16], $0x1500  }
0x24: {  	[sflag:s16] =	ssyncset.done $0x0  }
0x25: {  	[sflag:s16] =	ssyncadd.s32 $0xFFFFEB00  }
0x26: {  	[bflag:$0x0] =	sbarrier.arrive $0xFFFF  }
0x27: {  	[tilespmem:s20], [sflag:$0x1] =	stream.indirect.gather [spmem:s2], $0x80, s4, s19, $0xb8;
	[tilespmem:$0x1F400] =	vst v63  }
0x28: {  	_ = 	snop  }
0x29: {  	[tilespmem:s21], [sflag:$0x2] =	stream.indirect.gather [spmem:s2], $0x80, s19, s19, $0xb8;
	[tilespmem:$0x1F400] =	vst v63  }
0x2a: {  	_ =	swait.ge [sflag:s22], $0x4000  }
0x2b: {  	[sflag:s22] =	ssyncset.done $0x0  }
0x2c: {  	s28 =	simm.s32 $0x1800;
	[sflag:s22] =	ssyncadd.s32 $0xFFFFC000  }
0x2d: {  	[spmem:s3] =	stream.indirect.scatter.add.f32 [tilespmem:s20], [sflag:$0x3], $0x80, s28, s19, $0xb8;
	[tilespmem:$0x1F400] =	vst v63  }
0x2e: {  	_ =	swait.ge [sflag:s16], $0x4000  }
0x2f: {  	[sflag:s16] =	ssyncset.done $0x0  }
0x30: {  	s28 =	simm.s32 $0x100;
	[sflag:s16] =	ssyncadd.s32 $0xFFFFC000  }
0x31: {  	[tilespmem:s20], [sflag:$0x1] =	stream.indirect.gather [spmem:s2], $0x80, s28, s19, $0xb8;
	[tilespmem:$0x1F400] =	vst v63  }
0x32: {  	_ =	swait.ge [sflag:s23], $0x4000  }
0x33: {  	[sflag:s23] =	ssyncset.done $0x0  }
0x34: {  	s28 =	simm.s32 $0x1880;
	[sflag:s23] =	ssyncadd.s32 $0xFFFFC000  }
0x35: {  	[spmem:s3] =	stream.indirect.scatter.add.f32 [tilespmem:s21], [sflag:$0x3], $0x80, s28, s19, $0xb8;
	[tilespmem:$0x1F400] =	vst v63  }
0x36: {  	_ =	swait.ge [sflag:s16], $0x4000  }
0x37: {  	[sflag:s16] =	ssyncset.done $0x0  }
0x38: {  	s29 =	simm.s32 $0x180;
	s28 =	simm.s32 $0x400;
	[sflag:s16] =	ssyncadd.s32 $0xFFFFC000  }
.LBB2_2:
0x39: {  	[tilespmem:s21], [sflag:$0x2] =	stream.indirect.gather [spmem:s2], $0x80, s29, s19, $0xb8;
	[tilespmem:$0x1F400] =	vst v63  }
0x3a: {  	s29 =	smov.u32 s28  }
0x3b: {  	p0 =	sne.s32 s28, $0x4C00;
	s28 =	sadd.s32 $0x400, s28;
	_ =	swait.ge [sflag:s22], $0x4000  }
0x3c: {  	s29 =	sshra.s32 s29, $0x2;
	[sflag:s22] =	ssyncset.done $0x0  }
0x3d: {  	s30 =	sadd.s32 $0x1800, s29;
	[sflag:s22] =	ssyncadd.s32 $0xFFFFC000  }
0x3e: {  	[spmem:s3] =	stream.indirect.scatter.add.f32 [tilespmem:s20], [sflag:$0x3], $0x80, s30, s19, $0xb8;
	[tilespmem:$0x1F400] =	vst v63  }
0x3f: {  	_ =	swait.ge [sflag:s16], $0x4000  }
0x40: {  	[sflag:s16] =	ssyncset.done $0x0  }
0x41: {  	s30 =	sadd.s32 $0x100, s29;
	[sflag:s16] =	ssyncadd.s32 $0xFFFFC000  }
0x42: {  	[tilespmem:s20], [sflag:$0x1] =	stream.indirect.gather [spmem:s2], $0x80, s30, s19, $0xb8;
	[tilespmem:$0x1F400] =	vst v63  }
0x43: {  	_ =	swait.ge [sflag:s23], $0x4000  }
0x44: {  	[sflag:s23] =	ssyncset.done $0x0  }
.Ltmp0:
0x45: {  	s30 =	sadd.s32 $0x1880, s29;
	[sflag:s23] =	ssyncadd.s32 $0xFFFFC000;
	(pc) =	sbr.rel @p0 .LBB2_2-.Ltmp0, $4  }
0x46: {  	[spmem:s3] =	stream.indirect.scatter.add.f32 [tilespmem:s21], [sflag:$0x3], $0x80, s30, s19, $0xb8;
	[tilespmem:$0x1F400] =	vst v63  }
0x47: {  	_ =	swait.ge [sflag:s16], $0x4000  }
0x48: {  	[sflag:s16] =	ssyncset.done $0x0  }
0x49: {  	s29 =	sadd.s32 $0x180, s29;
	[sflag:s16] =	ssyncadd.s32 $0xFFFFC000  }
0x4a: {  	[tilespmem:s21], [sflag:$0x2] =	stream.indirect.gather [spmem:s2], $0x80, s29, s19, $0xb8;
	[tilespmem:$0x1F400] =	vst v63  }
0x4b: {  	_ =	swait.ge [sflag:s22], $0x4000  }
0x4c: {  	[sflag:s22] =	ssyncset.done $0x0  }
0x4d: {  	[sflag:s22] =	ssyncadd.s32 $0xFFFFC000  }
0x4e: {  	[spmem:s3] =	stream.indirect.scatter.add.f32 [tilespmem:s20], [sflag:$0x3], $0x80, s24, s19, $0xb8;
	[tilespmem:$0x1F400] =	vst v63  }
0x4f: {  	_ =	swait.ge [sflag:s16], $0x4000  }
0x50: {  	[sflag:s16] =	ssyncset.done $0x0  }
0x51: {  	[sflag:s16] =	ssyncadd.s32 $0xFFFFC000  }
0x52: {  	_ =	swait.ge [sflag:s23], $0x4000  }
0x53: {  	[sflag:s23] =	ssyncset.done $0x0  }
0x54: {  	[sflag:s23] =	ssyncadd.s32 $0xFFFFC000  }
0x55: {  	[spmem:s3] =	stream.indirect.scatter.add.f32 [tilespmem:s21], [sflag:$0x3], $0x80, s25, s19, $0xb8;
	[tilespmem:$0x1F400] =	vst v63  }
0x56: {  	_ =	swait.ge [sflag:s16], $0x4000  }
0x57: {  	[sflag:s16] =	ssyncset.done $0x0  }
0x58: {  	[sflag:s16] =	ssyncadd.s32 $0xFFFFC000  }
0x59: {  	[bflag:$0x0] =	sbarrier.arrive $0xFFFF  }
0x5a: {  	[spmem:s17], [sflag:s6] =	dma.local [hbm:s10], $0x1480  }
0x5b: {  	_ =	swait.ge [sflag:s16], $0x1480  }
0x5c: {  	[sflag:s16] =	ssyncset.done $0x0  }
0x5d: {  	s28 =	simm.s32 $0x0;
	[sflag:s16] =	ssyncadd.s32 $0xFFFFEB80  }
0x5e: {  	[tilespmem:s28], [sflag:$0x3] =	stream.linear.gather [hbm4b:s11+s28], $0x1500, $0x38;
	[tilespmem:$0x1F400] =	vst v63  }
0x5f: {  	_ =	swait.ge [sflag:s16], $0x1500  }
0x60: {  	[sflag:s16] =	ssyncset.done $0x0  }
0x61: {  	[sflag:s16] =	ssyncadd.s32 $0xFFFFEB00  }
0x62: {  	[tilespmem:s18], [sflag:$0x3] =	stream.linear.gather [hbm4b:s12+s28], $0x1500, $0x38;
	[tilespmem:$0x1F400] =	vst v63  }
0x63: {  	_ =	swait.ge [sflag:s16], $0x1500  }
0x64: {  	[sflag:s16] =	ssyncset.done $0x0  }
0x65: {  	[sflag:s16] =	ssyncadd.s32 $0xFFFFEB00  }
0x66: {  	[bflag:$0x0] =	sbarrier.arrive $0xFFFF  }
0x67: {  	[tilespmem:s20], [sflag:$0x1] =	stream.indirect.gather [spmem:s2], $0x80, s28, s19, $0xb8;
	[tilespmem:$0x1F400] =	vst v63  }
0x68: {  	_ = 	snop  }
0x69: {  	[tilespmem:s21], [sflag:$0x2] =	stream.indirect.gather [spmem:s2], $0x80, s19, s19, $0xb8;
	[tilespmem:$0x1F400] =	vst v63  }
0x6a: {  	_ =	swait.ge [sflag:s22], $0x4000  }
0x6b: {  	[sflag:s22] =	ssyncset.done $0x0  }
0x6c: {  	s28 =	simm.s32 $0x1800;
	[sflag:s22] =	ssyncadd.s32 $0xFFFFC000  }
0x6d: {  	[spmem:s3] =	stream.indirect.scatter.add.f32 [tilespmem:s20], [sflag:$0x3], $0x80, s28, s19, $0xb8;
	[tilespmem:$0x1F400] =	vst v63  }
0x6e: {  	_ =	swait.ge [sflag:s16], $0x4000  }
0x6f: {  	[sflag:s16] =	ssyncset.done $0x0  }
0x70: {  	s28 =	simm.s32 $0x100;
	[sflag:s16] =	ssyncadd.s32 $0xFFFFC000  }
0x71: {  	[tilespmem:s20], [sflag:$0x1] =	stream.indirect.gather [spmem:s2], $0x80, s28, s19, $0xb8;
	[tilespmem:$0x1F400] =	vst v63  }
0x72: {  	_ =	swait.ge [sflag:s23], $0x4000  }
0x73: {  	[sflag:s23] =	ssyncset.done $0x0  }
0x74: {  	s28 =	simm.s32 $0x1880;
	[sflag:s23] =	ssyncadd.s32 $0xFFFFC000  }
0x75: {  	[spmem:s3] =	stream.indirect.scatter.add.f32 [tilespmem:s21], [sflag:$0x3], $0x80, s28, s19, $0xb8;
	[tilespmem:$0x1F400] =	vst v63  }
0x76: {  	_ =	swait.ge [sflag:s16], $0x4000  }
0x77: {  	[sflag:s16] =	ssyncset.done $0x0  }
0x78: {  	s29 =	simm.s32 $0x180;
	s28 =	simm.s32 $0x400;
	[sflag:s16] =	ssyncadd.s32 $0xFFFFC000  }
.LBB2_4:
0x79: {  	[tilespmem:s21], [sflag:$0x2] =	stream.indirect.gather [spmem:s2], $0x80, s29, s19, $0xb8;
	[tilespmem:$0x1F400] =	vst v63  }
0x7a: {  	s29 =	smov.u32 s28  }
0x7b: {  	p0 =	sne.s32 s28, $0x4C00;
	s28 =	sadd.s32 $0x400, s28;
	_ =	swait.ge [sflag:s22], $0x4000  }
0x7c: {  	s29 =	sshra.s32 s29, $0x2;
	[sflag:s22] =	ssyncset.done $0x0  }
0x7d: {  	s30 =	sadd.s32 $0x1800, s29;
	[sflag:s22] =	ssyncadd.s32 $0xFFFFC000  }
0x7e: {  	[spmem:s3] =	stream.indirect.scatter.add.f32 [tilespmem:s20], [sflag:$0x3], $0x80, s30, s19, $0xb8;
	[tilespmem:$0x1F400] =	vst v63  }
0x7f: {  	_ =	swait.ge [sflag:s16], $0x4000  }
0x80: {  	[sflag:s16] =	ssyncset.done $0x0  }
0x81: {  	s30 =	sadd.s32 $0x100, s29;
	[sflag:s16] =	ssyncadd.s32 $0xFFFFC000  }
0x82: {  	[tilespmem:s20], [sflag:$0x1] =	stream.indirect.gather [spmem:s2], $0x80, s30, s19, $0xb8;
	[tilespmem:$0x1F400] =	vst v63  }
0x83: {  	_ =	swait.ge [sflag:s23], $0x4000  }
0x84: {  	[sflag:s23] =	ssyncset.done $0x0  }
.Ltmp1:
0x85: {  	s30 =	sadd.s32 $0x1880, s29;
	[sflag:s23] =	ssyncadd.s32 $0xFFFFC000;
	(pc) =	sbr.rel @p0 .LBB2_4-.Ltmp1, $4  }
0x86: {  	[spmem:s3] =	stream.indirect.scatter.add.f32 [tilespmem:s21], [sflag:$0x3], $0x80, s30, s19, $0xb8;
	[tilespmem:$0x1F400] =	vst v63  }
0x87: {  	_ =	swait.ge [sflag:s16], $0x4000  }
0x88: {  	[sflag:s16] =	ssyncset.done $0x0  }
0x89: {  	s29 =	sadd.s32 $0x180, s29;
	[sflag:s16] =	ssyncadd.s32 $0xFFFFC000  }
0x8a: {  	[tilespmem:s21], [sflag:$0x2] =	stream.indirect.gather [spmem:s2], $0x80, s29, s19, $0xb8;
	[tilespmem:$0x1F400] =	vst v63  }
0x8b: {  	_ =	swait.ge [sflag:s22], $0x4000  }
0x8c: {  	[sflag:s22] =	ssyncset.done $0x0  }
0x8d: {  	[sflag:s22] =	ssyncadd.s32 $0xFFFFC000  }
0x8e: {  	[spmem:s3] =	stream.indirect.scatter.add.f32 [tilespmem:s20], [sflag:$0x3], $0x80, s24, s19, $0xb8;
	[tilespmem:$0x1F400] =	vst v63  }
0x8f: {  	_ =	swait.ge [sflag:s16], $0x4000  }
0x90: {  	[sflag:s16] =	ssyncset.done $0x0  }
0x91: {  	[sflag:s16] =	ssyncadd.s32 $0xFFFFC000  }
0x92: {  	_ =	swait.ge [sflag:s23], $0x4000  }
0x93: {  	[sflag:s23] =	ssyncset.done $0x0  }
0x94: {  	[sflag:s23] =	ssyncadd.s32 $0xFFFFC000  }
0x95: {  	[spmem:s3] =	stream.indirect.scatter.add.f32 [tilespmem:s21], [sflag:$0x3], $0x80, s25, s19, $0xb8;
	[tilespmem:$0x1F400] =	vst v63  }
0x96: {  	_ =	swait.ge [sflag:s16], $0x4000  }
0x97: {  	s26 =	sadd.s32 $0x1, s26;
	[sflag:s16] =	ssyncset.done $0x0  }
0x98: {  	p0 =	sne.s32 s26, s14;
	[sflag:s16] =	ssyncadd.s32 $0xFFFFC000  }
.Ltmp2:
0x99: {  	[bflag:$0x0] =	sbarrier.arrive $0xFFFF;
	(pc) =	sbr.rel @p0 .LBB2_1-.Ltmp2, $4  }
0x9a: {  	[hbm:s13], [sflag:s6] =	dma.local [spmem:s15], $0x1400  }
0x9b: {  	_ =	swait.ge [sflag:s16], $0x1400  }
0x9c: {  	[sflag:s16] =	ssyncset.done $0x0  }
0x9d: {  	[sflag:s16] =	ssyncadd.s32 $0xFFFFEC00  }
0x9e: {  	_ =	sfence.sel $0x180000  }
0x9f: {  	[bflag:$0x0] =	sbarrier.arrive $0xFFFF  }
0xa0: {  	p0 =	sne.s32 s0, $0x0;
	_ =	strace $0x90000068  }
0xa1: {  	s0 =	sadd.s32 @!p0 $0x100000, s1;
	[bflag:$0x2] =	sbarrier.arrive $0xFFFF  }
0xa2: {  	[sflag:s0] =	ssyncadd.tile.s32 @!p0 $0x1;
	_ =	shalt  }
.Lfunc_end2:
_tile_overlayer_lowered:
.L_overlay_start_2:
0xa3: {  	(tag) =	ssettag $0x2  }
0xa4: {  	s0 =	rddreg [dreg:$0x0];
	s2 =	stileid.u32  }
0xa5: {  	s1 =	rddreg [dreg:$0x1];
	p0 =	sne.s32 s2, $0x0  }
0xa6: {  	s3 =	rddreg [dreg:$0x2];
	[bflag:$0x3] =	sbarrier.arrive $0xFFFF;
	s2 =	simm.s32 @!p0 $0x1C03  }
0xa7: {  	[timem:s3], [sflag:s2] =	dma.local @!p0 [hbm:s0], s1  }
0xa8: {  	s0 =	simm.s32 @!p0 $0x3  }
0xa9: {  	_ =	swait.ge @!p0 [sflag:s0], s1  }
0xaa: {  	s1 =	ssub.s32 @!p0 $0x0, s1;
	[sflag:s0] =	ssyncset.done @!p0 $0x0  }
0xab: {  	[sflag:s0] =	ssyncadd.s32 @!p0 s1  }
0xac: {  	[bflag:$0x3] =	sbarrier.arrive $0xFFFF  }
0xad: {  	_ =	shalt  }

// kernel: kernel.9.cloned.1.call-start
scs
__scs_entry_jumppad:
0x0: {  	(pc) =	sbr.rel $0x88, $3  }
0x1: {  	(tag) =	ssettag $0x0;
	lr =	simm.s32 $0x1  }
0x2: {  	[smem:$0x3F96] =	sst lr;
	_ =	strace $0xD0000000  }
0x3: {  	_ = 	snop  }
0x4: {  	_ = 	snop  }
0x5: {  	_ = 	snop  }
0x6: {  	_ = 	snop  }
0x7: {  	_ = 	snop  }
__scs_overlays_trampoline_lowered:
0x8: {  	[smem:$0x3FA5] =	sst s0  }
0x9: {  	[smem:$0x3FA6] =	sst s1  }
0xa: {  	[smem:$0x3FA7] =	sst s2  }
0xb: {  	[smem:$0x3FA8] =	sst s3  }
0xc: {  	[smem:$0x3FA9] =	sst s4  }
0xd: {  	[smem:$0x3FAA] =	sst s5  }
0xe: {  	[smem:$0x3FAB] =	sst s6  }
0xf: {  	[smem:$0x3FAC] =	sst s7  }
0x10: {  	[smem:$0x3FAD] =	sst s8  }
0x11: {  	[smem:$0x3FAE] =	sst s9;
	s0 =	simm.s32 @!p0 $0x0  }
0x12: {  	s1 =	sld [smem:$0x3F94];
	s0 =	simm.s32 @p0 $0x1  }
0x13: {  	[smem:$0x3FAF] =	sst s0;
	s0 =	simm.s32 @!p1 $0x0  }
0x14: {  	s2 =	sld [smem:$0x3F93];
	s0 =	simm.s32 @p1 $0x1  }
0x15: {  	[smem:$0x3FB0] =	sst s0;
	s0 =	simm.s32 @!p2 $0x0  }
0x16: {  	s3 =	sld [smem:$0x3FDB];
	s0 =	simm.s32 @p2 $0x1  }
0x17: {  	s4 =	simm.s32 $0x1BF5;
	[smem:$0x3FB2] =	sst s0  }
0x18: {  	s0 =	sld [smem:$0x3F95];
	_ =	swait.ge [sflag:s4], $0x0  }
0x19: {  	s7 =	sld [smem:$0x3F96]  }
0x1a: {  	s8 =	sadd.s32 $0xFFFFE003, lr  }
0x1b: {  	s9 =	sadd.s32 $0xFFFFFEF7, lr;
	s5 =	simm.s32 $0xFFFFFFFF;
	p2 =	slt.u32 s8, $0xFFFFF086  }
0x1c: {  	p1 =	slt.u32 s9, $0xF7A;
	s5 =	simm.s32 @!p2 $0x0  }
0x1d: {  	s5 =	simm.s32 @p1 $0x1;
	p0 =	seq.s32 s7, s2  }
0x1e: {  	s7 =	smul.u32 @!p0 $0xF7A, s2;
	p2 =	seq.s32 @!p0 s5, $0x0  }
0x1f: {  	s9 =	smul.u32 $0xF7A, s1;
	s8 =	simm.s32 @!p0 $0x1BF5;
	p2 =	por !p2, p0  }
0x20: {  	[sflag:s8] =	ssyncset.s32 @!p0 $0xFFFFF086;
	s6 =	sadd.s32 @!p0 s3, s7;
	s7 =	simm.s32 @!p0 $0x108  }
0x21: {  	s3 =	sadd.s32 s3, s9;
	s6 =	sadd.s32 @!p0 $0x88, s6;
	s7 =	simm.s32 @p2 $0x1082  }
0x22: {  	[simem:s7], [sflag:s8] =	dma.local @!p0 [hbm:s6], $0xF7A  }
0x23: {  	s9 =	sor.u32 $0xD0000000, s2;
	s6 =	simm.s32 $0x108;
	_ =	swait.ge @!p0 [sflag:s8], $0x0  }
0x24: {  	s3 =	sadd.s32 $0x88, s3;
	s6 =	simm.s32 @!p1 $0x1082;
	[sflag:s4] =	ssyncset.s32 $0xFFFFF086  }
0x25: {  	[simem:s6], [sflag:s4] =	dma.local [hbm:s3], $0xF7A  }
0x26: {  	[smem:$0x3F96] =	sst s1;
	(tag) =	ssettag s2;
	_ =	strace s9  }
0x27: {  	s1 =	sld [smem:$0x3FA6]  }
0x28: {  	s2 =	sld [smem:$0x3FA7]  }
0x29: {  	s4 =	sld [smem:$0x3FA9]  }
0x2a: {  	p0 =	seq.s32 s5, $0x0;
	s5 =	sld [smem:$0x3FAA]  }
0x2b: {  	s6 =	sld [smem:$0x3FAB]  }
0x2c: {  	s7 =	sld [smem:$0x3FAC]  }
0x2d: {  	s3 =	simm.s32 $0x108;
	s8 =	sld [smem:$0x3FAD]  }
0x2e: {  	s3 =	simm.s32 @!p0 $0x1082;
	s9 =	sld [smem:$0x3FAE]  }
0x2f: {  	lr =	sadd.s32 s0, s3;
	s0 =	sld [smem:$0x3FA5]  }
0x30: {  	s3 =	sld [smem:$0x3FA8]  }
0x31: {  	[smem:$0x3FB1] =	sst s10  }
0x32: {  	s10 =	sld [smem:$0x3FAF];
	_ =	sdelay $0x3  }
0x33: {  	p0 =	seq.s32 s10, $0x1;
	s10 =	sld [smem:$0x3FB1];
	_ =	sdelay $0x3  }
0x34: {  	[smem:$0x3FB1] =	sst s10  }
0x35: {  	s10 =	sld [smem:$0x3FB0];
	_ =	sdelay $0x3  }
0x36: {  	p1 =	seq.s32 s10, $0x1;
	s10 =	sld [smem:$0x3FB1];
	_ =	sdelay $0x3  }
0x37: {  	[smem:$0x3FB1] =	sst s10  }
0x38: {  	s10 =	sld [smem:$0x3FB2]  }
0x39: {  	_ = 	snop;
	(pc) =	sbr.ind lr, $3  }
0x3a: {  	_ = 	snop  }
0x3b: {  	_ = 	snop  }
0x3c: {  	p2 =	seq.s32 s10, $0x1;
	s10 =	sld [smem:$0x3FB1]  }
0x3d: {  	_ =	shalt  }
0x3e: {  	_ =	shalt  }
0x3f: {  	_ =	shalt  }
0x40: {  	_ =	shalt  }
0x41: {  	_ =	shalt  }
0x42: {  	_ =	shalt  }
0x43: {  	_ =	shalt  }
0x44: {  	_ =	shalt  }
0x45: {  	_ =	shalt  }
0x46: {  	_ =	shalt  }
0x47: {  	_ =	shalt  }
0x48: {  	_ =	shalt  }
0x49: {  	_ =	shalt  }
0x4a: {  	_ =	shalt  }
0x4b: {  	_ =	shalt  }
0x4c: {  	_ =	shalt  }
0x4d: {  	_ =	shalt  }
0x4e: {  	_ =	shalt  }
0x4f: {  	_ =	shalt  }
0x50: {  	_ =	shalt  }
0x51: {  	_ =	shalt  }
0x52: {  	_ =	shalt  }
0x53: {  	_ =	shalt  }
0x54: {  	_ =	shalt  }
0x55: {  	_ =	shalt  }
0x56: {  	_ =	shalt  }
0x57: {  	_ =	shalt  }
0x58: {  	_ =	shalt  }
0x59: {  	_ =	shalt  }
0x5a: {  	_ =	shalt  }
0x5b: {  	_ =	shalt  }
0x5c: {  	_ =	shalt  }
0x5d: {  	_ =	shalt  }
0x5e: {  	_ =	shalt  }
0x5f: {  	_ =	shalt  }
0x60: {  	_ =	shalt  }
0x61: {  	_ =	shalt  }
0x62: {  	_ =	shalt  }
0x63: {  	_ =	shalt  }
0x64: {  	_ =	shalt  }
0x65: {  	_ =	shalt  }
0x66: {  	_ =	shalt  }
0x67: {  	_ =	shalt  }
0x68: {  	_ =	shalt  }
0x69: {  	_ =	shalt  }
0x6a: {  	_ =	shalt  }
0x6b: {  	_ =	shalt  }
0x6c: {  	_ =	shalt  }
0x6d: {  	_ =	shalt  }
0x6e: {  	_ =	shalt  }
0x6f: {  	_ =	shalt  }
0x70: {  	_ =	shalt  }
0x71: {  	_ =	shalt  }
0x72: {  	_ =	shalt  }
0x73: {  	_ =	shalt  }
0x74: {  	_ =	shalt  }
0x75: {  	_ =	shalt  }
0x76: {  	_ =	shalt  }
0x77: {  	_ =	shalt  }
0x78: {  	_ =	shalt  }
0x79: {  	_ =	shalt  }
0x7a: {  	_ =	shalt  }
0x7b: {  	_ =	shalt  }
0x7c: {  	_ =	shalt  }
0x7d: {  	_ =	shalt  }
0x7e: {  	_ =	shalt  }
0x7f: {  	_ =	shalt  }
0x80: {  	_ =	shalt  }
0x81: {  	_ =	shalt  }
0x82: {  	_ =	shalt  }
0x83: {  	_ =	shalt  }
0x84: {  	_ =	shalt  }
0x85: {  	_ =	shalt  }
0x86: {  	_ =	shalt  }
0x87: {  	_ =	shalt  }
.Lfunc_end0:
.L_simem_size_0:
called_computation.5_lowered:
.L_overlay_start_0:
0x88: {  	s2 =	sld [smem:$0x3FD9]  }
0x89: {  	s3 =	sld [smem:$0x3FFE];
	_ =	sdelay $0x1  }
0x8a: {  	s1 =	srdreg.scid  }
0x8b: {  	s0 =	sand.u32 $0x1, s1  }
0x8c: {  	s17 =	sshll.u32 s0, $0xA;
	s2 =	sadd.s32 s3, s2  }
0x8d: {  	s2 =	sadd.s32 s2, s17  }
0x8e: {  	[smem:$0x3FBD] =	sst s2  }
0x8f: {  	_ = 	snop  }
0x90: {  	(tm) =	ssettm $0x1  }
0x91: {  	s18 =	sld [smem:$0x3FFB];
	_ =	sdelay $0x3  }
0x92: {  	_ =	strace s18  }
0x93: {  	s2 =	sld [smem:$0x3FFC];
	_ =	sdelay $0x3  }
0x94: {  	_ =	strace s2  }
0x95: {  	s2 =	sld [smem:$0x3FFD];
	_ =	sdelay $0x3  }
0x96: {  	_ =	strace s2  }
0x97: {  	_ =	strace $0x8FFFFFFF  }
0x98: {  	s19 =	sld [smem:$0x3FDB];
	_ =	sdelay $0x1  }
0x99: {  	s20 =	simm.s32 $_scs_section_size  }
0x9a: {  	s4 =	simm.s32 $_size__tile_overlayer_lowered;
	s5 =	simm.s32 $_tile_overlayer_lowered  }
0x9b: {  	s6 =	simm.s32 $0x1BFF;
	s21 =	sshll.u32 s5, $0x1;
	s3 =	sadd.s32 s20, s19  }
0x9c: {  	s22 =	simm.s32 $0x0;
	s4 =	sshll.u32 s4, $0x1;
	s5 =	sadd.s32 s21, s3  }
0x9d: {  	[timem:s22], [sflag:s6] =	dma.local [hbm:s5], s4  }
0x9e: {  	_ =	swait.ge [sflag:s6], s4  }
0x9f: {  	s4 =	ssub.s32 $0x0, s4;
	[sflag:s6] =	ssyncset.done $0x0  }
0xa0: {  	[sflag:s6] =	ssyncadd.s32 s4;
	_ =	sdelay $0x1  }
0xa1: {  	s23 =	simm.s32 $0x1B8B  }
0xa2: {  	_ =	swait.ge [sflag:s23], $0x1  }
0xa3: {  	[sflag:s23] =	ssyncset.done $0x0  }
0xa4: {  	[sflag:s23] =	ssyncadd.s32 $0xFFFFFFFF  }
0xa5: {  	s4 =	sld [smem:$0x0]  }
0xa6: {  	s5 =	sand.u32 $0xFFFFFFFE, s1  }
0xa7: {  	p0 =	sne.s32 s1, s5  }
0xa8: {  	s5 =	sshll.u32 @p0 s5, $0xE  }
0xa9: {  	s5 =	sadd.s32 @p0 $0x11B8D, s5;
	s6 =	sshll.u32 @p0 s4, $0x11  }
0xaa: {  	s5 =	sor.u32 @p0 s6, s5  }
0xab: {  	[sflag:s5] =	ssyncadd.remote.s32 @p0 $0x1;
	_ =	sdelay $0x1  }
0xac: {  	s5 =	simm.s32 @p0 $0x1B8D  }
0xad: {  	_ =	swait.eq @p0 [sflag:s5], $0x1  }
0xae: {  	[sflag:s5] =	ssyncadd.s32 @p0 $0xFFFFFFFF  }
0xaf: {  	s6 =	sshll.u32 @!p0 s1, $0xE  }
0xb0: {  	s6 =	sor.u32 @!p0 $0x4000, s6;
	s5 =	simm.s32 @!p0 $0x1B8D  }
0xb1: {  	s4 =	sshll.u32 @!p0 s4, $0x11;
	s6 =	sadd.s32 @!p0 $0x11B8D, s6;
	_ =	swait.eq @!p0 [sflag:s5], $0x1  }
0xb2: {  	s4 =	sor.u32 @!p0 s4, s6;
	[sflag:s5] =	ssyncadd.s32 @!p0 $0xFFFFFFFF  }
0xb3: {  	s25 =	simm.s32 $0x1B8E;
	s24 =	sld [smem:$0x3FFE];
	[sflag:s4] =	ssyncadd.remote.s32 @!p0 $0x1  }
0xb4: {  	s26 =	simm.s32 $execute0_lowered;
	[smem:$0x3FD2] =	sst s25  }
0xb5: {  	s5 =	sshll.u32 s26, $0x1;
	_ =	strace $0x8000005E;
	[dreg:$0x1] =	wrdreg $0xFFFFFFFF  }
0xb6: {  	s28 =	simm.s32 $_size_execute0_lowered;
	s3 =	sadd.s32 s3, s5;
	[dreg:$0x0] =	wrdreg $0x0  }
0xb7: {  	s5 =	sshll.u32 s28, $0x1;
	[dreg:$0x2] =	wrdreg s3  }
0xb8: {  	[dreg:$0x3] =	wrdreg s5  }
0xb9: {  	[dreg:$0x4] =	wrdreg $0xC0  }
0xba: {  	_ =	task [dreg:s22], $0x5FFFF  }
0xbb: {  	[dreg:$0x1] =	wrdreg $0xFFFFFFFF  }
0xbc: {  	[dreg:$0x0] =	wrdreg $0x60  }
0xbd: {  	[dreg:$0x2] =	wrdreg s24  }
0xbe: {  	[dreg:$0x3] =	wrdreg $0x68000  }
0xbf: {  	[dreg:$0x4] =	wrdreg $0x9  }
0xc0: {  	_ =	task.clear_ibuf [dreg:s22], $0x5FFFF;
	_ =	strace $0x9000005E  }
0xc1: {  	s29 =	simm.s32 $0x9;
	_ =	strace $0x80000060  }
0xc2: {  	_ =	swait.ge [sflag:s29], $0x1  }
0xc3: {  	[sflag:s29] =	ssyncadd.s32 $0xFFFFFFFF  }
0xc4: {  	_ =	strace $0x90000060  }
0xc5: {  	_ =	sfence  }
0xc6: {  	s30 =	sld [smem:$0x0];
	_ =	sdelay $0x2  }
0xc7: {  	s31 =	sshll.u32 s1, $0xD;
	s1 =	sshrl.u32 s1, $0x2  }
0xc8: {  	s4 =	sand.u32 $0x4000, s31;
	s1 =	sadd.s32 s1, s30  }
0xc9: {  	s0 =	sor.u32 s4, s0;
	s1 =	sshll.u32 s1, $0x11  }
0xca: {  	s0 =	sor.u32 s1, s0  }
0xcb: {  	s0 =	sadd.s32 $0x8F2B, s0  }
0xcc: {  	[sflag:s0] =	ssyncadd.remote.s32 $0x1  }
0xcd: {  	_ =	sfence.sel $0xFFFF  }
0xce: {  	[dreg:$0x0] =	wrdreg $0xFFFFFFFF;
	(pc) =	sbr.abs _section_cstart, $3  }
0xcf: {  	[dreg:$0x1] =	wrdreg $0xFFFFFFFF  }
0xd0: {  	_ =	task.clear_ibuf [dreg:s22], $0x2FFFF;
	_ =	strace $0x9FFFFFFF  }
0xd1: {  	(tm) =	ssettm $0x7FFFFFFF  }
tec
execute0_lowered:
.L_overlay_start_1:
0x0: {  	(tag) =	ssettag $0x1  }
0x1: {  	s1 =	srdreg.scid;
	s5 =	rddreg [dreg:$0x0]  }
0x2: {  	s0 =	stileid.u32;
	s2 =	rddreg [dreg:$0x1];
	s3 =	simm.s32 $0x0  }
0x3: {  	s13 =	simm.s32 $0x80;
	s14 =	simm.s32 $0x0;
	s6 =	sand.u32 $0x1, s1  }
0x4: {  	s28 =	sshll.u32 s0, $0x1;
	s1 =	rddreg [dreg:$0x2];
	s7 =	smul.u32 $0x13C00, s0  }
0x5: {  	[smem:$0x7FF] =	sst s3;
	s29 =	smul.u32 $0x4F000, s0;
	s31 =	sshll.u32 s0, $0x6  }
0x6: {  	s4 =	sor.u32 s6, s28;
	_ =	strace $0x8000005F;
	s8 =	smul.u32 $0x13C000, s6  }
0x7: {  	s6 =	ssub.s32 $0x2, s6;
	s4 =	smul.u32 $0x500, s4;
	s10 =	sshrl.u32 s7, $0x3  }
0x8: {  	s11 =	sshrl.u32 s6, $0x1;
	s30 =	sshrl.u32 s29, $0x2;
	s7 =	sadd.s32 s7, s8  }
0x9: {  	s10 =	sadd.s32 s10, s5;
	s11 =	ssub.s32 s6, s11;
	s12 =	sadd.s32 s30, s2  }
0xa: {  	s9 =	sadd.s32 s4, s5;
	s4 =	sadd.s32 $0x3CA00, s5;
	s7 =	sshrl.u32 s7, $0x3  }
0xb: {  	s6 =	sadd.s32 $0x4B400, s10;
	s8 =	smax.u32 s11, $0x1;
	s10 =	simm.s32 $0x2800  }
0xc: {  	s11 =	sor.u32 $0x1C01, s31;
	s12 =	sshrl.u32 s12, $0x3;
	s7 =	sadd.s32 s7, s5  }
0xd: {  	s5 =	sadd.s32 $0x41400, s9;
	s9 =	simm.s32 $0x1;
	s7 =	sadd.s32 $0x72C00, s7  }
.LBB2_1:
0xe: {  	[tilespmem:s3], [sflag:$0x1] =	stream.linear.gather [hbm4b:s5+s3], $0x2800, $0x38;
	[tilespmem:$0x1A400] =	vst v63  }
0xf: {  	_ =	swait.ge [sflag:s9], $0x2800  }
0x10: {  	[sflag:s9] =	ssyncset.done $0x0  }
0x11: {  	[sflag:s9] =	ssyncadd.s32 $0xFFFFD800  }
0x12: {  	[tilespmem:s10], [sflag:$0x1] =	stream.linear.gather [hbm4b:s4+s3], $0x4000, $0x38;
	[tilespmem:$0x1A400] =	vst v63  }
0x13: {  	_ =	swait.ge [sflag:s9], $0x4000  }
0x14: {  	[sflag:s9] =	ssyncset.done $0x0  }
0x15: {  	[sflag:s9] =	ssyncadd.s32 $0xFFFFC000  }
0x16: {  	[spmem:s12], [sflag:s11] =	dma.local [hbm:s6], $0x2780  }
0x17: {  	_ =	swait.ge [sflag:s9], $0x2780  }
0x18: {  	[sflag:s9] =	ssyncset.done $0x0  }
0x19: {  	[sflag:s9] =	ssyncadd.s32 $0xFFFFD880  }
0x1a: {  	s15 =	simm.s32 $0x0;
	[bflag:$0x0] =	sbarrier.arrive $0xFFFF  }
0x1b: {  	[spmem:s2] =	stream.indirect.scatter.add.f32 [tilespmem:s10], [sflag:$0x1], $0x80, s15, s13, $0xb8;
	[tilespmem:$0x1A400] =	vst v63  }
0x1c: {  	_ =	swait.ge [sflag:s9], $0x4000  }
0x1d: {  	s15 =	simm.s32 $0x200;
	[sflag:s9] =	ssyncset.done $0x0  }
.LBB2_2:
0x1e: {  	s16 =	sshra.s32 s15, $0x2;
	[sflag:s9] =	ssyncadd.s32 $0xFFFFC000;
	p0 =	sne.s32 s15, $0x9E00  }
0x1f: {  	[spmem:s2] =	stream.indirect.scatter.add.f32 [tilespmem:s10], [sflag:$0x1], $0x80, s16, s13, $0xb8;
	[tilespmem:$0x1A400] =	vst v63  }
.Ltmp0:
0x20: {  	_ = 	snop;
	(pc) =	sbr.rel @p0 .LBB2_2-.Ltmp0, $4  }
0x21: {  	_ = 	snop  }
0x22: {  	s15 =	sadd.s32 $0x200, s15  }
0x23: {  	_ =	swait.ge [sflag:s9], $0x4000  }
0x24: {  	[sflag:s9] =	ssyncset.done $0x0  }
0x25: {  	s14 =	sadd.s32 $0x1, s14  }
0x26: {  	[sflag:s9] =	ssyncadd.s32 $0xFFFFC000;
	p0 =	sne.s32 s14, s8  }
.Ltmp1:
0x27: {  	[bflag:$0x0] =	sbarrier.arrive $0xFFFF;
	(pc) =	sbr.rel @p0 .LBB2_1-.Ltmp1, $4  }
0x28: {  	[hbm:s7], [sflag:s11] =	dma.local [spmem:s12], $0x2780  }
0x29: {  	_ =	swait.ge [sflag:s9], $0x2780  }
0x2a: {  	[sflag:s9] =	ssyncset.done $0x0  }
0x2b: {  	[sflag:s9] =	ssyncadd.s32 $0xFFFFD880  }
0x2c: {  	_ =	sfence.sel $0x180000  }
0x2d: {  	[bflag:$0x0] =	sbarrier.arrive $0xFFFF  }
0x2e: {  	p0 =	sne.s32 s0, $0x0;
	_ =	strace $0x9000005F  }
0x2f: {  	s0 =	sadd.s32 @!p0 $0x100000, s1;
	[bflag:$0x2] =	sbarrier.arrive $0xFFFF  }
0x30: {  	[sflag:s0] =	ssyncadd.tile.s32 @!p0 $0x1;
	_ =	shalt  }
.Lfunc_end2:
_tile_overlayer_lowered:
.L_overlay_start_2:
0x31: {  	(tag) =	ssettag $0x2  }
0x32: {  	s0 =	rddreg [dreg:$0x0];
	s2 =	stileid.u32  }
0x33: {  	s1 =	rddreg [dreg:$0x1];
	p0 =	sne.s32 s2, $0x0  }
0x34: {  	s3 =	rddreg [dreg:$0x2];
	[bflag:$0x3] =	sbarrier.arrive $0xFFFF;
	s2 =	simm.s32 @!p0 $0x1C01  }
0x35: {  	[timem:s3], [sflag:s2] =	dma.local @!p0 [hbm:s0], s1  }
0x36: {  	s0 =	simm.s32 @!p0 $0x1  }
0x37: {  	_ =	swait.ge @!p0 [sflag:s0], s1  }
0x38: {  	s1 =	ssub.s32 @!p0 $0x0, s1;
	[sflag:s0] =	ssyncset.done @!p0 $0x0  }
0x39: {  	[sflag:s0] =	ssyncadd.s32 @!p0 s1  }
0x3a: {  	[bflag:$0x3] =	sbarrier.arrive $0xFFFF  }
0x3b: {  	_ =	shalt  }

// kernel: scatter_offload_async_start.1
scs
__scs_entry_jumppad:
0x0: {  	(pc) =	sbr.rel $0x88, $3  }
0x1: {  	(tag) =	ssettag $0x0;
	lr =	simm.s32 $0x1  }
0x2: {  	[smem:$0x3F96] =	sst lr;
	_ =	strace $0xD0000000  }
0x3: {  	_ = 	snop  }
0x4: {  	_ = 	snop  }
0x5: {  	_ = 	snop  }
0x6: {  	_ = 	snop  }
0x7: {  	_ = 	snop  }
__scs_overlays_trampoline_lowered:
0x8: {  	[smem:$0x3FA5] =	sst s0  }
0x9: {  	[smem:$0x3FA6] =	sst s1  }
0xa: {  	[smem:$0x3FA7] =	sst s2  }
0xb: {  	[smem:$0x3FA8] =	sst s3  }
0xc: {  	[smem:$0x3FA9] =	sst s4  }
0xd: {  	[smem:$0x3FAA] =	sst s5  }
0xe: {  	[smem:$0x3FAB] =	sst s6  }
0xf: {  	[smem:$0x3FAC] =	sst s7  }
0x10: {  	[smem:$0x3FAD] =	sst s8  }
0x11: {  	[smem:$0x3FAE] =	sst s9;
	s0 =	simm.s32 @!p0 $0x0  }
0x12: {  	s1 =	sld [smem:$0x3F94];
	s0 =	simm.s32 @p0 $0x1  }
0x13: {  	[smem:$0x3FAF] =	sst s0;
	s0 =	simm.s32 @!p1 $0x0  }
0x14: {  	s2 =	sld [smem:$0x3F93];
	s0 =	simm.s32 @p1 $0x1  }
0x15: {  	[smem:$0x3FB0] =	sst s0;
	s0 =	simm.s32 @!p2 $0x0  }
0x16: {  	s3 =	sld [smem:$0x3FDB];
	s0 =	simm.s32 @p2 $0x1  }
0x17: {  	s4 =	simm.s32 $0x1BF5;
	[smem:$0x3FB2] =	sst s0  }
0x18: {  	s0 =	sld [smem:$0x3F95];
	_ =	swait.ge [sflag:s4], $0x0  }
0x19: {  	s7 =	sld [smem:$0x3F96]  }
0x1a: {  	s8 =	sadd.s32 $0xFFFFE003, lr  }
0x1b: {  	s9 =	sadd.s32 $0xFFFFFEF7, lr;
	s5 =	simm.s32 $0xFFFFFFFF;
	p2 =	slt.u32 s8, $0xFFFFF086  }
0x1c: {  	p1 =	slt.u32 s9, $0xF7A;
	s5 =	simm.s32 @!p2 $0x0  }
0x1d: {  	s5 =	simm.s32 @p1 $0x1;
	p0 =	seq.s32 s7, s2  }
0x1e: {  	s7 =	smul.u32 @!p0 $0xF7A, s2;
	p2 =	seq.s32 @!p0 s5, $0x0  }
0x1f: {  	s9 =	smul.u32 $0xF7A, s1;
	s8 =	simm.s32 @!p0 $0x1BF5;
	p2 =	por !p2, p0  }
0x20: {  	[sflag:s8] =	ssyncset.s32 @!p0 $0xFFFFF086;
	s6 =	sadd.s32 @!p0 s3, s7;
	s7 =	simm.s32 @!p0 $0x108  }
0x21: {  	s3 =	sadd.s32 s3, s9;
	s6 =	sadd.s32 @!p0 $0x88, s6;
	s7 =	simm.s32 @p2 $0x1082  }
0x22: {  	[simem:s7], [sflag:s8] =	dma.local @!p0 [hbm:s6], $0xF7A  }
0x23: {  	s9 =	sor.u32 $0xD0000000, s2;
	s6 =	simm.s32 $0x108;
	_ =	swait.ge @!p0 [sflag:s8], $0x0  }
0x24: {  	s3 =	sadd.s32 $0x88, s3;
	s6 =	simm.s32 @!p1 $0x1082;
	[sflag:s4] =	ssyncset.s32 $0xFFFFF086  }
0x25: {  	[simem:s6], [sflag:s4] =	dma.local [hbm:s3], $0xF7A  }
0x26: {  	[smem:$0x3F96] =	sst s1;
	(tag) =	ssettag s2;
	_ =	strace s9  }
0x27: {  	s1 =	sld [smem:$0x3FA6]  }
0x28: {  	s2 =	sld [smem:$0x3FA7]  }
0x29: {  	s4 =	sld [smem:$0x3FA9]  }
0x2a: {  	p0 =	seq.s32 s5, $0x0;
	s5 =	sld [smem:$0x3FAA]  }
0x2b: {  	s6 =	sld [smem:$0x3FAB]  }
0x2c: {  	s7 =	sld [smem:$0x3FAC]  }
0x2d: {  	s3 =	simm.s32 $0x108;
	s8 =	sld [smem:$0x3FAD]  }
0x2e: {  	s3 =	simm.s32 @!p0 $0x1082;
	s9 =	sld [smem:$0x3FAE]  }
0x2f: {  	lr =	sadd.s32 s0, s3;
	s0 =	sld [smem:$0x3FA5]  }
0x30: {  	s3 =	sld [smem:$0x3FA8]  }
0x31: {  	[smem:$0x3FB1] =	sst s10  }
0x32: {  	s10 =	sld [smem:$0x3FAF];
	_ =	sdelay $0x3  }
0x33: {  	p0 =	seq.s32 s10, $0x1;
	s10 =	sld [smem:$0x3FB1];
	_ =	sdelay $0x3  }
0x34: {  	[smem:$0x3FB1] =	sst s10  }
0x35: {  	s10 =	sld [smem:$0x3FB0];
	_ =	sdelay $0x3  }
0x36: {  	p1 =	seq.s32 s10, $0x1;
	s10 =	sld [smem:$0x3FB1];
	_ =	sdelay $0x3  }
0x37: {  	[smem:$0x3FB1] =	sst s10  }
0x38: {  	s10 =	sld [smem:$0x3FB2]  }
0x39: {  	_ = 	snop;
	(pc) =	sbr.ind lr, $3  }
0x3a: {  	_ = 	snop  }
0x3b: {  	_ = 	snop  }
0x3c: {  	p2 =	seq.s32 s10, $0x1;
	s10 =	sld [smem:$0x3FB1]  }
0x3d: {  	_ =	shalt  }
0x3e: {  	_ =	shalt  }
0x3f: {  	_ =	shalt  }
0x40: {  	_ =	shalt  }
0x41: {  	_ =	shalt  }
0x42: {  	_ =	shalt  }
0x43: {  	_ =	shalt  }
0x44: {  	_ =	shalt  }
0x45: {  	_ =	shalt  }
0x46: {  	_ =	shalt  }
0x47: {  	_ =	shalt  }
0x48: {  	_ =	shalt  }
0x49: {  	_ =	shalt  }
0x4a: {  	_ =	shalt  }
0x4b: {  	_ =	shalt  }
0x4c: {  	_ =	shalt  }
0x4d: {  	_ =	shalt  }
0x4e: {  	_ =	shalt  }
0x4f: {  	_ =	shalt  }
0x50: {  	_ =	shalt  }
0x51: {  	_ =	shalt  }
0x52: {  	_ =	shalt  }
0x53: {  	_ =	shalt  }
0x54: {  	_ =	shalt  }
0x55: {  	_ =	shalt  }
0x56: {  	_ =	shalt  }
0x57: {  	_ =	shalt  }
0x58: {  	_ =	shalt  }
0x59: {  	_ =	shalt  }
0x5a: {  	_ =	shalt  }
0x5b: {  	_ =	shalt  }
0x5c: {  	_ =	shalt  }
0x5d: {  	_ =	shalt  }
0x5e: {  	_ =	shalt  }
0x5f: {  	_ =	shalt  }
0x60: {  	_ =	shalt  }
0x61: {  	_ =	shalt  }
0x62: {  	_ =	shalt  }
0x63: {  	_ =	shalt  }
0x64: {  	_ =	shalt  }
0x65: {  	_ =	shalt  }
0x66: {  	_ =	shalt  }
0x67: {  	_ =	shalt  }
0x68: {  	_ =	shalt  }
0x69: {  	_ =	shalt  }
0x6a: {  	_ =	shalt  }
0x6b: {  	_ =	shalt  }
0x6c: {  	_ =	shalt  }
0x6d: {  	_ =	shalt  }
0x6e: {  	_ =	shalt  }
0x6f: {  	_ =	shalt  }
0x70: {  	_ =	shalt  }
0x71: {  	_ =	shalt  }
0x72: {  	_ =	shalt  }
0x73: {  	_ =	shalt  }
0x74: {  	_ =	shalt  }
0x75: {  	_ =	shalt  }
0x76: {  	_ =	shalt  }
0x77: {  	_ =	shalt  }
0x78: {  	_ =	shalt  }
0x79: {  	_ =	shalt  }
0x7a: {  	_ =	shalt  }
0x7b: {  	_ =	shalt  }
0x7c: {  	_ =	shalt  }
0x7d: {  	_ =	shalt  }
0x7e: {  	_ =	shalt  }
0x7f: {  	_ =	shalt  }
0x80: {  	_ =	shalt  }
0x81: {  	_ =	shalt  }
0x82: {  	_ =	shalt  }
0x83: {  	_ =	shalt  }
0x84: {  	_ =	shalt  }
0x85: {  	_ =	shalt  }
0x86: {  	_ =	shalt  }
0x87: {  	_ =	shalt  }
.Lfunc_end0:
.L_simem_size_0:
called_computation.1_lowered:
.L_overlay_start_0:
0x88: {  	s0 =	sld [smem:$0x3FD9]  }
0x89: {  	s1 =	sld [smem:$0x3FFE];
	_ =	sdelay $0x3  }
0x8a: {  	s0 =	sadd.s32 s1, s0  }
0x8b: {  	[smem:$0x3FBD] =	sst s0  }
0x8c: {  	_ = 	snop  }
0x8d: {  	(tm) =	ssettm $0x1  }
0x8e: {  	s14 =	sld [smem:$0x3FFB];
	_ =	sdelay $0x3  }
0x8f: {  	_ =	strace s14  }
0x90: {  	s0 =	sld [smem:$0x3FFC];
	_ =	sdelay $0x3  }
0x91: {  	_ =	strace s0  }
0x92: {  	s0 =	sld [smem:$0x3FFD];
	_ =	sdelay $0x3  }
0x93: {  	_ =	strace s0  }
0x94: {  	_ =	strace $0x8FFFFFFF  }
0x95: {  	s15 =	sld [smem:$0x3FDB];
	_ =	sdelay $0x1  }
0x96: {  	s16 =	simm.s32 $_scs_section_size  }
0x97: {  	s2 =	simm.s32 $_size__tile_overlayer_lowered;
	s3 =	simm.s32 $_tile_overlayer_lowered  }
0x98: {  	s4 =	simm.s32 $0x1BFF;
	s17 =	sshll.u32 s3, $0x1;
	s1 =	sadd.s32 s16, s15  }
0x99: {  	s18 =	simm.s32 $0x0;
	s2 =	sshll.u32 s2, $0x1;
	s3 =	sadd.s32 s17, s1  }
0x9a: {  	[timem:s18], [sflag:s4] =	dma.local [hbm:s3], s2  }
0x9b: {  	_ =	swait.ge [sflag:s4], s2  }
0x9c: {  	s2 =	ssub.s32 $0x0, s2;
	[sflag:s4] =	ssyncset.done $0x0  }
0x9d: {  	[sflag:s4] =	ssyncadd.s32 s2;
	_ =	sdelay $0x1  }
0x9e: {  	s19 =	simm.s32 $0x1B8B  }
0x9f: {  	_ =	swait.ge [sflag:s19], $0x1  }
0xa0: {  	[sflag:s19] =	ssyncset.done $0x0  }
0xa1: {  	s21 =	simm.s32 $0x1B8E;
	s20 =	sld [smem:$0x3FFE];
	[sflag:s19] =	ssyncadd.s32 $0xFFFFFFFF  }
0xa2: {  	s22 =	simm.s32 $execute0_lowered;
	[smem:$0x3FD2] =	sst s21  }
0xa3: {  	s3 =	sshll.u32 s22, $0x1;
	_ =	strace $0x80000052;
	[dreg:$0x1] =	wrdreg $0xFFFFFFFF  }
0xa4: {  	s23 =	simm.s32 $_size_execute0_lowered;
	s3 =	sadd.s32 s1, s3;
	[dreg:$0x0] =	wrdreg $0x0  }
0xa5: {  	s4 =	sshll.u32 s23, $0x1;
	[dreg:$0x2] =	wrdreg s3  }
0xa6: {  	[dreg:$0x3] =	wrdreg s4  }
0xa7: {  	[dreg:$0x4] =	wrdreg $0xC0  }
0xa8: {  	s24 =	simm.s32 $execute1_lowered;
	_ =	task [dreg:s18], $0x5FFFF  }
0xa9: {  	s3 =	sshll.u32 s24, $0x1;
	[dreg:$0x1] =	wrdreg $0xFFFFFFFF  }
0xaa: {  	s1 =	sadd.s32 s1, s3;
	[dreg:$0x0] =	wrdreg $0x60  }
0xab: {  	[dreg:$0x2] =	wrdreg s1  }
0xac: {  	[dreg:$0x3] =	wrdreg s20  }
0xad: {  	[dreg:$0x4] =	wrdreg $0x9  }
0xae: {  	_ =	task.clear_ibuf [dreg:s18], $0x5FFFF;
	_ =	strace $0x90000052  }
0xaf: {  	s25 =	simm.s32 $0x9;
	_ =	strace $0x80000054  }
0xb0: {  	_ =	swait.ge [sflag:s25], $0x1  }
0xb1: {  	[sflag:s25] =	ssyncadd.s32 $0xFFFFFFFF  }
0xb2: {  	_ =	strace $0x90000054  }
0xb3: {  	_ =	strace $0x80000055;
	[dreg:$0x1] =	wrdreg $0xFFFFFFFF  }
0xb4: {  	[dreg:$0x0] =	wrdreg $0x2030  }
0xb5: {  	[dreg:$0x2] =	wrdreg s20  }
0xb6: {  	[dreg:$0x3] =	wrdreg $0xA  }
0xb7: {  	_ =	task.clear_ibuf [dreg:s18], $0x4FFFF;
	_ =	strace $0x90000055  }
0xb8: {  	s26 =	simm.s32 $0xA;
	_ =	strace $0x80000057  }
0xb9: {  	_ =	swait.ge [sflag:s26], $0x1  }
0xba: {  	[sflag:s26] =	ssyncadd.s32 $0xFFFFFFFF  }
0xbb: {  	_ =	strace $0x90000057  }
0xbc: {  	_ =	sfence  }
0xbd: {  	s28 =	sld [smem:$0x0];
	_ =	sdelay $0x1  }
0xbe: {  	s29 =	srdreg.scid  }
0xbf: {  	s30 =	sshll.u32 s29, $0xD;
	s31 =	sshrl.u32 s29, $0x2  }
0xc0: {  	s2 =	sand.u32 $0x1, s29;
	s3 =	sand.u32 $0x4000, s30;
	s1 =	sadd.s32 s31, s28  }
0xc1: {  	s2 =	sor.u32 s3, s2;
	s1 =	sshll.u32 s1, $0x11  }
0xc2: {  	s1 =	sor.u32 s1, s2  }
0xc3: {  	s1 =	sadd.s32 $0x8F2B, s1  }
0xc4: {  	[sflag:s1] =	ssyncadd.remote.s32 $0x1  }
0xc5: {  	_ =	sfence.sel $0xFFFF  }
0xc6: {  	[dreg:$0x0] =	wrdreg $0xFFFFFFFF;
	(pc) =	sbr.abs _section_cstart, $3  }
0xc7: {  	[dreg:$0x1] =	wrdreg $0xFFFFFFFF  }
0xc8: {  	_ =	task.clear_ibuf [dreg:s18], $0x2FFFF;
	_ =	strace $0x9FFFFFFF  }
0xc9: {  	(tm) =	ssettm $0x7FFFFFFF  }
tec
execute0_lowered:
.L_overlay_start_1:
0x0: {  	(tag) =	ssettag $0x1  }
0x1: {  	s3 =	rddreg [dreg:$0x0];
	s4 =	stileid.u32  }
0x2: {  	s5 =	rddreg [dreg:$0x1];
	s2 =	smul.u32 $0xA80, s4  }
0x3: {  	s0 =	rddreg [dreg:$0x2];
	[bflag:$0x3] =	sbarrier.arrive $0xFFFF;
	s1 =	simm.s32 $_size_execute1_lowered  }
0x4: {  	s1 =	sshll.u32 s1, $0x1;
	p0 =	sne.s32 s4, $0x0;
	s6 =	ssub.s32 $0x15000, s2  }
0x5: {  	s4 =	simm.s32 @!p0 $0x1C3F;
	s7 =	simm.s32 @!p0 $0x4060;
	s8 =	smulhi.u32 $0x18619, s6  }
0x6: {  	[timem:s7], [sflag:s4] =	dma.local @!p0 [hbm:s3], s1  }
0x7: {  	s31 =	simm.s32 $0x2;
	s30 =	smul.u32 $0xA800, s8  }
.Ltmp0:
0x8: {  	s10 =	simm.s32 $0x0;
	s9 =	simm.s32 $0x0;
	(pc) =	sbr.rel .LBB2_1-.Ltmp0, $4  }
0x9: {  	s3 =	sadd.s32 $0x32200, s5;
	p1 =	sne.s32 s6, s30;
	s6 =	simm.s32 $0x1  }
0xa: {  	s4 =	simm.s32 $0x1;
	_ =	strace $0x80000053;
	s6 =	simm.s32 @!p1 $0x0  }
0xb: {  	s5 =	sadd.s32 $0x3EA00, s5;
	[sflag:s4] =	ssyncpa.u1 $0x0;
	s6 =	sadd.s32 s6, s8  }
0xc: {  	[sflag:s31] =	ssyncpa.u1 $0x0;
	s8 =	smov.u32 s2;
	s7 =	sadd.s32 $0x1, s6  }
.LBB2_7:
0xd: {  	s12 =	sadd.s32 $0xA800, s8  }
0xe: {  	p2 =	sgt.s32 s12, $0x14FFF  }
0xf: {  	s12 =	smov.u32 @p2 s2;
	p2 =	sne.s32 s9, s7  }
.Ltmp1:
0x10: {  	p1 =	slt.u32 s9, $0x2;
	(pc) =	sbr.rel @!p2 .LBB2_8-.Ltmp1, $4  }
0x11: {  	s11 =	simm.s32 @!p1 $0x2  }
0x12: {  	_ =	swait.ge @!p1 [sflag:s11], $0xA80  }
0x13: {  	s13 =	sadd.s32 $0x1, s9;
	s10 =	smov.u32 s8;
	[sflag:s11] =	ssyncset.done @!p1 $0x0  }
0x14: {  	s9 =	smov.u32 s13;
	s8 =	smov.u32 s12;
	[sflag:s11] =	ssyncadd.s32 @!p1 $0xFFFFF580  }
.LBB2_1:
0x15: {  	p1 =	sge.u32 s9, s6  }
0x16: {  	s11 =	sxor.u32 @!p1 $0xFFFFFFFF, s9  }
0x17: {  	s11 =	sand.u32 @!p1 $0x1, s11  }
0x18: {  	s11 =	smul.u32 @!p1 $0x2A00, s11  }
0x19: {  	s31 =	sadd.s32 $0xFFFFFFFF, s9;
	s12 =	sshrl.u32 @!p1 s8, $0x3  }
0x1a: {  	s13 =	sand.u32 @!p1 $0x7, s8;
	s12 =	sadd.s32 @!p1 s3, s12;
	s11 =	sshrl.u32 @!p1 s11, $0x2  }
0x1b: {  	[tilespmem:s11], [sflag:$0x1] =	stream.linear.gather @!p1 [hbm4b:s12+s13], $0xA80, $0x38;
	[tilespmem:$0x2A00] =	vst v63  }
0x1c: {  	p1 =	sge.u32 s31, s6  }
.Ltmp2:
0x1d: {  	_ = 	snop;
	(pc) =	sbr.rel @p1 .LBB2_7-.Ltmp2, $1  }
0x1e: {  	_ =	sdelay $0x3  }
0x1f: {  	s11 =	sand.u32 $0x1, s9  }
0x20: {  	_ =	swait.ge [sflag:s4], $0xA80;
	s13 =	simm.s32 $0xA80;
	p1 =	seq.s32 s11, $0x1  }
0x21: {  	[sflag:s4] =	ssyncset.done $0x0;
	s13 =	simm.s32 @!p1 $0x0  }
0x22: {  	[sflag:s4] =	ssyncadd.s32 $0xFFFFF580;
	s15 =	sadd.s32 $0x80, s13  }
0x23: {  	v0 =	vld [tilespmem:s15+$0x70]  }
0x24: {  	v1 =	vld [tilespmem:s15+$0xFFFFFF90]  }
0x25: {  	v2 =	vld [tilespmem:s15+$0xFFFFFFA0]  }
0x26: {  	v3 =	vld [tilespmem:s15+$0xFFFFFFB0]  }
0x27: {  	s11 =	sadd.s32 $0x1580, s13;
	v4 =	vld [tilespmem:s15+$0xFFFFFFC0]  }
0x28: {  	v5 =	vld [tilespmem:s15+$0xFFFFFFD0];
	[tilespmem:s11+$0x70] =	vst v0  }
0x29: {  	[tilespmem:s11+$0xFFFFFF90] =	vst v1;
	v0 =	vld [tilespmem:s15+$0xFFFFFFE0]  }
0x2a: {  	[tilespmem:s11+$0xFFFFFFA0] =	vst v2;
	v1 =	vld [tilespmem:s15+$0xFFFFFFF0]  }
0x2b: {  	[tilespmem:s11+$0xFFFFFFB0] =	vst v3;
	v2 =	vld [tilespmem:s15+$0x0]  }
0x2c: {  	[tilespmem:s11+$0xFFFFFFC0] =	vst v4;
	v3 =	vld [tilespmem:s15+$0x10]  }
0x2d: {  	[tilespmem:s11+$0xFFFFFFD0] =	vst v5;
	v5 =	vld [tilespmem:s15+$0x20]  }
0x2e: {  	[tilespmem:s11+$0xFFFFFFE0] =	vst v0;
	v0 =	vld [tilespmem:s15+$0x30]  }
0x2f: {  	[tilespmem:s11+$0xFFFFFFF0] =	vst v1;
	v1 =	vld [tilespmem:s15+$0x40]  }
0x30: {  	[tilespmem:s11+$0x0] =	vst v2;
	v2 =	vld [tilespmem:s15+$0x50]  }
0x31: {  	s14 =	simm.s32 $0x0;
	[tilespmem:s11+$0x10] =	vst v3;
	v3 =	vld [tilespmem:s15+$0x60]  }
0x32: {  	s12 =	sor.u32 $0x1500, s13;
	s13 =	sshll.u32 s13, $0x2;
	v4 =	vld [tilespmem:s15+$0xFFFFFF80];
	[tilespmem:s11+$0x20] =	vst v5;
	s15 =	sadd.s32 $0x100, s15  }
.LBB2_3:
0x33: {  	v5 =	vld [tilespmem:s15+$0x70];
	s14 =	sadd.s32 $0x100, s14;
	[tilespmem:s11+$0x30] =	vst v0  }
0x34: {  	v0 =	vld [tilespmem:s15+$0xFFFFFF90];
	p1 =	slt.u32 s14, $0x900;
	[tilespmem:s11+$0x40] =	vst v1  }
0x35: {  	v1 =	vld [tilespmem:s15+$0xFFFFFFA0];
	[tilespmem:s11+$0x50] =	vst v2  }
0x36: {  	v2 =	vld [tilespmem:s15+$0xFFFFFFB0];
	[tilespmem:s11+$0x60] =	vst v3  }
0x37: {  	v3 =	vld [tilespmem:s15+$0xFFFFFFC0];
	[tilespmem:s11+$0xFFFFFF80] =	vst v4;
	s11 =	sadd.s32 $0x100, s11  }
0x38: {  	v4 =	vld [tilespmem:s15+$0xFFFFFFD0];
	[tilespmem:s11+$0x70] =	vst v5  }
0x39: {  	[tilespmem:s11+$0xFFFFFF90] =	vst v0;
	v0 =	vld [tilespmem:s15+$0xFFFFFFE0]  }
0x3a: {  	[tilespmem:s11+$0xFFFFFFA0] =	vst v1;
	v1 =	vld [tilespmem:s15+$0xFFFFFFF0]  }
0x3b: {  	[tilespmem:s11+$0xFFFFFFB0] =	vst v2;
	v2 =	vld [tilespmem:s15+$0x0]  }
0x3c: {  	[tilespmem:s11+$0xFFFFFFC0] =	vst v3;
	v3 =	vld [tilespmem:s15+$0x10]  }
0x3d: {  	[tilespmem:s11+$0xFFFFFFD0] =	vst v4;
	v5 =	vld [tilespmem:s15+$0x20]  }
.Ltmp3:
0x3e: {  	[tilespmem:s11+$0xFFFFFFE0] =	vst v0;
	v0 =	vld [tilespmem:s15+$0x30];
	(pc) =	sbr.rel @p1 .LBB2_3-.Ltmp3, $4  }
0x3f: {  	[tilespmem:s11+$0xFFFFFFF0] =	vst v1;
	v1 =	vld [tilespmem:s15+$0x40]  }
0x40: {  	[tilespmem:s11+$0x0] =	vst v2;
	v2 =	vld [tilespmem:s15+$0x50]  }
0x41: {  	[tilespmem:s11+$0x10] =	vst v3;
	v3 =	vld [tilespmem:s15+$0x60]  }
0x42: {  	v4 =	vld [tilespmem:s15+$0xFFFFFF80];
	[tilespmem:s11+$0x20] =	vst v5;
	s15 =	sadd.s32 $0x100, s15  }
0x43: {  	[tilespmem:s11+$0x30] =	vst v0  }
0x44: {  	[tilespmem:s11+$0x40] =	vst v1  }
0x45: {  	[tilespmem:s11+$0x50] =	vst v2  }
0x46: {  	s13 =	sshrl.u32 s13, $0x2;
	[tilespmem:s11+$0x60] =	vst v3  }
0x47: {  	s14 =	simm.s32 $0x9F0;
	[tilespmem:s11+$0xFFFFFF80] =	vst v4;
	s11 =	sadd.s32 $0x1F00, s13;
	s13 =	sadd.s32 $0xA00, s13  }
.LBB2_5:
0x48: {  	s14 =	sadd.s32 $0x10, s14  }
0x49: {  	v0 =	vld [tilespmem:s13+$0x0];
	p1 =	slt.u32 s14, $0xA70  }
.Ltmp4:
0x4a: {  	_ = 	snop;
	(pc) =	sbr.rel @p1 .LBB2_5-.Ltmp4, $2  }
0x4b: {  	_ =	sdelay $0x2  }
0x4c: {  	s13 =	sadd.s32 $0x10, s13;
	[tilespmem:s11+$0x0] =	vst v0;
	s11 =	sadd.s32 $0x10, s11  }
.Ltmp5:
0x4d: {  	(pc) =	sbr.rel .LBB2_7-.Ltmp5, $4  }
0x4e: {  	_ = 	snop  }
0x4f: {  	s11 =	sshrl.u32 s10, $0x3  }
0x50: {  	s31 =	sand.u32 $0x7, s10;
	s11 =	sadd.s32 s5, s11  }
0x51: {  	[hbm4b:s11+s31] =	stream.linear.scatter [tilespmem:s12], [sflag:$0x2], $0xA80, $0x38;
	[tilespmem:$0x2A00] =	vst v63  }
.LBB2_8:
0x52: {  	_ =	sfence.sel $0x180000  }
0x53: {  	s2 =	simm.s32 $0x1;
	[bflag:$0x0] =	sbarrier.arrive $0xFFFF  }
0x54: {  	s31 =	simm.s32 $0x2;
	[sflag:s2] =	ssyncpa.u1 $0x1  }
0x55: {  	[sflag:s31] =	ssyncpa.u1 $0x1  }
0x56: {  	_ =	strace $0x90000053  }
0x57: {  	s0 =	sadd.s32 @!p0 $0x100000, s0;
	[bflag:$0x2] =	sbarrier.arrive $0xFFFF  }
0x58: {  	[sflag:s0] =	ssyncadd.tile.s32 @!p0 $0x1;
	s0 =	simm.s32 @!p0 $0x3F  }
0x59: {  	_ =	swait.ge @!p0 [sflag:s0], s1  }
0x5a: {  	s1 =	ssub.s32 @!p0 $0x0, s1;
	[sflag:s0] =	ssyncset.done @!p0 $0x0  }
0x5b: {  	[sflag:s0] =	ssyncadd.s32 @!p0 s1  }
0x5c: {  	[bflag:$0x3] =	sbarrier.arrive $0xFFFF  }
0x5d: {  	_ =	shalt  }
.Lfunc_end2:
execute1_lowered:
.L_overlay_start_2:
0x5e: {  	(tag) =	ssettag $0x2  }
0x5f: {  	s2 =	rddreg [dreg:$0x0]  }
0x60: {  	s0 =	rddreg [dreg:$0x1];
	_ =	strace $0x80000056  }
0x61: {  	s4 =	stileid.u32;
	s5 =	simm.s32 $0x3E;
	s1 =	sadd.s32 $0x3EA00, s2  }
0x62: {  	p0 =	sne.s32 s4, $0x0;
	[sflag:s5] =	ssyncpa.u1 $0x0;
	s29 =	smin.u32 s4, $0x8  }
0x63: {  	s30 =	sshll.u32 s4, $0x1;
	s3 =	simm.s32 @!p0 $0x1C3E;
	s6 =	simm.s32 @!p0 $0x0  }
0x64: {  	[spmem:s6], [sflag:s3] =	dma.local @!p0 [hbm:s1], $0x2A00  }
0x65: {  	s3 =	sadd.s32 s29, s30  }
0x66: {  	p1 =	slt.u32 s4, $0x8;
	s4 =	simm.s32 $0x5DC0;
	s3 =	smul.u32 $0x1F40, s3  }
0x67: {  	s4 =	simm.s32 @!p1 $0x3E80  }
0x68: {  	s4 =	sadd.s32 s4, s3  }
0x69: {  	s4 =	smin.u32 s4, $0x4E200  }
0x6a: {  	s7 =	ssub.s32 s4, s3  }
0x6b: {  	p1 =	sgt.s32 s7, $0x0  }
0x6c: {  	s7 =	simm.s32 @!p1 $0x0  }
0x6d: {  	s6 =	simm.s32 @!p0 $0x3E;
	s31 =	smulhi.u32 $0x10624DD3, s7  }
0x6e: {  	_ =	swait.ge @!p0 [sflag:s6], $0x2A00  }
0x6f: {  	[sflag:s6] =	ssyncset.done @!p0 $0x0;
	s8 =	sshrl.u32 s31, $0x9  }
0x70: {  	s11 =	simm.s32 $0x0;
	[sflag:s6] =	ssyncadd.s32 @!p0 $0xFFFFD600;
	s9 =	smul.u32 $0x1F40, s8  }
.Ltmp6:
0x71: {  	s6 =	simm.s32 $0x2;
	[bflag:$0x0] =	sbarrier.arrive $0xFFFF;
	(pc) =	sbr.rel .LBB3_1-.Ltmp6, $4  }
0x72: {  	s10 =	smov.u32 s3;
	[sflag:s5] =	ssyncpa.u1 $0x1;
	s5 =	simm.s32 $0x1  }
0x73: {  	[sflag:s5] =	ssyncpa.u1 $0x0;
	p1 =	sne.s32 s7, s9;
	s9 =	simm.s32 $0x1  }
0x74: {  	(ifvalue) =	ssetifvalue $0x15000;
	[sflag:s6] =	ssyncpa.u1 $0x0;
	s9 =	simm.s32 @!p1 $0x0  }
0x75: {  	vm0 =	vmmov $0xffff;
	s7 =	sadd.s32 $0x34C00, s2;
	s8 =	sadd.s32 s9, s8;
	s9 =	simm.s32 $0x0  }
.LBB3_5:
0x76: {  	p2 =	sne.s32 s11, s8  }
.Ltmp7:
0x77: {  	_ = 	snop;
	(pc) =	sbr.rel @!p2 .LBB3_6-.Ltmp7, $4  }
0x78: {  	_ = 	snop  }
0x79: {  	s12 =	sadd.s32 $0x1F40, s10  }
0x7a: {  	s10 =	smov.u32 s3;
	s13 =	sadd.s32 $0x1, s11;
	p1 =	slt.s32 s12, s4  }
0x7b: {  	s11 =	smov.u32 s13;
	s10 =	smov.u32 @p1 s12  }
.LBB3_1:
0x7c: {  	p1 =	sge.u32 s11, s8  }
0x7d: {  	s12 =	sxor.u32 @!p1 $0xFFFFFFFF, s11  }
0x7e: {  	s12 =	sand.u32 @!p1 $0x1, s12  }
0x7f: {  	s12 =	smul.u32 @!p1 $0x1F40, s12  }
0x80: {  	s13 =	sshrl.u32 @!p1 s10, $0x3  }
0x81: {  	s16 =	sand.u32 @!p1 $0x7, s10;
	s14 =	sadd.s32 @!p1 s2, s13;
	s15 =	sadd.s32 @!p1 $0x1500, s12  }
0x82: {  	[tilespmem:s15], [sflag:$0x2] =	stream.linear.gather @!p1 [hbm4b:s14+s16], $0x1F40, $0x38;
	[tilespmem:$0x9200] =	vst v63  }
0x83: {  	s13 =	sadd.s32 @!p1 s7, s13;
	s12 =	sadd.s32 @!p1 $0x5380, s12  }
0x84: {  	[tilespmem:s12], [sflag:$0x2] =	stream.linear.gather @!p1 [hbm4b:s13+s16], $0x1F40, $0x38;
	[tilespmem:$0x9200] =	vst v63  }
0x85: {  	p1 =	seq.s32 s11, $0x0  }
.Ltmp8:
0x86: {  	_ = 	snop;
	(pc) =	sbr.rel @p1 .LBB3_5-.Ltmp8, $1  }
0x87: {  	_ =	sdelay $0x3  }
0x88: {  	s12 =	sand.u32 $0x1, s11  }
0x89: {  	_ =	swait.ge [sflag:s6], $0x3E80;
	p1 =	seq.s32 s12, $0x1;
	s12 =	simm.s32 $0x1F40  }
0x8a: {  	[sflag:s6] =	ssyncset.done $0x0;
	s12 =	simm.s32 @!p1 $0x0  }
0x8b: {  	[sflag:s6] =	ssyncadd.s32 $0xFFFFC180;
	s14 =	sadd.s32 $0x1500, s12  }
0x8c: {  	v0 =	vld.msk [tilespmem:s14+$0x0 ss:$0x1], $0xffff;
	_ =	sdelay $0x4  }
0x8d: {  	v0 =	vmin.u32 v0, $0x15000;
	_ =	sdelay $0x3  }
0x8e: {  	s13 =	simm.s32 $0x0;
	s12 =	sadd.s32 $0x5380, s12;
	s14 =	sadd.s32 $0x10, s14  }
0x8f: {  	[spmem:s9] =	stream.indirect_vreg.scatter.add.s32 [tilespmem:s12], [sflag:$0x1], $0x1, v0, vm0, $0x4038;
	[tilespmem:$0x9200] =	vst v63  }
.LBB3_3:
0x90: {  	v0 =	vld.msk [tilespmem:s14+$0x0 ss:$0x1], $0xffff;
	s13 =	sadd.s32 $0x10, s13  }
0x91: {  	p1 =	slt.u32 s13, $0x1F30;
	_ =	sdelay $0x4  }
0x92: {  	v0 =	vmin.u32 v0, $0x15000  }
.Ltmp9:
0x93: {  	(pc) =	sbr.rel @p1 .LBB3_3-.Ltmp9, $3  }
0x94: {  	_ =	sdelay $0x1  }
0x95: {  	s14 =	sadd.s32 $0x10, s14;
	s12 =	sadd.s32 $0x10, s12  }
0x96: {  	[spmem:s9] =	stream.indirect_vreg.scatter.add.s32 [tilespmem:s12], [sflag:$0x1], $0x1, v0, vm0, $0x4038;
	[tilespmem:$0x9200] =	vst v63  }
.Ltmp10:
0x97: {  	(pc) =	sbr.rel .LBB3_5-.Ltmp10, $4  }
0x98: {  	_ = 	snop  }
0x99: {  	_ =	swait.ge [sflag:s5], $0x1F40  }
0x9a: {  	[sflag:s5] =	ssyncset.done $0x0  }
0x9b: {  	[sflag:s5] =	ssyncadd.s32 $0xFFFFE0C0  }
.LBB3_6:
0x9c: {  	_ =	sfence.sel $0x180000  }
0x9d: {  	s2 =	simm.s32 $0x2;
	[bflag:$0x0] =	sbarrier.arrive $0xFFFF  }
0x9e: {  	s30 =	simm.s32 $0x1;
	[sflag:s2] =	ssyncpa.u1 $0x1  }
0x9f: {  	[sflag:s30] =	ssyncpa.u1 $0x1  }
0xa0: {  	_ =	sfence.stream.spmem  }
0xa1: {  	s31 =	simm.s32 $0x3D;
	[bflag:$0x0] =	sbarrier.arrive $0xFFFF  }
0xa2: {  	s2 =	simm.s32 @p0 $0x3D;
	[sflag:s31] =	ssyncpa.u1 $0x0  }
0xa3: {  	[sflag:s2] =	ssyncpa.u1 @p0 $0x1  }
0xa4: {  	[bflag:$0x0] =	sbarrier.arrive @p0 $0xFFFF  }
0xa5: {  	_ =	strace @p0 $0x90000056  }
0xa6: {  	s3 =	simm.s32 @!p0 $0x1C3D;
	s2 =	simm.s32 @!p0 $0x0;
	[bflag:$0x2] =	sbarrier.arrive @p0 $0xFFFF  }
0xa7: {  	[hbm:s1], [sflag:s3] =	dma.local @!p0 [spmem:s2], $0x2A00  }
0xa8: {  	s1 =	simm.s32 @!p0 $0x3D  }
0xa9: {  	_ =	swait.ge @!p0 [sflag:s1], $0x2A00  }
0xaa: {  	[sflag:s1] =	ssyncset.done @!p0 $0x0  }
0xab: {  	[sflag:s1] =	ssyncadd.s32 @!p0 $0xFFFFD600  }
0xac: {  	[sflag:s1] =	ssyncpa.u1 @!p0 $0x1  }
0xad: {  	[bflag:$0x0] =	sbarrier.arrive @!p0 $0xFFFF  }
0xae: {  	_ =	strace @!p0 $0x90000056  }
0xaf: {  	s0 =	sadd.s32 @!p0 $0x100000, s0;
	[bflag:$0x2] =	sbarrier.arrive @!p0 $0xFFFF  }
0xb0: {  	[sflag:s0] =	ssyncadd.tile.s32 @!p0 $0x1;
	_ =	shalt  }
.Lfunc_end3:
_tile_overlayer_lowered:
.L_overlay_start_3:
0xb1: {  	(tag) =	ssettag $0x3  }
0xb2: {  	s0 =	rddreg [dreg:$0x0];
	s2 =	stileid.u32  }
0xb3: {  	s1 =	rddreg [dreg:$0x1];
	p0 =	sne.s32 s2, $0x0  }
0xb4: {  	s3 =	rddreg [dreg:$0x2];
	[bflag:$0x3] =	sbarrier.arrive $0xFFFF;
	s2 =	simm.s32 @!p0 $0x1C01  }
0xb5: {  	[timem:s3], [sflag:s2] =	dma.local @!p0 [hbm:s0], s1  }
0xb6: {  	s0 =	simm.s32 @!p0 $0x1  }
0xb7: {  	_ =	swait.ge @!p0 [sflag:s0], s1  }
0xb8: {  	s1 =	ssub.s32 @!p0 $0x0, s1;
	[sflag:s0] =	ssyncset.done @!p0 $0x0  }
0xb9: {  	[sflag:s0] =	ssyncadd.s32 @!p0 s1  }
0xba: {  	[bflag:$0x3] =	sbarrier.arrive $0xFFFF  }
0xbb: {  	_ =	shalt  }

// kernel: scatter_offload_async_start.2
scs
__scs_entry_jumppad:
0x0: {  	(pc) =	sbr.rel $0x88, $3  }
0x1: {  	(tag) =	ssettag $0x0;
	lr =	simm.s32 $0x1  }
0x2: {  	[smem:$0x3F96] =	sst lr;
	_ =	strace $0xD0000000  }
0x3: {  	_ = 	snop  }
0x4: {  	_ = 	snop  }
0x5: {  	_ = 	snop  }
0x6: {  	_ = 	snop  }
0x7: {  	_ = 	snop  }
__scs_overlays_trampoline_lowered:
0x8: {  	[smem:$0x3FA5] =	sst s0  }
0x9: {  	[smem:$0x3FA6] =	sst s1  }
0xa: {  	[smem:$0x3FA7] =	sst s2  }
0xb: {  	[smem:$0x3FA8] =	sst s3  }
0xc: {  	[smem:$0x3FA9] =	sst s4  }
0xd: {  	[smem:$0x3FAA] =	sst s5  }
0xe: {  	[smem:$0x3FAB] =	sst s6  }
0xf: {  	[smem:$0x3FAC] =	sst s7  }
0x10: {  	[smem:$0x3FAD] =	sst s8  }
0x11: {  	[smem:$0x3FAE] =	sst s9;
	s0 =	simm.s32 @!p0 $0x0  }
0x12: {  	s1 =	sld [smem:$0x3F94];
	s0 =	simm.s32 @p0 $0x1  }
0x13: {  	[smem:$0x3FAF] =	sst s0;
	s0 =	simm.s32 @!p1 $0x0  }
0x14: {  	s2 =	sld [smem:$0x3F93];
	s0 =	simm.s32 @p1 $0x1  }
0x15: {  	[smem:$0x3FB0] =	sst s0;
	s0 =	simm.s32 @!p2 $0x0  }
0x16: {  	s3 =	sld [smem:$0x3FDB];
	s0 =	simm.s32 @p2 $0x1  }
0x17: {  	s4 =	simm.s32 $0x1BF5;
	[smem:$0x3FB2] =	sst s0  }
0x18: {  	s0 =	sld [smem:$0x3F95];
	_ =	swait.ge [sflag:s4], $0x0  }
0x19: {  	s7 =	sld [smem:$0x3F96]  }
0x1a: {  	s8 =	sadd.s32 $0xFFFFE003, lr  }
0x1b: {  	s9 =	sadd.s32 $0xFFFFFEF7, lr;
	s5 =	simm.s32 $0xFFFFFFFF;
	p2 =	slt.u32 s8, $0xFFFFF086  }
0x1c: {  	p1 =	slt.u32 s9, $0xF7A;
	s5 =	simm.s32 @!p2 $0x0  }
0x1d: {  	s5 =	simm.s32 @p1 $0x1;
	p0 =	seq.s32 s7, s2  }
0x1e: {  	s7 =	smul.u32 @!p0 $0xF7A, s2;
	p2 =	seq.s32 @!p0 s5, $0x0  }
0x1f: {  	s9 =	smul.u32 $0xF7A, s1;
	s8 =	simm.s32 @!p0 $0x1BF5;
	p2 =	por !p2, p0  }
0x20: {  	[sflag:s8] =	ssyncset.s32 @!p0 $0xFFFFF086;
	s6 =	sadd.s32 @!p0 s3, s7;
	s7 =	simm.s32 @!p0 $0x108  }
0x21: {  	s3 =	sadd.s32 s3, s9;
	s6 =	sadd.s32 @!p0 $0x88, s6;
	s7 =	simm.s32 @p2 $0x1082  }
0x22: {  	[simem:s7], [sflag:s8] =	dma.local @!p0 [hbm:s6], $0xF7A  }
0x23: {  	s9 =	sor.u32 $0xD0000000, s2;
	s6 =	simm.s32 $0x108;
	_ =	swait.ge @!p0 [sflag:s8], $0x0  }
0x24: {  	s3 =	sadd.s32 $0x88, s3;
	s6 =	simm.s32 @!p1 $0x1082;
	[sflag:s4] =	ssyncset.s32 $0xFFFFF086  }
0x25: {  	[simem:s6], [sflag:s4] =	dma.local [hbm:s3], $0xF7A  }
0x26: {  	[smem:$0x3F96] =	sst s1;
	(tag) =	ssettag s2;
	_ =	strace s9  }
0x27: {  	s1 =	sld [smem:$0x3FA6]  }
0x28: {  	s2 =	sld [smem:$0x3FA7]  }
0x29: {  	s4 =	sld [smem:$0x3FA9]  }
0x2a: {  	p0 =	seq.s32 s5, $0x0;
	s5 =	sld [smem:$0x3FAA]  }
0x2b: {  	s6 =	sld [smem:$0x3FAB]  }
0x2c: {  	s7 =	sld [smem:$0x3FAC]  }
0x2d: {  	s3 =	simm.s32 $0x108;
	s8 =	sld [smem:$0x3FAD]  }
0x2e: {  	s3 =	simm.s32 @!p0 $0x1082;
	s9 =	sld [smem:$0x3FAE]  }
0x2f: {  	lr =	sadd.s32 s0, s3;
	s0 =	sld [smem:$0x3FA5]  }
0x30: {  	s3 =	sld [smem:$0x3FA8]  }
0x31: {  	[smem:$0x3FB1] =	sst s10  }
0x32: {  	s10 =	sld [smem:$0x3FAF];
	_ =	sdelay $0x3  }
0x33: {  	p0 =	seq.s32 s10, $0x1;
	s10 =	sld [smem:$0x3FB1];
	_ =	sdelay $0x3  }
0x34: {  	[smem:$0x3FB1] =	sst s10  }
0x35: {  	s10 =	sld [smem:$0x3FB0];
	_ =	sdelay $0x3  }
0x36: {  	p1 =	seq.s32 s10, $0x1;
	s10 =	sld [smem:$0x3FB1];
	_ =	sdelay $0x3  }
0x37: {  	[smem:$0x3FB1] =	sst s10  }
0x38: {  	s10 =	sld [smem:$0x3FB2]  }
0x39: {  	_ = 	snop;
	(pc) =	sbr.ind lr, $3  }
0x3a: {  	_ = 	snop  }
0x3b: {  	_ = 	snop  }
0x3c: {  	p2 =	seq.s32 s10, $0x1;
	s10 =	sld [smem:$0x3FB1]  }
0x3d: {  	_ =	shalt  }
0x3e: {  	_ =	shalt  }
0x3f: {  	_ =	shalt  }
0x40: {  	_ =	shalt  }
0x41: {  	_ =	shalt  }
0x42: {  	_ =	shalt  }
0x43: {  	_ =	shalt  }
0x44: {  	_ =	shalt  }
0x45: {  	_ =	shalt  }
0x46: {  	_ =	shalt  }
0x47: {  	_ =	shalt  }
0x48: {  	_ =	shalt  }
0x49: {  	_ =	shalt  }
0x4a: {  	_ =	shalt  }
0x4b: {  	_ =	shalt  }
0x4c: {  	_ =	shalt  }
0x4d: {  	_ =	shalt  }
0x4e: {  	_ =	shalt  }
0x4f: {  	_ =	shalt  }
0x50: {  	_ =	shalt  }
0x51: {  	_ =	shalt  }
0x52: {  	_ =	shalt  }
0x53: {  	_ =	shalt  }
0x54: {  	_ =	shalt  }
0x55: {  	_ =	shalt  }
0x56: {  	_ =	shalt  }
0x57: {  	_ =	shalt  }
0x58: {  	_ =	shalt  }
0x59: {  	_ =	shalt  }
0x5a: {  	_ =	shalt  }
0x5b: {  	_ =	shalt  }
0x5c: {  	_ =	shalt  }
0x5d: {  	_ =	shalt  }
0x5e: {  	_ =	shalt  }
0x5f: {  	_ =	shalt  }
0x60: {  	_ =	shalt  }
0x61: {  	_ =	shalt  }
0x62: {  	_ =	shalt  }
0x63: {  	_ =	shalt  }
0x64: {  	_ =	shalt  }
0x65: {  	_ =	shalt  }
0x66: {  	_ =	shalt  }
0x67: {  	_ =	shalt  }
0x68: {  	_ =	shalt  }
0x69: {  	_ =	shalt  }
0x6a: {  	_ =	shalt  }
0x6b: {  	_ =	shalt  }
0x6c: {  	_ =	shalt  }
0x6d: {  	_ =	shalt  }
0x6e: {  	_ =	shalt  }
0x6f: {  	_ =	shalt  }
0x70: {  	_ =	shalt  }
0x71: {  	_ =	shalt  }
0x72: {  	_ =	shalt  }
0x73: {  	_ =	shalt  }
0x74: {  	_ =	shalt  }
0x75: {  	_ =	shalt  }
0x76: {  	_ =	shalt  }
0x77: {  	_ =	shalt  }
0x78: {  	_ =	shalt  }
0x79: {  	_ =	shalt  }
0x7a: {  	_ =	shalt  }
0x7b: {  	_ =	shalt  }
0x7c: {  	_ =	shalt  }
0x7d: {  	_ =	shalt  }
0x7e: {  	_ =	shalt  }
0x7f: {  	_ =	shalt  }
0x80: {  	_ =	shalt  }
0x81: {  	_ =	shalt  }
0x82: {  	_ =	shalt  }
0x83: {  	_ =	shalt  }
0x84: {  	_ =	shalt  }
0x85: {  	_ =	shalt  }
0x86: {  	_ =	shalt  }
0x87: {  	_ =	shalt  }
.Lfunc_end0:
.L_simem_size_0:
called_computation.2_lowered:
.L_overlay_start_0:
0x88: {  	s0 =	sld [smem:$0x3FD9]  }
0x89: {  	s1 =	sld [smem:$0x3FFE];
	_ =	sdelay $0x3  }
0x8a: {  	s0 =	sadd.s32 s1, s0  }
0x8b: {  	[smem:$0x3FBD] =	sst s0  }
0x8c: {  	_ = 	snop  }
0x8d: {  	s14 =	sld [smem:$0x3FD0];
	(tm) =	ssettm $0x1  }
0x8e: {  	s15 =	sld [smem:$0x3FFB];
	_ =	sdelay $0x3  }
0x8f: {  	_ =	strace s15  }
0x90: {  	s0 =	sld [smem:$0x3FFC];
	_ =	sdelay $0x3  }
0x91: {  	_ =	strace s0  }
0x92: {  	s0 =	sld [smem:$0x3FFD];
	_ =	sdelay $0x3  }
0x93: {  	_ =	strace s0  }
0x94: {  	_ =	strace $0x8FFFFFFF  }
0x95: {  	s16 =	sld [smem:$0x3FDB];
	_ =	sdelay $0x1  }
0x96: {  	s2 =	simm.s32 $_scs_section_size  }
0x97: {  	s3 =	simm.s32 $_size__tile_overlayer_lowered;
	s4 =	simm.s32 $_tile_overlayer_lowered  }
0x98: {  	s5 =	simm.s32 $0x1BFF;
	s17 =	sshll.u32 s4, $0x1;
	s2 =	sadd.s32 s2, s16  }
0x99: {  	s18 =	simm.s32 $0x0;
	s3 =	sshll.u32 s3, $0x1;
	s4 =	sadd.s32 s17, s2  }
0x9a: {  	[timem:s18], [sflag:s5] =	dma.local [hbm:s4], s3  }
0x9b: {  	_ =	swait.ge [sflag:s5], s3  }
0x9c: {  	s3 =	ssub.s32 $0x0, s3;
	[sflag:s5] =	ssyncset.done $0x0  }
0x9d: {  	[sflag:s5] =	ssyncadd.s32 s3;
	_ =	sdelay $0x1  }
0x9e: {  	s19 =	simm.s32 $0x1B8B  }
0x9f: {  	_ =	swait.ge [sflag:s19], $0x1  }
0xa0: {  	[sflag:s19] =	ssyncset.done $0x0  }
0xa1: {  	s21 =	simm.s32 $0x1B8E;
	s20 =	sld [smem:$0x3FFE];
	[sflag:s19] =	ssyncadd.s32 $0xFFFFFFFF  }
0xa2: {  	s22 =	simm.s32 $execute0_lowered;
	[smem:$0x3FD2] =	sst s21  }
0xa3: {  	s4 =	sshll.u32 s22, $0x1;
	_ =	strace $0x8000004C;
	[dreg:$0x1] =	wrdreg $0xFFFFFFFF  }
0xa4: {  	s23 =	simm.s32 $_size_execute0_lowered;
	s4 =	sadd.s32 s2, s4;
	[dreg:$0x0] =	wrdreg $0x0  }
0xa5: {  	s5 =	sshll.u32 s23, $0x1;
	[dreg:$0x2] =	wrdreg s4  }
0xa6: {  	[dreg:$0x3] =	wrdreg s5  }
0xa7: {  	[dreg:$0x4] =	wrdreg $0xC0  }
0xa8: {  	s24 =	simm.s32 $execute1_lowered;
	_ =	task [dreg:s18], $0x5FFFF  }
0xa9: {  	s4 =	sshll.u32 s24, $0x1;
	[dreg:$0x1] =	wrdreg $0xFFFFFFFF  }
0xaa: {  	s2 =	sadd.s32 s2, s4;
	[dreg:$0x0] =	wrdreg $0x60  }
0xab: {  	[dreg:$0x2] =	wrdreg s2  }
0xac: {  	[dreg:$0x3] =	wrdreg s20  }
0xad: {  	[dreg:$0x4] =	wrdreg $0x9  }
0xae: {  	_ =	task.clear_ibuf [dreg:s18], $0x5FFFF;
	_ =	strace $0x9000004C  }
0xaf: {  	s25 =	simm.s32 $0x9;
	_ =	strace $0x8000004E  }
0xb0: {  	_ =	swait.ge [sflag:s25], $0x1  }
0xb1: {  	[sflag:s25] =	ssyncadd.s32 $0xFFFFFFFF  }
0xb2: {  	_ =	strace $0x9000004E  }
0xb3: {  	_ =	strace $0x8000004F;
	[dreg:$0x1] =	wrdreg $0xFFFFFFFF  }
0xb4: {  	[dreg:$0x0] =	wrdreg $0x2030  }
0xb5: {  	[dreg:$0x2] =	wrdreg s20  }
0xb6: {  	[dreg:$0x3] =	wrdreg s14  }
0xb7: {  	[dreg:$0x4] =	wrdreg $0xA  }
0xb8: {  	_ =	task.clear_ibuf [dreg:s18], $0x5FFFF;
	_ =	strace $0x9000004F  }
0xb9: {  	s26 =	simm.s32 $0xA;
	_ =	strace $0x80000051  }
0xba: {  	_ =	swait.ge [sflag:s26], $0x1  }
0xbb: {  	[sflag:s26] =	ssyncadd.s32 $0xFFFFFFFF  }
0xbc: {  	_ =	strace $0x90000051  }
0xbd: {  	_ =	sfence  }
0xbe: {  	s28 =	sld [smem:$0x0];
	_ =	sdelay $0x1  }
0xbf: {  	s29 =	srdreg.scid  }
0xc0: {  	s30 =	sshll.u32 s29, $0xD;
	s31 =	sshrl.u32 s29, $0x2  }
0xc1: {  	s3 =	sand.u32 $0x4000, s30;
	s2 =	sand.u32 $0x1, s29;
	s1 =	sadd.s32 s31, s28  }
0xc2: {  	s2 =	sor.u32 s3, s2;
	s1 =	sshll.u32 s1, $0x11  }
0xc3: {  	s1 =	sor.u32 s1, s2  }
0xc4: {  	s1 =	sadd.s32 $0x8F2B, s1  }
0xc5: {  	[sflag:s1] =	ssyncadd.remote.s32 $0x1  }
0xc6: {  	_ =	sfence.sel $0xFFFF  }
0xc7: {  	[dreg:$0x0] =	wrdreg $0xFFFFFFFF;
	(pc) =	sbr.abs _section_cstart, $3  }
0xc8: {  	[dreg:$0x1] =	wrdreg $0xFFFFFFFF  }
0xc9: {  	_ =	task.clear_ibuf [dreg:s18], $0x2FFFF;
	_ =	strace $0x9FFFFFFF  }
0xca: {  	(tm) =	ssettm $0x7FFFFFFF  }
0xcb: {  	_ =	shalt  }
tec
execute0_lowered:
.L_overlay_start_1:
0x0: {  	(tag) =	ssettag $0x1  }
0x1: {  	s3 =	rddreg [dreg:$0x0];
	s4 =	stileid.u32  }
0x2: {  	s5 =	rddreg [dreg:$0x1];
	s2 =	smul.u32 $0xA80, s4  }
0x3: {  	s0 =	rddreg [dreg:$0x2];
	[bflag:$0x3] =	sbarrier.arrive $0xFFFF;
	s1 =	simm.s32 $_size_execute1_lowered  }
0x4: {  	s1 =	sshll.u32 s1, $0x1;
	p0 =	sne.s32 s4, $0x0;
	s6 =	ssub.s32 $0x15000, s2  }
0x5: {  	s4 =	simm.s32 @!p0 $0x1C3F;
	s7 =	simm.s32 @!p0 $0x4060;
	s8 =	smulhi.u32 $0x18619, s6  }
0x6: {  	[timem:s7], [sflag:s4] =	dma.local @!p0 [hbm:s3], s1  }
0x7: {  	s31 =	simm.s32 $0x2;
	s30 =	smul.u32 $0xA800, s8  }
.Ltmp0:
0x8: {  	s10 =	simm.s32 $0x0;
	s9 =	simm.s32 $0x0;
	(pc) =	sbr.rel .LBB2_1-.Ltmp0, $4  }
0x9: {  	s3 =	sadd.s32 $0x32200, s5;
	p1 =	sne.s32 s6, s30;
	s6 =	simm.s32 $0x1  }
0xa: {  	s4 =	simm.s32 $0x1;
	_ =	strace $0x8000004D;
	s6 =	simm.s32 @!p1 $0x0  }
0xb: {  	s5 =	sadd.s32 $0xD600, s5;
	[sflag:s4] =	ssyncpa.u1 $0x0;
	s6 =	sadd.s32 s6, s8  }
0xc: {  	[sflag:s31] =	ssyncpa.u1 $0x0;
	s8 =	smov.u32 s2;
	s7 =	sadd.s32 $0x1, s6  }
.LBB2_7:
0xd: {  	s12 =	sadd.s32 $0xA800, s8  }
0xe: {  	p2 =	sgt.s32 s12, $0x14FFF  }
0xf: {  	s12 =	smov.u32 @p2 s2;
	p2 =	sne.s32 s9, s7  }
.Ltmp1:
0x10: {  	p1 =	slt.u32 s9, $0x2;
	(pc) =	sbr.rel @!p2 .LBB2_8-.Ltmp1, $4  }
0x11: {  	s11 =	simm.s32 @!p1 $0x2  }
0x12: {  	_ =	swait.ge @!p1 [sflag:s11], $0xA80  }
0x13: {  	s13 =	sadd.s32 $0x1, s9;
	s10 =	smov.u32 s8;
	[sflag:s11] =	ssyncset.done @!p1 $0x0  }
0x14: {  	s9 =	smov.u32 s13;
	s8 =	smov.u32 s12;
	[sflag:s11] =	ssyncadd.s32 @!p1 $0xFFFFF580  }
.LBB2_1:
0x15: {  	p1 =	sge.u32 s9, s6  }
0x16: {  	s11 =	sxor.u32 @!p1 $0xFFFFFFFF, s9  }
0x17: {  	s11 =	sand.u32 @!p1 $0x1, s11  }
0x18: {  	s11 =	smul.u32 @!p1 $0x2A00, s11  }
0x19: {  	s31 =	sadd.s32 $0xFFFFFFFF, s9;
	s12 =	sshrl.u32 @!p1 s8, $0x3  }
0x1a: {  	s13 =	sand.u32 @!p1 $0x7, s8;
	s12 =	sadd.s32 @!p1 s3, s12;
	s11 =	sshrl.u32 @!p1 s11, $0x2  }
0x1b: {  	[tilespmem:s11], [sflag:$0x1] =	stream.linear.gather @!p1 [hbm4b:s12+s13], $0xA80, $0x38;
	[tilespmem:$0x2A00] =	vst v63  }
0x1c: {  	p1 =	sge.u32 s31, s6  }
.Ltmp2:
0x1d: {  	_ = 	snop;
	(pc) =	sbr.rel @p1 .LBB2_7-.Ltmp2, $1  }
0x1e: {  	_ =	sdelay $0x3  }
0x1f: {  	s11 =	sand.u32 $0x1, s9  }
0x20: {  	_ =	swait.ge [sflag:s4], $0xA80;
	s13 =	simm.s32 $0xA80;
	p1 =	seq.s32 s11, $0x1  }
0x21: {  	[sflag:s4] =	ssyncset.done $0x0;
	s13 =	simm.s32 @!p1 $0x0  }
0x22: {  	[sflag:s4] =	ssyncadd.s32 $0xFFFFF580;
	s15 =	sadd.s32 $0x80, s13  }
0x23: {  	v0 =	vld [tilespmem:s15+$0x70]  }
0x24: {  	v1 =	vld [tilespmem:s15+$0xFFFFFF90]  }
0x25: {  	v2 =	vld [tilespmem:s15+$0xFFFFFFA0]  }
0x26: {  	v3 =	vld [tilespmem:s15+$0xFFFFFFB0]  }
0x27: {  	s11 =	sadd.s32 $0x1580, s13;
	v4 =	vld [tilespmem:s15+$0xFFFFFFC0]  }
0x28: {  	v5 =	vld [tilespmem:s15+$0xFFFFFFD0];
	[tilespmem:s11+$0x70] =	vst v0  }
0x29: {  	[tilespmem:s11+$0xFFFFFF90] =	vst v1;
	v0 =	vld [tilespmem:s15+$0xFFFFFFE0]  }
0x2a: {  	[tilespmem:s11+$0xFFFFFFA0] =	vst v2;
	v1 =	vld [tilespmem:s15+$0xFFFFFFF0]  }
0x2b: {  	[tilespmem:s11+$0xFFFFFFB0] =	vst v3;
	v2 =	vld [tilespmem:s15+$0x0]  }
0x2c: {  	[tilespmem:s11+$0xFFFFFFC0] =	vst v4;
	v3 =	vld [tilespmem:s15+$0x10]  }
0x2d: {  	[tilespmem:s11+$0xFFFFFFD0] =	vst v5;
	v5 =	vld [tilespmem:s15+$0x20]  }
0x2e: {  	[tilespmem:s11+$0xFFFFFFE0] =	vst v0;
	v0 =	vld [tilespmem:s15+$0x30]  }
0x2f: {  	[tilespmem:s11+$0xFFFFFFF0] =	vst v1;
	v1 =	vld [tilespmem:s15+$0x40]  }
0x30: {  	[tilespmem:s11+$0x0] =	vst v2;
	v2 =	vld [tilespmem:s15+$0x50]  }
0x31: {  	s14 =	simm.s32 $0x0;
	[tilespmem:s11+$0x10] =	vst v3;
	v3 =	vld [tilespmem:s15+$0x60]  }
0x32: {  	s12 =	sor.u32 $0x1500, s13;
	s13 =	sshll.u32 s13, $0x2;
	v4 =	vld [tilespmem:s15+$0xFFFFFF80];
	[tilespmem:s11+$0x20] =	vst v5;
	s15 =	sadd.s32 $0x100, s15  }
.LBB2_3:
0x33: {  	v5 =	vld [tilespmem:s15+$0x70];
	s14 =	sadd.s32 $0x100, s14;
	[tilespmem:s11+$0x30] =	vst v0  }
0x34: {  	v0 =	vld [tilespmem:s15+$0xFFFFFF90];
	p1 =	slt.u32 s14, $0x900;
	[tilespmem:s11+$0x40] =	vst v1  }
0x35: {  	v1 =	vld [tilespmem:s15+$0xFFFFFFA0];
	[tilespmem:s11+$0x50] =	vst v2  }
0x36: {  	v2 =	vld [tilespmem:s15+$0xFFFFFFB0];
	[tilespmem:s11+$0x60] =	vst v3  }
0x37: {  	v3 =	vld [tilespmem:s15+$0xFFFFFFC0];
	[tilespmem:s11+$0xFFFFFF80] =	vst v4;
	s11 =	sadd.s32 $0x100, s11  }
0x38: {  	v4 =	vld [tilespmem:s15+$0xFFFFFFD0];
	[tilespmem:s11+$0x70] =	vst v5  }
0x39: {  	[tilespmem:s11+$0xFFFFFF90] =	vst v0;
	v0 =	vld [tilespmem:s15+$0xFFFFFFE0]  }
0x3a: {  	[tilespmem:s11+$0xFFFFFFA0] =	vst v1;
	v1 =	vld [tilespmem:s15+$0xFFFFFFF0]  }
0x3b: {  	[tilespmem:s11+$0xFFFFFFB0] =	vst v2;
	v2 =	vld [tilespmem:s15+$0x0]  }
0x3c: {  	[tilespmem:s11+$0xFFFFFFC0] =	vst v3;
	v3 =	vld [tilespmem:s15+$0x10]  }
0x3d: {  	[tilespmem:s11+$0xFFFFFFD0] =	vst v4;
	v5 =	vld [tilespmem:s15+$0x20]  }
.Ltmp3:
0x3e: {  	[tilespmem:s11+$0xFFFFFFE0] =	vst v0;
	v0 =	vld [tilespmem:s15+$0x30];
	(pc) =	sbr.rel @p1 .LBB2_3-.Ltmp3, $4  }
0x3f: {  	[tilespmem:s11+$0xFFFFFFF0] =	vst v1;
	v1 =	vld [tilespmem:s15+$0x40]  }
0x40: {  	[tilespmem:s11+$0x0] =	vst v2;
	v2 =	vld [tilespmem:s15+$0x50]  }
0x41: {  	[tilespmem:s11+$0x10] =	vst v3;
	v3 =	vld [tilespmem:s15+$0x60]  }
0x42: {  	v4 =	vld [tilespmem:s15+$0xFFFFFF80];
	[tilespmem:s11+$0x20] =	vst v5;
	s15 =	sadd.s32 $0x100, s15  }
0x43: {  	[tilespmem:s11+$0x30] =	vst v0  }
0x44: {  	[tilespmem:s11+$0x40] =	vst v1  }
0x45: {  	[tilespmem:s11+$0x50] =	vst v2  }
0x46: {  	s13 =	sshrl.u32 s13, $0x2;
	[tilespmem:s11+$0x60] =	vst v3  }
0x47: {  	s14 =	simm.s32 $0x9F0;
	[tilespmem:s11+$0xFFFFFF80] =	vst v4;
	s11 =	sadd.s32 $0x1F00, s13;
	s13 =	sadd.s32 $0xA00, s13  }
.LBB2_5:
0x48: {  	s14 =	sadd.s32 $0x10, s14  }
0x49: {  	v0 =	vld [tilespmem:s13+$0x0];
	p1 =	slt.u32 s14, $0xA70  }
.Ltmp4:
0x4a: {  	_ = 	snop;
	(pc) =	sbr.rel @p1 .LBB2_5-.Ltmp4, $2  }
0x4b: {  	_ =	sdelay $0x2  }
0x4c: {  	s13 =	sadd.s32 $0x10, s13;
	[tilespmem:s11+$0x0] =	vst v0;
	s11 =	sadd.s32 $0x10, s11  }
.Ltmp5:
0x4d: {  	(pc) =	sbr.rel .LBB2_7-.Ltmp5, $4  }
0x4e: {  	_ = 	snop  }
0x4f: {  	s11 =	sshrl.u32 s10, $0x3  }
0x50: {  	s31 =	sand.u32 $0x7, s10;
	s11 =	sadd.s32 s5, s11  }
0x51: {  	[hbm4b:s11+s31] =	stream.linear.scatter [tilespmem:s12], [sflag:$0x2], $0xA80, $0x38;
	[tilespmem:$0x2A00] =	vst v63  }
.LBB2_8:
0x52: {  	_ =	sfence.sel $0x180000  }
0x53: {  	s2 =	simm.s32 $0x1;
	[bflag:$0x0] =	sbarrier.arrive $0xFFFF  }
0x54: {  	s31 =	simm.s32 $0x2;
	[sflag:s2] =	ssyncpa.u1 $0x1  }
0x55: {  	[sflag:s31] =	ssyncpa.u1 $0x1  }
0x56: {  	_ =	strace $0x9000004D  }
0x57: {  	s0 =	sadd.s32 @!p0 $0x100000, s0;
	[bflag:$0x2] =	sbarrier.arrive $0xFFFF  }
0x58: {  	[sflag:s0] =	ssyncadd.tile.s32 @!p0 $0x1;
	s0 =	simm.s32 @!p0 $0x3F  }
0x59: {  	_ =	swait.ge @!p0 [sflag:s0], s1  }
0x5a: {  	s1 =	ssub.s32 @!p0 $0x0, s1;
	[sflag:s0] =	ssyncset.done @!p0 $0x0  }
0x5b: {  	[sflag:s0] =	ssyncadd.s32 @!p0 s1  }
0x5c: {  	[bflag:$0x3] =	sbarrier.arrive $0xFFFF  }
0x5d: {  	_ =	shalt  }
.Lfunc_end2:
execute1_lowered:
.L_overlay_start_2:
0x5e: {  	(tag) =	ssettag $0x2  }
0x5f: {  	s7 =	rddreg [dreg:$0x0]  }
0x60: {  	s2 =	rddreg [dreg:$0x1]  }
0x61: {  	s0 =	rddreg [dreg:$0x2];
	_ =	strace $0x80000050  }
0x62: {  	s4 =	stileid.u32;
	s5 =	simm.s32 $0x3E;
	s1 =	sadd.s32 $0xD600, s7  }
0x63: {  	p0 =	sne.s32 s4, $0x0;
	[sflag:s5] =	ssyncpa.u1 $0x0;
	s29 =	smin.u32 s4, $0x8  }
0x64: {  	s30 =	sshll.u32 s4, $0x1;
	s3 =	simm.s32 @!p0 $0x1C3E;
	s6 =	simm.s32 @!p0 $0x0  }
0x65: {  	[spmem:s6], [sflag:s3] =	dma.local @!p0 [hbm:s1], $0x2A00  }
0x66: {  	s3 =	sadd.s32 s29, s30  }
0x67: {  	p1 =	slt.u32 s4, $0x8;
	s4 =	simm.s32 $0x5DC0;
	s3 =	smul.u32 $0x1F40, s3  }
0x68: {  	s4 =	simm.s32 @!p1 $0x3E80  }
0x69: {  	s4 =	sadd.s32 s4, s3  }
0x6a: {  	s4 =	smin.u32 s4, $0x4E200  }
0x6b: {  	s8 =	ssub.s32 s4, s3  }
0x6c: {  	p1 =	sgt.s32 s8, $0x0  }
0x6d: {  	s8 =	simm.s32 @!p1 $0x0  }
0x6e: {  	s6 =	simm.s32 @!p0 $0x3E;
	s31 =	smulhi.u32 $0x10624DD3, s8  }
0x6f: {  	_ =	swait.ge @!p0 [sflag:s6], $0x2A00  }
0x70: {  	[sflag:s6] =	ssyncset.done @!p0 $0x0;
	s9 =	sshrl.u32 s31, $0x9  }
0x71: {  	s11 =	simm.s32 $0x0;
	[sflag:s6] =	ssyncadd.s32 @!p0 $0xFFFFD600;
	s10 =	smul.u32 $0x1F40, s9  }
.Ltmp6:
0x72: {  	s7 =	sadd.s32 $0x34C00, s7;
	[bflag:$0x0] =	sbarrier.arrive $0xFFFF;
	(pc) =	sbr.rel .LBB3_1-.Ltmp6, $4  }
0x73: {  	s6 =	simm.s32 $0x2;
	[sflag:s5] =	ssyncpa.u1 $0x1;
	s5 =	simm.s32 $0x1  }
0x74: {  	[sflag:s5] =	ssyncpa.u1 $0x0;
	p1 =	sne.s32 s8, s10;
	s8 =	simm.s32 $0x1  }
0x75: {  	(ifvalue) =	ssetifvalue $0x15000;
	[sflag:s6] =	ssyncpa.u1 $0x0;
	s8 =	simm.s32 @!p1 $0x0  }
0x76: {  	vm0 =	vmmov $0xffff;
	s10 =	smov.u32 s3;
	s8 =	sadd.s32 s8, s9;
	s9 =	simm.s32 $0x0  }
.LBB3_5:
0x77: {  	p2 =	sne.s32 s11, s8  }
.Ltmp7:
0x78: {  	_ = 	snop;
	(pc) =	sbr.rel @!p2 .LBB3_6-.Ltmp7, $4  }
0x79: {  	_ = 	snop  }
0x7a: {  	s12 =	sadd.s32 $0x1F40, s10  }
0x7b: {  	s10 =	smov.u32 s3;
	s13 =	sadd.s32 $0x1, s11;
	p1 =	slt.s32 s12, s4  }
0x7c: {  	s11 =	smov.u32 s13;
	s10 =	smov.u32 @p1 s12  }
.LBB3_1:
0x7d: {  	p1 =	sge.u32 s11, s8  }
0x7e: {  	s12 =	sxor.u32 @!p1 $0xFFFFFFFF, s11  }
0x7f: {  	s12 =	sand.u32 @!p1 $0x1, s12  }
0x80: {  	s12 =	smul.u32 @!p1 $0x1F40, s12  }
0x81: {  	s13 =	sshrl.u32 @!p1 s10, $0x3  }
0x82: {  	s16 =	sand.u32 @!p1 $0x7, s10;
	s14 =	sadd.s32 @!p1 s2, s13;
	s15 =	sadd.s32 @!p1 $0x1500, s12  }
0x83: {  	[tilespmem:s15], [sflag:$0x2] =	stream.linear.gather @!p1 [hbm4b:s14+s16], $0x1F40, $0x38;
	[tilespmem:$0x9200] =	vst v63  }
0x84: {  	s13 =	sadd.s32 @!p1 s7, s13;
	s12 =	sadd.s32 @!p1 $0x5380, s12  }
0x85: {  	[tilespmem:s12], [sflag:$0x2] =	stream.linear.gather @!p1 [hbm4b:s13+s16], $0x1F40, $0x38;
	[tilespmem:$0x9200] =	vst v63  }
0x86: {  	p1 =	seq.s32 s11, $0x0  }
.Ltmp8:
0x87: {  	_ = 	snop;
	(pc) =	sbr.rel @p1 .LBB3_5-.Ltmp8, $1  }
0x88: {  	_ =	sdelay $0x3  }
0x89: {  	s12 =	sand.u32 $0x1, s11  }
0x8a: {  	_ =	swait.ge [sflag:s6], $0x3E80;
	p1 =	seq.s32 s12, $0x1;
	s12 =	simm.s32 $0x1F40  }
0x8b: {  	[sflag:s6] =	ssyncset.done $0x0;
	s12 =	simm.s32 @!p1 $0x0  }
0x8c: {  	[sflag:s6] =	ssyncadd.s32 $0xFFFFC180;
	s14 =	sadd.s32 $0x1500, s12  }
0x8d: {  	v0 =	vld.msk [tilespmem:s14+$0x0 ss:$0x1], $0xffff;
	_ =	sdelay $0x4  }
0x8e: {  	v0 =	vmin.u32 v0, $0x15000;
	_ =	sdelay $0x3  }
0x8f: {  	s13 =	simm.s32 $0x0;
	s12 =	sadd.s32 $0x5380, s12;
	s14 =	sadd.s32 $0x10, s14  }
0x90: {  	[spmem:s9] =	stream.indirect_vreg.scatter.add.s32 [tilespmem:s12], [sflag:$0x1], $0x1, v0, vm0, $0x4038;
	[tilespmem:$0x9200] =	vst v63  }
.LBB3_3:
0x91: {  	v0 =	vld.msk [tilespmem:s14+$0x0 ss:$0x1], $0xffff;
	s13 =	sadd.s32 $0x10, s13  }
0x92: {  	p1 =	slt.u32 s13, $0x1F30;
	_ =	sdelay $0x4  }
0x93: {  	v0 =	vmin.u32 v0, $0x15000  }
.Ltmp9:
0x94: {  	(pc) =	sbr.rel @p1 .LBB3_3-.Ltmp9, $3  }
0x95: {  	_ =	sdelay $0x1  }
0x96: {  	s14 =	sadd.s32 $0x10, s14;
	s12 =	sadd.s32 $0x10, s12  }
0x97: {  	[spmem:s9] =	stream.indirect_vreg.scatter.add.s32 [tilespmem:s12], [sflag:$0x1], $0x1, v0, vm0, $0x4038;
	[tilespmem:$0x9200] =	vst v63  }
.Ltmp10:
0x98: {  	(pc) =	sbr.rel .LBB3_5-.Ltmp10, $4  }
0x99: {  	_ = 	snop  }
0x9a: {  	_ =	swait.ge [sflag:s5], $0x1F40  }
0x9b: {  	[sflag:s5] =	ssyncset.done $0x0  }
0x9c: {  	[sflag:s5] =	ssyncadd.s32 $0xFFFFE0C0  }
.LBB3_6:
0x9d: {  	_ =	sfence.sel $0x180000  }
0x9e: {  	s2 =	simm.s32 $0x2;
	[bflag:$0x0] =	sbarrier.arrive $0xFFFF  }
0x9f: {  	s30 =	simm.s32 $0x1;
	[sflag:s2] =	ssyncpa.u1 $0x1  }
0xa0: {  	[sflag:s30] =	ssyncpa.u1 $0x1  }
0xa1: {  	_ =	sfence.stream.spmem  }
0xa2: {  	s31 =	simm.s32 $0x3D;
	[bflag:$0x0] =	sbarrier.arrive $0xFFFF  }
0xa3: {  	s2 =	simm.s32 @p0 $0x3D;
	[sflag:s31] =	ssyncpa.u1 $0x0  }
0xa4: {  	[sflag:s2] =	ssyncpa.u1 @p0 $0x1  }
0xa5: {  	[bflag:$0x0] =	sbarrier.arrive @p0 $0xFFFF  }
0xa6: {  	_ =	strace @p0 $0x90000050  }
0xa7: {  	s3 =	simm.s32 @!p0 $0x1C3D;
	s2 =	simm.s32 @!p0 $0x0;
	[bflag:$0x2] =	sbarrier.arrive @p0 $0xFFFF  }
0xa8: {  	[hbm:s1], [sflag:s3] =	dma.local @!p0 [spmem:s2], $0x2A00  }
0xa9: {  	s1 =	simm.s32 @!p0 $0x3D  }
0xaa: {  	_ =	swait.ge @!p0 [sflag:s1], $0x2A00  }
0xab: {  	[sflag:s1] =	ssyncset.done @!p0 $0x0  }
0xac: {  	[sflag:s1] =	ssyncadd.s32 @!p0 $0xFFFFD600  }
0xad: {  	[sflag:s1] =	ssyncpa.u1 @!p0 $0x1  }
0xae: {  	[bflag:$0x0] =	sbarrier.arrive @!p0 $0xFFFF  }
0xaf: {  	_ =	strace @!p0 $0x90000050  }
0xb0: {  	s0 =	sadd.s32 @!p0 $0x100000, s0;
	[bflag:$0x2] =	sbarrier.arrive @!p0 $0xFFFF  }
0xb1: {  	[sflag:s0] =	ssyncadd.tile.s32 @!p0 $0x1;
	_ =	shalt  }
.Lfunc_end3:
_tile_overlayer_lowered:
.L_overlay_start_3:
0xb2: {  	(tag) =	ssettag $0x3  }
0xb3: {  	s0 =	rddreg [dreg:$0x0];
	s2 =	stileid.u32  }
0xb4: {  	s1 =	rddreg [dreg:$0x1];
	p0 =	sne.s32 s2, $0x0  }
0xb5: {  	s3 =	rddreg [dreg:$0x2];
	[bflag:$0x3] =	sbarrier.arrive $0xFFFF;
	s2 =	simm.s32 @!p0 $0x1C01  }
0xb6: {  	[timem:s3], [sflag:s2] =	dma.local @!p0 [hbm:s0], s1  }
0xb7: {  	s0 =	simm.s32 @!p0 $0x1  }
0xb8: {  	_ =	swait.ge @!p0 [sflag:s0], s1  }
0xb9: {  	s1 =	ssub.s32 @!p0 $0x0, s1;
	[sflag:s0] =	ssyncset.done @!p0 $0x0  }
0xba: {  	[sflag:s0] =	ssyncadd.s32 @!p0 s1  }
0xbb: {  	[bflag:$0x3] =	sbarrier.arrive $0xFFFF  }
0xbc: {  	_ =	shalt  }

// kernel: scatter_offload_async_start.3
scs
__scs_entry_jumppad:
0x0: {  	(pc) =	sbr.rel $0x88, $3  }
0x1: {  	(tag) =	ssettag $0x0;
	lr =	simm.s32 $0x1  }
0x2: {  	[smem:$0x3F96] =	sst lr;
	_ =	strace $0xD0000000  }
0x3: {  	_ = 	snop  }
0x4: {  	_ = 	snop  }
0x5: {  	_ = 	snop  }
0x6: {  	_ = 	snop  }
0x7: {  	_ = 	snop  }
__scs_overlays_trampoline_lowered:
0x8: {  	[smem:$0x3FA5] =	sst s0  }
0x9: {  	[smem:$0x3FA6] =	sst s1  }
0xa: {  	[smem:$0x3FA7] =	sst s2  }
0xb: {  	[smem:$0x3FA8] =	sst s3  }
0xc: {  	[smem:$0x3FA9] =	sst s4  }
0xd: {  	[smem:$0x3FAA] =	sst s5  }
0xe: {  	[smem:$0x3FAB] =	sst s6  }
0xf: {  	[smem:$0x3FAC] =	sst s7  }
0x10: {  	[smem:$0x3FAD] =	sst s8  }
0x11: {  	[smem:$0x3FAE] =	sst s9;
	s0 =	simm.s32 @!p0 $0x0  }
0x12: {  	s1 =	sld [smem:$0x3F94];
	s0 =	simm.s32 @p0 $0x1  }
0x13: {  	[smem:$0x3FAF] =	sst s0;
	s0 =	simm.s32 @!p1 $0x0  }
0x14: {  	s2 =	sld [smem:$0x3F93];
	s0 =	simm.s32 @p1 $0x1  }
0x15: {  	[smem:$0x3FB0] =	sst s0;
	s0 =	simm.s32 @!p2 $0x0  }
0x16: {  	s3 =	sld [smem:$0x3FDB];
	s0 =	simm.s32 @p2 $0x1  }
0x17: {  	s4 =	simm.s32 $0x1BF5;
	[smem:$0x3FB2] =	sst s0  }
0x18: {  	s0 =	sld [smem:$0x3F95];
	_ =	swait.ge [sflag:s4], $0x0  }
0x19: {  	s7 =	sld [smem:$0x3F96]  }
0x1a: {  	s8 =	sadd.s32 $0xFFFFE003, lr  }
0x1b: {  	s9 =	sadd.s32 $0xFFFFFEF7, lr;
	s5 =	simm.s32 $0xFFFFFFFF;
	p2 =	slt.u32 s8, $0xFFFFF086  }
0x1c: {  	p1 =	slt.u32 s9, $0xF7A;
	s5 =	simm.s32 @!p2 $0x0  }
0x1d: {  	s5 =	simm.s32 @p1 $0x1;
	p0 =	seq.s32 s7, s2  }
0x1e: {  	s7 =	smul.u32 @!p0 $0xF7A, s2;
	p2 =	seq.s32 @!p0 s5, $0x0  }
0x1f: {  	s9 =	smul.u32 $0xF7A, s1;
	s8 =	simm.s32 @!p0 $0x1BF5;
	p2 =	por !p2, p0  }
0x20: {  	[sflag:s8] =	ssyncset.s32 @!p0 $0xFFFFF086;
	s6 =	sadd.s32 @!p0 s3, s7;
	s7 =	simm.s32 @!p0 $0x108  }
0x21: {  	s3 =	sadd.s32 s3, s9;
	s6 =	sadd.s32 @!p0 $0x88, s6;
	s7 =	simm.s32 @p2 $0x1082  }
0x22: {  	[simem:s7], [sflag:s8] =	dma.local @!p0 [hbm:s6], $0xF7A  }
0x23: {  	s9 =	sor.u32 $0xD0000000, s2;
	s6 =	simm.s32 $0x108;
	_ =	swait.ge @!p0 [sflag:s8], $0x0  }
0x24: {  	s3 =	sadd.s32 $0x88, s3;
	s6 =	simm.s32 @!p1 $0x1082;
	[sflag:s4] =	ssyncset.s32 $0xFFFFF086  }
0x25: {  	[simem:s6], [sflag:s4] =	dma.local [hbm:s3], $0xF7A  }
0x26: {  	[smem:$0x3F96] =	sst s1;
	(tag) =	ssettag s2;
	_ =	strace s9  }
0x27: {  	s1 =	sld [smem:$0x3FA6]  }
0x28: {  	s2 =	sld [smem:$0x3FA7]  }
0x29: {  	s4 =	sld [smem:$0x3FA9]  }
0x2a: {  	p0 =	seq.s32 s5, $0x0;
	s5 =	sld [smem:$0x3FAA]  }
0x2b: {  	s6 =	sld [smem:$0x3FAB]  }
0x2c: {  	s7 =	sld [smem:$0x3FAC]  }
0x2d: {  	s3 =	simm.s32 $0x108;
	s8 =	sld [smem:$0x3FAD]  }
0x2e: {  	s3 =	simm.s32 @!p0 $0x1082;
	s9 =	sld [smem:$0x3FAE]  }
0x2f: {  	lr =	sadd.s32 s0, s3;
	s0 =	sld [smem:$0x3FA5]  }
0x30: {  	s3 =	sld [smem:$0x3FA8]  }
0x31: {  	[smem:$0x3FB1] =	sst s10  }
0x32: {  	s10 =	sld [smem:$0x3FAF];
	_ =	sdelay $0x3  }
0x33: {  	p0 =	seq.s32 s10, $0x1;
	s10 =	sld [smem:$0x3FB1];
	_ =	sdelay $0x3  }
0x34: {  	[smem:$0x3FB1] =	sst s10  }
0x35: {  	s10 =	sld [smem:$0x3FB0];
	_ =	sdelay $0x3  }
0x36: {  	p1 =	seq.s32 s10, $0x1;
	s10 =	sld [smem:$0x3FB1];
	_ =	sdelay $0x3  }
0x37: {  	[smem:$0x3FB1] =	sst s10  }
0x38: {  	s10 =	sld [smem:$0x3FB2]  }
0x39: {  	_ = 	snop;
	(pc) =	sbr.ind lr, $3  }
0x3a: {  	_ = 	snop  }
0x3b: {  	_ = 	snop  }
0x3c: {  	p2 =	seq.s32 s10, $0x1;
	s10 =	sld [smem:$0x3FB1]  }
0x3d: {  	_ =	shalt  }
0x3e: {  	_ =	shalt  }
0x3f: {  	_ =	shalt  }
0x40: {  	_ =	shalt  }
0x41: {  	_ =	shalt  }
0x42: {  	_ =	shalt  }
0x43: {  	_ =	shalt  }
0x44: {  	_ =	shalt  }
0x45: {  	_ =	shalt  }
0x46: {  	_ =	shalt  }
0x47: {  	_ =	shalt  }
0x48: {  	_ =	shalt  }
0x49: {  	_ =	shalt  }
0x4a: {  	_ =	shalt  }
0x4b: {  	_ =	shalt  }
0x4c: {  	_ =	shalt  }
0x4d: {  	_ =	shalt  }
0x4e: {  	_ =	shalt  }
0x4f: {  	_ =	shalt  }
0x50: {  	_ =	shalt  }
0x51: {  	_ =	shalt  }
0x52: {  	_ =	shalt  }
0x53: {  	_ =	shalt  }
0x54: {  	_ =	shalt  }
0x55: {  	_ =	shalt  }
0x56: {  	_ =	shalt  }
0x57: {  	_ =	shalt  }
0x58: {  	_ =	shalt  }
0x59: {  	_ =	shalt  }
0x5a: {  	_ =	shalt  }
0x5b: {  	_ =	shalt  }
0x5c: {  	_ =	shalt  }
0x5d: {  	_ =	shalt  }
0x5e: {  	_ =	shalt  }
0x5f: {  	_ =	shalt  }
0x60: {  	_ =	shalt  }
0x61: {  	_ =	shalt  }
0x62: {  	_ =	shalt  }
0x63: {  	_ =	shalt  }
0x64: {  	_ =	shalt  }
0x65: {  	_ =	shalt  }
0x66: {  	_ =	shalt  }
0x67: {  	_ =	shalt  }
0x68: {  	_ =	shalt  }
0x69: {  	_ =	shalt  }
0x6a: {  	_ =	shalt  }
0x6b: {  	_ =	shalt  }
0x6c: {  	_ =	shalt  }
0x6d: {  	_ =	shalt  }
0x6e: {  	_ =	shalt  }
0x6f: {  	_ =	shalt  }
0x70: {  	_ =	shalt  }
0x71: {  	_ =	shalt  }
0x72: {  	_ =	shalt  }
0x73: {  	_ =	shalt  }
0x74: {  	_ =	shalt  }
0x75: {  	_ =	shalt  }
0x76: {  	_ =	shalt  }
0x77: {  	_ =	shalt  }
0x78: {  	_ =	shalt  }
0x79: {  	_ =	shalt  }
0x7a: {  	_ =	shalt  }
0x7b: {  	_ =	shalt  }
0x7c: {  	_ =	shalt  }
0x7d: {  	_ =	shalt  }
0x7e: {  	_ =	shalt  }
0x7f: {  	_ =	shalt  }
0x80: {  	_ =	shalt  }
0x81: {  	_ =	shalt  }
0x82: {  	_ =	shalt  }
0x83: {  	_ =	shalt  }
0x84: {  	_ =	shalt  }
0x85: {  	_ =	shalt  }
0x86: {  	_ =	shalt  }
0x87: {  	_ =	shalt  }
.Lfunc_end0:
.L_simem_size_0:
called_computation.3_lowered:
.L_overlay_start_0:
0x88: {  	s0 =	sld [smem:$0x3FD9]  }
0x89: {  	s1 =	sld [smem:$0x3FFE];
	_ =	sdelay $0x3  }
0x8a: {  	s0 =	sadd.s32 s1, s0  }
0x8b: {  	[smem:$0x3FBD] =	sst s0  }
0x8c: {  	_ = 	snop  }
0x8d: {  	(tm) =	ssettm $0x1  }
0x8e: {  	s14 =	sld [smem:$0x3FFB];
	_ =	sdelay $0x3  }
0x8f: {  	_ =	strace s14  }
0x90: {  	s0 =	sld [smem:$0x3FFC];
	_ =	sdelay $0x3  }
0x91: {  	_ =	strace s0  }
0x92: {  	s0 =	sld [smem:$0x3FFD];
	_ =	sdelay $0x3  }
0x93: {  	_ =	strace s0  }
0x94: {  	_ =	strace $0x8FFFFFFF  }
0x95: {  	s15 =	sld [smem:$0x3FDB];
	_ =	sdelay $0x1  }
0x96: {  	s16 =	simm.s32 $_scs_section_size  }
0x97: {  	s2 =	simm.s32 $_size__tile_overlayer_lowered;
	s3 =	simm.s32 $_tile_overlayer_lowered  }
0x98: {  	s4 =	simm.s32 $0x1BFF;
	s17 =	sshll.u32 s3, $0x1;
	s1 =	sadd.s32 s16, s15  }
0x99: {  	s18 =	simm.s32 $0x0;
	s2 =	sshll.u32 s2, $0x1;
	s3 =	sadd.s32 s17, s1  }
0x9a: {  	[timem:s18], [sflag:s4] =	dma.local [hbm:s3], s2  }
0x9b: {  	_ =	swait.ge [sflag:s4], s2  }
0x9c: {  	s2 =	ssub.s32 $0x0, s2;
	[sflag:s4] =	ssyncset.done $0x0  }
0x9d: {  	[sflag:s4] =	ssyncadd.s32 s2;
	_ =	sdelay $0x1  }
0x9e: {  	s19 =	simm.s32 $0x1B8B  }
0x9f: {  	_ =	swait.ge [sflag:s19], $0x1  }
0xa0: {  	[sflag:s19] =	ssyncset.done $0x0  }
0xa1: {  	s21 =	simm.s32 $0x1B8E;
	s20 =	sld [smem:$0x3FFE];
	[sflag:s19] =	ssyncadd.s32 $0xFFFFFFFF  }
0xa2: {  	s22 =	simm.s32 $execute0_lowered;
	[smem:$0x3FD2] =	sst s21  }
0xa3: {  	s3 =	sshll.u32 s22, $0x1;
	_ =	strace $0x80000046;
	[dreg:$0x1] =	wrdreg $0xFFFFFFFF  }
0xa4: {  	s23 =	simm.s32 $_size_execute0_lowered;
	s3 =	sadd.s32 s1, s3;
	[dreg:$0x0] =	wrdreg $0x0  }
0xa5: {  	s4 =	sshll.u32 s23, $0x1;
	[dreg:$0x2] =	wrdreg s3  }
0xa6: {  	[dreg:$0x3] =	wrdreg s4  }
0xa7: {  	[dreg:$0x4] =	wrdreg $0xC0  }
0xa8: {  	s24 =	simm.s32 $execute1_lowered;
	_ =	task [dreg:s18], $0x5FFFF  }
0xa9: {  	s3 =	sshll.u32 s24, $0x1;
	[dreg:$0x1] =	wrdreg $0xFFFFFFFF  }
0xaa: {  	s1 =	sadd.s32 s1, s3;
	[dreg:$0x0] =	wrdreg $0x60  }
0xab: {  	[dreg:$0x2] =	wrdreg s1  }
0xac: {  	[dreg:$0x3] =	wrdreg s20  }
0xad: {  	[dreg:$0x4] =	wrdreg $0x9  }
0xae: {  	_ =	task.clear_ibuf [dreg:s18], $0x5FFFF;
	_ =	strace $0x90000046  }
0xaf: {  	s25 =	simm.s32 $0x9;
	_ =	strace $0x80000048  }
0xb0: {  	_ =	swait.ge [sflag:s25], $0x1  }
0xb1: {  	[sflag:s25] =	ssyncadd.s32 $0xFFFFFFFF  }
0xb2: {  	_ =	strace $0x90000048  }
0xb3: {  	_ =	strace $0x80000049;
	[dreg:$0x1] =	wrdreg $0xFFFFFFFF  }
0xb4: {  	[dreg:$0x0] =	wrdreg $0x2030  }
0xb5: {  	[dreg:$0x2] =	wrdreg s20  }
0xb6: {  	[dreg:$0x3] =	wrdreg $0xA  }
0xb7: {  	_ =	task.clear_ibuf [dreg:s18], $0x4FFFF;
	_ =	strace $0x90000049  }
0xb8: {  	s26 =	simm.s32 $0xA;
	_ =	strace $0x8000004B  }
0xb9: {  	_ =	swait.ge [sflag:s26], $0x1  }
0xba: {  	[sflag:s26] =	ssyncadd.s32 $0xFFFFFFFF  }
0xbb: {  	_ =	strace $0x9000004B  }
0xbc: {  	_ =	sfence  }
0xbd: {  	s28 =	sld [smem:$0x0];
	_ =	sdelay $0x1  }
0xbe: {  	s29 =	srdreg.scid  }
0xbf: {  	s30 =	sshll.u32 s29, $0xD;
	s31 =	sshrl.u32 s29, $0x2  }
0xc0: {  	s2 =	sand.u32 $0x1, s29;
	s3 =	sand.u32 $0x4000, s30;
	s1 =	sadd.s32 s31, s28  }
0xc1: {  	s2 =	sor.u32 s3, s2;
	s1 =	sshll.u32 s1, $0x11  }
0xc2: {  	s1 =	sor.u32 s1, s2  }
0xc3: {  	s1 =	sadd.s32 $0x8F2B, s1  }
0xc4: {  	[sflag:s1] =	ssyncadd.remote.s32 $0x1  }
0xc5: {  	_ =	sfence.sel $0xFFFF  }
0xc6: {  	[dreg:$0x0] =	wrdreg $0xFFFFFFFF;
	(pc) =	sbr.abs _section_cstart, $3  }
0xc7: {  	[dreg:$0x1] =	wrdreg $0xFFFFFFFF  }
0xc8: {  	_ =	task.clear_ibuf [dreg:s18], $0x2FFFF;
	_ =	strace $0x9FFFFFFF  }
0xc9: {  	(tm) =	ssettm $0x7FFFFFFF  }
tec
execute0_lowered:
.L_overlay_start_1:
0x0: {  	(tag) =	ssettag $0x1  }
0x1: {  	s3 =	rddreg [dreg:$0x0];
	s4 =	stileid.u32  }
0x2: {  	s5 =	rddreg [dreg:$0x1];
	s2 =	smul.u32 $0xA80, s4  }
0x3: {  	s0 =	rddreg [dreg:$0x2];
	[bflag:$0x3] =	sbarrier.arrive $0xFFFF;
	s1 =	simm.s32 $_size_execute1_lowered  }
0x4: {  	s1 =	sshll.u32 s1, $0x1;
	p0 =	sne.s32 s4, $0x0;
	s6 =	ssub.s32 $0x15000, s2  }
0x5: {  	s4 =	simm.s32 @!p0 $0x1C3F;
	s7 =	simm.s32 @!p0 $0x4060;
	s8 =	smulhi.u32 $0x18619, s6  }
0x6: {  	[timem:s7], [sflag:s4] =	dma.local @!p0 [hbm:s3], s1  }
0x7: {  	s31 =	simm.s32 $0x2;
	s30 =	smul.u32 $0xA800, s8  }
.Ltmp0:
0x8: {  	s10 =	simm.s32 $0x0;
	s9 =	simm.s32 $0x0;
	(pc) =	sbr.rel .LBB2_1-.Ltmp0, $4  }
0x9: {  	s3 =	sadd.s32 $0x32200, s5;
	p1 =	sne.s32 s6, s30;
	s6 =	simm.s32 $0x1  }
0xa: {  	s4 =	simm.s32 $0x1;
	_ =	strace $0x80000047;
	s6 =	simm.s32 @!p1 $0x0  }
0xb: {  	s5 =	sadd.s32 $0x3EA00, s5;
	[sflag:s4] =	ssyncpa.u1 $0x0;
	s6 =	sadd.s32 s6, s8  }
0xc: {  	[sflag:s31] =	ssyncpa.u1 $0x0;
	s8 =	smov.u32 s2;
	s7 =	sadd.s32 $0x1, s6  }
.LBB2_7:
0xd: {  	s12 =	sadd.s32 $0xA800, s8  }
0xe: {  	p2 =	sgt.s32 s12, $0x14FFF  }
0xf: {  	s12 =	smov.u32 @p2 s2;
	p2 =	sne.s32 s9, s7  }
.Ltmp1:
0x10: {  	p1 =	slt.u32 s9, $0x2;
	(pc) =	sbr.rel @!p2 .LBB2_8-.Ltmp1, $4  }
0x11: {  	s11 =	simm.s32 @!p1 $0x2  }
0x12: {  	_ =	swait.ge @!p1 [sflag:s11], $0xA80  }
0x13: {  	s13 =	sadd.s32 $0x1, s9;
	s10 =	smov.u32 s8;
	[sflag:s11] =	ssyncset.done @!p1 $0x0  }
0x14: {  	s9 =	smov.u32 s13;
	s8 =	smov.u32 s12;
	[sflag:s11] =	ssyncadd.s32 @!p1 $0xFFFFF580  }
.LBB2_1:
0x15: {  	p1 =	sge.u32 s9, s6  }
0x16: {  	s11 =	sxor.u32 @!p1 $0xFFFFFFFF, s9  }
0x17: {  	s11 =	sand.u32 @!p1 $0x1, s11  }
0x18: {  	s11 =	smul.u32 @!p1 $0x2A00, s11  }
0x19: {  	s31 =	sadd.s32 $0xFFFFFFFF, s9;
	s12 =	sshrl.u32 @!p1 s8, $0x3  }
0x1a: {  	s13 =	sand.u32 @!p1 $0x7, s8;
	s12 =	sadd.s32 @!p1 s3, s12;
	s11 =	sshrl.u32 @!p1 s11, $0x2  }
0x1b: {  	[tilespmem:s11], [sflag:$0x1] =	stream.linear.gather @!p1 [hbm4b:s12+s13], $0xA80, $0x38;
	[tilespmem:$0x2A00] =	vst v63  }
0x1c: {  	p1 =	sge.u32 s31, s6  }
.Ltmp2:
0x1d: {  	_ = 	snop;
	(pc) =	sbr.rel @p1 .LBB2_7-.Ltmp2, $1  }
0x1e: {  	_ =	sdelay $0x3  }
0x1f: {  	s11 =	sand.u32 $0x1, s9  }
0x20: {  	_ =	swait.ge [sflag:s4], $0xA80;
	s13 =	simm.s32 $0xA80;
	p1 =	seq.s32 s11, $0x1  }
0x21: {  	[sflag:s4] =	ssyncset.done $0x0;
	s13 =	simm.s32 @!p1 $0x0  }
0x22: {  	[sflag:s4] =	ssyncadd.s32 $0xFFFFF580;
	s15 =	sadd.s32 $0x80, s13  }
0x23: {  	v0 =	vld [tilespmem:s15+$0x70]  }
0x24: {  	v1 =	vld [tilespmem:s15+$0xFFFFFF90]  }
0x25: {  	v2 =	vld [tilespmem:s15+$0xFFFFFFA0]  }
0x26: {  	v3 =	vld [tilespmem:s15+$0xFFFFFFB0]  }
0x27: {  	s11 =	sadd.s32 $0x1580, s13;
	v4 =	vld [tilespmem:s15+$0xFFFFFFC0]  }
0x28: {  	v5 =	vld [tilespmem:s15+$0xFFFFFFD0];
	[tilespmem:s11+$0x70] =	vst v0  }
0x29: {  	[tilespmem:s11+$0xFFFFFF90] =	vst v1;
	v0 =	vld [tilespmem:s15+$0xFFFFFFE0]  }
0x2a: {  	[tilespmem:s11+$0xFFFFFFA0] =	vst v2;
	v1 =	vld [tilespmem:s15+$0xFFFFFFF0]  }
0x2b: {  	[tilespmem:s11+$0xFFFFFFB0] =	vst v3;
	v2 =	vld [tilespmem:s15+$0x0]  }
0x2c: {  	[tilespmem:s11+$0xFFFFFFC0] =	vst v4;
	v3 =	vld [tilespmem:s15+$0x10]  }
0x2d: {  	[tilespmem:s11+$0xFFFFFFD0] =	vst v5;
	v5 =	vld [tilespmem:s15+$0x20]  }
0x2e: {  	[tilespmem:s11+$0xFFFFFFE0] =	vst v0;
	v0 =	vld [tilespmem:s15+$0x30]  }
0x2f: {  	[tilespmem:s11+$0xFFFFFFF0] =	vst v1;
	v1 =	vld [tilespmem:s15+$0x40]  }
0x30: {  	[tilespmem:s11+$0x0] =	vst v2;
	v2 =	vld [tilespmem:s15+$0x50]  }
0x31: {  	s14 =	simm.s32 $0x0;
	[tilespmem:s11+$0x10] =	vst v3;
	v3 =	vld [tilespmem:s15+$0x60]  }
0x32: {  	s12 =	sor.u32 $0x1500, s13;
	s13 =	sshll.u32 s13, $0x2;
	v4 =	vld [tilespmem:s15+$0xFFFFFF80];
	[tilespmem:s11+$0x20] =	vst v5;
	s15 =	sadd.s32 $0x100, s15  }
.LBB2_3:
0x33: {  	v5 =	vld [tilespmem:s15+$0x70];
	s14 =	sadd.s32 $0x100, s14;
	[tilespmem:s11+$0x30] =	vst v0  }
0x34: {  	v0 =	vld [tilespmem:s15+$0xFFFFFF90];
	p1 =	slt.u32 s14, $0x900;
	[tilespmem:s11+$0x40] =	vst v1  }
0x35: {  	v1 =	vld [tilespmem:s15+$0xFFFFFFA0];
	[tilespmem:s11+$0x50] =	vst v2  }
0x36: {  	v2 =	vld [tilespmem:s15+$0xFFFFFFB0];
	[tilespmem:s11+$0x60] =	vst v3  }
0x37: {  	v3 =	vld [tilespmem:s15+$0xFFFFFFC0];
	[tilespmem:s11+$0xFFFFFF80] =	vst v4;
	s11 =	sadd.s32 $0x100, s11  }
0x38: {  	v4 =	vld [tilespmem:s15+$0xFFFFFFD0];
	[tilespmem:s11+$0x70] =	vst v5  }
0x39: {  	[tilespmem:s11+$0xFFFFFF90] =	vst v0;
	v0 =	vld [tilespmem:s15+$0xFFFFFFE0]  }
0x3a: {  	[tilespmem:s11+$0xFFFFFFA0] =	vst v1;
	v1 =	vld [tilespmem:s15+$0xFFFFFFF0]  }
0x3b: {  	[tilespmem:s11+$0xFFFFFFB0] =	vst v2;
	v2 =	vld [tilespmem:s15+$0x0]  }
0x3c: {  	[tilespmem:s11+$0xFFFFFFC0] =	vst v3;
	v3 =	vld [tilespmem:s15+$0x10]  }
0x3d: {  	[tilespmem:s11+$0xFFFFFFD0] =	vst v4;
	v5 =	vld [tilespmem:s15+$0x20]  }
.Ltmp3:
0x3e: {  	[tilespmem:s11+$0xFFFFFFE0] =	vst v0;
	v0 =	vld [tilespmem:s15+$0x30];
	(pc) =	sbr.rel @p1 .LBB2_3-.Ltmp3, $4  }
0x3f: {  	[tilespmem:s11+$0xFFFFFFF0] =	vst v1;
	v1 =	vld [tilespmem:s15+$0x40]  }
0x40: {  	[tilespmem:s11+$0x0] =	vst v2;
	v2 =	vld [tilespmem:s15+$0x50]  }
0x41: {  	[tilespmem:s11+$0x10] =	vst v3;
	v3 =	vld [tilespmem:s15+$0x60]  }
0x42: {  	v4 =	vld [tilespmem:s15+$0xFFFFFF80];
	[tilespmem:s11+$0x20] =	vst v5;
	s15 =	sadd.s32 $0x100, s15  }
0x43: {  	[tilespmem:s11+$0x30] =	vst v0  }
0x44: {  	[tilespmem:s11+$0x40] =	vst v1  }
0x45: {  	[tilespmem:s11+$0x50] =	vst v2  }
0x46: {  	s13 =	sshrl.u32 s13, $0x2;
	[tilespmem:s11+$0x60] =	vst v3  }
0x47: {  	s14 =	simm.s32 $0x9F0;
	[tilespmem:s11+$0xFFFFFF80] =	vst v4;
	s11 =	sadd.s32 $0x1F00, s13;
	s13 =	sadd.s32 $0xA00, s13  }
.LBB2_5:
0x48: {  	s14 =	sadd.s32 $0x10, s14  }
0x49: {  	v0 =	vld [tilespmem:s13+$0x0];
	p1 =	slt.u32 s14, $0xA70  }
.Ltmp4:
0x4a: {  	_ = 	snop;
	(pc) =	sbr.rel @p1 .LBB2_5-.Ltmp4, $2  }
0x4b: {  	_ =	sdelay $0x2  }
0x4c: {  	s13 =	sadd.s32 $0x10, s13;
	[tilespmem:s11+$0x0] =	vst v0;
	s11 =	sadd.s32 $0x10, s11  }
.Ltmp5:
0x4d: {  	(pc) =	sbr.rel .LBB2_7-.Ltmp5, $4  }
0x4e: {  	_ = 	snop  }
0x4f: {  	s11 =	sshrl.u32 s10, $0x3  }
0x50: {  	s31 =	sand.u32 $0x7, s10;
	s11 =	sadd.s32 s5, s11  }
0x51: {  	[hbm4b:s11+s31] =	stream.linear.scatter [tilespmem:s12], [sflag:$0x2], $0xA80, $0x38;
	[tilespmem:$0x2A00] =	vst v63  }
.LBB2_8:
0x52: {  	_ =	sfence.sel $0x180000  }
0x53: {  	s2 =	simm.s32 $0x1;
	[bflag:$0x0] =	sbarrier.arrive $0xFFFF  }
0x54: {  	s31 =	simm.s32 $0x2;
	[sflag:s2] =	ssyncpa.u1 $0x1  }
0x55: {  	[sflag:s31] =	ssyncpa.u1 $0x1  }
0x56: {  	_ =	strace $0x90000047  }
0x57: {  	s0 =	sadd.s32 @!p0 $0x100000, s0;
	[bflag:$0x2] =	sbarrier.arrive $0xFFFF  }
0x58: {  	[sflag:s0] =	ssyncadd.tile.s32 @!p0 $0x1;
	s0 =	simm.s32 @!p0 $0x3F  }
0x59: {  	_ =	swait.ge @!p0 [sflag:s0], s1  }
0x5a: {  	s1 =	ssub.s32 @!p0 $0x0, s1;
	[sflag:s0] =	ssyncset.done @!p0 $0x0  }
0x5b: {  	[sflag:s0] =	ssyncadd.s32 @!p0 s1  }
0x5c: {  	[bflag:$0x3] =	sbarrier.arrive $0xFFFF  }
0x5d: {  	_ =	shalt  }
.Lfunc_end2:
execute1_lowered:
.L_overlay_start_2:
0x5e: {  	(tag) =	ssettag $0x2  }
0x5f: {  	s7 =	rddreg [dreg:$0x0]  }
0x60: {  	s0 =	rddreg [dreg:$0x1];
	_ =	strace $0x8000004A  }
0x61: {  	s3 =	stileid.u32;
	s4 =	simm.s32 $0x3E;
	s1 =	sadd.s32 $0x3EA00, s7  }
0x62: {  	p0 =	sne.s32 s3, $0x0;
	[sflag:s4] =	ssyncpa.u1 $0x0;
	s29 =	smin.u32 s3, $0x8  }
0x63: {  	s30 =	sshll.u32 s3, $0x1;
	s2 =	simm.s32 @!p0 $0x1C3E;
	s5 =	simm.s32 @!p0 $0x0  }
0x64: {  	[spmem:s5], [sflag:s2] =	dma.local @!p0 [hbm:s1], $0x2A00  }
0x65: {  	s2 =	sadd.s32 s29, s30  }
0x66: {  	p1 =	slt.u32 s3, $0x8;
	s3 =	simm.s32 $0x5DC0;
	s2 =	smul.u32 $0x1F40, s2  }
0x67: {  	s3 =	simm.s32 @!p1 $0x3E80  }
0x68: {  	s3 =	sadd.s32 s3, s2  }
0x69: {  	s3 =	smin.u32 s3, $0x4E200  }
0x6a: {  	s8 =	ssub.s32 s3, s2  }
0x6b: {  	p1 =	sgt.s32 s8, $0x0  }
0x6c: {  	s8 =	simm.s32 @!p1 $0x0  }
0x6d: {  	s5 =	simm.s32 @!p0 $0x3E;
	s31 =	smulhi.u32 $0x10624DD3, s8  }
0x6e: {  	_ =	swait.ge @!p0 [sflag:s5], $0x2A00  }
0x6f: {  	s6 =	simm.s32 $0x2;
	[sflag:s5] =	ssyncset.done @!p0 $0x0;
	s9 =	sshrl.u32 s31, $0x9  }
0x70: {  	s11 =	simm.s32 $0x0;
	[sflag:s5] =	ssyncadd.s32 @!p0 $0xFFFFD600;
	s10 =	smul.u32 $0x1F40, s9  }
.Ltmp6:
0x71: {  	s5 =	sadd.s32 $0xA600, s7;
	[bflag:$0x0] =	sbarrier.arrive $0xFFFF;
	(pc) =	sbr.rel .LBB3_1-.Ltmp6, $4  }
0x72: {  	s7 =	sadd.s32 $0x34C00, s7;
	[sflag:s4] =	ssyncpa.u1 $0x1;
	s4 =	simm.s32 $0x1  }
0x73: {  	[sflag:s4] =	ssyncpa.u1 $0x0;
	p1 =	sne.s32 s8, s10;
	s8 =	simm.s32 $0x1  }
0x74: {  	(ifvalue) =	ssetifvalue $0x15000;
	[sflag:s6] =	ssyncpa.u1 $0x0;
	s8 =	simm.s32 @!p1 $0x0  }
0x75: {  	vm0 =	vmmov $0xffff;
	s10 =	smov.u32 s2;
	s8 =	sadd.s32 s8, s9;
	s9 =	simm.s32 $0x0  }
.LBB3_5:
0x76: {  	p2 =	sne.s32 s11, s8  }
.Ltmp7:
0x77: {  	_ = 	snop;
	(pc) =	sbr.rel @!p2 .LBB3_6-.Ltmp7, $4  }
0x78: {  	_ = 	snop  }
0x79: {  	s12 =	sadd.s32 $0x1F40, s10  }
0x7a: {  	s10 =	smov.u32 s2;
	s13 =	sadd.s32 $0x1, s11;
	p1 =	slt.s32 s12, s3  }
0x7b: {  	s11 =	smov.u32 s13;
	s10 =	smov.u32 @p1 s12  }
.LBB3_1:
0x7c: {  	p1 =	sge.u32 s11, s8  }
0x7d: {  	s12 =	sxor.u32 @!p1 $0xFFFFFFFF, s11  }
0x7e: {  	s12 =	sand.u32 @!p1 $0x1, s12  }
0x7f: {  	s12 =	smul.u32 @!p1 $0x1F40, s12  }
0x80: {  	s13 =	sshrl.u32 @!p1 s10, $0x3  }
0x81: {  	s16 =	sand.u32 @!p1 $0x7, s10;
	s14 =	sadd.s32 @!p1 s5, s13;
	s15 =	sadd.s32 @!p1 $0x1500, s12  }
0x82: {  	[tilespmem:s15], [sflag:$0x2] =	stream.linear.gather @!p1 [hbm4b:s14+s16], $0x1F40, $0x38;
	[tilespmem:$0x9200] =	vst v63  }
0x83: {  	s13 =	sadd.s32 @!p1 s7, s13;
	s12 =	sadd.s32 @!p1 $0x5380, s12  }
0x84: {  	[tilespmem:s12], [sflag:$0x2] =	stream.linear.gather @!p1 [hbm4b:s13+s16], $0x1F40, $0x38;
	[tilespmem:$0x9200] =	vst v63  }
0x85: {  	p1 =	seq.s32 s11, $0x0  }
.Ltmp8:
0x86: {  	_ = 	snop;
	(pc) =	sbr.rel @p1 .LBB3_5-.Ltmp8, $1  }
0x87: {  	_ =	sdelay $0x3  }
0x88: {  	s12 =	sand.u32 $0x1, s11  }
0x89: {  	_ =	swait.ge [sflag:s6], $0x3E80;
	p1 =	seq.s32 s12, $0x1;
	s12 =	simm.s32 $0x1F40  }
0x8a: {  	[sflag:s6] =	ssyncset.done $0x0;
	s12 =	simm.s32 @!p1 $0x0  }
0x8b: {  	[sflag:s6] =	ssyncadd.s32 $0xFFFFC180;
	s14 =	sadd.s32 $0x1500, s12  }
0x8c: {  	v0 =	vld.msk [tilespmem:s14+$0x0 ss:$0x1], $0xffff;
	_ =	sdelay $0x4  }
0x8d: {  	v0 =	vmin.u32 v0, $0x15000;
	_ =	sdelay $0x3  }
0x8e: {  	s13 =	simm.s32 $0x0;
	s12 =	sadd.s32 $0x5380, s12;
	s14 =	sadd.s32 $0x10, s14  }
0x8f: {  	[spmem:s9] =	stream.indirect_vreg.scatter.add.s32 [tilespmem:s12], [sflag:$0x1], $0x1, v0, vm0, $0x4038;
	[tilespmem:$0x9200] =	vst v63  }
.LBB3_3:
0x90: {  	v0 =	vld.msk [tilespmem:s14+$0x0 ss:$0x1], $0xffff;
	s13 =	sadd.s32 $0x10, s13  }
0x91: {  	p1 =	slt.u32 s13, $0x1F30;
	_ =	sdelay $0x4  }
0x92: {  	v0 =	vmin.u32 v0, $0x15000  }
.Ltmp9:
0x93: {  	(pc) =	sbr.rel @p1 .LBB3_3-.Ltmp9, $3  }
0x94: {  	_ =	sdelay $0x1  }
0x95: {  	s14 =	sadd.s32 $0x10, s14;
	s12 =	sadd.s32 $0x10, s12  }
0x96: {  	[spmem:s9] =	stream.indirect_vreg.scatter.add.s32 [tilespmem:s12], [sflag:$0x1], $0x1, v0, vm0, $0x4038;
	[tilespmem:$0x9200] =	vst v63  }
.Ltmp10:
0x97: {  	(pc) =	sbr.rel .LBB3_5-.Ltmp10, $4  }
0x98: {  	_ = 	snop  }
0x99: {  	_ =	swait.ge [sflag:s4], $0x1F40  }
0x9a: {  	[sflag:s4] =	ssyncset.done $0x0  }
0x9b: {  	[sflag:s4] =	ssyncadd.s32 $0xFFFFE0C0  }
.LBB3_6:
0x9c: {  	_ =	sfence.sel $0x180000  }
0x9d: {  	s2 =	simm.s32 $0x2;
	[bflag:$0x0] =	sbarrier.arrive $0xFFFF  }
0x9e: {  	s30 =	simm.s32 $0x1;
	[sflag:s2] =	ssyncpa.u1 $0x1  }
0x9f: {  	[sflag:s30] =	ssyncpa.u1 $0x1  }
0xa0: {  	_ =	sfence.stream.spmem  }
0xa1: {  	s31 =	simm.s32 $0x3D;
	[bflag:$0x0] =	sbarrier.arrive $0xFFFF  }
0xa2: {  	s2 =	simm.s32 @p0 $0x3D;
	[sflag:s31] =	ssyncpa.u1 $0x0  }
0xa3: {  	[sflag:s2] =	ssyncpa.u1 @p0 $0x1  }
0xa4: {  	[bflag:$0x0] =	sbarrier.arrive @p0 $0xFFFF  }
0xa5: {  	_ =	strace @p0 $0x9000004A  }
0xa6: {  	s3 =	simm.s32 @!p0 $0x1C3D;
	s2 =	simm.s32 @!p0 $0x0;
	[bflag:$0x2] =	sbarrier.arrive @p0 $0xFFFF  }
0xa7: {  	[hbm:s1], [sflag:s3] =	dma.local @!p0 [spmem:s2], $0x2A00  }
0xa8: {  	s1 =	simm.s32 @!p0 $0x3D  }
0xa9: {  	_ =	swait.ge @!p0 [sflag:s1], $0x2A00  }
0xaa: {  	[sflag:s1] =	ssyncset.done @!p0 $0x0  }
0xab: {  	[sflag:s1] =	ssyncadd.s32 @!p0 $0xFFFFD600  }
0xac: {  	[sflag:s1] =	ssyncpa.u1 @!p0 $0x1  }
0xad: {  	[bflag:$0x0] =	sbarrier.arrive @!p0 $0xFFFF  }
0xae: {  	_ =	strace @!p0 $0x9000004A  }
0xaf: {  	s0 =	sadd.s32 @!p0 $0x100000, s0;
	[bflag:$0x2] =	sbarrier.arrive @!p0 $0xFFFF  }
0xb0: {  	[sflag:s0] =	ssyncadd.tile.s32 @!p0 $0x1;
	_ =	shalt  }
.Lfunc_end3:
_tile_overlayer_lowered:
.L_overlay_start_3:
0xb1: {  	(tag) =	ssettag $0x3  }
0xb2: {  	s0 =	rddreg [dreg:$0x0];
	s2 =	stileid.u32  }
0xb3: {  	s1 =	rddreg [dreg:$0x1];
	p0 =	sne.s32 s2, $0x0  }
0xb4: {  	s3 =	rddreg [dreg:$0x2];
	[bflag:$0x3] =	sbarrier.arrive $0xFFFF;
	s2 =	simm.s32 @!p0 $0x1C01  }
0xb5: {  	[timem:s3], [sflag:s2] =	dma.local @!p0 [hbm:s0], s1  }
0xb6: {  	s0 =	simm.s32 @!p0 $0x1  }
0xb7: {  	_ =	swait.ge @!p0 [sflag:s0], s1  }
0xb8: {  	s1 =	ssub.s32 @!p0 $0x0, s1;
	[sflag:s0] =	ssyncset.done @!p0 $0x0  }
0xb9: {  	[sflag:s0] =	ssyncadd.s32 @!p0 s1  }
0xba: {  	[bflag:$0x3] =	sbarrier.arrive $0xFFFF  }
0xbb: {  	_ =	shalt  }

// kernel: scatter_offload_async_start
scs
__scs_entry_jumppad:
0x0: {  	(pc) =	sbr.rel $0x88, $3  }
0x1: {  	(tag) =	ssettag $0x0;
	lr =	simm.s32 $0x1  }
0x2: {  	[smem:$0x3F96] =	sst lr;
	_ =	strace $0xD0000000  }
0x3: {  	_ = 	snop  }
0x4: {  	_ = 	snop  }
0x5: {  	_ = 	snop  }
0x6: {  	_ = 	snop  }
0x7: {  	_ = 	snop  }
__scs_overlays_trampoline_lowered:
0x8: {  	[smem:$0x3FA5] =	sst s0  }
0x9: {  	[smem:$0x3FA6] =	sst s1  }
0xa: {  	[smem:$0x3FA7] =	sst s2  }
0xb: {  	[smem:$0x3FA8] =	sst s3  }
0xc: {  	[smem:$0x3FA9] =	sst s4  }
0xd: {  	[smem:$0x3FAA] =	sst s5  }
0xe: {  	[smem:$0x3FAB] =	sst s6  }
0xf: {  	[smem:$0x3FAC] =	sst s7  }
0x10: {  	[smem:$0x3FAD] =	sst s8  }
0x11: {  	[smem:$0x3FAE] =	sst s9;
	s0 =	simm.s32 @!p0 $0x0  }
0x12: {  	s1 =	sld [smem:$0x3F94];
	s0 =	simm.s32 @p0 $0x1  }
0x13: {  	[smem:$0x3FAF] =	sst s0;
	s0 =	simm.s32 @!p1 $0x0  }
0x14: {  	s2 =	sld [smem:$0x3F93];
	s0 =	simm.s32 @p1 $0x1  }
0x15: {  	[smem:$0x3FB0] =	sst s0;
	s0 =	simm.s32 @!p2 $0x0  }
0x16: {  	s3 =	sld [smem:$0x3FDB];
	s0 =	simm.s32 @p2 $0x1  }
0x17: {  	s4 =	simm.s32 $0x1BF5;
	[smem:$0x3FB2] =	sst s0  }
0x18: {  	s0 =	sld [smem:$0x3F95];
	_ =	swait.ge [sflag:s4], $0x0  }
0x19: {  	s7 =	sld [smem:$0x3F96]  }
0x1a: {  	s8 =	sadd.s32 $0xFFFFE003, lr  }
0x1b: {  	s9 =	sadd.s32 $0xFFFFFEF7, lr;
	s5 =	simm.s32 $0xFFFFFFFF;
	p2 =	slt.u32 s8, $0xFFFFF086  }
0x1c: {  	p1 =	slt.u32 s9, $0xF7A;
	s5 =	simm.s32 @!p2 $0x0  }
0x1d: {  	s5 =	simm.s32 @p1 $0x1;
	p0 =	seq.s32 s7, s2  }
0x1e: {  	s7 =	smul.u32 @!p0 $0xF7A, s2;
	p2 =	seq.s32 @!p0 s5, $0x0  }
0x1f: {  	s9 =	smul.u32 $0xF7A, s1;
	s8 =	simm.s32 @!p0 $0x1BF5;
	p2 =	por !p2, p0  }
0x20: {  	[sflag:s8] =	ssyncset.s32 @!p0 $0xFFFFF086;
	s6 =	sadd.s32 @!p0 s3, s7;
	s7 =	simm.s32 @!p0 $0x108  }
0x21: {  	s3 =	sadd.s32 s3, s9;
	s6 =	sadd.s32 @!p0 $0x88, s6;
	s7 =	simm.s32 @p2 $0x1082  }
0x22: {  	[simem:s7], [sflag:s8] =	dma.local @!p0 [hbm:s6], $0xF7A  }
0x23: {  	s9 =	sor.u32 $0xD0000000, s2;
	s6 =	simm.s32 $0x108;
	_ =	swait.ge @!p0 [sflag:s8], $0x0  }
0x24: {  	s3 =	sadd.s32 $0x88, s3;
	s6 =	simm.s32 @!p1 $0x1082;
	[sflag:s4] =	ssyncset.s32 $0xFFFFF086  }
0x25: {  	[simem:s6], [sflag:s4] =	dma.local [hbm:s3], $0xF7A  }
0x26: {  	[smem:$0x3F96] =	sst s1;
	(tag) =	ssettag s2;
	_ =	strace s9  }
0x27: {  	s1 =	sld [smem:$0x3FA6]  }
0x28: {  	s2 =	sld [smem:$0x3FA7]  }
0x29: {  	s4 =	sld [smem:$0x3FA9]  }
0x2a: {  	p0 =	seq.s32 s5, $0x0;
	s5 =	sld [smem:$0x3FAA]  }
0x2b: {  	s6 =	sld [smem:$0x3FAB]  }
0x2c: {  	s7 =	sld [smem:$0x3FAC]  }
0x2d: {  	s3 =	simm.s32 $0x108;
	s8 =	sld [smem:$0x3FAD]  }
0x2e: {  	s3 =	simm.s32 @!p0 $0x1082;
	s9 =	sld [smem:$0x3FAE]  }
0x2f: {  	lr =	sadd.s32 s0, s3;
	s0 =	sld [smem:$0x3FA5]  }
0x30: {  	s3 =	sld [smem:$0x3FA8]  }
0x31: {  	[smem:$0x3FB1] =	sst s10  }
0x32: {  	s10 =	sld [smem:$0x3FAF];
	_ =	sdelay $0x3  }
0x33: {  	p0 =	seq.s32 s10, $0x1;
	s10 =	sld [smem:$0x3FB1];
	_ =	sdelay $0x3  }
0x34: {  	[smem:$0x3FB1] =	sst s10  }
0x35: {  	s10 =	sld [smem:$0x3FB0];
	_ =	sdelay $0x3  }
0x36: {  	p1 =	seq.s32 s10, $0x1;
	s10 =	sld [smem:$0x3FB1];
	_ =	sdelay $0x3  }
0x37: {  	[smem:$0x3FB1] =	sst s10  }
0x38: {  	s10 =	sld [smem:$0x3FB2]  }
0x39: {  	_ = 	snop;
	(pc) =	sbr.ind lr, $3  }
0x3a: {  	_ = 	snop  }
0x3b: {  	_ = 	snop  }
0x3c: {  	p2 =	seq.s32 s10, $0x1;
	s10 =	sld [smem:$0x3FB1]  }
0x3d: {  	_ =	shalt  }
0x3e: {  	_ =	shalt  }
0x3f: {  	_ =	shalt  }
0x40: {  	_ =	shalt  }
0x41: {  	_ =	shalt  }
0x42: {  	_ =	shalt  }
0x43: {  	_ =	shalt  }
0x44: {  	_ =	shalt  }
0x45: {  	_ =	shalt  }
0x46: {  	_ =	shalt  }
0x47: {  	_ =	shalt  }
0x48: {  	_ =	shalt  }
0x49: {  	_ =	shalt  }
0x4a: {  	_ =	shalt  }
0x4b: {  	_ =	shalt  }
0x4c: {  	_ =	shalt  }
0x4d: {  	_ =	shalt  }
0x4e: {  	_ =	shalt  }
0x4f: {  	_ =	shalt  }
0x50: {  	_ =	shalt  }
0x51: {  	_ =	shalt  }
0x52: {  	_ =	shalt  }
0x53: {  	_ =	shalt  }
0x54: {  	_ =	shalt  }
0x55: {  	_ =	shalt  }
0x56: {  	_ =	shalt  }
0x57: {  	_ =	shalt  }
0x58: {  	_ =	shalt  }
0x59: {  	_ =	shalt  }
0x5a: {  	_ =	shalt  }
0x5b: {  	_ =	shalt  }
0x5c: {  	_ =	shalt  }
0x5d: {  	_ =	shalt  }
0x5e: {  	_ =	shalt  }
0x5f: {  	_ =	shalt  }
0x60: {  	_ =	shalt  }
0x61: {  	_ =	shalt  }
0x62: {  	_ =	shalt  }
0x63: {  	_ =	shalt  }
0x64: {  	_ =	shalt  }
0x65: {  	_ =	shalt  }
0x66: {  	_ =	shalt  }
0x67: {  	_ =	shalt  }
0x68: {  	_ =	shalt  }
0x69: {  	_ =	shalt  }
0x6a: {  	_ =	shalt  }
0x6b: {  	_ =	shalt  }
0x6c: {  	_ =	shalt  }
0x6d: {  	_ =	shalt  }
0x6e: {  	_ =	shalt  }
0x6f: {  	_ =	shalt  }
0x70: {  	_ =	shalt  }
0x71: {  	_ =	shalt  }
0x72: {  	_ =	shalt  }
0x73: {  	_ =	shalt  }
0x74: {  	_ =	shalt  }
0x75: {  	_ =	shalt  }
0x76: {  	_ =	shalt  }
0x77: {  	_ =	shalt  }
0x78: {  	_ =	shalt  }
0x79: {  	_ =	shalt  }
0x7a: {  	_ =	shalt  }
0x7b: {  	_ =	shalt  }
0x7c: {  	_ =	shalt  }
0x7d: {  	_ =	shalt  }
0x7e: {  	_ =	shalt  }
0x7f: {  	_ =	shalt  }
0x80: {  	_ =	shalt  }
0x81: {  	_ =	shalt  }
0x82: {  	_ =	shalt  }
0x83: {  	_ =	shalt  }
0x84: {  	_ =	shalt  }
0x85: {  	_ =	shalt  }
0x86: {  	_ =	shalt  }
0x87: {  	_ =	shalt  }
.Lfunc_end0:
.L_simem_size_0:
called_computation_lowered:
.L_overlay_start_0:
0x88: {  	s0 =	sld [smem:$0x3FD9]  }
0x89: {  	s1 =	sld [smem:$0x3FFE];
	_ =	sdelay $0x3  }
0x8a: {  	s0 =	sadd.s32 s1, s0  }
0x8b: {  	[smem:$0x3FBD] =	sst s0  }
0x8c: {  	_ = 	snop  }
0x8d: {  	(tm) =	ssettm $0x1  }
0x8e: {  	s15 =	sld [smem:$0x3FFB];
	_ =	sdelay $0x3  }
0x8f: {  	_ =	strace s15  }
0x90: {  	s0 =	sld [smem:$0x3FFC];
	_ =	sdelay $0x3  }
0x91: {  	_ =	strace s0  }
0x92: {  	s0 =	sld [smem:$0x3FFD];
	_ =	sdelay $0x3  }
0x93: {  	_ =	strace s0  }
0x94: {  	_ =	strace $0x8FFFFFFF  }
0x95: {  	s16 =	sld [smem:$0x3FDB];
	_ =	sdelay $0x1  }
0x96: {  	s17 =	simm.s32 $_scs_section_size  }
0x97: {  	s2 =	simm.s32 $_size__tile_overlayer_lowered;
	s3 =	simm.s32 $_tile_overlayer_lowered  }
0x98: {  	s20 =	simm.s32 $0x1BFF;
	s19 =	sshll.u32 s3, $0x1;
	s0 =	sadd.s32 s17, s16  }
0x99: {  	s4 =	simm.s32 $0x0;
	s18 =	sshll.u32 s2, $0x1;
	s2 =	sadd.s32 s19, s0  }
0x9a: {  	[timem:s4], [sflag:s20] =	dma.local [hbm:s2], s18  }
0x9b: {  	_ =	swait.ge [sflag:s20], s18  }
0x9c: {  	s1 =	ssub.s32 $0x0, s18;
	[sflag:s20] =	ssyncset.done $0x0  }
0x9d: {  	[sflag:s20] =	ssyncadd.s32 s1;
	_ =	sdelay $0x1  }
0x9e: {  	s21 =	simm.s32 $0x1B8B  }
0x9f: {  	_ =	swait.ge [sflag:s21], $0x1  }
0xa0: {  	[sflag:s21] =	ssyncset.done $0x0  }
0xa1: {  	s23 =	simm.s32 $0x1B8E;
	s22 =	sld [smem:$0x3FFE];
	[sflag:s21] =	ssyncadd.s32 $0xFFFFFFFF  }
0xa2: {  	s24 =	simm.s32 $execute0_lowered;
	[smem:$0x3FD2] =	sst s23  }
0xa3: {  	s2 =	sshll.u32 s24, $0x1;
	_ =	strace $0x80000058;
	[dreg:$0x1] =	wrdreg $0xFFFFFFFF  }
0xa4: {  	s25 =	simm.s32 $_size_execute0_lowered;
	s0 =	sadd.s32 s0, s2;
	[dreg:$0x0] =	wrdreg $0x0  }
0xa5: {  	s2 =	sshll.u32 s25, $0x1;
	[dreg:$0x2] =	wrdreg s0  }
0xa6: {  	[dreg:$0x3] =	wrdreg s2  }
0xa7: {  	[dreg:$0x4] =	wrdreg $0xC0  }
0xa8: {  	_ =	task [dreg:s4], $0x5FFFF  }
0xa9: {  	[dreg:$0x1] =	wrdreg $0xFFFFFFFF  }
0xaa: {  	[dreg:$0x0] =	wrdreg $0x60  }
0xab: {  	[dreg:$0x2] =	wrdreg s22  }
0xac: {  	[dreg:$0x3] =	wrdreg $0x9  }
0xad: {  	_ =	task.clear_ibuf [dreg:s4], $0x4FFFF;
	_ =	strace $0x90000058  }
0xae: {  	s26 =	simm.s32 $0x9;
	_ =	strace $0x8000005A  }
0xaf: {  	_ =	swait.ge [sflag:s26], $0x1  }
0xb0: {  	[sflag:s26] =	ssyncadd.s32 $0xFFFFFFFF  }
0xb1: {  	_ =	strace $0x9000005A  }
0xb2: {  	_ =	sfence  }
0xb3: {  	s28 =	sld [smem:$0x0];
	_ =	sdelay $0x1  }
0xb4: {  	s29 =	srdreg.scid  }
0xb5: {  	s30 =	sshll.u32 s29, $0xD;
	s31 =	sshrl.u32 s29, $0x2  }
0xb6: {  	s1 =	sand.u32 $0x1, s29;
	s2 =	sand.u32 $0x4000, s30;
	s0 =	sadd.s32 s31, s28  }
0xb7: {  	s1 =	sor.u32 s2, s1;
	s0 =	sshll.u32 s0, $0x11  }
0xb8: {  	s0 =	sor.u32 s0, s1  }
0xb9: {  	s0 =	sadd.s32 $0x8F2B, s0  }
0xba: {  	[sflag:s0] =	ssyncadd.remote.s32 $0x1  }
0xbb: {  	_ =	sfence.sel $0xFFFF  }
0xbc: {  	[dreg:$0x0] =	wrdreg $0xFFFFFFFF;
	(pc) =	sbr.abs _section_cstart, $3  }
0xbd: {  	[dreg:$0x1] =	wrdreg $0xFFFFFFFF  }
0xbe: {  	_ =	task.clear_ibuf [dreg:s4], $0x2FFFF;
	_ =	strace $0x9FFFFFFF  }
0xbf: {  	(tm) =	ssettm $0x7FFFFFFF  }
tec
execute0_lowered:
.L_overlay_start_1:
0x0: {  	(tag) =	ssettag $0x1  }
0x1: {  	s7 =	rddreg [dreg:$0x0]  }
0x2: {  	s0 =	rddreg [dreg:$0x1];
	_ =	strace $0x80000059  }
0x3: {  	s3 =	stileid.u32;
	s4 =	simm.s32 $0x3E;
	s1 =	sadd.s32 $0x32200, s7  }
0x4: {  	p0 =	sne.s32 s3, $0x0;
	[sflag:s4] =	ssyncpa.u1 $0x0;
	s29 =	smin.u32 s3, $0x8  }
0x5: {  	s30 =	sshll.u32 s3, $0x1;
	s2 =	simm.s32 @!p0 $0x1C3E;
	s5 =	simm.s32 @!p0 $0x0  }
0x6: {  	[spmem:s5], [sflag:s2] =	dma.local @!p0 [hbm:s1], $0x2A00  }
0x7: {  	s2 =	sadd.s32 s29, s30  }
0x8: {  	p1 =	slt.u32 s3, $0x8;
	s3 =	simm.s32 $0x5DC0;
	s2 =	smul.u32 $0x1F40, s2  }
0x9: {  	s3 =	simm.s32 @!p1 $0x3E80  }
0xa: {  	s3 =	sadd.s32 s3, s2  }
0xb: {  	s3 =	smin.u32 s3, $0x4E200  }
0xc: {  	s8 =	ssub.s32 s3, s2  }
0xd: {  	p1 =	sgt.s32 s8, $0x0  }
0xe: {  	s8 =	simm.s32 @!p1 $0x0  }
0xf: {  	s5 =	simm.s32 @!p0 $0x3E;
	s31 =	smulhi.u32 $0x10624DD3, s8  }
0x10: {  	_ =	swait.ge @!p0 [sflag:s5], $0x2A00  }
0x11: {  	s6 =	simm.s32 $0x2;
	[sflag:s5] =	ssyncset.done @!p0 $0x0;
	s9 =	sshrl.u32 s31, $0x9  }
0x12: {  	s11 =	simm.s32 $0x0;
	[sflag:s5] =	ssyncadd.s32 @!p0 $0xFFFFD600;
	s10 =	smul.u32 $0x1F40, s9  }
.Ltmp0:
0x13: {  	s5 =	sadd.s32 $0x14400, s7;
	[bflag:$0x0] =	sbarrier.arrive $0xFFFF;
	(pc) =	sbr.rel .LBB2_1-.Ltmp0, $4  }
0x14: {  	s7 =	sadd.s32 $0x34C00, s7;
	[sflag:s4] =	ssyncpa.u1 $0x1;
	s4 =	simm.s32 $0x1  }
0x15: {  	[sflag:s4] =	ssyncpa.u1 $0x0;
	p1 =	sne.s32 s8, s10;
	s8 =	simm.s32 $0x1  }
0x16: {  	(ifvalue) =	ssetifvalue $0x15000;
	[sflag:s6] =	ssyncpa.u1 $0x0;
	s8 =	simm.s32 @!p1 $0x0  }
0x17: {  	vm0 =	vmmov $0xffff;
	s10 =	smov.u32 s2;
	s8 =	sadd.s32 s8, s9;
	s9 =	simm.s32 $0x0  }
.LBB2_5:
0x18: {  	p2 =	sne.s32 s11, s8  }
.Ltmp1:
0x19: {  	_ = 	snop;
	(pc) =	sbr.rel @!p2 .LBB2_6-.Ltmp1, $4  }
0x1a: {  	_ = 	snop  }
0x1b: {  	s12 =	sadd.s32 $0x1F40, s10  }
0x1c: {  	s10 =	smov.u32 s2;
	s13 =	sadd.s32 $0x1, s11;
	p1 =	slt.s32 s12, s3  }
0x1d: {  	s11 =	smov.u32 s13;
	s10 =	smov.u32 @p1 s12  }
.LBB2_1:
0x1e: {  	p1 =	sge.u32 s11, s8  }
0x1f: {  	s12 =	sxor.u32 @!p1 $0xFFFFFFFF, s11  }
0x20: {  	s12 =	sand.u32 @!p1 $0x1, s12  }
0x21: {  	s12 =	smul.u32 @!p1 $0x1F40, s12  }
0x22: {  	s13 =	sshrl.u32 @!p1 s10, $0x3  }
0x23: {  	s16 =	sand.u32 @!p1 $0x7, s10;
	s14 =	sadd.s32 @!p1 s5, s13;
	s15 =	sadd.s32 @!p1 $0x1500, s12  }
0x24: {  	[tilespmem:s15], [sflag:$0x2] =	stream.linear.gather @!p1 [hbm4b:s14+s16], $0x1F40, $0x38;
	[tilespmem:$0x9200] =	vst v63  }
0x25: {  	s13 =	sadd.s32 @!p1 s7, s13;
	s12 =	sadd.s32 @!p1 $0x5380, s12  }
0x26: {  	[tilespmem:s12], [sflag:$0x2] =	stream.linear.gather @!p1 [hbm4b:s13+s16], $0x1F40, $0x38;
	[tilespmem:$0x9200] =	vst v63  }
0x27: {  	p1 =	seq.s32 s11, $0x0  }
.Ltmp2:
0x28: {  	_ = 	snop;
	(pc) =	sbr.rel @p1 .LBB2_5-.Ltmp2, $1  }
0x29: {  	_ =	sdelay $0x3  }
0x2a: {  	s12 =	sand.u32 $0x1, s11  }
0x2b: {  	_ =	swait.ge [sflag:s6], $0x3E80;
	p1 =	seq.s32 s12, $0x1;
	s12 =	simm.s32 $0x1F40  }
0x2c: {  	[sflag:s6] =	ssyncset.done $0x0;
	s12 =	simm.s32 @!p1 $0x0  }
0x2d: {  	[sflag:s6] =	ssyncadd.s32 $0xFFFFC180;
	s14 =	sadd.s32 $0x1500, s12  }
0x2e: {  	v0 =	vld.msk [tilespmem:s14+$0x0 ss:$0x1], $0xffff;
	_ =	sdelay $0x4  }
0x2f: {  	v0 =	vmin.u32 v0, $0x15000;
	_ =	sdelay $0x3  }
0x30: {  	s13 =	simm.s32 $0x0;
	s12 =	sadd.s32 $0x5380, s12;
	s14 =	sadd.s32 $0x10, s14  }
0x31: {  	[spmem:s9] =	stream.indirect_vreg.scatter.add.s32 [tilespmem:s12], [sflag:$0x1], $0x1, v0, vm0, $0x4038;
	[tilespmem:$0x9200] =	vst v63  }
.LBB2_3:
0x32: {  	v0 =	vld.msk [tilespmem:s14+$0x0 ss:$0x1], $0xffff;
	s13 =	sadd.s32 $0x10, s13  }
0x33: {  	p1 =	slt.u32 s13, $0x1F30;
	_ =	sdelay $0x4  }
0x34: {  	v0 =	vmin.u32 v0, $0x15000  }
.Ltmp3:
0x35: {  	(pc) =	sbr.rel @p1 .LBB2_3-.Ltmp3, $3  }
0x36: {  	_ =	sdelay $0x1  }
0x37: {  	s14 =	sadd.s32 $0x10, s14;
	s12 =	sadd.s32 $0x10, s12  }
0x38: {  	[spmem:s9] =	stream.indirect_vreg.scatter.add.s32 [tilespmem:s12], [sflag:$0x1], $0x1, v0, vm0, $0x4038;
	[tilespmem:$0x9200] =	vst v63  }
.Ltmp4:
0x39: {  	(pc) =	sbr.rel .LBB2_5-.Ltmp4, $4  }
0x3a: {  	_ = 	snop  }
0x3b: {  	_ =	swait.ge [sflag:s4], $0x1F40  }
0x3c: {  	[sflag:s4] =	ssyncset.done $0x0  }
0x3d: {  	[sflag:s4] =	ssyncadd.s32 $0xFFFFE0C0  }
.LBB2_6:
0x3e: {  	_ =	sfence.sel $0x180000  }
0x3f: {  	s2 =	simm.s32 $0x2;
	[bflag:$0x0] =	sbarrier.arrive $0xFFFF  }
0x40: {  	s30 =	simm.s32 $0x1;
	[sflag:s2] =	ssyncpa.u1 $0x1  }
0x41: {  	[sflag:s30] =	ssyncpa.u1 $0x1  }
0x42: {  	_ =	sfence.stream.spmem  }
0x43: {  	s31 =	simm.s32 $0x3D;
	[bflag:$0x0] =	sbarrier.arrive $0xFFFF  }
0x44: {  	s2 =	simm.s32 @p0 $0x3D;
	[sflag:s31] =	ssyncpa.u1 $0x0  }
0x45: {  	[sflag:s2] =	ssyncpa.u1 @p0 $0x1  }
0x46: {  	[bflag:$0x0] =	sbarrier.arrive @p0 $0xFFFF  }
0x47: {  	_ =	strace @p0 $0x90000059  }
0x48: {  	s3 =	simm.s32 @!p0 $0x1C3D;
	s2 =	simm.s32 @!p0 $0x0;
	[bflag:$0x2] =	sbarrier.arrive @p0 $0xFFFF  }
0x49: {  	[hbm:s1], [sflag:s3] =	dma.local @!p0 [spmem:s2], $0x2A00  }
0x4a: {  	s1 =	simm.s32 @!p0 $0x3D  }
0x4b: {  	_ =	swait.ge @!p0 [sflag:s1], $0x2A00  }
0x4c: {  	[sflag:s1] =	ssyncset.done @!p0 $0x0  }
0x4d: {  	[sflag:s1] =	ssyncadd.s32 @!p0 $0xFFFFD600  }
0x4e: {  	[sflag:s1] =	ssyncpa.u1 @!p0 $0x1  }
0x4f: {  	[bflag:$0x0] =	sbarrier.arrive @!p0 $0xFFFF  }
0x50: {  	_ =	strace @!p0 $0x90000059  }
0x51: {  	s0 =	sadd.s32 @!p0 $0x100000, s0;
	[bflag:$0x2] =	sbarrier.arrive @!p0 $0xFFFF  }
0x52: {  	[sflag:s0] =	ssyncadd.tile.s32 @!p0 $0x1;
	_ =	shalt  }
.Lfunc_end2:
_tile_overlayer_lowered:
.L_overlay_start_2:
0x53: {  	(tag) =	ssettag $0x2  }
0x54: {  	s0 =	rddreg [dreg:$0x0];
	s2 =	stileid.u32  }
0x55: {  	s1 =	rddreg [dreg:$0x1];
	p0 =	sne.s32 s2, $0x0  }
0x56: {  	s3 =	rddreg [dreg:$0x2];
	[bflag:$0x3] =	sbarrier.arrive $0xFFFF;
	s2 =	simm.s32 @!p0 $0x1C01  }
0x57: {  	[timem:s3], [sflag:s2] =	dma.local @!p0 [hbm:s0], s1  }
0x58: {  	s0 =	simm.s32 @!p0 $0x1  }
0x59: {  	_ =	swait.ge @!p0 [sflag:s0], s1  }
0x5a: {  	s1 =	ssub.s32 @!p0 $0x0, s1;
	[sflag:s0] =	ssyncset.done @!p0 $0x0  }
0x5b: {  	[sflag:s0] =	ssyncadd.s32 @!p0 s1  }
0x5c: {  	[bflag:$0x3] =	sbarrier.arrive $0xFFFF  }
0x5d: {  	_ =	shalt  }

</sc_bundles>
